<compile_context>
chip_gen: v7x
topology: tpu7x:2x2x1
jax: 0.10.2.dev20260603
libtpu: 0.0.44.dev20260713+nightly
codegen_flags: <defaults>
</compile_context>

<pallas_src>
import functools

import jax
import jax.numpy as jnp
from jax import lax
from jax.experimental import pallas as pl
from jax.experimental.pallas import tpu as pltpu
from jax.experimental.pallas import tpu_sc as plsc

B, F, V, D = 4096, 26, 100000, 16
FD = F * D
HID = (256, 128, 64)

NC, NS = 2, 16
NW = NC * NS
PPT = FD // NW
BPT = B // NW


def _sc_gather(tableT, fmseg, inputsT, fidx3):
    mesh = plsc.VectorSubcoreMesh(core_axis_name="c", subcore_axis_name="s")

    @functools.partial(
        pl.kernel,
        mesh=mesh,
        compiler_params=pltpu.CompilerParams(use_tc_tiling_on_sc=True,
                                             needs_layout_passes=False),
        out_type=[
            jax.ShapeDtypeStruct((FD, B), jnp.float32),
            jax.ShapeDtypeStruct((B,), jnp.float32),
        ],
        scratch_types=[
            pltpu.VMEM((V,), jnp.float32),
            pltpu.VMEM((2, B), jnp.int32),
            pltpu.VMEM((2, B), jnp.float32),
            pltpu.VMEM((F, BPT), jnp.int32),
            pltpu.VMEM((BPT,), jnp.float32),
            pltpu.SemaphoreType.DMA,
            pltpu.SemaphoreType.DMA,
        ],
    )
    def gather_kernel(tableT_hbm, fmseg_hbm, inputsT_hbm, fidx_hbm,
                      embT_out, fm_out,
                      plane_v, idx_v, out_v, fidx_v, fm1_v, sem_p, sem_o):
        wid = lax.axis_index("s") * NC + lax.axis_index("c")
        p0 = wid * PPT
        f0 = p0 // D
        f1 = (p0 + PPT - 1) // D

        pltpu.sync_copy(inputsT_hbm.at[f0], idx_v.at[0])
        pltpu.sync_copy(inputsT_hbm.at[f1], idx_v.at[1])

        out_cp = [None, None]
        for i in range(PPT):
            p = p0 + i
            f = p // D
            d = p % D
            pltpu.async_copy(tableT_hbm.at[f, d], plane_v, sem_p).wait()
            if out_cp[i % 2] is not None:
                out_cp[i % 2].wait()
            sel = jnp.where(f == f0, 0, 1)

            def body(j, _):
                for u in range(4):
                    jj = j * 4 + u
                    idx16 = idx_v[sel, pl.ds(jj * 16, 16)]
                    out_v[i % 2, pl.ds(jj * 16, 16)] = plsc.load_gather(
                        plane_v, [idx16])
                return ()

            lax.fori_loop(0, B // 64, body, ())
            out_cp[i % 2] = pltpu.async_copy(
                out_v.at[i % 2], embT_out.at[p], sem_o)
        for c in out_cp:
            if c is not None:
                c.wait()

        pltpu.sync_copy(fmseg_hbm, plane_v)
        pltpu.sync_copy(fidx_hbm.at[wid], fidx_v)

        def fm_body(j, _):
            acc = jnp.zeros((16,), jnp.float32)
            for f in range(F):
                idx16 = fidx_v[f, pl.ds(j * 16, 16)]
                acc = acc + plsc.load_gather(plane_v, [idx16])
            fm1_v[pl.ds(j * 16, 16)] = acc
            return ()

        lax.fori_loop(0, BPT // 16, fm_body, ())
        pltpu.sync_copy(fm1_v, fm_out.at[pl.ds(wid * BPT, BPT)])

    return gather_kernel(tableT, fmseg, inputsT, fidx3)


def _mlp_body(x_ref, fm_ref, w0_ref, b0_ref, w1_ref, b1_ref, w2_ref, b2_ref,
              dw_ref, db_ref, out_ref):
    x = x_ref[...]
    first = fm_ref[...]
    row = lax.broadcasted_iota(jnp.int32, (FD, D), 0)
    col = lax.broadcasted_iota(jnp.int32, (FD, D), 1)
    m = (row % D == col).astype(jnp.float32)
    cdim = (((0,), (0,)), ((), ()))
    s = lax.dot_general(m, x, cdim, preferred_element_type=jnp.float32)
    second = 0.5 * (jnp.sum(s * s, axis=0, keepdims=True)
                    - jnp.sum(x * x, axis=0, keepdims=True))
    h = jnp.maximum(
        lax.dot_general(w0_ref[...], x, cdim,
                        preferred_element_type=jnp.float32) + b0_ref[...], 0.0)
    h = jnp.maximum(
        lax.dot_general(w1_ref[...], h, cdim,
                        preferred_element_type=jnp.float32) + b1_ref[...], 0.0)
    h = jnp.maximum(
        lax.dot_general(w2_ref[...], h, cdim,
                        preferred_element_type=jnp.float32) + b2_ref[...], 0.0)
    deep = lax.dot_general(dw_ref[...], h, cdim,
                           preferred_element_type=jnp.float32) + db_ref[...]
    out_ref[...] = jax.nn.sigmoid(first + second + deep)


def _tc_mlp(embT, fm_first, W0, b0, W1, b1, W2, b2, dense_W, dense_b):
    BB = 2048
    grid = (B // BB,)
    const = lambda shape: pl.BlockSpec(shape, lambda i: (0, 0))
    return pl.pallas_call(
        _mlp_body,
        grid=grid,
        in_specs=[
            pl.BlockSpec((FD, BB), lambda i: (0, i)),
            pl.BlockSpec((1, BB), lambda i: (0, i)),
            const((FD, HID[0])),
            const((HID[0], 1)),
            const((HID[0], HID[1])),
            const((HID[1], 1)),
            const((HID[1], HID[2])),
            const((HID[2], 1)),
            const((HID[2], 1)),
            const((1, 1)),
        ],
        out_specs=pl.BlockSpec((1, BB), lambda i: (0, i)),
        out_shape=jax.ShapeDtypeStruct((1, B), jnp.float32),
    )(embT, fm_first.reshape(1, B), W0, b0.reshape(-1, 1), W1,
      b1.reshape(-1, 1), W2, b2.reshape(-1, 1), dense_W,
      dense_b.reshape(1, 1))


def kernel(inputs, emb_tables, fm_w, W0, b0, W1, b1, W2, b2, dense_W, dense_b):
    tableT = emb_tables.transpose(0, 2, 1)
    fmseg = fm_w[V:2 * V, 0]
    inputsT = inputs.T
    fidx3 = inputsT.reshape(F, NW, BPT).transpose(1, 0, 2)
    embT, fm_first = _sc_gather(tableT, fmseg, inputsT, fidx3)
    out = _tc_mlp(embT, fm_first, W0, b0, W1, b1, W2, b2, dense_W, dense_b)
    return out.reshape(B, 1)

# --- scband reference (transcript-rebuilt; emitter-appended) ---
"""Pipeline reference for scband-deep-fm-43327630082367 (READ-ONLY COPY).

The authoritative reference and input builder live on the scoring server;
editing this copy changes nothing except your own understanding.
"""

import jax, jax.numpy as jnp
import numpy as np

B, F, V, D = 4096, 26, 100000, 16
HID = [256, 128, 64]

def setup_inputs(seed: int = 0):
    key = jax.random.key(seed)
    ks = jax.random.split(key, 16)
    inp = {}
    inp["inputs"] = jax.random.randint(ks[0], (B, F), 0, V, dtype=jnp.int32)
    inp["emb_tables"] = jax.random.normal(ks[1], (F, V, D), dtype=jnp.float32) * 0.05
    inp["fm_w"] = jax.random.normal(ks[2], (F * V, 1), dtype=jnp.float32) * 0.05
    dims = [F * D] + HID
    for i in range(3):
        inp["W%d" % i] = jax.random.normal(ks[3 + i], (dims[i], dims[i + 1]), dtype=jnp.float32) * (1.0 / np.sqrt(dims[i]))
        inp["b%d" % i] = jnp.zeros((dims[i + 1],), dtype=jnp.float32)
    inp["dense_W"] = jax.random.normal(ks[8], (HID[-1], 1), dtype=jnp.float32) * 0.05
    inp["dense_b"] = jnp.zeros((1,), dtype=jnp.float32)
    return inp

def reference(inputs, emb_tables, fm_w, W0, b0, W1, b1, W2, b2, dense_W, dense_b):
    # per-field embedding lookups (SparseCore gather), then concat
    group = [emb_tables[f][inputs[:, f]] for f in range(F)]
    sparse_embedding = jnp.concatenate(group, axis=-1)            # [B, F*D]
    embed_inputs = sparse_embedding.reshape(-1, F, D)             # [B, F, D]
    # _index_mapping: offsets each field index by map_dict[name] == feature_num (== V here)
    sparse_inputs = inputs + V                                    # [B, F], values in [V, 2V)
    # FM first-order: lookup into wide weight vector of length feature_len = F*V
    first_order = jnp.sum(jnp.take(fm_w, sparse_inputs, axis=0), axis=1)   # [B, 1]
    # FM second-order interactions
    square_of_sum = jnp.square(jnp.sum(embed_inputs, axis=1))     # [B, D]
    sum_of_square = jnp.sum(jnp.square(embed_inputs), axis=1)     # [B, D]
    second_order = 0.5 * jnp.sum(square_of_sum - sum_of_square, axis=1, keepdims=True)  # [B, 1]
    wide_outputs = first_order + second_order
    # deep MLP (dropout=0.0 at inference)
    h = sparse_embedding
    for W, b in ((W0, b0), (W1, b1), (W2, b2)):
        h = jax.nn.relu(h @ W + b)
    deep_outputs = h @ dense_W + dense_b                          # [B, 1]
    return jax.nn.sigmoid(wide_outputs + deep_outputs)

if __name__ == "__main__":
    import jax
    _d = setup_inputs()
    print(jax.jit(kernel)(*tuple(_d.values())))

</pallas_src>

<mosaic_0001>
#map = affine_map<(d0, d1) -> (0, 0, 0)>
#map1 = affine_map<(d0, d1) -> (0)>
#map2 = affine_map<(d0, d1) -> (0, 0)>
module attributes {stable_mosaic.version = 14 : i64} {
  func.func @gather_kernel(%arg0: i32, %arg1: i32, %arg2: memref<26x16x100000xf32, #tpu.memory_space<hbm>>, %arg3: memref<100000xf32, #tpu.memory_space<hbm>>, %arg4: memref<26x4096xi32, #tpu.memory_space<hbm>>, %arg5: memref<32x26x128xi32, #tpu.memory_space<hbm>>, %arg6: memref<416x4096xf32, #tpu.memory_space<hbm>>, %arg7: memref<4096xf32, #tpu.memory_space<hbm>>, %arg8: memref<100000xf32, #tpu.memory_space<vmem>>, %arg9: memref<2x4096xi32, #tpu.memory_space<vmem>>, %arg10: memref<2x4096xf32, #tpu.memory_space<vmem>>, %arg11: memref<26x128xi32, #tpu.memory_space<vmem>>, %arg12: memref<128xf32, #tpu.memory_space<vmem>>, %arg13: memref<!tpu.dma_semaphore, #tpu.memory_space<semaphore_mem>>, %arg14: memref<!tpu.dma_semaphore, #tpu.memory_space<semaphore_mem>>) attributes {dimension_semantics = [#tpu.dimension_semantics<core_parallel>, #tpu.dimension_semantics<subcore_parallel>], iteration_bounds = array<i64: 2, 16>, scalar_prefetch = 0 : i64, scratch_operands = 7 : i64, tpu.core_type = #tpu.core_type<sc_vector_subcore>, window_params = [{transform_indices = #map}, {transform_indices = #map1}, {transform_indices = #map2}, {transform_indices = #map}, {transform_indices = #map2}, {transform_indices = #map1}]} {
    %mul3A = arith.constant 2 : i32
    %mul3A_0 = arith.muli %arg1, %mul3A : i32
    %add3A = arith.addi %mul3A_0, %arg0 : i32
    %mul3A_1 = arith.constant 13 : i32
    %mul3A_2 = arith.muli %add3A, %mul3A_1 : i32
    %jit3A = arith.constant 16 : i32
    %div3A = arith.divsi %mul3A_2, %jit3A : i32
    %sign3A = arith.constant 0 : i32
    %sign3A_3 = arith.cmpi sgt, %mul3A_2, %sign3A : i32
    %sign3A_4 = arith.extui %sign3A_3 : i1 to i32
    %sign3A_5 = arith.constant 0 : i32
    %sign3A_6 = arith.cmpi slt, %mul3A_2, %sign3A_5 : i32
    %sign3A_7 = arith.extui %sign3A_6 : i1 to i32
    %sign3A_8 = arith.subi %sign3A_4, %sign3A_7 : i32
    %sign3A_9 = arith.constant 0 : i32
    %sign3A_10 = arith.cmpi sgt, %jit3A, %sign3A_9 : i32
    %sign3A_11 = arith.extui %sign3A_10 : i1 to i32
    %sign3A_12 = arith.constant 0 : i32
    %sign3A_13 = arith.cmpi slt, %jit3A, %sign3A_12 : i32
    %sign3A_14 = arith.extui %sign3A_13 : i1 to i32
    %sign3A_15 = arith.subi %sign3A_11, %sign3A_14 : i32
    %ne3A = arith.cmpi ne, %sign3A_8, %sign3A_15 : i32
    %rem3A = arith.remsi %mul3A_2, %jit3A : i32
    %ne3A_16 = arith.constant 0 : i32
    %ne3A_17 = arith.cmpi ne, %rem3A, %ne3A_16 : i32
    %and3A = arith.andi %ne3A, %ne3A_17 : i1
    %sub3A = arith.constant 1 : i32
    %sub3A_18 = arith.subi %div3A, %sub3A : i32
    %select_n3A = arith.select %and3A, %sub3A_18, %div3A : i32
    %add3A_19 = arith.constant 13 : i32
    %add3A_20 = arith.addi %mul3A_2, %add3A_19 : i32
    %sub3A_21 = arith.constant 1 : i32
    %sub3A_22 = arith.subi %add3A_20, %sub3A_21 : i32
    %jit3A_23 = arith.constant 16 : i32
    %div3A_24 = arith.divsi %sub3A_22, %jit3A_23 : i32
    %sign3A_25 = arith.constant 0 : i32
    %sign3A_26 = arith.cmpi sgt, %sub3A_22, %sign3A_25 : i32
    %sign3A_27 = arith.extui %sign3A_26 : i1 to i32
    %sign3A_28 = arith.constant 0 : i32
    %sign3A_29 = arith.cmpi slt, %sub3A_22, %sign3A_28 : i32
    %sign3A_30 = arith.extui %sign3A_29 : i1 to i32
    %sign3A_31 = arith.subi %sign3A_27, %sign3A_30 : i32
    %sign3A_32 = arith.constant 0 : i32
    %sign3A_33 = arith.cmpi sgt, %jit3A_23, %sign3A_32 : i32
    %sign3A_34 = arith.extui %sign3A_33 : i1 to i32
    %sign3A_35 = arith.constant 0 : i32
    %sign3A_36 = arith.cmpi slt, %jit3A_23, %sign3A_35 : i32
    %sign3A_37 = arith.extui %sign3A_36 : i1 to i32
    %sign3A_38 = arith.subi %sign3A_34, %sign3A_37 : i32
    %ne3A_39 = arith.cmpi ne, %sign3A_31, %sign3A_38 : i32
    %rem3A_40 = arith.remsi %sub3A_22, %jit3A_23 : i32
    %ne3A_41 = arith.constant 0 : i32
    %ne3A_42 = arith.cmpi ne, %rem3A_40, %ne3A_41 : i32
    %and3A_43 = arith.andi %ne3A_39, %ne3A_42 : i1
    %sub3A_44 = arith.constant 1 : i32
    %sub3A_45 = arith.subi %div3A_24, %sub3A_44 : i32
    %select_n3A_46 = arith.select %and3A_43, %sub3A_45, %div3A_24 : i32
    %run_scoped3A = arith.constant 0 : i32
    "tpu.region"() ({
      %run_scoped3A_1207 = tpu.sem_alloc : memref<!tpu.dma_semaphore, #tpu.memory_space<semaphore_mem>>
      %dma_start3A_1208 = arith.constant 0 : i32
      %dma_start3A_1209 = tpu.memref_slice %arg9[%run_scoped3A, %dma_start3A_1208] : memref<2x4096xi32, #tpu.memory_space<vmem>> -> memref<1x4096xi32, #tpu.memory_space<vmem>>
      %dma_start3A_1210 = tpu.memref_squeeze %dma_start3A_1209 : memref<1x4096xi32, #tpu.memory_space<vmem>> -> memref<4096xi32, #tpu.memory_space<vmem>>
      %dma_start3A_1211 = arith.constant 0 : i32
      %dma_start3A_1212 = tpu.memref_slice %arg4[%select_n3A, %dma_start3A_1211] : memref<26x4096xi32, #tpu.memory_space<hbm>> -> memref<1x4096xi32, #tpu.memory_space<hbm>>
      %dma_start3A_1213 = tpu.memref_squeeze %dma_start3A_1212 : memref<1x4096xi32, #tpu.memory_space<hbm>> -> memref<4096xi32, #tpu.memory_space<hbm>>
      %dma_start3A_1214 = arith.constant 0 : i32
      %dma_start3A_1215 = tpu.memref_slice %arg9[%run_scoped3A, %dma_start3A_1214] : memref<2x4096xi32, #tpu.memory_space<vmem>> -> memref<1x4096xi32, #tpu.memory_space<vmem>>
      %dma_start3A_1216 = tpu.memref_squeeze %dma_start3A_1215 : memref<1x4096xi32, #tpu.memory_space<vmem>> -> memref<4096xi32, #tpu.memory_space<vmem>>
      %dma_start3A_1217 = arith.constant 0 : i32
      %dma_start3A_1218 = tpu.memref_slice %arg4[%select_n3A, %dma_start3A_1217] : memref<26x4096xi32, #tpu.memory_space<hbm>> -> memref<1x4096xi32, #tpu.memory_space<hbm>>
      %dma_start3A_1219 = tpu.memref_squeeze %dma_start3A_1218 : memref<1x4096xi32, #tpu.memory_space<hbm>> -> memref<4096xi32, #tpu.memory_space<hbm>>
      tpu.enqueue_dma source(%dma_start3A_1219 : memref<4096xi32, #tpu.memory_space<hbm>>) target(%dma_start3A_1216 : memref<4096xi32, #tpu.memory_space<vmem>>) target_semaphore(%run_scoped3A_1207 : memref<!tpu.dma_semaphore, #tpu.memory_space<semaphore_mem>>)
      %dma_wait3A_1220 = arith.constant 0 : i32
      %dma_wait3A_1221 = tpu.memref_slice %arg9[%run_scoped3A, %dma_wait3A_1220] : memref<2x4096xi32, #tpu.memory_space<vmem>> -> memref<1x4096xi32, #tpu.memory_space<vmem>>
      %dma_wait3A_1222 = tpu.memref_squeeze %dma_wait3A_1221 : memref<1x4096xi32, #tpu.memory_space<vmem>> -> memref<4096xi32, #tpu.memory_space<vmem>>
      %dma_wait3A_1223 = arith.constant 0 : i32
      %dma_wait3A_1224 = tpu.memref_slice %arg4[%select_n3A, %dma_wait3A_1223] : memref<26x4096xi32, #tpu.memory_space<hbm>> -> memref<1x4096xi32, #tpu.memory_space<hbm>>
      %dma_wait3A_1225 = tpu.memref_squeeze %dma_wait3A_1224 : memref<1x4096xi32, #tpu.memory_space<hbm>> -> memref<4096xi32, #tpu.memory_space<hbm>>
      %dma_wait3A_1226 = arith.constant 0 : i32
      %dma_wait3A_1227 = tpu.memref_slice %arg9[%run_scoped3A, %dma_wait3A_1226] : memref<2x4096xi32, #tpu.memory_space<vmem>> -> memref<1x4096xi32, #tpu.memory_space<vmem>>
      %dma_wait3A_1228 = tpu.memref_squeeze %dma_wait3A_1227 : memref<1x4096xi32, #tpu.memory_space<vmem>> -> memref<4096xi32, #tpu.memory_space<vmem>>
      %dma_wait3A_1229 = arith.constant 0 : i32
      %dma_wait3A_1230 = tpu.memref_slice %arg4[%select_n3A, %dma_wait3A_1229] : memref<26x4096xi32, #tpu.memory_space<hbm>> -> memref<1x4096xi32, #tpu.memory_space<hbm>>
      %dma_wait3A_1231 = tpu.memref_squeeze %dma_wait3A_1230 : memref<1x4096xi32, #tpu.memory_space<hbm>> -> memref<4096xi32, #tpu.memory_space<hbm>>
      tpu.wait_dma2 semaphore(%run_scoped3A_1207 : memref<!tpu.dma_semaphore, #tpu.memory_space<semaphore_mem>>) src(%dma_wait3A_1231 : memref<4096xi32, #tpu.memory_space<hbm>>) dst(%dma_wait3A_1228 : memref<4096xi32, #tpu.memory_space<vmem>>)
      tpu.yield
    }) : () -> ()
    %run_scoped3A_47 = arith.constant 1 : i32
    "tpu.region"() ({
      %run_scoped3A_1207 = tpu.sem_alloc : memref<!tpu.dma_semaphore, #tpu.memory_space<semaphore_mem>>
      %dma_start3A_1208 = arith.constant 0 : i32
      %dma_start3A_1209 = tpu.memref_slice %arg9[%run_scoped3A_47, %dma_start3A_1208] : memref<2x4096xi32, #tpu.memory_space<vmem>> -> memref<1x4096xi32, #tpu.memory_space<vmem>>
      %dma_start3A_1210 = tpu.memref_squeeze %dma_start3A_1209 : memref<1x4096xi32, #tpu.memory_space<vmem>> -> memref<4096xi32, #tpu.memory_space<vmem>>
      %dma_start3A_1211 = arith.constant 0 : i32
      %dma_start3A_1212 = tpu.memref_slice %arg4[%select_n3A_46, %dma_start3A_1211] : memref<26x4096xi32, #tpu.memory_space<hbm>> -> memref<1x4096xi32, #tpu.memory_space<hbm>>
      %dma_start3A_1213 = tpu.memref_squeeze %dma_start3A_1212 : memref<1x4096xi32, #tpu.memory_space<hbm>> -> memref<4096xi32, #tpu.memory_space<hbm>>
      %dma_start3A_1214 = arith.constant 0 : i32
      %dma_start3A_1215 = tpu.memref_slice %arg9[%run_scoped3A_47, %dma_start3A_1214] : memref<2x4096xi32, #tpu.memory_space<vmem>> -> memref<1x4096xi32, #tpu.memory_space<vmem>>
      %dma_start3A_1216 = tpu.memref_squeeze %dma_start3A_1215 : memref<1x4096xi32, #tpu.memory_space<vmem>> -> memref<4096xi32, #tpu.memory_space<vmem>>
      %dma_start3A_1217 = arith.constant 0 : i32
      %dma_start3A_1218 = tpu.memref_slice %arg4[%select_n3A_46, %dma_start3A_1217] : memref<26x4096xi32, #tpu.memory_space<hbm>> -> memref<1x4096xi32, #tpu.memory_space<hbm>>
      %dma_start3A_1219 = tpu.memref_squeeze %dma_start3A_1218 : memref<1x4096xi32, #tpu.memory_space<hbm>> -> memref<4096xi32, #tpu.memory_space<hbm>>
      tpu.enqueue_dma source(%dma_start3A_1219 : memref<4096xi32, #tpu.memory_space<hbm>>) target(%dma_start3A_1216 : memref<4096xi32, #tpu.memory_space<vmem>>) target_semaphore(%run_scoped3A_1207 : memref<!tpu.dma_semaphore, #tpu.memory_space<semaphore_mem>>)
      %dma_wait3A_1220 = arith.constant 0 : i32
      %dma_wait3A_1221 = tpu.memref_slice %arg9[%run_scoped3A_47, %dma_wait3A_1220] : memref<2x4096xi32, #tpu.memory_space<vmem>> -> memref<1x4096xi32, #tpu.memory_space<vmem>>
      %dma_wait3A_1222 = tpu.memref_squeeze %dma_wait3A_1221 : memref<1x4096xi32, #tpu.memory_space<vmem>> -> memref<4096xi32, #tpu.memory_space<vmem>>
      %dma_wait3A_1223 = arith.constant 0 : i32
      %dma_wait3A_1224 = tpu.memref_slice %arg4[%select_n3A_46, %dma_wait3A_1223] : memref<26x4096xi32, #tpu.memory_space<hbm>> -> memref<1x4096xi32, #tpu.memory_space<hbm>>
      %dma_wait3A_1225 = tpu.memref_squeeze %dma_wait3A_1224 : memref<1x4096xi32, #tpu.memory_space<hbm>> -> memref<4096xi32, #tpu.memory_space<hbm>>
      %dma_wait3A_1226 = arith.constant 0 : i32
      %dma_wait3A_1227 = tpu.memref_slice %arg9[%run_scoped3A_47, %dma_wait3A_1226] : memref<2x4096xi32, #tpu.memory_space<vmem>> -> memref<1x4096xi32, #tpu.memory_space<vmem>>
      %dma_wait3A_1228 = tpu.memref_squeeze %dma_wait3A_1227 : memref<1x4096xi32, #tpu.memory_space<vmem>> -> memref<4096xi32, #tpu.memory_space<vmem>>
      %dma_wait3A_1229 = arith.constant 0 : i32
      %dma_wait3A_1230 = tpu.memref_slice %arg4[%select_n3A_46, %dma_wait3A_1229] : memref<26x4096xi32, #tpu.memory_space<hbm>> -> memref<1x4096xi32, #tpu.memory_space<hbm>>
      %dma_wait3A_1231 = tpu.memref_squeeze %dma_wait3A_1230 : memref<1x4096xi32, #tpu.memory_space<hbm>> -> memref<4096xi32, #tpu.memory_space<hbm>>
      tpu.wait_dma2 semaphore(%run_scoped3A_1207 : memref<!tpu.dma_semaphore, #tpu.memory_space<semaphore_mem>>) src(%dma_wait3A_1231 : memref<4096xi32, #tpu.memory_space<hbm>>) dst(%dma_wait3A_1228 : memref<4096xi32, #tpu.memory_space<vmem>>)
      tpu.yield
    }) : () -> ()
    %add3A_48 = arith.constant 0 : i32
    %add3A_49 = arith.addi %mul3A_2, %add3A_48 : i32
    %jit3A_50 = arith.constant 16 : i32
    %div3A_51 = arith.divsi %add3A_49, %jit3A_50 : i32
    %sign3A_52 = arith.constant 0 : i32
    %sign3A_53 = arith.cmpi sgt, %add3A_49, %sign3A_52 : i32
    %sign3A_54 = arith.extui %sign3A_53 : i1 to i32
    %sign3A_55 = arith.constant 0 : i32
    %sign3A_56 = arith.cmpi slt, %add3A_49, %sign3A_55 : i32
    %sign3A_57 = arith.extui %sign3A_56 : i1 to i32
    %sign3A_58 = arith.subi %sign3A_54, %sign3A_57 : i32
    %sign3A_59 = arith.constant 0 : i32
    %sign3A_60 = arith.cmpi sgt, %jit3A_50, %sign3A_59 : i32
    %sign3A_61 = arith.extui %sign3A_60 : i1 to i32
    %sign3A_62 = arith.constant 0 : i32
    %sign3A_63 = arith.cmpi slt, %jit3A_50, %sign3A_62 : i32
    %sign3A_64 = arith.extui %sign3A_63 : i1 to i32
    %sign3A_65 = arith.subi %sign3A_61, %sign3A_64 : i32
    %ne3A_66 = arith.cmpi ne, %sign3A_58, %sign3A_65 : i32
    %rem3A_67 = arith.remsi %add3A_49, %jit3A_50 : i32
    %ne3A_68 = arith.constant 0 : i32
    %ne3A_69 = arith.cmpi ne, %rem3A_67, %ne3A_68 : i32
    %and3A_70 = arith.andi %ne3A_66, %ne3A_69 : i1
    %sub3A_71 = arith.constant 1 : i32
    %sub3A_72 = arith.subi %div3A_51, %sub3A_71 : i32
    %select_n3A_73 = arith.select %and3A_70, %sub3A_72, %div3A_51 : i32
    %jit3A_74 = arith.constant 16 : i32
    %eq3A = arith.constant 0 : i32
    %eq3A_75 = arith.cmpi eq, %jit3A_74, %eq3A : i32
    %jit3A_76 = arith.constant 1 : i32
    %select_n3A_77 = arith.select %eq3A_75, %jit3A_76, %jit3A_74 : i32
    %rem3A_78 = arith.remsi %add3A_49, %select_n3A_77 : i32
    %ne3A_79 = arith.constant 0 : i32
    %ne3A_80 = arith.cmpi ne, %rem3A_78, %ne3A_79 : i32
    %lt3A = arith.constant 0 : i32
    %lt3A_81 = arith.cmpi slt, %rem3A_78, %lt3A : i32
    %lt3A_82 = arith.constant 0 : i32
    %lt3A_83 = arith.cmpi slt, %select_n3A_77, %lt3A_82 : i32
    %ne3A_84 = arith.xori %lt3A_81, %lt3A_83 : i1
    %and3A_85 = arith.andi %ne3A_84, %ne3A_80 : i1
    %add3A_86 = arith.addi %rem3A_78, %select_n3A_77 : i32
    %select_n3A_87 = arith.select %and3A_85, %add3A_86, %rem3A_78 : i32
    %dma_start3A = arith.constant 0 : i32
    %dma_start3A_88 = tpu.memref_slice %arg2[%select_n3A_73, %select_n3A_87, %dma_start3A] : memref<26x16x100000xf32, #tpu.memory_space<hbm>> -> memref<1x1x100000xf32, #tpu.memory_space<hbm>>
    %dma_start3A_89 = tpu.memref_squeeze %dma_start3A_88 : memref<1x1x100000xf32, #tpu.memory_space<hbm>> -> memref<100000xf32, #tpu.memory_space<hbm>>
    %dma_start3A_90 = arith.constant 0 : i32
    %dma_start3A_91 = tpu.memref_slice %arg2[%select_n3A_73, %select_n3A_87, %dma_start3A_90] : memref<26x16x100000xf32, #tpu.memory_space<hbm>> -> memref<1x1x100000xf32, #tpu.memory_space<hbm>>
    %dma_start3A_92 = tpu.memref_squeeze %dma_start3A_91 : memref<1x1x100000xf32, #tpu.memory_space<hbm>> -> memref<100000xf32, #tpu.memory_space<hbm>>
    tpu.enqueue_dma source(%dma_start3A_92 : memref<100000xf32, #tpu.memory_space<hbm>>) target(%arg8 : memref<100000xf32, #tpu.memory_space<vmem>>) target_semaphore(%arg13 : memref<!tpu.dma_semaphore, #tpu.memory_space<semaphore_mem>>)
    %dma_wait3A = arith.constant 0 : i32
    %dma_wait3A_93 = tpu.memref_slice %arg2[%select_n3A_73, %select_n3A_87, %dma_wait3A] : memref<26x16x100000xf32, #tpu.memory_space<hbm>> -> memref<1x1x100000xf32, #tpu.memory_space<hbm>>
    %dma_wait3A_94 = tpu.memref_squeeze %dma_wait3A_93 : memref<1x1x100000xf32, #tpu.memory_space<hbm>> -> memref<100000xf32, #tpu.memory_space<hbm>>
    %dma_wait3A_95 = arith.constant 0 : i32
    %dma_wait3A_96 = tpu.memref_slice %arg2[%select_n3A_73, %select_n3A_87, %dma_wait3A_95] : memref<26x16x100000xf32, #tpu.memory_space<hbm>> -> memref<1x1x100000xf32, #tpu.memory_space<hbm>>
    %dma_wait3A_97 = tpu.memref_squeeze %dma_wait3A_96 : memref<1x1x100000xf32, #tpu.memory_space<hbm>> -> memref<100000xf32, #tpu.memory_space<hbm>>
    tpu.wait_dma2 semaphore(%arg13 : memref<!tpu.dma_semaphore, #tpu.memory_space<semaphore_mem>>) src(%dma_wait3A_97 : memref<100000xf32, #tpu.memory_space<hbm>>) dst(%arg8 : memref<100000xf32, #tpu.memory_space<vmem>>)
    %eq3A_98 = arith.cmpi eq, %select_n3A_73, %select_n3A : i32
    %jit3A_99 = arith.constant 0 : i32
    %jit3A_100 = arith.constant 1 : i32
    %select_n3A_101 = arith.select %eq3A_98, %jit3A_99, %jit3A_100 : i32
    %scan3A = arith.constant 0 : i32
    %scan3A_102 = arith.constant 64 : i32
    %scan3A_103 = arith.addi %scan3A, %scan3A_102 : i32
    %scan3A_104 = arith.constant 1 : i32
    scf.for %scan3A_1207 = %scan3A to %scan3A_103 step %scan3A_104  : i32 {
      %mul3A_1208 = arith.constant 4 : i32
      %mul3A_1209 = arith.muli %scan3A_1207, %mul3A_1208 : i32
      %add3A_1210 = arith.constant 0 : i32
      %add3A_1211 = arith.addi %mul3A_1209, %add3A_1210 : i32
      %mul3A_1212 = arith.constant 16 : i32
      %mul3A_1213 = arith.muli %add3A_1211, %mul3A_1212 : i32
      %get3A = arith.index_cast %select_n3A_101 : i32 to index
      %get3A_1214 = arith.index_cast %mul3A_1213 : i32 to index
      %get3A_1215 = tpu.vector_load %arg9[%get3A, %get3A_1214] {strides = array<i32>} : memref<2x4096xi32, #tpu.memory_space<vmem>>, vector<16xi32>,
      %gather3A = tpu.vector_load_idx %arg8[%get3A_1215] : memref<100000xf32, #tpu.memory_space<vmem>>[vector<16xi32>], vector<16xf32>,
      %mul3A_1216 = arith.constant 16 : i32
      %mul3A_1217 = arith.muli %add3A_1211, %mul3A_1216 : i32
      %swap3A = arith.constant 0 : i32
      %swap3A_1218 = arith.index_cast %swap3A : i32 to index
      %swap3A_1219 = arith.index_cast %mul3A_1217 : i32 to index
      %swap3A_1220 = tpu.vector_load %arg10[%swap3A_1218, %swap3A_1219] {strides = array<i32>} : memref<2x4096xf32, #tpu.memory_space<vmem>>, vector<16xf32>,
      tpu.vector_store %arg10[%swap3A_1218, %swap3A_1219], %gather3A {strides = array<i32>} : memref<2x4096xf32, #tpu.memory_space<vmem>>, vector<16xf32>,
      %mul3A_1221 = arith.constant 4 : i32
      %mul3A_1222 = arith.muli %scan3A_1207, %mul3A_1221 : i32
      %add3A_1223 = arith.constant 1 : i32
      %add3A_1224 = arith.addi %mul3A_1222, %add3A_1223 : i32
      %mul3A_1225 = arith.constant 16 : i32
      %mul3A_1226 = arith.muli %add3A_1224, %mul3A_1225 : i32
      %get3A_1227 = arith.index_cast %select_n3A_101 : i32 to index
      %get3A_1228 = arith.index_cast %mul3A_1226 : i32 to index
      %get3A_1229 = tpu.vector_load %arg9[%get3A_1227, %get3A_1228] {strides = array<i32>} : memref<2x4096xi32, #tpu.memory_space<vmem>>, vector<16xi32>,
      %gather3A_1230 = tpu.vector_load_idx %arg8[%get3A_1229] : memref<100000xf32, #tpu.memory_space<vmem>>[vector<16xi32>], vector<16xf32>,
      %mul3A_1231 = arith.constant 16 : i32
      %mul3A_1232 = arith.muli %add3A_1224, %mul3A_1231 : i32
      %swap3A_1233 = arith.constant 0 : i32
      %swap3A_1234 = arith.index_cast %swap3A_1233 : i32 to index
      %swap3A_1235 = arith.index_cast %mul3A_1232 : i32 to index
      %swap3A_1236 = tpu.vector_load %arg10[%swap3A_1234, %swap3A_1235] {strides = array<i32>} : memref<2x4096xf32, #tpu.memory_space<vmem>>, vector<16xf32>,
      tpu.vector_store %arg10[%swap3A_1234, %swap3A_1235], %gather3A_1230 {strides = array<i32>} : memref<2x4096xf32, #tpu.memory_space<vmem>>, vector<16xf32>,
      %mul3A_1237 = arith.constant 4 : i32
      %mul3A_1238 = arith.muli %scan3A_1207, %mul3A_1237 : i32
      %add3A_1239 = arith.constant 2 : i32
      %add3A_1240 = arith.addi %mul3A_1238, %add3A_1239 : i32
      %mul3A_1241 = arith.constant 16 : i32
      %mul3A_1242 = arith.muli %add3A_1240, %mul3A_1241 : i32
      %get3A_1243 = arith.index_cast %select_n3A_101 : i32 to index
      %get3A_1244 = arith.index_cast %mul3A_1242 : i32 to index
      %get3A_1245 = tpu.vector_load %arg9[%get3A_1243, %get3A_1244] {strides = array<i32>} : memref<2x4096xi32, #tpu.memory_space<vmem>>, vector<16xi32>,
      %gather3A_1246 = tpu.vector_load_idx %arg8[%get3A_1245] : memref<100000xf32, #tpu.memory_space<vmem>>[vector<16xi32>], vector<16xf32>,
      %mul3A_1247 = arith.constant 16 : i32
      %mul3A_1248 = arith.muli %add3A_1240, %mul3A_1247 : i32
      %swap3A_1249 = arith.constant 0 : i32
      %swap3A_1250 = arith.index_cast %swap3A_1249 : i32 to index
      %swap3A_1251 = arith.index_cast %mul3A_1248 : i32 to index
      %swap3A_1252 = tpu.vector_load %arg10[%swap3A_1250, %swap3A_1251] {strides = array<i32>} : memref<2x4096xf32, #tpu.memory_space<vmem>>, vector<16xf32>,
      tpu.vector_store %arg10[%swap3A_1250, %swap3A_1251], %gather3A_1246 {strides = array<i32>} : memref<2x4096xf32, #tpu.memory_space<vmem>>, vector<16xf32>,
      %mul3A_1253 = arith.constant 4 : i32
      %mul3A_1254 = arith.muli %scan3A_1207, %mul3A_1253 : i32
      %add3A_1255 = arith.constant 3 : i32
      %add3A_1256 = arith.addi %mul3A_1254, %add3A_1255 : i32
      %mul3A_1257 = arith.constant 16 : i32
      %mul3A_1258 = arith.muli %add3A_1256, %mul3A_1257 : i32
      %get3A_1259 = arith.index_cast %select_n3A_101 : i32 to index
      %get3A_1260 = arith.index_cast %mul3A_1258 : i32 to index
      %get3A_1261 = tpu.vector_load %arg9[%get3A_1259, %get3A_1260] {strides = array<i32>} : memref<2x4096xi32, #tpu.memory_space<vmem>>, vector<16xi32>,
      %gather3A_1262 = tpu.vector_load_idx %arg8[%get3A_1261] : memref<100000xf32, #tpu.memory_space<vmem>>[vector<16xi32>], vector<16xf32>,
      %mul3A_1263 = arith.constant 16 : i32
      %mul3A_1264 = arith.muli %add3A_1256, %mul3A_1263 : i32
      %swap3A_1265 = arith.constant 0 : i32
      %swap3A_1266 = arith.index_cast %swap3A_1265 : i32 to index
      %swap3A_1267 = arith.index_cast %mul3A_1264 : i32 to index
      %swap3A_1268 = tpu.vector_load %arg10[%swap3A_1266, %swap3A_1267] {strides = array<i32>} : memref<2x4096xf32, #tpu.memory_space<vmem>>, vector<16xf32>,
      tpu.vector_store %arg10[%swap3A_1266, %swap3A_1267], %gather3A_1262 {strides = array<i32>} : memref<2x4096xf32, #tpu.memory_space<vmem>>, vector<16xf32>,
    }
    %scan3A_105 = arith.constant 64 : i32
    %dma_start3A_106 = arith.constant 0 : i32
    %dma_start3A_107 = arith.constant 0 : i32
    %dma_start3A_108 = tpu.memref_slice %arg10[%dma_start3A_106, %dma_start3A_107] : memref<2x4096xf32, #tpu.memory_space<vmem>> -> memref<1x4096xf32, #tpu.memory_space<vmem>>
    %dma_start3A_109 = tpu.memref_squeeze %dma_start3A_108 : memref<1x4096xf32, #tpu.memory_space<vmem>> -> memref<4096xf32, #tpu.memory_space<vmem>>
    %dma_start3A_110 = arith.constant 0 : i32
    %dma_start3A_111 = tpu.memref_slice %arg6[%add3A_49, %dma_start3A_110] : memref<416x4096xf32, #tpu.memory_space<hbm>> -> memref<1x4096xf32, #tpu.memory_space<hbm>>
    %dma_start3A_112 = tpu.memref_squeeze %dma_start3A_111 : memref<1x4096xf32, #tpu.memory_space<hbm>> -> memref<4096xf32, #tpu.memory_space<hbm>>
    %dma_start3A_113 = arith.constant 0 : i32
    %dma_start3A_114 = tpu.memref_slice %arg6[%add3A_49, %dma_start3A_113] : memref<416x4096xf32, #tpu.memory_space<hbm>> -> memref<1x4096xf32, #tpu.memory_space<hbm>>
    %dma_start3A_115 = tpu.memref_squeeze %dma_start3A_114 : memref<1x4096xf32, #tpu.memory_space<hbm>> -> memref<4096xf32, #tpu.memory_space<hbm>>
    %dma_start3A_116 = arith.constant 0 : i32
    %dma_start3A_117 = tpu.memref_slice %arg10[%dma_start3A_106, %dma_start3A_116] : memref<2x4096xf32, #tpu.memory_space<vmem>> -> memref<1x4096xf32, #tpu.memory_space<vmem>>
    %dma_start3A_118 = tpu.memref_squeeze %dma_start3A_117 : memref<1x4096xf32, #tpu.memory_space<vmem>> -> memref<4096xf32, #tpu.memory_space<vmem>>
    tpu.enqueue_dma source(%dma_start3A_118 : memref<4096xf32, #tpu.memory_space<vmem>>) target(%dma_start3A_115 : memref<4096xf32, #tpu.memory_space<hbm>>) target_semaphore(%arg14 : memref<!tpu.dma_semaphore, #tpu.memory_space<semaphore_mem>>)
    %add3A_119 = arith.constant 1 : i32
    %add3A_120 = arith.addi %mul3A_2, %add3A_119 : i32
    %jit3A_121 = arith.constant 16 : i32
    %div3A_122 = arith.divsi %add3A_120, %jit3A_121 : i32
    %sign3A_123 = arith.constant 0 : i32
    %sign3A_124 = arith.cmpi sgt, %add3A_120, %sign3A_123 : i32
    %sign3A_125 = arith.extui %sign3A_124 : i1 to i32
    %sign3A_126 = arith.constant 0 : i32
    %sign3A_127 = arith.cmpi slt, %add3A_120, %sign3A_126 : i32
    %sign3A_128 = arith.extui %sign3A_127 : i1 to i32
    %sign3A_129 = arith.subi %sign3A_125, %sign3A_128 : i32
    %sign3A_130 = arith.constant 0 : i32
    %sign3A_131 = arith.cmpi sgt, %jit3A_121, %sign3A_130 : i32
    %sign3A_132 = arith.extui %sign3A_131 : i1 to i32
    %sign3A_133 = arith.constant 0 : i32
    %sign3A_134 = arith.cmpi slt, %jit3A_121, %sign3A_133 : i32
    %sign3A_135 = arith.extui %sign3A_134 : i1 to i32
    %sign3A_136 = arith.subi %sign3A_132, %sign3A_135 : i32
    %ne3A_137 = arith.cmpi ne, %sign3A_129, %sign3A_136 : i32
    %rem3A_138 = arith.remsi %add3A_120, %jit3A_121 : i32
    %ne3A_139 = arith.constant 0 : i32
    %ne3A_140 = arith.cmpi ne, %rem3A_138, %ne3A_139 : i32
    %and3A_141 = arith.andi %ne3A_137, %ne3A_140 : i1
    %sub3A_142 = arith.constant 1 : i32
    %sub3A_143 = arith.subi %div3A_122, %sub3A_142 : i32
    %select_n3A_144 = arith.select %and3A_141, %sub3A_143, %div3A_122 : i32
    %jit3A_145 = arith.constant 16 : i32
    %eq3A_146 = arith.constant 0 : i32
    %eq3A_147 = arith.cmpi eq, %jit3A_145, %eq3A_146 : i32
    %jit3A_148 = arith.constant 1 : i32
    %select_n3A_149 = arith.select %eq3A_147, %jit3A_148, %jit3A_145 : i32
    %rem3A_150 = arith.remsi %add3A_120, %select_n3A_149 : i32
    %ne3A_151 = arith.constant 0 : i32
    %ne3A_152 = arith.cmpi ne, %rem3A_150, %ne3A_151 : i32
    %lt3A_153 = arith.constant 0 : i32
    %lt3A_154 = arith.cmpi slt, %rem3A_150, %lt3A_153 : i32
    %lt3A_155 = arith.constant 0 : i32
    %lt3A_156 = arith.cmpi slt, %select_n3A_149, %lt3A_155 : i32
    %ne3A_157 = arith.xori %lt3A_154, %lt3A_156 : i1
    %and3A_158 = arith.andi %ne3A_157, %ne3A_152 : i1
    %add3A_159 = arith.addi %rem3A_150, %select_n3A_149 : i32
    %select_n3A_160 = arith.select %and3A_158, %add3A_159, %rem3A_150 : i32
    %dma_start3A_161 = arith.constant 0 : i32
    %dma_start3A_162 = tpu.memref_slice %arg2[%select_n3A_144, %select_n3A_160, %dma_start3A_161] : memref<26x16x100000xf32, #tpu.memory_space<hbm>> -> memref<1x1x100000xf32, #tpu.memory_space<hbm>>
    %dma_start3A_163 = tpu.memref_squeeze %dma_start3A_162 : memref<1x1x100000xf32, #tpu.memory_space<hbm>> -> memref<100000xf32, #tpu.memory_space<hbm>>
    %dma_start3A_164 = arith.constant 0 : i32
    %dma_start3A_165 = tpu.memref_slice %arg2[%select_n3A_144, %select_n3A_160, %dma_start3A_164] : memref<26x16x100000xf32, #tpu.memory_space<hbm>> -> memref<1x1x100000xf32, #tpu.memory_space<hbm>>
    %dma_start3A_166 = tpu.memref_squeeze %dma_start3A_165 : memref<1x1x100000xf32, #tpu.memory_space<hbm>> -> memref<100000xf32, #tpu.memory_space<hbm>>
    tpu.enqueue_dma source(%dma_start3A_166 : memref<100000xf32, #tpu.memory_space<hbm>>) target(%arg8 : memref<100000xf32, #tpu.memory_space<vmem>>) target_semaphore(%arg13 : memref<!tpu.dma_semaphore, #tpu.memory_space<semaphore_mem>>)
    %dma_wait3A_167 = arith.constant 0 : i32
    %dma_wait3A_168 = tpu.memref_slice %arg2[%select_n3A_144, %select_n3A_160, %dma_wait3A_167] : memref<26x16x100000xf32, #tpu.memory_space<hbm>> -> memref<1x1x100000xf32, #tpu.memory_space<hbm>>
    %dma_wait3A_169 = tpu.memref_squeeze %dma_wait3A_168 : memref<1x1x100000xf32, #tpu.memory_space<hbm>> -> memref<100000xf32, #tpu.memory_space<hbm>>
    %dma_wait3A_170 = arith.constant 0 : i32
    %dma_wait3A_171 = tpu.memref_slice %arg2[%select_n3A_144, %select_n3A_160, %dma_wait3A_170] : memref<26x16x100000xf32, #tpu.memory_space<hbm>> -> memref<1x1x100000xf32, #tpu.memory_space<hbm>>
    %dma_wait3A_172 = tpu.memref_squeeze %dma_wait3A_171 : memref<1x1x100000xf32, #tpu.memory_space<hbm>> -> memref<100000xf32, #tpu.memory_space<hbm>>
    tpu.wait_dma2 semaphore(%arg13 : memref<!tpu.dma_semaphore, #tpu.memory_space<semaphore_mem>>) src(%dma_wait3A_172 : memref<100000xf32, #tpu.memory_space<hbm>>) dst(%arg8 : memref<100000xf32, #tpu.memory_space<vmem>>)
    %eq3A_173 = arith.cmpi eq, %select_n3A_144, %select_n3A : i32
    %jit3A_174 = arith.constant 0 : i32
    %jit3A_175 = arith.constant 1 : i32
    %select_n3A_176 = arith.select %eq3A_173, %jit3A_174, %jit3A_175 : i32
    %scan3A_177 = arith.constant 0 : i32
    %scan3A_178 = arith.constant 64 : i32
    %scan3A_179 = arith.addi %scan3A_177, %scan3A_178 : i32
    %scan3A_180 = arith.constant 1 : i32
    scf.for %scan3A_1207 = %scan3A_177 to %scan3A_179 step %scan3A_180  : i32 {
      %mul3A_1208 = arith.constant 4 : i32
      %mul3A_1209 = arith.muli %scan3A_1207, %mul3A_1208 : i32
      %add3A_1210 = arith.constant 0 : i32
      %add3A_1211 = arith.addi %mul3A_1209, %add3A_1210 : i32
      %mul3A_1212 = arith.constant 16 : i32
      %mul3A_1213 = arith.muli %add3A_1211, %mul3A_1212 : i32
      %get3A = arith.index_cast %select_n3A_176 : i32 to index
      %get3A_1214 = arith.index_cast %mul3A_1213 : i32 to index
      %get3A_1215 = tpu.vector_load %arg9[%get3A, %get3A_1214] {strides = array<i32>} : memref<2x4096xi32, #tpu.memory_space<vmem>>, vector<16xi32>,
      %gather3A = tpu.vector_load_idx %arg8[%get3A_1215] : memref<100000xf32, #tpu.memory_space<vmem>>[vector<16xi32>], vector<16xf32>,
      %mul3A_1216 = arith.constant 16 : i32
      %mul3A_1217 = arith.muli %add3A_1211, %mul3A_1216 : i32
      %swap3A = arith.constant 1 : i32
      %swap3A_1218 = arith.index_cast %swap3A : i32 to index
      %swap3A_1219 = arith.index_cast %mul3A_1217 : i32 to index
      %swap3A_1220 = tpu.vector_load %arg10[%swap3A_1218, %swap3A_1219] {strides = array<i32>} : memref<2x4096xf32, #tpu.memory_space<vmem>>, vector<16xf32>,
      tpu.vector_store %arg10[%swap3A_1218, %swap3A_1219], %gather3A {strides = array<i32>} : memref<2x4096xf32, #tpu.memory_space<vmem>>, vector<16xf32>,
      %mul3A_1221 = arith.constant 4 : i32
      %mul3A_1222 = arith.muli %scan3A_1207, %mul3A_1221 : i32
      %add3A_1223 = arith.constant 1 : i32
      %add3A_1224 = arith.addi %mul3A_1222, %add3A_1223 : i32
      %mul3A_1225 = arith.constant 16 : i32
      %mul3A_1226 = arith.muli %add3A_1224, %mul3A_1225 : i32
      %get3A_1227 = arith.index_cast %select_n3A_176 : i32 to index
      %get3A_1228 = arith.index_cast %mul3A_1226 : i32 to index
      %get3A_1229 = tpu.vector_load %arg9[%get3A_1227, %get3A_1228] {strides = array<i32>} : memref<2x4096xi32, #tpu.memory_space<vmem>>, vector<16xi32>,
      %gather3A_1230 = tpu.vector_load_idx %arg8[%get3A_1229] : memref<100000xf32, #tpu.memory_space<vmem>>[vector<16xi32>], vector<16xf32>,
      %mul3A_1231 = arith.constant 16 : i32
      %mul3A_1232 = arith.muli %add3A_1224, %mul3A_1231 : i32
      %swap3A_1233 = arith.constant 1 : i32
      %swap3A_1234 = arith.index_cast %swap3A_1233 : i32 to index
      %swap3A_1235 = arith.index_cast %mul3A_1232 : i32 to index
      %swap3A_1236 = tpu.vector_load %arg10[%swap3A_1234, %swap3A_1235] {strides = array<i32>} : memref<2x4096xf32, #tpu.memory_space<vmem>>, vector<16xf32>,
      tpu.vector_store %arg10[%swap3A_1234, %swap3A_1235], %gather3A_1230 {strides = array<i32>} : memref<2x4096xf32, #tpu.memory_space<vmem>>, vector<16xf32>,
      %mul3A_1237 = arith.constant 4 : i32
      %mul3A_1238 = arith.muli %scan3A_1207, %mul3A_1237 : i32
      %add3A_1239 = arith.constant 2 : i32
      %add3A_1240 = arith.addi %mul3A_1238, %add3A_1239 : i32
      %mul3A_1241 = arith.constant 16 : i32
      %mul3A_1242 = arith.muli %add3A_1240, %mul3A_1241 : i32
      %get3A_1243 = arith.index_cast %select_n3A_176 : i32 to index
      %get3A_1244 = arith.index_cast %mul3A_1242 : i32 to index
      %get3A_1245 = tpu.vector_load %arg9[%get3A_1243, %get3A_1244] {strides = array<i32>} : memref<2x4096xi32, #tpu.memory_space<vmem>>, vector<16xi32>,
      %gather3A_1246 = tpu.vector_load_idx %arg8[%get3A_1245] : memref<100000xf32, #tpu.memory_space<vmem>>[vector<16xi32>], vector<16xf32>,
      %mul3A_1247 = arith.constant 16 : i32
      %mul3A_1248 = arith.muli %add3A_1240, %mul3A_1247 : i32
      %swap3A_1249 = arith.constant 1 : i32
      %swap3A_1250 = arith.index_cast %swap3A_1249 : i32 to index
      %swap3A_1251 = arith.index_cast %mul3A_1248 : i32 to index
      %swap3A_1252 = tpu.vector_load %arg10[%swap3A_1250, %swap3A_1251] {strides = array<i32>} : memref<2x4096xf32, #tpu.memory_space<vmem>>, vector<16xf32>,
      tpu.vector_store %arg10[%swap3A_1250, %swap3A_1251], %gather3A_1246 {strides = array<i32>} : memref<2x4096xf32, #tpu.memory_space<vmem>>, vector<16xf32>,
      %mul3A_1253 = arith.constant 4 : i32
      %mul3A_1254 = arith.muli %scan3A_1207, %mul3A_1253 : i32
      %add3A_1255 = arith.constant 3 : i32
      %add3A_1256 = arith.addi %mul3A_1254, %add3A_1255 : i32
      %mul3A_1257 = arith.constant 16 : i32
      %mul3A_1258 = arith.muli %add3A_1256, %mul3A_1257 : i32
      %get3A_1259 = arith.index_cast %select_n3A_176 : i32 to index
      %get3A_1260 = arith.index_cast %mul3A_1258 : i32 to index
      %get3A_1261 = tpu.vector_load %arg9[%get3A_1259, %get3A_1260] {strides = array<i32>} : memref<2x4096xi32, #tpu.memory_space<vmem>>, vector<16xi32>,
      %gather3A_1262 = tpu.vector_load_idx %arg8[%get3A_1261] : memref<100000xf32, #tpu.memory_space<vmem>>[vector<16xi32>], vector<16xf32>,
      %mul3A_1263 = arith.constant 16 : i32
      %mul3A_1264 = arith.muli %add3A_1256, %mul3A_1263 : i32
      %swap3A_1265 = arith.constant 1 : i32
      %swap3A_1266 = arith.index_cast %swap3A_1265 : i32 to index
      %swap3A_1267 = arith.index_cast %mul3A_1264 : i32 to index
      %swap3A_1268 = tpu.vector_load %arg10[%swap3A_1266, %swap3A_1267] {strides = array<i32>} : memref<2x4096xf32, #tpu.memory_space<vmem>>, vector<16xf32>,
      tpu.vector_store %arg10[%swap3A_1266, %swap3A_1267], %gather3A_1262 {strides = array<i32>} : memref<2x4096xf32, #tpu.memory_space<vmem>>, vector<16xf32>,
    }
    %scan3A_181 = arith.constant 64 : i32
    %dma_start3A_182 = arith.constant 1 : i32
    %dma_start3A_183 = arith.constant 0 : i32
    %dma_start3A_184 = tpu.memref_slice %arg10[%dma_start3A_182, %dma_start3A_183] : memref<2x4096xf32, #tpu.memory_space<vmem>> -> memref<1x4096xf32, #tpu.memory_space<vmem>>
    %dma_start3A_185 = tpu.memref_squeeze %dma_start3A_184 : memref<1x4096xf32, #tpu.memory_space<vmem>> -> memref<4096xf32, #tpu.memory_space<vmem>>
    %dma_start3A_186 = arith.constant 0 : i32
    %dma_start3A_187 = tpu.memref_slice %arg6[%add3A_120, %dma_start3A_186] : memref<416x4096xf32, #tpu.memory_space<hbm>> -> memref<1x4096xf32, #tpu.memory_space<hbm>>
    %dma_start3A_188 = tpu.memref_squeeze %dma_start3A_187 : memref<1x4096xf32, #tpu.memory_space<hbm>> -> memref<4096xf32, #tpu.memory_space<hbm>>
    %dma_start3A_189 = arith.constant 0 : i32
    %dma_start3A_190 = tpu.memref_slice %arg6[%add3A_120, %dma_start3A_189] : memref<416x4096xf32, #tpu.memory_space<hbm>> -> memref<1x4096xf32, #tpu.memory_space<hbm>>
    %dma_start3A_191 = tpu.memref_squeeze %dma_start3A_190 : memref<1x4096xf32, #tpu.memory_space<hbm>> -> memref<4096xf32, #tpu.memory_space<hbm>>
    %dma_start3A_192 = arith.constant 0 : i32
    %dma_start3A_193 = tpu.memref_slice %arg10[%dma_start3A_182, %dma_start3A_192] : memref<2x4096xf32, #tpu.memory_space<vmem>> -> memref<1x4096xf32, #tpu.memory_space<vmem>>
    %dma_start3A_194 = tpu.memref_squeeze %dma_start3A_193 : memref<1x4096xf32, #tpu.memory_space<vmem>> -> memref<4096xf32, #tpu.memory_space<vmem>>
    tpu.enqueue_dma source(%dma_start3A_194 : memref<4096xf32, #tpu.memory_space<vmem>>) target(%dma_start3A_191 : memref<4096xf32, #tpu.memory_space<hbm>>) target_semaphore(%arg14 : memref<!tpu.dma_semaphore, #tpu.memory_space<semaphore_mem>>)
    %add3A_195 = arith.constant 2 : i32
    %add3A_196 = arith.addi %mul3A_2, %add3A_195 : i32
    %jit3A_197 = arith.constant 16 : i32
    %div3A_198 = arith.divsi %add3A_196, %jit3A_197 : i32
    %sign3A_199 = arith.constant 0 : i32
    %sign3A_200 = arith.cmpi sgt, %add3A_196, %sign3A_199 : i32
    %sign3A_201 = arith.extui %sign3A_200 : i1 to i32
    %sign3A_202 = arith.constant 0 : i32
    %sign3A_203 = arith.cmpi slt, %add3A_196, %sign3A_202 : i32
    %sign3A_204 = arith.extui %sign3A_203 : i1 to i32
    %sign3A_205 = arith.subi %sign3A_201, %sign3A_204 : i32
    %sign3A_206 = arith.constant 0 : i32
    %sign3A_207 = arith.cmpi sgt, %jit3A_197, %sign3A_206 : i32
    %sign3A_208 = arith.extui %sign3A_207 : i1 to i32
    %sign3A_209 = arith.constant 0 : i32
    %sign3A_210 = arith.cmpi slt, %jit3A_197, %sign3A_209 : i32
    %sign3A_211 = arith.extui %sign3A_210 : i1 to i32
    %sign3A_212 = arith.subi %sign3A_208, %sign3A_211 : i32
    %ne3A_213 = arith.cmpi ne, %sign3A_205, %sign3A_212 : i32
    %rem3A_214 = arith.remsi %add3A_196, %jit3A_197 : i32
    %ne3A_215 = arith.constant 0 : i32
    %ne3A_216 = arith.cmpi ne, %rem3A_214, %ne3A_215 : i32
    %and3A_217 = arith.andi %ne3A_213, %ne3A_216 : i1
    %sub3A_218 = arith.constant 1 : i32
    %sub3A_219 = arith.subi %div3A_198, %sub3A_218 : i32
    %select_n3A_220 = arith.select %and3A_217, %sub3A_219, %div3A_198 : i32
    %jit3A_221 = arith.constant 16 : i32
    %eq3A_222 = arith.constant 0 : i32
    %eq3A_223 = arith.cmpi eq, %jit3A_221, %eq3A_222 : i32
    %jit3A_224 = arith.constant 1 : i32
    %select_n3A_225 = arith.select %eq3A_223, %jit3A_224, %jit3A_221 : i32
    %rem3A_226 = arith.remsi %add3A_196, %select_n3A_225 : i32
    %ne3A_227 = arith.constant 0 : i32
    %ne3A_228 = arith.cmpi ne, %rem3A_226, %ne3A_227 : i32
    %lt3A_229 = arith.constant 0 : i32
    %lt3A_230 = arith.cmpi slt, %rem3A_226, %lt3A_229 : i32
    %lt3A_231 = arith.constant 0 : i32
    %lt3A_232 = arith.cmpi slt, %select_n3A_225, %lt3A_231 : i32
    %ne3A_233 = arith.xori %lt3A_230, %lt3A_232 : i1
    %and3A_234 = arith.andi %ne3A_233, %ne3A_228 : i1
    %add3A_235 = arith.addi %rem3A_226, %select_n3A_225 : i32
    %select_n3A_236 = arith.select %and3A_234, %add3A_235, %rem3A_226 : i32
    %dma_start3A_237 = arith.constant 0 : i32
    %dma_start3A_238 = tpu.memref_slice %arg2[%select_n3A_220, %select_n3A_236, %dma_start3A_237] : memref<26x16x100000xf32, #tpu.memory_space<hbm>> -> memref<1x1x100000xf32, #tpu.memory_space<hbm>>
    %dma_start3A_239 = tpu.memref_squeeze %dma_start3A_238 : memref<1x1x100000xf32, #tpu.memory_space<hbm>> -> memref<100000xf32, #tpu.memory_space<hbm>>
    %dma_start3A_240 = arith.constant 0 : i32
    %dma_start3A_241 = tpu.memref_slice %arg2[%select_n3A_220, %select_n3A_236, %dma_start3A_240] : memref<26x16x100000xf32, #tpu.memory_space<hbm>> -> memref<1x1x100000xf32, #tpu.memory_space<hbm>>
    %dma_start3A_242 = tpu.memref_squeeze %dma_start3A_241 : memref<1x1x100000xf32, #tpu.memory_space<hbm>> -> memref<100000xf32, #tpu.memory_space<hbm>>
    tpu.enqueue_dma source(%dma_start3A_242 : memref<100000xf32, #tpu.memory_space<hbm>>) target(%arg8 : memref<100000xf32, #tpu.memory_space<vmem>>) target_semaphore(%arg13 : memref<!tpu.dma_semaphore, #tpu.memory_space<semaphore_mem>>)
    %dma_wait3A_243 = arith.constant 0 : i32
    %dma_wait3A_244 = tpu.memref_slice %arg2[%select_n3A_220, %select_n3A_236, %dma_wait3A_243] : memref<26x16x100000xf32, #tpu.memory_space<hbm>> -> memref<1x1x100000xf32, #tpu.memory_space<hbm>>
    %dma_wait3A_245 = tpu.memref_squeeze %dma_wait3A_244 : memref<1x1x100000xf32, #tpu.memory_space<hbm>> -> memref<100000xf32, #tpu.memory_space<hbm>>
    %dma_wait3A_246 = arith.constant 0 : i32
    %dma_wait3A_247 = tpu.memref_slice %arg2[%select_n3A_220, %select_n3A_236, %dma_wait3A_246] : memref<26x16x100000xf32, #tpu.memory_space<hbm>> -> memref<1x1x100000xf32, #tpu.memory_space<hbm>>
    %dma_wait3A_248 = tpu.memref_squeeze %dma_wait3A_247 : memref<1x1x100000xf32, #tpu.memory_space<hbm>> -> memref<100000xf32, #tpu.memory_space<hbm>>
    tpu.wait_dma2 semaphore(%arg13 : memref<!tpu.dma_semaphore, #tpu.memory_space<semaphore_mem>>) src(%dma_wait3A_248 : memref<100000xf32, #tpu.memory_space<hbm>>) dst(%arg8 : memref<100000xf32, #tpu.memory_space<vmem>>)
    %dma_wait3A_249 = arith.constant 0 : i32
    %dma_wait3A_250 = arith.constant 0 : i32
    %dma_wait3A_251 = tpu.memref_slice %arg10[%dma_wait3A_249, %dma_wait3A_250] : memref<2x4096xf32, #tpu.memory_space<vmem>> -> memref<1x4096xf32, #tpu.memory_space<vmem>>
    %dma_wait3A_252 = tpu.memref_squeeze %dma_wait3A_251 : memref<1x4096xf32, #tpu.memory_space<vmem>> -> memref<4096xf32, #tpu.memory_space<vmem>>
    %dma_wait3A_253 = arith.constant 0 : i32
    %dma_wait3A_254 = tpu.memref_slice %arg6[%add3A_49, %dma_wait3A_253] : memref<416x4096xf32, #tpu.memory_space<hbm>> -> memref<1x4096xf32, #tpu.memory_space<hbm>>
    %dma_wait3A_255 = tpu.memref_squeeze %dma_wait3A_254 : memref<1x4096xf32, #tpu.memory_space<hbm>> -> memref<4096xf32, #tpu.memory_space<hbm>>
    %dma_wait3A_256 = arith.constant 0 : i32
    %dma_wait3A_257 = tpu.memref_slice %arg6[%add3A_49, %dma_wait3A_256] : memref<416x4096xf32, #tpu.memory_space<hbm>> -> memref<1x4096xf32, #tpu.memory_space<hbm>>
    %dma_wait3A_258 = tpu.memref_squeeze %dma_wait3A_257 : memref<1x4096xf32, #tpu.memory_space<hbm>> -> memref<4096xf32, #tpu.memory_space<hbm>>
    %dma_wait3A_259 = arith.constant 0 : i32
    %dma_wait3A_260 = tpu.memref_slice %arg10[%dma_wait3A_249, %dma_wait3A_259] : memref<2x4096xf32, #tpu.memory_space<vmem>> -> memref<1x4096xf32, #tpu.memory_space<vmem>>
    %dma_wait3A_261 = tpu.memref_squeeze %dma_wait3A_260 : memref<1x4096xf32, #tpu.memory_space<vmem>> -> memref<4096xf32, #tpu.memory_space<vmem>>
    tpu.wait_dma2 semaphore(%arg14 : memref<!tpu.dma_semaphore, #tpu.memory_space<semaphore_mem>>) src(%dma_wait3A_261 : memref<4096xf32, #tpu.memory_space<vmem>>) dst(%dma_wait3A_258 : memref<4096xf32, #tpu.memory_space<hbm>>)
    %eq3A_262 = arith.cmpi eq, %select_n3A_220, %select_n3A : i32
    %jit3A_263 = arith.constant 0 : i32
    %jit3A_264 = arith.constant 1 : i32
    %select_n3A_265 = arith.select %eq3A_262, %jit3A_263, %jit3A_264 : i32
    %scan3A_266 = arith.constant 0 : i32
    %scan3A_267 = arith.constant 64 : i32
    %scan3A_268 = arith.addi %scan3A_266, %scan3A_267 : i32
    %scan3A_269 = arith.constant 1 : i32
    scf.for %scan3A_1207 = %scan3A_266 to %scan3A_268 step %scan3A_269  : i32 {
      %mul3A_1208 = arith.constant 4 : i32
      %mul3A_1209 = arith.muli %scan3A_1207, %mul3A_1208 : i32
      %add3A_1210 = arith.constant 0 : i32
      %add3A_1211 = arith.addi %mul3A_1209, %add3A_1210 : i32
      %mul3A_1212 = arith.constant 16 : i32
      %mul3A_1213 = arith.muli %add3A_1211, %mul3A_1212 : i32
      %get3A = arith.index_cast %select_n3A_265 : i32 to index
      %get3A_1214 = arith.index_cast %mul3A_1213 : i32 to index
      %get3A_1215 = tpu.vector_load %arg9[%get3A, %get3A_1214] {strides = array<i32>} : memref<2x4096xi32, #tpu.memory_space<vmem>>, vector<16xi32>,
      %gather3A = tpu.vector_load_idx %arg8[%get3A_1215] : memref<100000xf32, #tpu.memory_space<vmem>>[vector<16xi32>], vector<16xf32>,
      %mul3A_1216 = arith.constant 16 : i32
      %mul3A_1217 = arith.muli %add3A_1211, %mul3A_1216 : i32
      %swap3A = arith.constant 0 : i32
      %swap3A_1218 = arith.index_cast %swap3A : i32 to index
      %swap3A_1219 = arith.index_cast %mul3A_1217 : i32 to index
      %swap3A_1220 = tpu.vector_load %arg10[%swap3A_1218, %swap3A_1219] {strides = array<i32>} : memref<2x4096xf32, #tpu.memory_space<vmem>>, vector<16xf32>,
      tpu.vector_store %arg10[%swap3A_1218, %swap3A_1219], %gather3A {strides = array<i32>} : memref<2x4096xf32, #tpu.memory_space<vmem>>, vector<16xf32>,
      %mul3A_1221 = arith.constant 4 : i32
      %mul3A_1222 = arith.muli %scan3A_1207, %mul3A_1221 : i32
      %add3A_1223 = arith.constant 1 : i32
      %add3A_1224 = arith.addi %mul3A_1222, %add3A_1223 : i32
      %mul3A_1225 = arith.constant 16 : i32
      %mul3A_1226 = arith.muli %add3A_1224, %mul3A_1225 : i32
      %get3A_1227 = arith.index_cast %select_n3A_265 : i32 to index
      %get3A_1228 = arith.index_cast %mul3A_1226 : i32 to index
      %get3A_1229 = tpu.vector_load %arg9[%get3A_1227, %get3A_1228] {strides = array<i32>} : memref<2x4096xi32, #tpu.memory_space<vmem>>, vector<16xi32>,
      %gather3A_1230 = tpu.vector_load_idx %arg8[%get3A_1229] : memref<100000xf32, #tpu.memory_space<vmem>>[vector<16xi32>], vector<16xf32>,
      %mul3A_1231 = arith.constant 16 : i32
      %mul3A_1232 = arith.muli %add3A_1224, %mul3A_1231 : i32
      %swap3A_1233 = arith.constant 0 : i32
      %swap3A_1234 = arith.index_cast %swap3A_1233 : i32 to index
      %swap3A_1235 = arith.index_cast %mul3A_1232 : i32 to index
      %swap3A_1236 = tpu.vector_load %arg10[%swap3A_1234, %swap3A_1235] {strides = array<i32>} : memref<2x4096xf32, #tpu.memory_space<vmem>>, vector<16xf32>,
      tpu.vector_store %arg10[%swap3A_1234, %swap3A_1235], %gather3A_1230 {strides = array<i32>} : memref<2x4096xf32, #tpu.memory_space<vmem>>, vector<16xf32>,
      %mul3A_1237 = arith.constant 4 : i32
      %mul3A_1238 = arith.muli %scan3A_1207, %mul3A_1237 : i32
      %add3A_1239 = arith.constant 2 : i32
      %add3A_1240 = arith.addi %mul3A_1238, %add3A_1239 : i32
      %mul3A_1241 = arith.constant 16 : i32
      %mul3A_1242 = arith.muli %add3A_1240, %mul3A_1241 : i32
      %get3A_1243 = arith.index_cast %select_n3A_265 : i32 to index
      %get3A_1244 = arith.index_cast %mul3A_1242 : i32 to index
      %get3A_1245 = tpu.vector_load %arg9[%get3A_1243, %get3A_1244] {strides = array<i32>} : memref<2x4096xi32, #tpu.memory_space<vmem>>, vector<16xi32>,
      %gather3A_1246 = tpu.vector_load_idx %arg8[%get3A_1245] : memref<100000xf32, #tpu.memory_space<vmem>>[vector<16xi32>], vector<16xf32>,
      %mul3A_1247 = arith.constant 16 : i32
      %mul3A_1248 = arith.muli %add3A_1240, %mul3A_1247 : i32
      %swap3A_1249 = arith.constant 0 : i32
      %swap3A_1250 = arith.index_cast %swap3A_1249 : i32 to index
      %swap3A_1251 = arith.index_cast %mul3A_1248 : i32 to index
      %swap3A_1252 = tpu.vector_load %arg10[%swap3A_1250, %swap3A_1251] {strides = array<i32>} : memref<2x4096xf32, #tpu.memory_space<vmem>>, vector<16xf32>,
      tpu.vector_store %arg10[%swap3A_1250, %swap3A_1251], %gather3A_1246 {strides = array<i32>} : memref<2x4096xf32, #tpu.memory_space<vmem>>, vector<16xf32>,
      %mul3A_1253 = arith.constant 4 : i32
      %mul3A_1254 = arith.muli %scan3A_1207, %mul3A_1253 : i32
      %add3A_1255 = arith.constant 3 : i32
      %add3A_1256 = arith.addi %mul3A_1254, %add3A_1255 : i32
      %mul3A_1257 = arith.constant 16 : i32
      %mul3A_1258 = arith.muli %add3A_1256, %mul3A_1257 : i32
      %get3A_1259 = arith.index_cast %select_n3A_265 : i32 to index
      %get3A_1260 = arith.index_cast %mul3A_1258 : i32 to index
      %get3A_1261 = tpu.vector_load %arg9[%get3A_1259, %get3A_1260] {strides = array<i32>} : memref<2x4096xi32, #tpu.memory_space<vmem>>, vector<16xi32>,
      %gather3A_1262 = tpu.vector_load_idx %arg8[%get3A_1261] : memref<100000xf32, #tpu.memory_space<vmem>>[vector<16xi32>], vector<16xf32>,
      %mul3A_1263 = arith.constant 16 : i32
      %mul3A_1264 = arith.muli %add3A_1256, %mul3A_1263 : i32
      %swap3A_1265 = arith.constant 0 : i32
      %swap3A_1266 = arith.index_cast %swap3A_1265 : i32 to index
      %swap3A_1267 = arith.index_cast %mul3A_1264 : i32 to index
      %swap3A_1268 = tpu.vector_load %arg10[%swap3A_1266, %swap3A_1267] {strides = array<i32>} : memref<2x4096xf32, #tpu.memory_space<vmem>>, vector<16xf32>,
      tpu.vector_store %arg10[%swap3A_1266, %swap3A_1267], %gather3A_1262 {strides = array<i32>} : memref<2x4096xf32, #tpu.memory_space<vmem>>, vector<16xf32>,
    }
    %scan3A_270 = arith.constant 64 : i32
    %dma_start3A_271 = arith.constant 0 : i32
    %dma_start3A_272 = arith.constant 0 : i32
    %dma_start3A_273 = tpu.memref_slice %arg10[%dma_start3A_271, %dma_start3A_272] : memref<2x4096xf32, #tpu.memory_space<vmem>> -> memref<1x4096xf32, #tpu.memory_space<vmem>>
    %dma_start3A_274 = tpu.memref_squeeze %dma_start3A_273 : memref<1x4096xf32, #tpu.memory_space<vmem>> -> memref<4096xf32, #tpu.memory_space<vmem>>
    %dma_start3A_275 = arith.constant 0 : i32
    %dma_start3A_276 = tpu.memref_slice %arg6[%add3A_196, %dma_start3A_275] : memref<416x4096xf32, #tpu.memory_space<hbm>> -> memref<1x4096xf32, #tpu.memory_space<hbm>>
    %dma_start3A_277 = tpu.memref_squeeze %dma_start3A_276 : memref<1x4096xf32, #tpu.memory_space<hbm>> -> memref<4096xf32, #tpu.memory_space<hbm>>
    %dma_start3A_278 = arith.constant 0 : i32
    %dma_start3A_279 = tpu.memref_slice %arg6[%add3A_196, %dma_start3A_278] : memref<416x4096xf32, #tpu.memory_space<hbm>> -> memref<1x4096xf32, #tpu.memory_space<hbm>>
    %dma_start3A_280 = tpu.memref_squeeze %dma_start3A_279 : memref<1x4096xf32, #tpu.memory_space<hbm>> -> memref<4096xf32, #tpu.memory_space<hbm>>
    %dma_start3A_281 = arith.constant 0 : i32
    %dma_start3A_282 = tpu.memref_slice %arg10[%dma_start3A_271, %dma_start3A_281] : memref<2x4096xf32, #tpu.memory_space<vmem>> -> memref<1x4096xf32, #tpu.memory_space<vmem>>
    %dma_start3A_283 = tpu.memref_squeeze %dma_start3A_282 : memref<1x4096xf32, #tpu.memory_space<vmem>> -> memref<4096xf32, #tpu.memory_space<vmem>>
    tpu.enqueue_dma source(%dma_start3A_283 : memref<4096xf32, #tpu.memory_space<vmem>>) target(%dma_start3A_280 : memref<4096xf32, #tpu.memory_space<hbm>>) target_semaphore(%arg14 : memref<!tpu.dma_semaphore, #tpu.memory_space<semaphore_mem>>)
    %add3A_284 = arith.constant 3 : i32
    %add3A_285 = arith.addi %mul3A_2, %add3A_284 : i32
    %jit3A_286 = arith.constant 16 : i32
    %div3A_287 = arith.divsi %add3A_285, %jit3A_286 : i32
    %sign3A_288 = arith.constant 0 : i32
    %sign3A_289 = arith.cmpi sgt, %add3A_285, %sign3A_288 : i32
    %sign3A_290 = arith.extui %sign3A_289 : i1 to i32
    %sign3A_291 = arith.constant 0 : i32
    %sign3A_292 = arith.cmpi slt, %add3A_285, %sign3A_291 : i32
    %sign3A_293 = arith.extui %sign3A_292 : i1 to i32
    %sign3A_294 = arith.subi %sign3A_290, %sign3A_293 : i32
    %sign3A_295 = arith.constant 0 : i32
    %sign3A_296 = arith.cmpi sgt, %jit3A_286, %sign3A_295 : i32
    %sign3A_297 = arith.extui %sign3A_296 : i1 to i32
    %sign3A_298 = arith.constant 0 : i32
    %sign3A_299 = arith.cmpi slt, %jit3A_286, %sign3A_298 : i32
    %sign3A_300 = arith.extui %sign3A_299 : i1 to i32
    %sign3A_301 = arith.subi %sign3A_297, %sign3A_300 : i32
    %ne3A_302 = arith.cmpi ne, %sign3A_294, %sign3A_301 : i32
    %rem3A_303 = arith.remsi %add3A_285, %jit3A_286 : i32
    %ne3A_304 = arith.constant 0 : i32
    %ne3A_305 = arith.cmpi ne, %rem3A_303, %ne3A_304 : i32
    %and3A_306 = arith.andi %ne3A_302, %ne3A_305 : i1
    %sub3A_307 = arith.constant 1 : i32
    %sub3A_308 = arith.subi %div3A_287, %sub3A_307 : i32
    %select_n3A_309 = arith.select %and3A_306, %sub3A_308, %div3A_287 : i32
    %jit3A_310 = arith.constant 16 : i32
    %eq3A_311 = arith.constant 0 : i32
    %eq3A_312 = arith.cmpi eq, %jit3A_310, %eq3A_311 : i32
    %jit3A_313 = arith.constant 1 : i32
    %select_n3A_314 = arith.select %eq3A_312, %jit3A_313, %jit3A_310 : i32
    %rem3A_315 = arith.remsi %add3A_285, %select_n3A_314 : i32
    %ne3A_316 = arith.constant 0 : i32
    %ne3A_317 = arith.cmpi ne, %rem3A_315, %ne3A_316 : i32
    %lt3A_318 = arith.constant 0 : i32
    %lt3A_319 = arith.cmpi slt, %rem3A_315, %lt3A_318 : i32
    %lt3A_320 = arith.constant 0 : i32
    %lt3A_321 = arith.cmpi slt, %select_n3A_314, %lt3A_320 : i32
    %ne3A_322 = arith.xori %lt3A_319, %lt3A_321 : i1
    %and3A_323 = arith.andi %ne3A_322, %ne3A_317 : i1
    %add3A_324 = arith.addi %rem3A_315, %select_n3A_314 : i32
    %select_n3A_325 = arith.select %and3A_323, %add3A_324, %rem3A_315 : i32
    %dma_start3A_326 = arith.constant 0 : i32
    %dma_start3A_327 = tpu.memref_slice %arg2[%select_n3A_309, %select_n3A_325, %dma_start3A_326] : memref<26x16x100000xf32, #tpu.memory_space<hbm>> -> memref<1x1x100000xf32, #tpu.memory_space<hbm>>
    %dma_start3A_328 = tpu.memref_squeeze %dma_start3A_327 : memref<1x1x100000xf32, #tpu.memory_space<hbm>> -> memref<100000xf32, #tpu.memory_space<hbm>>
    %dma_start3A_329 = arith.constant 0 : i32
    %dma_start3A_330 = tpu.memref_slice %arg2[%select_n3A_309, %select_n3A_325, %dma_start3A_329] : memref<26x16x100000xf32, #tpu.memory_space<hbm>> -> memref<1x1x100000xf32, #tpu.memory_space<hbm>>
    %dma_start3A_331 = tpu.memref_squeeze %dma_start3A_330 : memref<1x1x100000xf32, #tpu.memory_space<hbm>> -> memref<100000xf32, #tpu.memory_space<hbm>>
    tpu.enqueue_dma source(%dma_start3A_331 : memref<100000xf32, #tpu.memory_space<hbm>>) target(%arg8 : memref<100000xf32, #tpu.memory_space<vmem>>) target_semaphore(%arg13 : memref<!tpu.dma_semaphore, #tpu.memory_space<semaphore_mem>>)
    %dma_wait3A_332 = arith.constant 0 : i32
    %dma_wait3A_333 = tpu.memref_slice %arg2[%select_n3A_309, %select_n3A_325, %dma_wait3A_332] : memref<26x16x100000xf32, #tpu.memory_space<hbm>> -> memref<1x1x100000xf32, #tpu.memory_space<hbm>>
    %dma_wait3A_334 = tpu.memref_squeeze %dma_wait3A_333 : memref<1x1x100000xf32, #tpu.memory_space<hbm>> -> memref<100000xf32, #tpu.memory_space<hbm>>
    %dma_wait3A_335 = arith.constant 0 : i32
    %dma_wait3A_336 = tpu.memref_slice %arg2[%select_n3A_309, %select_n3A_325, %dma_wait3A_335] : memref<26x16x100000xf32, #tpu.memory_space<hbm>> -> memref<1x1x100000xf32, #tpu.memory_space<hbm>>
    %dma_wait3A_337 = tpu.memref_squeeze %dma_wait3A_336 : memref<1x1x100000xf32, #tpu.memory_space<hbm>> -> memref<100000xf32, #tpu.memory_space<hbm>>
    tpu.wait_dma2 semaphore(%arg13 : memref<!tpu.dma_semaphore, #tpu.memory_space<semaphore_mem>>) src(%dma_wait3A_337 : memref<100000xf32, #tpu.memory_space<hbm>>) dst(%arg8 : memref<100000xf32, #tpu.memory_space<vmem>>)
    %dma_wait3A_338 = arith.constant 1 : i32
    %dma_wait3A_339 = arith.constant 0 : i32
    %dma_wait3A_340 = tpu.memref_slice %arg10[%dma_wait3A_338, %dma_wait3A_339] : memref<2x4096xf32, #tpu.memory_space<vmem>> -> memref<1x4096xf32, #tpu.memory_space<vmem>>
    %dma_wait3A_341 = tpu.memref_squeeze %dma_wait3A_340 : memref<1x4096xf32, #tpu.memory_space<vmem>> -> memref<4096xf32, #tpu.memory_space<vmem>>
    %dma_wait3A_342 = arith.constant 0 : i32
    %dma_wait3A_343 = tpu.memref_slice %arg6[%add3A_120, %dma_wait3A_342] : memref<416x4096xf32, #tpu.memory_space<hbm>> -> memref<1x4096xf32, #tpu.memory_space<hbm>>
    %dma_wait3A_344 = tpu.memref_squeeze %dma_wait3A_343 : memref<1x4096xf32, #tpu.memory_space<hbm>> -> memref<4096xf32, #tpu.memory_space<hbm>>
    %dma_wait3A_345 = arith.constant 0 : i32
    %dma_wait3A_346 = tpu.memref_slice %arg6[%add3A_120, %dma_wait3A_345] : memref<416x4096xf32, #tpu.memory_space<hbm>> -> memref<1x4096xf32, #tpu.memory_space<hbm>>
    %dma_wait3A_347 = tpu.memref_squeeze %dma_wait3A_346 : memref<1x4096xf32, #tpu.memory_space<hbm>> -> memref<4096xf32, #tpu.memory_space<hbm>>
    %dma_wait3A_348 = arith.constant 0 : i32
    %dma_wait3A_349 = tpu.memref_slice %arg10[%dma_wait3A_338, %dma_wait3A_348] : memref<2x4096xf32, #tpu.memory_space<vmem>> -> memref<1x4096xf32, #tpu.memory_space<vmem>>
    %dma_wait3A_350 = tpu.memref_squeeze %dma_wait3A_349 : memref<1x4096xf32, #tpu.memory_space<vmem>> -> memref<4096xf32, #tpu.memory_space<vmem>>
    tpu.wait_dma2 semaphore(%arg14 : memref<!tpu.dma_semaphore, #tpu.memory_space<semaphore_mem>>) src(%dma_wait3A_350 : memref<4096xf32, #tpu.memory_space<vmem>>) dst(%dma_wait3A_347 : memref<4096xf32, #tpu.memory_space<hbm>>)
    %eq3A_351 = arith.cmpi eq, %select_n3A_309, %select_n3A : i32
    %jit3A_352 = arith.constant 0 : i32
    %jit3A_353 = arith.constant 1 : i32
    %select_n3A_354 = arith.select %eq3A_351, %jit3A_352, %jit3A_353 : i32
    %scan3A_355 = arith.constant 0 : i32
    %scan3A_356 = arith.constant 64 : i32
    %scan3A_357 = arith.addi %scan3A_355, %scan3A_356 : i32
    %scan3A_358 = arith.constant 1 : i32
    scf.for %scan3A_1207 = %scan3A_355 to %scan3A_357 step %scan3A_358  : i32 {
      %mul3A_1208 = arith.constant 4 : i32
      %mul3A_1209 = arith.muli %scan3A_1207, %mul3A_1208 : i32
      %add3A_1210 = arith.constant 0 : i32
      %add3A_1211 = arith.addi %mul3A_1209, %add3A_1210 : i32
      %mul3A_1212 = arith.constant 16 : i32
      %mul3A_1213 = arith.muli %add3A_1211, %mul3A_1212 : i32
      %get3A = arith.index_cast %select_n3A_354 : i32 to index
      %get3A_1214 = arith.index_cast %mul3A_1213 : i32 to index
      %get3A_1215 = tpu.vector_load %arg9[%get3A, %get3A_1214] {strides = array<i32>} : memref<2x4096xi32, #tpu.memory_space<vmem>>, vector<16xi32>,
      %gather3A = tpu.vector_load_idx %arg8[%get3A_1215] : memref<100000xf32, #tpu.memory_space<vmem>>[vector<16xi32>], vector<16xf32>,
      %mul3A_1216 = arith.constant 16 : i32
      %mul3A_1217 = arith.muli %add3A_1211, %mul3A_1216 : i32
      %swap3A = arith.constant 1 : i32
      %swap3A_1218 = arith.index_cast %swap3A : i32 to index
      %swap3A_1219 = arith.index_cast %mul3A_1217 : i32 to index
      %swap3A_1220 = tpu.vector_load %arg10[%swap3A_1218, %swap3A_1219] {strides = array<i32>} : memref<2x4096xf32, #tpu.memory_space<vmem>>, vector<16xf32>,
      tpu.vector_store %arg10[%swap3A_1218, %swap3A_1219], %gather3A {strides = array<i32>} : memref<2x4096xf32, #tpu.memory_space<vmem>>, vector<16xf32>,
      %mul3A_1221 = arith.constant 4 : i32
      %mul3A_1222 = arith.muli %scan3A_1207, %mul3A_1221 : i32
      %add3A_1223 = arith.constant 1 : i32
      %add3A_1224 = arith.addi %mul3A_1222, %add3A_1223 : i32
      %mul3A_1225 = arith.constant 16 : i32
      %mul3A_1226 = arith.muli %add3A_1224, %mul3A_1225 : i32
      %get3A_1227 = arith.index_cast %select_n3A_354 : i32 to index
      %get3A_1228 = arith.index_cast %mul3A_1226 : i32 to index
      %get3A_1229 = tpu.vector_load %arg9[%get3A_1227, %get3A_1228] {strides = array<i32>} : memref<2x4096xi32, #tpu.memory_space<vmem>>, vector<16xi32>,
      %gather3A_1230 = tpu.vector_load_idx %arg8[%get3A_1229] : memref<100000xf32, #tpu.memory_space<vmem>>[vector<16xi32>], vector<16xf32>,
      %mul3A_1231 = arith.constant 16 : i32
      %mul3A_1232 = arith.muli %add3A_1224, %mul3A_1231 : i32
      %swap3A_1233 = arith.constant 1 : i32
      %swap3A_1234 = arith.index_cast %swap3A_1233 : i32 to index
      %swap3A_1235 = arith.index_cast %mul3A_1232 : i32 to index
      %swap3A_1236 = tpu.vector_load %arg10[%swap3A_1234, %swap3A_1235] {strides = array<i32>} : memref<2x4096xf32, #tpu.memory_space<vmem>>, vector<16xf32>,
      tpu.vector_store %arg10[%swap3A_1234, %swap3A_1235], %gather3A_1230 {strides = array<i32>} : memref<2x4096xf32, #tpu.memory_space<vmem>>, vector<16xf32>,
      %mul3A_1237 = arith.constant 4 : i32
      %mul3A_1238 = arith.muli %scan3A_1207, %mul3A_1237 : i32
      %add3A_1239 = arith.constant 2 : i32
      %add3A_1240 = arith.addi %mul3A_1238, %add3A_1239 : i32
      %mul3A_1241 = arith.constant 16 : i32
      %mul3A_1242 = arith.muli %add3A_1240, %mul3A_1241 : i32
      %get3A_1243 = arith.index_cast %select_n3A_354 : i32 to index
      %get3A_1244 = arith.index_cast %mul3A_1242 : i32 to index
      %get3A_1245 = tpu.vector_load %arg9[%get3A_1243, %get3A_1244] {strides = array<i32>} : memref<2x4096xi32, #tpu.memory_space<vmem>>, vector<16xi32>,
      %gather3A_1246 = tpu.vector_load_idx %arg8[%get3A_1245] : memref<100000xf32, #tpu.memory_space<vmem>>[vector<16xi32>], vector<16xf32>,
      %mul3A_1247 = arith.constant 16 : i32
      %mul3A_1248 = arith.muli %add3A_1240, %mul3A_1247 : i32
      %swap3A_1249 = arith.constant 1 : i32
      %swap3A_1250 = arith.index_cast %swap3A_1249 : i32 to index
      %swap3A_1251 = arith.index_cast %mul3A_1248 : i32 to index
      %swap3A_1252 = tpu.vector_load %arg10[%swap3A_1250, %swap3A_1251] {strides = array<i32>} : memref<2x4096xf32, #tpu.memory_space<vmem>>, vector<16xf32>,
      tpu.vector_store %arg10[%swap3A_1250, %swap3A_1251], %gather3A_1246 {strides = array<i32>} : memref<2x4096xf32, #tpu.memory_space<vmem>>, vector<16xf32>,
      %mul3A_1253 = arith.constant 4 : i32
      %mul3A_1254 = arith.muli %scan3A_1207, %mul3A_1253 : i32
      %add3A_1255 = arith.constant 3 : i32
      %add3A_1256 = arith.addi %mul3A_1254, %add3A_1255 : i32
      %mul3A_1257 = arith.constant 16 : i32
      %mul3A_1258 = arith.muli %add3A_1256, %mul3A_1257 : i32
      %get3A_1259 = arith.index_cast %select_n3A_354 : i32 to index
      %get3A_1260 = arith.index_cast %mul3A_1258 : i32 to index
      %get3A_1261 = tpu.vector_load %arg9[%get3A_1259, %get3A_1260] {strides = array<i32>} : memref<2x4096xi32, #tpu.memory_space<vmem>>, vector<16xi32>,
      %gather3A_1262 = tpu.vector_load_idx %arg8[%get3A_1261] : memref<100000xf32, #tpu.memory_space<vmem>>[vector<16xi32>], vector<16xf32>,
      %mul3A_1263 = arith.constant 16 : i32
      %mul3A_1264 = arith.muli %add3A_1256, %mul3A_1263 : i32
      %swap3A_1265 = arith.constant 1 : i32
      %swap3A_1266 = arith.index_cast %swap3A_1265 : i32 to index
      %swap3A_1267 = arith.index_cast %mul3A_1264 : i32 to index
      %swap3A_1268 = tpu.vector_load %arg10[%swap3A_1266, %swap3A_1267] {strides = array<i32>} : memref<2x4096xf32, #tpu.memory_space<vmem>>, vector<16xf32>,
      tpu.vector_store %arg10[%swap3A_1266, %swap3A_1267], %gather3A_1262 {strides = array<i32>} : memref<2x4096xf32, #tpu.memory_space<vmem>>, vector<16xf32>,
    }
    %scan3A_359 = arith.constant 64 : i32
    %dma_start3A_360 = arith.constant 1 : i32
    %dma_start3A_361 = arith.constant 0 : i32
    %dma_start3A_362 = tpu.memref_slice %arg10[%dma_start3A_360, %dma_start3A_361] : memref<2x4096xf32, #tpu.memory_space<vmem>> -> memref<1x4096xf32, #tpu.memory_space<vmem>>
    %dma_start3A_363 = tpu.memref_squeeze %dma_start3A_362 : memref<1x4096xf32, #tpu.memory_space<vmem>> -> memref<4096xf32, #tpu.memory_space<vmem>>
    %dma_start3A_364 = arith.constant 0 : i32
    %dma_start3A_365 = tpu.memref_slice %arg6[%add3A_285, %dma_start3A_364] : memref<416x4096xf32, #tpu.memory_space<hbm>> -> memref<1x4096xf32, #tpu.memory_space<hbm>>
    %dma_start3A_366 = tpu.memref_squeeze %dma_start3A_365 : memref<1x4096xf32, #tpu.memory_space<hbm>> -> memref<4096xf32, #tpu.memory_space<hbm>>
    %dma_start3A_367 = arith.constant 0 : i32
    %dma_start3A_368 = tpu.memref_slice %arg6[%add3A_285, %dma_start3A_367] : memref<416x4096xf32, #tpu.memory_space<hbm>> -> memref<1x4096xf32, #tpu.memory_space<hbm>>
    %dma_start3A_369 = tpu.memref_squeeze %dma_start3A_368 : memref<1x4096xf32, #tpu.memory_space<hbm>> -> memref<4096xf32, #tpu.memory_space<hbm>>
    %dma_start3A_370 = arith.constant 0 : i32
    %dma_start3A_371 = tpu.memref_slice %arg10[%dma_start3A_360, %dma_start3A_370] : memref<2x4096xf32, #tpu.memory_space<vmem>> -> memref<1x4096xf32, #tpu.memory_space<vmem>>
    %dma_start3A_372 = tpu.memref_squeeze %dma_start3A_371 : memref<1x4096xf32, #tpu.memory_space<vmem>> -> memref<4096xf32, #tpu.memory_space<vmem>>
    tpu.enqueue_dma source(%dma_start3A_372 : memref<4096xf32, #tpu.memory_space<vmem>>) target(%dma_start3A_369 : memref<4096xf32, #tpu.memory_space<hbm>>) target_semaphore(%arg14 : memref<!tpu.dma_semaphore, #tpu.memory_space<semaphore_mem>>)
    %add3A_373 = arith.constant 4 : i32
    %add3A_374 = arith.addi %mul3A_2, %add3A_373 : i32
    %jit3A_375 = arith.constant 16 : i32
    %div3A_376 = arith.divsi %add3A_374, %jit3A_375 : i32
    %sign3A_377 = arith.constant 0 : i32
    %sign3A_378 = arith.cmpi sgt, %add3A_374, %sign3A_377 : i32
    %sign3A_379 = arith.extui %sign3A_378 : i1 to i32
    %sign3A_380 = arith.constant 0 : i32
    %sign3A_381 = arith.cmpi slt, %add3A_374, %sign3A_380 : i32
    %sign3A_382 = arith.extui %sign3A_381 : i1 to i32
    %sign3A_383 = arith.subi %sign3A_379, %sign3A_382 : i32
    %sign3A_384 = arith.constant 0 : i32
    %sign3A_385 = arith.cmpi sgt, %jit3A_375, %sign3A_384 : i32
    %sign3A_386 = arith.extui %sign3A_385 : i1 to i32
    %sign3A_387 = arith.constant 0 : i32
    %sign3A_388 = arith.cmpi slt, %jit3A_375, %sign3A_387 : i32
    %sign3A_389 = arith.extui %sign3A_388 : i1 to i32
    %sign3A_390 = arith.subi %sign3A_386, %sign3A_389 : i32
    %ne3A_391 = arith.cmpi ne, %sign3A_383, %sign3A_390 : i32
    %rem3A_392 = arith.remsi %add3A_374, %jit3A_375 : i32
    %ne3A_393 = arith.constant 0 : i32
    %ne3A_394 = arith.cmpi ne, %rem3A_392, %ne3A_393 : i32
    %and3A_395 = arith.andi %ne3A_391, %ne3A_394 : i1
    %sub3A_396 = arith.constant 1 : i32
    %sub3A_397 = arith.subi %div3A_376, %sub3A_396 : i32
    %select_n3A_398 = arith.select %and3A_395, %sub3A_397, %div3A_376 : i32
    %jit3A_399 = arith.constant 16 : i32
    %eq3A_400 = arith.constant 0 : i32
    %eq3A_401 = arith.cmpi eq, %jit3A_399, %eq3A_400 : i32
    %jit3A_402 = arith.constant 1 : i32
    %select_n3A_403 = arith.select %eq3A_401, %jit3A_402, %jit3A_399 : i32
    %rem3A_404 = arith.remsi %add3A_374, %select_n3A_403 : i32
    %ne3A_405 = arith.constant 0 : i32
    %ne3A_406 = arith.cmpi ne, %rem3A_404, %ne3A_405 : i32
    %lt3A_407 = arith.constant 0 : i32
    %lt3A_408 = arith.cmpi slt, %rem3A_404, %lt3A_407 : i32
    %lt3A_409 = arith.constant 0 : i32
    %lt3A_410 = arith.cmpi slt, %select_n3A_403, %lt3A_409 : i32
    %ne3A_411 = arith.xori %lt3A_408, %lt3A_410 : i1
    %and3A_412 = arith.andi %ne3A_411, %ne3A_406 : i1
    %add3A_413 = arith.addi %rem3A_404, %select_n3A_403 : i32
    %select_n3A_414 = arith.select %and3A_412, %add3A_413, %rem3A_404 : i32
    %dma_start3A_415 = arith.constant 0 : i32
    %dma_start3A_416 = tpu.memref_slice %arg2[%select_n3A_398, %select_n3A_414, %dma_start3A_415] : memref<26x16x100000xf32, #tpu.memory_space<hbm>> -> memref<1x1x100000xf32, #tpu.memory_space<hbm>>
    %dma_start3A_417 = tpu.memref_squeeze %dma_start3A_416 : memref<1x1x100000xf32, #tpu.memory_space<hbm>> -> memref<100000xf32, #tpu.memory_space<hbm>>
    %dma_start3A_418 = arith.constant 0 : i32
    %dma_start3A_419 = tpu.memref_slice %arg2[%select_n3A_398, %select_n3A_414, %dma_start3A_418] : memref<26x16x100000xf32, #tpu.memory_space<hbm>> -> memref<1x1x100000xf32, #tpu.memory_space<hbm>>
    %dma_start3A_420 = tpu.memref_squeeze %dma_start3A_419 : memref<1x1x100000xf32, #tpu.memory_space<hbm>> -> memref<100000xf32, #tpu.memory_space<hbm>>
    tpu.enqueue_dma source(%dma_start3A_420 : memref<100000xf32, #tpu.memory_space<hbm>>) target(%arg8 : memref<100000xf32, #tpu.memory_space<vmem>>) target_semaphore(%arg13 : memref<!tpu.dma_semaphore, #tpu.memory_space<semaphore_mem>>)
    %dma_wait3A_421 = arith.constant 0 : i32
    %dma_wait3A_422 = tpu.memref_slice %arg2[%select_n3A_398, %select_n3A_414, %dma_wait3A_421] : memref<26x16x100000xf32, #tpu.memory_space<hbm>> -> memref<1x1x100000xf32, #tpu.memory_space<hbm>>
    %dma_wait3A_423 = tpu.memref_squeeze %dma_wait3A_422 : memref<1x1x100000xf32, #tpu.memory_space<hbm>> -> memref<100000xf32, #tpu.memory_space<hbm>>
    %dma_wait3A_424 = arith.constant 0 : i32
    %dma_wait3A_425 = tpu.memref_slice %arg2[%select_n3A_398, %select_n3A_414, %dma_wait3A_424] : memref<26x16x100000xf32, #tpu.memory_space<hbm>> -> memref<1x1x100000xf32, #tpu.memory_space<hbm>>
    %dma_wait3A_426 = tpu.memref_squeeze %dma_wait3A_425 : memref<1x1x100000xf32, #tpu.memory_space<hbm>> -> memref<100000xf32, #tpu.memory_space<hbm>>
    tpu.wait_dma2 semaphore(%arg13 : memref<!tpu.dma_semaphore, #tpu.memory_space<semaphore_mem>>) src(%dma_wait3A_426 : memref<100000xf32, #tpu.memory_space<hbm>>) dst(%arg8 : memref<100000xf32, #tpu.memory_space<vmem>>)
    %dma_wait3A_427 = arith.constant 0 : i32
    %dma_wait3A_428 = arith.constant 0 : i32
    %dma_wait3A_429 = tpu.memref_slice %arg10[%dma_wait3A_427, %dma_wait3A_428] : memref<2x4096xf32, #tpu.memory_space<vmem>> -> memref<1x4096xf32, #tpu.memory_space<vmem>>
    %dma_wait3A_430 = tpu.memref_squeeze %dma_wait3A_429 : memref<1x4096xf32, #tpu.memory_space<vmem>> -> memref<4096xf32, #tpu.memory_space<vmem>>
    %dma_wait3A_431 = arith.constant 0 : i32
    %dma_wait3A_432 = tpu.memref_slice %arg6[%add3A_196, %dma_wait3A_431] : memref<416x4096xf32, #tpu.memory_space<hbm>> -> memref<1x4096xf32, #tpu.memory_space<hbm>>
    %dma_wait3A_433 = tpu.memref_squeeze %dma_wait3A_432 : memref<1x4096xf32, #tpu.memory_space<hbm>> -> memref<4096xf32, #tpu.memory_space<hbm>>
    %dma_wait3A_434 = arith.constant 0 : i32
    %dma_wait3A_435 = tpu.memref_slice %arg6[%add3A_196, %dma_wait3A_434] : memref<416x4096xf32, #tpu.memory_space<hbm>> -> memref<1x4096xf32, #tpu.memory_space<hbm>>
    %dma_wait3A_436 = tpu.memref_squeeze %dma_wait3A_435 : memref<1x4096xf32, #tpu.memory_space<hbm>> -> memref<4096xf32, #tpu.memory_space<hbm>>
    %dma_wait3A_437 = arith.constant 0 : i32
    %dma_wait3A_438 = tpu.memref_slice %arg10[%dma_wait3A_427, %dma_wait3A_437] : memref<2x4096xf32, #tpu.memory_space<vmem>> -> memref<1x4096xf32, #tpu.memory_space<vmem>>
    %dma_wait3A_439 = tpu.memref_squeeze %dma_wait3A_438 : memref<1x4096xf32, #tpu.memory_space<vmem>> -> memref<4096xf32, #tpu.memory_space<vmem>>
    tpu.wait_dma2 semaphore(%arg14 : memref<!tpu.dma_semaphore, #tpu.memory_space<semaphore_mem>>) src(%dma_wait3A_439 : memref<4096xf32, #tpu.memory_space<vmem>>) dst(%dma_wait3A_436 : memref<4096xf32, #tpu.memory_space<hbm>>)
    %eq3A_440 = arith.cmpi eq, %select_n3A_398, %select_n3A : i32
    %jit3A_441 = arith.constant 0 : i32
    %jit3A_442 = arith.constant 1 : i32
    %select_n3A_443 = arith.select %eq3A_440, %jit3A_441, %jit3A_442 : i32
    %scan3A_444 = arith.constant 0 : i32
    %scan3A_445 = arith.constant 64 : i32
    %scan3A_446 = arith.addi %scan3A_444, %scan3A_445 : i32
    %scan3A_447 = arith.constant 1 : i32
    scf.for %scan3A_1207 = %scan3A_444 to %scan3A_446 step %scan3A_447  : i32 {
      %mul3A_1208 = arith.constant 4 : i32
      %mul3A_1209 = arith.muli %scan3A_1207, %mul3A_1208 : i32
      %add3A_1210 = arith.constant 0 : i32
      %add3A_1211 = arith.addi %mul3A_1209, %add3A_1210 : i32
      %mul3A_1212 = arith.constant 16 : i32
      %mul3A_1213 = arith.muli %add3A_1211, %mul3A_1212 : i32
      %get3A = arith.index_cast %select_n3A_443 : i32 to index
      %get3A_1214 = arith.index_cast %mul3A_1213 : i32 to index
      %get3A_1215 = tpu.vector_load %arg9[%get3A, %get3A_1214] {strides = array<i32>} : memref<2x4096xi32, #tpu.memory_space<vmem>>, vector<16xi32>,
      %gather3A = tpu.vector_load_idx %arg8[%get3A_1215] : memref<100000xf32, #tpu.memory_space<vmem>>[vector<16xi32>], vector<16xf32>,
      %mul3A_1216 = arith.constant 16 : i32
      %mul3A_1217 = arith.muli %add3A_1211, %mul3A_1216 : i32
      %swap3A = arith.constant 0 : i32
      %swap3A_1218 = arith.index_cast %swap3A : i32 to index
      %swap3A_1219 = arith.index_cast %mul3A_1217 : i32 to index
      %swap3A_1220 = tpu.vector_load %arg10[%swap3A_1218, %swap3A_1219] {strides = array<i32>} : memref<2x4096xf32, #tpu.memory_space<vmem>>, vector<16xf32>,
      tpu.vector_store %arg10[%swap3A_1218, %swap3A_1219], %gather3A {strides = array<i32>} : memref<2x4096xf32, #tpu.memory_space<vmem>>, vector<16xf32>,
      %mul3A_1221 = arith.constant 4 : i32
      %mul3A_1222 = arith.muli %scan3A_1207, %mul3A_1221 : i32
      %add3A_1223 = arith.constant 1 : i32
      %add3A_1224 = arith.addi %mul3A_1222, %add3A_1223 : i32
      %mul3A_1225 = arith.constant 16 : i32
      %mul3A_1226 = arith.muli %add3A_1224, %mul3A_1225 : i32
      %get3A_1227 = arith.index_cast %select_n3A_443 : i32 to index
      %get3A_1228 = arith.index_cast %mul3A_1226 : i32 to index
      %get3A_1229 = tpu.vector_load %arg9[%get3A_1227, %get3A_1228] {strides = array<i32>} : memref<2x4096xi32, #tpu.memory_space<vmem>>, vector<16xi32>,
      %gather3A_1230 = tpu.vector_load_idx %arg8[%get3A_1229] : memref<100000xf32, #tpu.memory_space<vmem>>[vector<16xi32>], vector<16xf32>,
      %mul3A_1231 = arith.constant 16 : i32
      %mul3A_1232 = arith.muli %add3A_1224, %mul3A_1231 : i32
      %swap3A_1233 = arith.constant 0 : i32
      %swap3A_1234 = arith.index_cast %swap3A_1233 : i32 to index
      %swap3A_1235 = arith.index_cast %mul3A_1232 : i32 to index
      %swap3A_1236 = tpu.vector_load %arg10[%swap3A_1234, %swap3A_1235] {strides = array<i32>} : memref<2x4096xf32, #tpu.memory_space<vmem>>, vector<16xf32>,
      tpu.vector_store %arg10[%swap3A_1234, %swap3A_1235], %gather3A_1230 {strides = array<i32>} : memref<2x4096xf32, #tpu.memory_space<vmem>>, vector<16xf32>,
      %mul3A_1237 = arith.constant 4 : i32
      %mul3A_1238 = arith.muli %scan3A_1207, %mul3A_1237 : i32
      %add3A_1239 = arith.constant 2 : i32
      %add3A_1240 = arith.addi %mul3A_1238, %add3A_1239 : i32
      %mul3A_1241 = arith.constant 16 : i32
      %mul3A_1242 = arith.muli %add3A_1240, %mul3A_1241 : i32
      %get3A_1243 = arith.index_cast %select_n3A_443 : i32 to index
      %get3A_1244 = arith.index_cast %mul3A_1242 : i32 to index
      %get3A_1245 = tpu.vector_load %arg9[%get3A_1243, %get3A_1244] {strides = array<i32>} : memref<2x4096xi32, #tpu.memory_space<vmem>>, vector<16xi32>,
      %gather3A_1246 = tpu.vector_load_idx %arg8[%get3A_1245] : memref<100000xf32, #tpu.memory_space<vmem>>[vector<16xi32>], vector<16xf32>,
      %mul3A_1247 = arith.constant 16 : i32
      %mul3A_1248 = arith.muli %add3A_1240, %mul3A_1247 : i32
      %swap3A_1249 = arith.constant 0 : i32
      %swap3A_1250 = arith.index_cast %swap3A_1249 : i32 to index
      %swap3A_1251 = arith.index_cast %mul3A_1248 : i32 to index
      %swap3A_1252 = tpu.vector_load %arg10[%swap3A_1250, %swap3A_1251] {strides = array<i32>} : memref<2x4096xf32, #tpu.memory_space<vmem>>, vector<16xf32>,
      tpu.vector_store %arg10[%swap3A_1250, %swap3A_1251], %gather3A_1246 {strides = array<i32>} : memref<2x4096xf32, #tpu.memory_space<vmem>>, vector<16xf32>,
      %mul3A_1253 = arith.constant 4 : i32
      %mul3A_1254 = arith.muli %scan3A_1207, %mul3A_1253 : i32
      %add3A_1255 = arith.constant 3 : i32
      %add3A_1256 = arith.addi %mul3A_1254, %add3A_1255 : i32
      %mul3A_1257 = arith.constant 16 : i32
      %mul3A_1258 = arith.muli %add3A_1256, %mul3A_1257 : i32
      %get3A_1259 = arith.index_cast %select_n3A_443 : i32 to index
      %get3A_1260 = arith.index_cast %mul3A_1258 : i32 to index
      %get3A_1261 = tpu.vector_load %arg9[%get3A_1259, %get3A_1260] {strides = array<i32>} : memref<2x4096xi32, #tpu.memory_space<vmem>>, vector<16xi32>,
      %gather3A_1262 = tpu.vector_load_idx %arg8[%get3A_1261] : memref<100000xf32, #tpu.memory_space<vmem>>[vector<16xi32>], vector<16xf32>,
      %mul3A_1263 = arith.constant 16 : i32
      %mul3A_1264 = arith.muli %add3A_1256, %mul3A_1263 : i32
      %swap3A_1265 = arith.constant 0 : i32
      %swap3A_1266 = arith.index_cast %swap3A_1265 : i32 to index
      %swap3A_1267 = arith.index_cast %mul3A_1264 : i32 to index
      %swap3A_1268 = tpu.vector_load %arg10[%swap3A_1266, %swap3A_1267] {strides = array<i32>} : memref<2x4096xf32, #tpu.memory_space<vmem>>, vector<16xf32>,
      tpu.vector_store %arg10[%swap3A_1266, %swap3A_1267], %gather3A_1262 {strides = array<i32>} : memref<2x4096xf32, #tpu.memory_space<vmem>>, vector<16xf32>,
    }
    %scan3A_448 = arith.constant 64 : i32
    %dma_start3A_449 = arith.constant 0 : i32
    %dma_start3A_450 = arith.constant 0 : i32
    %dma_start3A_451 = tpu.memref_slice %arg10[%dma_start3A_449, %dma_start3A_450] : memref<2x4096xf32, #tpu.memory_space<vmem>> -> memref<1x4096xf32, #tpu.memory_space<vmem>>
    %dma_start3A_452 = tpu.memref_squeeze %dma_start3A_451 : memref<1x4096xf32, #tpu.memory_space<vmem>> -> memref<4096xf32, #tpu.memory_space<vmem>>
    %dma_start3A_453 = arith.constant 0 : i32
    %dma_start3A_454 = tpu.memref_slice %arg6[%add3A_374, %dma_start3A_453] : memref<416x4096xf32, #tpu.memory_space<hbm>> -> memref<1x4096xf32, #tpu.memory_space<hbm>>
    %dma_start3A_455 = tpu.memref_squeeze %dma_start3A_454 : memref<1x4096xf32, #tpu.memory_space<hbm>> -> memref<4096xf32, #tpu.memory_space<hbm>>
    %dma_start3A_456 = arith.constant 0 : i32
    %dma_start3A_457 = tpu.memref_slice %arg6[%add3A_374, %dma_start3A_456] : memref<416x4096xf32, #tpu.memory_space<hbm>> -> memref<1x4096xf32, #tpu.memory_space<hbm>>
    %dma_start3A_458 = tpu.memref_squeeze %dma_start3A_457 : memref<1x4096xf32, #tpu.memory_space<hbm>> -> memref<4096xf32, #tpu.memory_space<hbm>>
    %dma_start3A_459 = arith.constant 0 : i32
    %dma_start3A_460 = tpu.memref_slice %arg10[%dma_start3A_449, %dma_start3A_459] : memref<2x4096xf32, #tpu.memory_space<vmem>> -> memref<1x4096xf32, #tpu.memory_space<vmem>>
    %dma_start3A_461 = tpu.memref_squeeze %dma_start3A_460 : memref<1x4096xf32, #tpu.memory_space<vmem>> -> memref<4096xf32, #tpu.memory_space<vmem>>
    tpu.enqueue_dma source(%dma_start3A_461 : memref<4096xf32, #tpu.memory_space<vmem>>) target(%dma_start3A_458 : memref<4096xf32, #tpu.memory_space<hbm>>) target_semaphore(%arg14 : memref<!tpu.dma_semaphore, #tpu.memory_space<semaphore_mem>>)
    %add3A_462 = arith.constant 5 : i32
    %add3A_463 = arith.addi %mul3A_2, %add3A_462 : i32
    %jit3A_464 = arith.constant 16 : i32
    %div3A_465 = arith.divsi %add3A_463, %jit3A_464 : i32
    %sign3A_466 = arith.constant 0 : i32
    %sign3A_467 = arith.cmpi sgt, %add3A_463, %sign3A_466 : i32
    %sign3A_468 = arith.extui %sign3A_467 : i1 to i32
    %sign3A_469 = arith.constant 0 : i32
    %sign3A_470 = arith.cmpi slt, %add3A_463, %sign3A_469 : i32
    %sign3A_471 = arith.extui %sign3A_470 : i1 to i32
    %sign3A_472 = arith.subi %sign3A_468, %sign3A_471 : i32
    %sign3A_473 = arith.constant 0 : i32
    %sign3A_474 = arith.cmpi sgt, %jit3A_464, %sign3A_473 : i32
    %sign3A_475 = arith.extui %sign3A_474 : i1 to i32
    %sign3A_476 = arith.constant 0 : i32
    %sign3A_477 = arith.cmpi slt, %jit3A_464, %sign3A_476 : i32
    %sign3A_478 = arith.extui %sign3A_477 : i1 to i32
    %sign3A_479 = arith.subi %sign3A_475, %sign3A_478 : i32
    %ne3A_480 = arith.cmpi ne, %sign3A_472, %sign3A_479 : i32
    %rem3A_481 = arith.remsi %add3A_463, %jit3A_464 : i32
    %ne3A_482 = arith.constant 0 : i32
    %ne3A_483 = arith.cmpi ne, %rem3A_481, %ne3A_482 : i32
    %and3A_484 = arith.andi %ne3A_480, %ne3A_483 : i1
    %sub3A_485 = arith.constant 1 : i32
    %sub3A_486 = arith.subi %div3A_465, %sub3A_485 : i32
    %select_n3A_487 = arith.select %and3A_484, %sub3A_486, %div3A_465 : i32
    %jit3A_488 = arith.constant 16 : i32
    %eq3A_489 = arith.constant 0 : i32
    %eq3A_490 = arith.cmpi eq, %jit3A_488, %eq3A_489 : i32
    %jit3A_491 = arith.constant 1 : i32
    %select_n3A_492 = arith.select %eq3A_490, %jit3A_491, %jit3A_488 : i32
    %rem3A_493 = arith.remsi %add3A_463, %select_n3A_492 : i32
    %ne3A_494 = arith.constant 0 : i32
    %ne3A_495 = arith.cmpi ne, %rem3A_493, %ne3A_494 : i32
    %lt3A_496 = arith.constant 0 : i32
    %lt3A_497 = arith.cmpi slt, %rem3A_493, %lt3A_496 : i32
    %lt3A_498 = arith.constant 0 : i32
    %lt3A_499 = arith.cmpi slt, %select_n3A_492, %lt3A_498 : i32
    %ne3A_500 = arith.xori %lt3A_497, %lt3A_499 : i1
    %and3A_501 = arith.andi %ne3A_500, %ne3A_495 : i1
    %add3A_502 = arith.addi %rem3A_493, %select_n3A_492 : i32
    %select_n3A_503 = arith.select %and3A_501, %add3A_502, %rem3A_493 : i32
    %dma_start3A_504 = arith.constant 0 : i32
    %dma_start3A_505 = tpu.memref_slice %arg2[%select_n3A_487, %select_n3A_503, %dma_start3A_504] : memref<26x16x100000xf32, #tpu.memory_space<hbm>> -> memref<1x1x100000xf32, #tpu.memory_space<hbm>>
    %dma_start3A_506 = tpu.memref_squeeze %dma_start3A_505 : memref<1x1x100000xf32, #tpu.memory_space<hbm>> -> memref<100000xf32, #tpu.memory_space<hbm>>
    %dma_start3A_507 = arith.constant 0 : i32
    %dma_start3A_508 = tpu.memref_slice %arg2[%select_n3A_487, %select_n3A_503, %dma_start3A_507] : memref<26x16x100000xf32, #tpu.memory_space<hbm>> -> memref<1x1x100000xf32, #tpu.memory_space<hbm>>
    %dma_start3A_509 = tpu.memref_squeeze %dma_start3A_508 : memref<1x1x100000xf32, #tpu.memory_space<hbm>> -> memref<100000xf32, #tpu.memory_space<hbm>>
    tpu.enqueue_dma source(%dma_start3A_509 : memref<100000xf32, #tpu.memory_space<hbm>>) target(%arg8 : memref<100000xf32, #tpu.memory_space<vmem>>) target_semaphore(%arg13 : memref<!tpu.dma_semaphore, #tpu.memory_space<semaphore_mem>>)
    %dma_wait3A_510 = arith.constant 0 : i32
    %dma_wait3A_511 = tpu.memref_slice %arg2[%select_n3A_487, %select_n3A_503, %dma_wait3A_510] : memref<26x16x100000xf32, #tpu.memory_space<hbm>> -> memref<1x1x100000xf32, #tpu.memory_space<hbm>>
    %dma_wait3A_512 = tpu.memref_squeeze %dma_wait3A_511 : memref<1x1x100000xf32, #tpu.memory_space<hbm>> -> memref<100000xf32, #tpu.memory_space<hbm>>
    %dma_wait3A_513 = arith.constant 0 : i32
    %dma_wait3A_514 = tpu.memref_slice %arg2[%select_n3A_487, %select_n3A_503, %dma_wait3A_513] : memref<26x16x100000xf32, #tpu.memory_space<hbm>> -> memref<1x1x100000xf32, #tpu.memory_space<hbm>>
    %dma_wait3A_515 = tpu.memref_squeeze %dma_wait3A_514 : memref<1x1x100000xf32, #tpu.memory_space<hbm>> -> memref<100000xf32, #tpu.memory_space<hbm>>
    tpu.wait_dma2 semaphore(%arg13 : memref<!tpu.dma_semaphore, #tpu.memory_space<semaphore_mem>>) src(%dma_wait3A_515 : memref<100000xf32, #tpu.memory_space<hbm>>) dst(%arg8 : memref<100000xf32, #tpu.memory_space<vmem>>)
    %dma_wait3A_516 = arith.constant 1 : i32
    %dma_wait3A_517 = arith.constant 0 : i32
    %dma_wait3A_518 = tpu.memref_slice %arg10[%dma_wait3A_516, %dma_wait3A_517] : memref<2x4096xf32, #tpu.memory_space<vmem>> -> memref<1x4096xf32, #tpu.memory_space<vmem>>
    %dma_wait3A_519 = tpu.memref_squeeze %dma_wait3A_518 : memref<1x4096xf32, #tpu.memory_space<vmem>> -> memref<4096xf32, #tpu.memory_space<vmem>>
    %dma_wait3A_520 = arith.constant 0 : i32
    %dma_wait3A_521 = tpu.memref_slice %arg6[%add3A_285, %dma_wait3A_520] : memref<416x4096xf32, #tpu.memory_space<hbm>> -> memref<1x4096xf32, #tpu.memory_space<hbm>>
    %dma_wait3A_522 = tpu.memref_squeeze %dma_wait3A_521 : memref<1x4096xf32, #tpu.memory_space<hbm>> -> memref<4096xf32, #tpu.memory_space<hbm>>
    %dma_wait3A_523 = arith.constant 0 : i32
    %dma_wait3A_524 = tpu.memref_slice %arg6[%add3A_285, %dma_wait3A_523] : memref<416x4096xf32, #tpu.memory_space<hbm>> -> memref<1x4096xf32, #tpu.memory_space<hbm>>
    %dma_wait3A_525 = tpu.memref_squeeze %dma_wait3A_524 : memref<1x4096xf32, #tpu.memory_space<hbm>> -> memref<4096xf32, #tpu.memory_space<hbm>>
    %dma_wait3A_526 = arith.constant 0 : i32
    %dma_wait3A_527 = tpu.memref_slice %arg10[%dma_wait3A_516, %dma_wait3A_526] : memref<2x4096xf32, #tpu.memory_space<vmem>> -> memref<1x4096xf32, #tpu.memory_space<vmem>>
    %dma_wait3A_528 = tpu.memref_squeeze %dma_wait3A_527 : memref<1x4096xf32, #tpu.memory_space<vmem>> -> memref<4096xf32, #tpu.memory_space<vmem>>
    tpu.wait_dma2 semaphore(%arg14 : memref<!tpu.dma_semaphore, #tpu.memory_space<semaphore_mem>>) src(%dma_wait3A_528 : memref<4096xf32, #tpu.memory_space<vmem>>) dst(%dma_wait3A_525 : memref<4096xf32, #tpu.memory_space<hbm>>)
    %eq3A_529 = arith.cmpi eq, %select_n3A_487, %select_n3A : i32
    %jit3A_530 = arith.constant 0 : i32
    %jit3A_531 = arith.constant 1 : i32
    %select_n3A_532 = arith.select %eq3A_529, %jit3A_530, %jit3A_531 : i32
    %scan3A_533 = arith.constant 0 : i32
    %scan3A_534 = arith.constant 64 : i32
    %scan3A_535 = arith.addi %scan3A_533, %scan3A_534 : i32
    %scan3A_536 = arith.constant 1 : i32
    scf.for %scan3A_1207 = %scan3A_533 to %scan3A_535 step %scan3A_536  : i32 {
      %mul3A_1208 = arith.constant 4 : i32
      %mul3A_1209 = arith.muli %scan3A_1207, %mul3A_1208 : i32
      %add3A_1210 = arith.constant 0 : i32
      %add3A_1211 = arith.addi %mul3A_1209, %add3A_1210 : i32
      %mul3A_1212 = arith.constant 16 : i32
      %mul3A_1213 = arith.muli %add3A_1211, %mul3A_1212 : i32
      %get3A = arith.index_cast %select_n3A_532 : i32 to index
      %get3A_1214 = arith.index_cast %mul3A_1213 : i32 to index
      %get3A_1215 = tpu.vector_load %arg9[%get3A, %get3A_1214] {strides = array<i32>} : memref<2x4096xi32, #tpu.memory_space<vmem>>, vector<16xi32>,
      %gather3A = tpu.vector_load_idx %arg8[%get3A_1215] : memref<100000xf32, #tpu.memory_space<vmem>>[vector<16xi32>], vector<16xf32>,
      %mul3A_1216 = arith.constant 16 : i32
      %mul3A_1217 = arith.muli %add3A_1211, %mul3A_1216 : i32
      %swap3A = arith.constant 1 : i32
      %swap3A_1218 = arith.index_cast %swap3A : i32 to index
      %swap3A_1219 = arith.index_cast %mul3A_1217 : i32 to index
      %swap3A_1220 = tpu.vector_load %arg10[%swap3A_1218, %swap3A_1219] {strides = array<i32>} : memref<2x4096xf32, #tpu.memory_space<vmem>>, vector<16xf32>,
      tpu.vector_store %arg10[%swap3A_1218, %swap3A_1219], %gather3A {strides = array<i32>} : memref<2x4096xf32, #tpu.memory_space<vmem>>, vector<16xf32>,
      %mul3A_1221 = arith.constant 4 : i32
      %mul3A_1222 = arith.muli %scan3A_1207, %mul3A_1221 : i32
      %add3A_1223 = arith.constant 1 : i32
      %add3A_1224 = arith.addi %mul3A_1222, %add3A_1223 : i32
      %mul3A_1225 = arith.constant 16 : i32
      %mul3A_1226 = arith.muli %add3A_1224, %mul3A_1225 : i32
      %get3A_1227 = arith.index_cast %select_n3A_532 : i32 to index
      %get3A_1228 = arith.index_cast %mul3A_1226 : i32 to index
      %get3A_1229 = tpu.vector_load %arg9[%get3A_1227, %get3A_1228] {strides = array<i32>} : memref<2x4096xi32, #tpu.memory_space<vmem>>, vector<16xi32>,
      %gather3A_1230 = tpu.vector_load_idx %arg8[%get3A_1229] : memref<100000xf32, #tpu.memory_space<vmem>>[vector<16xi32>], vector<16xf32>,
      %mul3A_1231 = arith.constant 16 : i32
      %mul3A_1232 = arith.muli %add3A_1224, %mul3A_1231 : i32
      %swap3A_1233 = arith.constant 1 : i32
      %swap3A_1234 = arith.index_cast %swap3A_1233 : i32 to index
      %swap3A_1235 = arith.index_cast %mul3A_1232 : i32 to index
      %swap3A_1236 = tpu.vector_load %arg10[%swap3A_1234, %swap3A_1235] {strides = array<i32>} : memref<2x4096xf32, #tpu.memory_space<vmem>>, vector<16xf32>,
      tpu.vector_store %arg10[%swap3A_1234, %swap3A_1235], %gather3A_1230 {strides = array<i32>} : memref<2x4096xf32, #tpu.memory_space<vmem>>, vector<16xf32>,
      %mul3A_1237 = arith.constant 4 : i32
      %mul3A_1238 = arith.muli %scan3A_1207, %mul3A_1237 : i32
      %add3A_1239 = arith.constant 2 : i32
      %add3A_1240 = arith.addi %mul3A_1238, %add3A_1239 : i32
      %mul3A_1241 = arith.constant 16 : i32
      %mul3A_1242 = arith.muli %add3A_1240, %mul3A_1241 : i32
      %get3A_1243 = arith.index_cast %select_n3A_532 : i32 to index
      %get3A_1244 = arith.index_cast %mul3A_1242 : i32 to index
      %get3A_1245 = tpu.vector_load %arg9[%get3A_1243, %get3A_1244] {strides = array<i32>} : memref<2x4096xi32, #tpu.memory_space<vmem>>, vector<16xi32>,
      %gather3A_1246 = tpu.vector_load_idx %arg8[%get3A_1245] : memref<100000xf32, #tpu.memory_space<vmem>>[vector<16xi32>], vector<16xf32>,
      %mul3A_1247 = arith.constant 16 : i32
      %mul3A_1248 = arith.muli %add3A_1240, %mul3A_1247 : i32
      %swap3A_1249 = arith.constant 1 : i32
      %swap3A_1250 = arith.index_cast %swap3A_1249 : i32 to index
      %swap3A_1251 = arith.index_cast %mul3A_1248 : i32 to index
      %swap3A_1252 = tpu.vector_load %arg10[%swap3A_1250, %swap3A_1251] {strides = array<i32>} : memref<2x4096xf32, #tpu.memory_space<vmem>>, vector<16xf32>,
      tpu.vector_store %arg10[%swap3A_1250, %swap3A_1251], %gather3A_1246 {strides = array<i32>} : memref<2x4096xf32, #tpu.memory_space<vmem>>, vector<16xf32>,
      %mul3A_1253 = arith.constant 4 : i32
      %mul3A_1254 = arith.muli %scan3A_1207, %mul3A_1253 : i32
      %add3A_1255 = arith.constant 3 : i32
      %add3A_1256 = arith.addi %mul3A_1254, %add3A_1255 : i32
      %mul3A_1257 = arith.constant 16 : i32
      %mul3A_1258 = arith.muli %add3A_1256, %mul3A_1257 : i32
      %get3A_1259 = arith.index_cast %select_n3A_532 : i32 to index
      %get3A_1260 = arith.index_cast %mul3A_1258 : i32 to index
      %get3A_1261 = tpu.vector_load %arg9[%get3A_1259, %get3A_1260] {strides = array<i32>} : memref<2x4096xi32, #tpu.memory_space<vmem>>, vector<16xi32>,
      %gather3A_1262 = tpu.vector_load_idx %arg8[%get3A_1261] : memref<100000xf32, #tpu.memory_space<vmem>>[vector<16xi32>], vector<16xf32>,
      %mul3A_1263 = arith.constant 16 : i32
      %mul3A_1264 = arith.muli %add3A_1256, %mul3A_1263 : i32
      %swap3A_1265 = arith.constant 1 : i32
      %swap3A_1266 = arith.index_cast %swap3A_1265 : i32 to index
      %swap3A_1267 = arith.index_cast %mul3A_1264 : i32 to index
      %swap3A_1268 = tpu.vector_load %arg10[%swap3A_1266, %swap3A_1267] {strides = array<i32>} : memref<2x4096xf32, #tpu.memory_space<vmem>>, vector<16xf32>,
      tpu.vector_store %arg10[%swap3A_1266, %swap3A_1267], %gather3A_1262 {strides = array<i32>} : memref<2x4096xf32, #tpu.memory_space<vmem>>, vector<16xf32>,
    }
    %scan3A_537 = arith.constant 64 : i32
    %dma_start3A_538 = arith.constant 1 : i32
    %dma_start3A_539 = arith.constant 0 : i32
    %dma_start3A_540 = tpu.memref_slice %arg10[%dma_start3A_538, %dma_start3A_539] : memref<2x4096xf32, #tpu.memory_space<vmem>> -> memref<1x4096xf32, #tpu.memory_space<vmem>>
    %dma_start3A_541 = tpu.memref_squeeze %dma_start3A_540 : memref<1x4096xf32, #tpu.memory_space<vmem>> -> memref<4096xf32, #tpu.memory_space<vmem>>
    %dma_start3A_542 = arith.constant 0 : i32
    %dma_start3A_543 = tpu.memref_slice %arg6[%add3A_463, %dma_start3A_542] : memref<416x4096xf32, #tpu.memory_space<hbm>> -> memref<1x4096xf32, #tpu.memory_space<hbm>>
    %dma_start3A_544 = tpu.memref_squeeze %dma_start3A_543 : memref<1x4096xf32, #tpu.memory_space<hbm>> -> memref<4096xf32, #tpu.memory_space<hbm>>
    %dma_start3A_545 = arith.constant 0 : i32
    %dma_start3A_546 = tpu.memref_slice %arg6[%add3A_463, %dma_start3A_545] : memref<416x4096xf32, #tpu.memory_space<hbm>> -> memref<1x4096xf32, #tpu.memory_space<hbm>>
    %dma_start3A_547 = tpu.memref_squeeze %dma_start3A_546 : memref<1x4096xf32, #tpu.memory_space<hbm>> -> memref<4096xf32, #tpu.memory_space<hbm>>
    %dma_start3A_548 = arith.constant 0 : i32
    %dma_start3A_549 = tpu.memref_slice %arg10[%dma_start3A_538, %dma_start3A_548] : memref<2x4096xf32, #tpu.memory_space<vmem>> -> memref<1x4096xf32, #tpu.memory_space<vmem>>
    %dma_start3A_550 = tpu.memref_squeeze %dma_start3A_549 : memref<1x4096xf32, #tpu.memory_space<vmem>> -> memref<4096xf32, #tpu.memory_space<vmem>>
    tpu.enqueue_dma source(%dma_start3A_550 : memref<4096xf32, #tpu.memory_space<vmem>>) target(%dma_start3A_547 : memref<4096xf32, #tpu.memory_space<hbm>>) target_semaphore(%arg14 : memref<!tpu.dma_semaphore, #tpu.memory_space<semaphore_mem>>)
    %add3A_551 = arith.constant 6 : i32
    %add3A_552 = arith.addi %mul3A_2, %add3A_551 : i32
    %jit3A_553 = arith.constant 16 : i32
    %div3A_554 = arith.divsi %add3A_552, %jit3A_553 : i32
    %sign3A_555 = arith.constant 0 : i32
    %sign3A_556 = arith.cmpi sgt, %add3A_552, %sign3A_555 : i32
    %sign3A_557 = arith.extui %sign3A_556 : i1 to i32
    %sign3A_558 = arith.constant 0 : i32
    %sign3A_559 = arith.cmpi slt, %add3A_552, %sign3A_558 : i32
    %sign3A_560 = arith.extui %sign3A_559 : i1 to i32
    %sign3A_561 = arith.subi %sign3A_557, %sign3A_560 : i32
    %sign3A_562 = arith.constant 0 : i32
    %sign3A_563 = arith.cmpi sgt, %jit3A_553, %sign3A_562 : i32
    %sign3A_564 = arith.extui %sign3A_563 : i1 to i32
    %sign3A_565 = arith.constant 0 : i32
    %sign3A_566 = arith.cmpi slt, %jit3A_553, %sign3A_565 : i32
    %sign3A_567 = arith.extui %sign3A_566 : i1 to i32
    %sign3A_568 = arith.subi %sign3A_564, %sign3A_567 : i32
    %ne3A_569 = arith.cmpi ne, %sign3A_561, %sign3A_568 : i32
    %rem3A_570 = arith.remsi %add3A_552, %jit3A_553 : i32
    %ne3A_571 = arith.constant 0 : i32
    %ne3A_572 = arith.cmpi ne, %rem3A_570, %ne3A_571 : i32
    %and3A_573 = arith.andi %ne3A_569, %ne3A_572 : i1
    %sub3A_574 = arith.constant 1 : i32
    %sub3A_575 = arith.subi %div3A_554, %sub3A_574 : i32
    %select_n3A_576 = arith.select %and3A_573, %sub3A_575, %div3A_554 : i32
    %jit3A_577 = arith.constant 16 : i32
    %eq3A_578 = arith.constant 0 : i32
    %eq3A_579 = arith.cmpi eq, %jit3A_577, %eq3A_578 : i32
    %jit3A_580 = arith.constant 1 : i32
    %select_n3A_581 = arith.select %eq3A_579, %jit3A_580, %jit3A_577 : i32
    %rem3A_582 = arith.remsi %add3A_552, %select_n3A_581 : i32
    %ne3A_583 = arith.constant 0 : i32
    %ne3A_584 = arith.cmpi ne, %rem3A_582, %ne3A_583 : i32
    %lt3A_585 = arith.constant 0 : i32
    %lt3A_586 = arith.cmpi slt, %rem3A_582, %lt3A_585 : i32
    %lt3A_587 = arith.constant 0 : i32
    %lt3A_588 = arith.cmpi slt, %select_n3A_581, %lt3A_587 : i32
    %ne3A_589 = arith.xori %lt3A_586, %lt3A_588 : i1
    %and3A_590 = arith.andi %ne3A_589, %ne3A_584 : i1
    %add3A_591 = arith.addi %rem3A_582, %select_n3A_581 : i32
    %select_n3A_592 = arith.select %and3A_590, %add3A_591, %rem3A_582 : i32
    %dma_start3A_593 = arith.constant 0 : i32
    %dma_start3A_594 = tpu.memref_slice %arg2[%select_n3A_576, %select_n3A_592, %dma_start3A_593] : memref<26x16x100000xf32, #tpu.memory_space<hbm>> -> memref<1x1x100000xf32, #tpu.memory_space<hbm>>
    %dma_start3A_595 = tpu.memref_squeeze %dma_start3A_594 : memref<1x1x100000xf32, #tpu.memory_space<hbm>> -> memref<100000xf32, #tpu.memory_space<hbm>>
    %dma_start3A_596 = arith.constant 0 : i32
    %dma_start3A_597 = tpu.memref_slice %arg2[%select_n3A_576, %select_n3A_592, %dma_start3A_596] : memref<26x16x100000xf32, #tpu.memory_space<hbm>> -> memref<1x1x100000xf32, #tpu.memory_space<hbm>>
    %dma_start3A_598 = tpu.memref_squeeze %dma_start3A_597 : memref<1x1x100000xf32, #tpu.memory_space<hbm>> -> memref<100000xf32, #tpu.memory_space<hbm>>
    tpu.enqueue_dma source(%dma_start3A_598 : memref<100000xf32, #tpu.memory_space<hbm>>) target(%arg8 : memref<100000xf32, #tpu.memory_space<vmem>>) target_semaphore(%arg13 : memref<!tpu.dma_semaphore, #tpu.memory_space<semaphore_mem>>)
    %dma_wait3A_599 = arith.constant 0 : i32
    %dma_wait3A_600 = tpu.memref_slice %arg2[%select_n3A_576, %select_n3A_592, %dma_wait3A_599] : memref<26x16x100000xf32, #tpu.memory_space<hbm>> -> memref<1x1x100000xf32, #tpu.memory_space<hbm>>
    %dma_wait3A_601 = tpu.memref_squeeze %dma_wait3A_600 : memref<1x1x100000xf32, #tpu.memory_space<hbm>> -> memref<100000xf32, #tpu.memory_space<hbm>>
    %dma_wait3A_602 = arith.constant 0 : i32
    %dma_wait3A_603 = tpu.memref_slice %arg2[%select_n3A_576, %select_n3A_592, %dma_wait3A_602] : memref<26x16x100000xf32, #tpu.memory_space<hbm>> -> memref<1x1x100000xf32, #tpu.memory_space<hbm>>
    %dma_wait3A_604 = tpu.memref_squeeze %dma_wait3A_603 : memref<1x1x100000xf32, #tpu.memory_space<hbm>> -> memref<100000xf32, #tpu.memory_space<hbm>>
    tpu.wait_dma2 semaphore(%arg13 : memref<!tpu.dma_semaphore, #tpu.memory_space<semaphore_mem>>) src(%dma_wait3A_604 : memref<100000xf32, #tpu.memory_space<hbm>>) dst(%arg8 : memref<100000xf32, #tpu.memory_space<vmem>>)
    %dma_wait3A_605 = arith.constant 0 : i32
    %dma_wait3A_606 = arith.constant 0 : i32
    %dma_wait3A_607 = tpu.memref_slice %arg10[%dma_wait3A_605, %dma_wait3A_606] : memref<2x4096xf32, #tpu.memory_space<vmem>> -> memref<1x4096xf32, #tpu.memory_space<vmem>>
    %dma_wait3A_608 = tpu.memref_squeeze %dma_wait3A_607 : memref<1x4096xf32, #tpu.memory_space<vmem>> -> memref<4096xf32, #tpu.memory_space<vmem>>
    %dma_wait3A_609 = arith.constant 0 : i32
    %dma_wait3A_610 = tpu.memref_slice %arg6[%add3A_374, %dma_wait3A_609] : memref<416x4096xf32, #tpu.memory_space<hbm>> -> memref<1x4096xf32, #tpu.memory_space<hbm>>
    %dma_wait3A_611 = tpu.memref_squeeze %dma_wait3A_610 : memref<1x4096xf32, #tpu.memory_space<hbm>> -> memref<4096xf32, #tpu.memory_space<hbm>>
    %dma_wait3A_612 = arith.constant 0 : i32
    %dma_wait3A_613 = tpu.memref_slice %arg6[%add3A_374, %dma_wait3A_612] : memref<416x4096xf32, #tpu.memory_space<hbm>> -> memref<1x4096xf32, #tpu.memory_space<hbm>>
    %dma_wait3A_614 = tpu.memref_squeeze %dma_wait3A_613 : memref<1x4096xf32, #tpu.memory_space<hbm>> -> memref<4096xf32, #tpu.memory_space<hbm>>
    %dma_wait3A_615 = arith.constant 0 : i32
    %dma_wait3A_616 = tpu.memref_slice %arg10[%dma_wait3A_605, %dma_wait3A_615] : memref<2x4096xf32, #tpu.memory_space<vmem>> -> memref<1x4096xf32, #tpu.memory_space<vmem>>
    %dma_wait3A_617 = tpu.memref_squeeze %dma_wait3A_616 : memref<1x4096xf32, #tpu.memory_space<vmem>> -> memref<4096xf32, #tpu.memory_space<vmem>>
    tpu.wait_dma2 semaphore(%arg14 : memref<!tpu.dma_semaphore, #tpu.memory_space<semaphore_mem>>) src(%dma_wait3A_617 : memref<4096xf32, #tpu.memory_space<vmem>>) dst(%dma_wait3A_614 : memref<4096xf32, #tpu.memory_space<hbm>>)
    %eq3A_618 = arith.cmpi eq, %select_n3A_576, %select_n3A : i32
    %jit3A_619 = arith.constant 0 : i32
    %jit3A_620 = arith.constant 1 : i32
    %select_n3A_621 = arith.select %eq3A_618, %jit3A_619, %jit3A_620 : i32
    %scan3A_622 = arith.constant 0 : i32
    %scan3A_623 = arith.constant 64 : i32
    %scan3A_624 = arith.addi %scan3A_622, %scan3A_623 : i32
    %scan3A_625 = arith.constant 1 : i32
    scf.for %scan3A_1207 = %scan3A_622 to %scan3A_624 step %scan3A_625  : i32 {
      %mul3A_1208 = arith.constant 4 : i32
      %mul3A_1209 = arith.muli %scan3A_1207, %mul3A_1208 : i32
      %add3A_1210 = arith.constant 0 : i32
      %add3A_1211 = arith.addi %mul3A_1209, %add3A_1210 : i32
      %mul3A_1212 = arith.constant 16 : i32
      %mul3A_1213 = arith.muli %add3A_1211, %mul3A_1212 : i32
      %get3A = arith.index_cast %select_n3A_621 : i32 to index
      %get3A_1214 = arith.index_cast %mul3A_1213 : i32 to index
      %get3A_1215 = tpu.vector_load %arg9[%get3A, %get3A_1214] {strides = array<i32>} : memref<2x4096xi32, #tpu.memory_space<vmem>>, vector<16xi32>,
      %gather3A = tpu.vector_load_idx %arg8[%get3A_1215] : memref<100000xf32, #tpu.memory_space<vmem>>[vector<16xi32>], vector<16xf32>,
      %mul3A_1216 = arith.constant 16 : i32
      %mul3A_1217 = arith.muli %add3A_1211, %mul3A_1216 : i32
      %swap3A = arith.constant 0 : i32
      %swap3A_1218 = arith.index_cast %swap3A : i32 to index
      %swap3A_1219 = arith.index_cast %mul3A_1217 : i32 to index
      %swap3A_1220 = tpu.vector_load %arg10[%swap3A_1218, %swap3A_1219] {strides = array<i32>} : memref<2x4096xf32, #tpu.memory_space<vmem>>, vector<16xf32>,
      tpu.vector_store %arg10[%swap3A_1218, %swap3A_1219], %gather3A {strides = array<i32>} : memref<2x4096xf32, #tpu.memory_space<vmem>>, vector<16xf32>,
      %mul3A_1221 = arith.constant 4 : i32
      %mul3A_1222 = arith.muli %scan3A_1207, %mul3A_1221 : i32
      %add3A_1223 = arith.constant 1 : i32
      %add3A_1224 = arith.addi %mul3A_1222, %add3A_1223 : i32
      %mul3A_1225 = arith.constant 16 : i32
      %mul3A_1226 = arith.muli %add3A_1224, %mul3A_1225 : i32
      %get3A_1227 = arith.index_cast %select_n3A_621 : i32 to index
      %get3A_1228 = arith.index_cast %mul3A_1226 : i32 to index
      %get3A_1229 = tpu.vector_load %arg9[%get3A_1227, %get3A_1228] {strides = array<i32>} : memref<2x4096xi32, #tpu.memory_space<vmem>>, vector<16xi32>,
      %gather3A_1230 = tpu.vector_load_idx %arg8[%get3A_1229] : memref<100000xf32, #tpu.memory_space<vmem>>[vector<16xi32>], vector<16xf32>,
      %mul3A_1231 = arith.constant 16 : i32
      %mul3A_1232 = arith.muli %add3A_1224, %mul3A_1231 : i32
      %swap3A_1233 = arith.constant 0 : i32
      %swap3A_1234 = arith.index_cast %swap3A_1233 : i32 to index
      %swap3A_1235 = arith.index_cast %mul3A_1232 : i32 to index
      %swap3A_1236 = tpu.vector_load %arg10[%swap3A_1234, %swap3A_1235] {strides = array<i32>} : memref<2x4096xf32, #tpu.memory_space<vmem>>, vector<16xf32>,
      tpu.vector_store %arg10[%swap3A_1234, %swap3A_1235], %gather3A_1230 {strides = array<i32>} : memref<2x4096xf32, #tpu.memory_space<vmem>>, vector<16xf32>,
      %mul3A_1237 = arith.constant 4 : i32
      %mul3A_1238 = arith.muli %scan3A_1207, %mul3A_1237 : i32
      %add3A_1239 = arith.constant 2 : i32
      %add3A_1240 = arith.addi %mul3A_1238, %add3A_1239 : i32
      %mul3A_1241 = arith.constant 16 : i32
      %mul3A_1242 = arith.muli %add3A_1240, %mul3A_1241 : i32
      %get3A_1243 = arith.index_cast %select_n3A_621 : i32 to index
      %get3A_1244 = arith.index_cast %mul3A_1242 : i32 to index
      %get3A_1245 = tpu.vector_load %arg9[%get3A_1243, %get3A_1244] {strides = array<i32>} : memref<2x4096xi32, #tpu.memory_space<vmem>>, vector<16xi32>,
      %gather3A_1246 = tpu.vector_load_idx %arg8[%get3A_1245] : memref<100000xf32, #tpu.memory_space<vmem>>[vector<16xi32>], vector<16xf32>,
      %mul3A_1247 = arith.constant 16 : i32
      %mul3A_1248 = arith.muli %add3A_1240, %mul3A_1247 : i32
      %swap3A_1249 = arith.constant 0 : i32
      %swap3A_1250 = arith.index_cast %swap3A_1249 : i32 to index
      %swap3A_1251 = arith.index_cast %mul3A_1248 : i32 to index
      %swap3A_1252 = tpu.vector_load %arg10[%swap3A_1250, %swap3A_1251] {strides = array<i32>} : memref<2x4096xf32, #tpu.memory_space<vmem>>, vector<16xf32>,
      tpu.vector_store %arg10[%swap3A_1250, %swap3A_1251], %gather3A_1246 {strides = array<i32>} : memref<2x4096xf32, #tpu.memory_space<vmem>>, vector<16xf32>,
      %mul3A_1253 = arith.constant 4 : i32
      %mul3A_1254 = arith.muli %scan3A_1207, %mul3A_1253 : i32
      %add3A_1255 = arith.constant 3 : i32
      %add3A_1256 = arith.addi %mul3A_1254, %add3A_1255 : i32
      %mul3A_1257 = arith.constant 16 : i32
      %mul3A_1258 = arith.muli %add3A_1256, %mul3A_1257 : i32
      %get3A_1259 = arith.index_cast %select_n3A_621 : i32 to index
      %get3A_1260 = arith.index_cast %mul3A_1258 : i32 to index
      %get3A_1261 = tpu.vector_load %arg9[%get3A_1259, %get3A_1260] {strides = array<i32>} : memref<2x4096xi32, #tpu.memory_space<vmem>>, vector<16xi32>,
      %gather3A_1262 = tpu.vector_load_idx %arg8[%get3A_1261] : memref<100000xf32, #tpu.memory_space<vmem>>[vector<16xi32>], vector<16xf32>,
      %mul3A_1263 = arith.constant 16 : i32
      %mul3A_1264 = arith.muli %add3A_1256, %mul3A_1263 : i32
      %swap3A_1265 = arith.constant 0 : i32
      %swap3A_1266 = arith.index_cast %swap3A_1265 : i32 to index
      %swap3A_1267 = arith.index_cast %mul3A_1264 : i32 to index
      %swap3A_1268 = tpu.vector_load %arg10[%swap3A_1266, %swap3A_1267] {strides = array<i32>} : memref<2x4096xf32, #tpu.memory_space<vmem>>, vector<16xf32>,
      tpu.vector_store %arg10[%swap3A_1266, %swap3A_1267], %gather3A_1262 {strides = array<i32>} : memref<2x4096xf32, #tpu.memory_space<vmem>>, vector<16xf32>,
    }
    %scan3A_626 = arith.constant 64 : i32
    %dma_start3A_627 = arith.constant 0 : i32
    %dma_start3A_628 = arith.constant 0 : i32
    %dma_start3A_629 = tpu.memref_slice %arg10[%dma_start3A_627, %dma_start3A_628] : memref<2x4096xf32, #tpu.memory_space<vmem>> -> memref<1x4096xf32, #tpu.memory_space<vmem>>
    %dma_start3A_630 = tpu.memref_squeeze %dma_start3A_629 : memref<1x4096xf32, #tpu.memory_space<vmem>> -> memref<4096xf32, #tpu.memory_space<vmem>>
    %dma_start3A_631 = arith.constant 0 : i32
    %dma_start3A_632 = tpu.memref_slice %arg6[%add3A_552, %dma_start3A_631] : memref<416x4096xf32, #tpu.memory_space<hbm>> -> memref<1x4096xf32, #tpu.memory_space<hbm>>
    %dma_start3A_633 = tpu.memref_squeeze %dma_start3A_632 : memref<1x4096xf32, #tpu.memory_space<hbm>> -> memref<4096xf32, #tpu.memory_space<hbm>>
    %dma_start3A_634 = arith.constant 0 : i32
    %dma_start3A_635 = tpu.memref_slice %arg6[%add3A_552, %dma_start3A_634] : memref<416x4096xf32, #tpu.memory_space<hbm>> -> memref<1x4096xf32, #tpu.memory_space<hbm>>
    %dma_start3A_636 = tpu.memref_squeeze %dma_start3A_635 : memref<1x4096xf32, #tpu.memory_space<hbm>> -> memref<4096xf32, #tpu.memory_space<hbm>>
    %dma_start3A_637 = arith.constant 0 : i32
    %dma_start3A_638 = tpu.memref_slice %arg10[%dma_start3A_627, %dma_start3A_637] : memref<2x4096xf32, #tpu.memory_space<vmem>> -> memref<1x4096xf32, #tpu.memory_space<vmem>>
    %dma_start3A_639 = tpu.memref_squeeze %dma_start3A_638 : memref<1x4096xf32, #tpu.memory_space<vmem>> -> memref<4096xf32, #tpu.memory_space<vmem>>
    tpu.enqueue_dma source(%dma_start3A_639 : memref<4096xf32, #tpu.memory_space<vmem>>) target(%dma_start3A_636 : memref<4096xf32, #tpu.memory_space<hbm>>) target_semaphore(%arg14 : memref<!tpu.dma_semaphore, #tpu.memory_space<semaphore_mem>>)
    %add3A_640 = arith.constant 7 : i32
    %add3A_641 = arith.addi %mul3A_2, %add3A_640 : i32
    %jit3A_642 = arith.constant 16 : i32
    %div3A_643 = arith.divsi %add3A_641, %jit3A_642 : i32
    %sign3A_644 = arith.constant 0 : i32
    %sign3A_645 = arith.cmpi sgt, %add3A_641, %sign3A_644 : i32
    %sign3A_646 = arith.extui %sign3A_645 : i1 to i32
    %sign3A_647 = arith.constant 0 : i32
    %sign3A_648 = arith.cmpi slt, %add3A_641, %sign3A_647 : i32
    %sign3A_649 = arith.extui %sign3A_648 : i1 to i32
    %sign3A_650 = arith.subi %sign3A_646, %sign3A_649 : i32
    %sign3A_651 = arith.constant 0 : i32
    %sign3A_652 = arith.cmpi sgt, %jit3A_642, %sign3A_651 : i32
    %sign3A_653 = arith.extui %sign3A_652 : i1 to i32
    %sign3A_654 = arith.constant 0 : i32
    %sign3A_655 = arith.cmpi slt, %jit3A_642, %sign3A_654 : i32
    %sign3A_656 = arith.extui %sign3A_655 : i1 to i32
    %sign3A_657 = arith.subi %sign3A_653, %sign3A_656 : i32
    %ne3A_658 = arith.cmpi ne, %sign3A_650, %sign3A_657 : i32
    %rem3A_659 = arith.remsi %add3A_641, %jit3A_642 : i32
    %ne3A_660 = arith.constant 0 : i32
    %ne3A_661 = arith.cmpi ne, %rem3A_659, %ne3A_660 : i32
    %and3A_662 = arith.andi %ne3A_658, %ne3A_661 : i1
    %sub3A_663 = arith.constant 1 : i32
    %sub3A_664 = arith.subi %div3A_643, %sub3A_663 : i32
    %select_n3A_665 = arith.select %and3A_662, %sub3A_664, %div3A_643 : i32
    %jit3A_666 = arith.constant 16 : i32
    %eq3A_667 = arith.constant 0 : i32
    %eq3A_668 = arith.cmpi eq, %jit3A_666, %eq3A_667 : i32
    %jit3A_669 = arith.constant 1 : i32
    %select_n3A_670 = arith.select %eq3A_668, %jit3A_669, %jit3A_666 : i32
    %rem3A_671 = arith.remsi %add3A_641, %select_n3A_670 : i32
    %ne3A_672 = arith.constant 0 : i32
    %ne3A_673 = arith.cmpi ne, %rem3A_671, %ne3A_672 : i32
    %lt3A_674 = arith.constant 0 : i32
    %lt3A_675 = arith.cmpi slt, %rem3A_671, %lt3A_674 : i32
    %lt3A_676 = arith.constant 0 : i32
    %lt3A_677 = arith.cmpi slt, %select_n3A_670, %lt3A_676 : i32
    %ne3A_678 = arith.xori %lt3A_675, %lt3A_677 : i1
    %and3A_679 = arith.andi %ne3A_678, %ne3A_673 : i1
    %add3A_680 = arith.addi %rem3A_671, %select_n3A_670 : i32
    %select_n3A_681 = arith.select %and3A_679, %add3A_680, %rem3A_671 : i32
    %dma_start3A_682 = arith.constant 0 : i32
    %dma_start3A_683 = tpu.memref_slice %arg2[%select_n3A_665, %select_n3A_681, %dma_start3A_682] : memref<26x16x100000xf32, #tpu.memory_space<hbm>> -> memref<1x1x100000xf32, #tpu.memory_space<hbm>>
    %dma_start3A_684 = tpu.memref_squeeze %dma_start3A_683 : memref<1x1x100000xf32, #tpu.memory_space<hbm>> -> memref<100000xf32, #tpu.memory_space<hbm>>
    %dma_start3A_685 = arith.constant 0 : i32
    %dma_start3A_686 = tpu.memref_slice %arg2[%select_n3A_665, %select_n3A_681, %dma_start3A_685] : memref<26x16x100000xf32, #tpu.memory_space<hbm>> -> memref<1x1x100000xf32, #tpu.memory_space<hbm>>
    %dma_start3A_687 = tpu.memref_squeeze %dma_start3A_686 : memref<1x1x100000xf32, #tpu.memory_space<hbm>> -> memref<100000xf32, #tpu.memory_space<hbm>>
    tpu.enqueue_dma source(%dma_start3A_687 : memref<100000xf32, #tpu.memory_space<hbm>>) target(%arg8 : memref<100000xf32, #tpu.memory_space<vmem>>) target_semaphore(%arg13 : memref<!tpu.dma_semaphore, #tpu.memory_space<semaphore_mem>>)
    %dma_wait3A_688 = arith.constant 0 : i32
    %dma_wait3A_689 = tpu.memref_slice %arg2[%select_n3A_665, %select_n3A_681, %dma_wait3A_688] : memref<26x16x100000xf32, #tpu.memory_space<hbm>> -> memref<1x1x100000xf32, #tpu.memory_space<hbm>>
    %dma_wait3A_690 = tpu.memref_squeeze %dma_wait3A_689 : memref<1x1x100000xf32, #tpu.memory_space<hbm>> -> memref<100000xf32, #tpu.memory_space<hbm>>
    %dma_wait3A_691 = arith.constant 0 : i32
    %dma_wait3A_692 = tpu.memref_slice %arg2[%select_n3A_665, %select_n3A_681, %dma_wait3A_691] : memref<26x16x100000xf32, #tpu.memory_space<hbm>> -> memref<1x1x100000xf32, #tpu.memory_space<hbm>>
    %dma_wait3A_693 = tpu.memref_squeeze %dma_wait3A_692 : memref<1x1x100000xf32, #tpu.memory_space<hbm>> -> memref<100000xf32, #tpu.memory_space<hbm>>
    tpu.wait_dma2 semaphore(%arg13 : memref<!tpu.dma_semaphore, #tpu.memory_space<semaphore_mem>>) src(%dma_wait3A_693 : memref<100000xf32, #tpu.memory_space<hbm>>) dst(%arg8 : memref<100000xf32, #tpu.memory_space<vmem>>)
    %dma_wait3A_694 = arith.constant 1 : i32
    %dma_wait3A_695 = arith.constant 0 : i32
    %dma_wait3A_696 = tpu.memref_slice %arg10[%dma_wait3A_694, %dma_wait3A_695] : memref<2x4096xf32, #tpu.memory_space<vmem>> -> memref<1x4096xf32, #tpu.memory_space<vmem>>
    %dma_wait3A_697 = tpu.memref_squeeze %dma_wait3A_696 : memref<1x4096xf32, #tpu.memory_space<vmem>> -> memref<4096xf32, #tpu.memory_space<vmem>>
    %dma_wait3A_698 = arith.constant 0 : i32
    %dma_wait3A_699 = tpu.memref_slice %arg6[%add3A_463, %dma_wait3A_698] : memref<416x4096xf32, #tpu.memory_space<hbm>> -> memref<1x4096xf32, #tpu.memory_space<hbm>>
    %dma_wait3A_700 = tpu.memref_squeeze %dma_wait3A_699 : memref<1x4096xf32, #tpu.memory_space<hbm>> -> memref<4096xf32, #tpu.memory_space<hbm>>
    %dma_wait3A_701 = arith.constant 0 : i32
    %dma_wait3A_702 = tpu.memref_slice %arg6[%add3A_463, %dma_wait3A_701] : memref<416x4096xf32, #tpu.memory_space<hbm>> -> memref<1x4096xf32, #tpu.memory_space<hbm>>
    %dma_wait3A_703 = tpu.memref_squeeze %dma_wait3A_702 : memref<1x4096xf32, #tpu.memory_space<hbm>> -> memref<4096xf32, #tpu.memory_space<hbm>>
    %dma_wait3A_704 = arith.constant 0 : i32
    %dma_wait3A_705 = tpu.memref_slice %arg10[%dma_wait3A_694, %dma_wait3A_704] : memref<2x4096xf32, #tpu.memory_space<vmem>> -> memref<1x4096xf32, #tpu.memory_space<vmem>>
    %dma_wait3A_706 = tpu.memref_squeeze %dma_wait3A_705 : memref<1x4096xf32, #tpu.memory_space<vmem>> -> memref<4096xf32, #tpu.memory_space<vmem>>
    tpu.wait_dma2 semaphore(%arg14 : memref<!tpu.dma_semaphore, #tpu.memory_space<semaphore_mem>>) src(%dma_wait3A_706 : memref<4096xf32, #tpu.memory_space<vmem>>) dst(%dma_wait3A_703 : memref<4096xf32, #tpu.memory_space<hbm>>)
    %eq3A_707 = arith.cmpi eq, %select_n3A_665, %select_n3A : i32
    %jit3A_708 = arith.constant 0 : i32
    %jit3A_709 = arith.constant 1 : i32
    %select_n3A_710 = arith.select %eq3A_707, %jit3A_708, %jit3A_709 : i32
    %scan3A_711 = arith.constant 0 : i32
    %scan3A_712 = arith.constant 64 : i32
    %scan3A_713 = arith.addi %scan3A_711, %scan3A_712 : i32
    %scan3A_714 = arith.constant 1 : i32
    scf.for %scan3A_1207 = %scan3A_711 to %scan3A_713 step %scan3A_714  : i32 {
      %mul3A_1208 = arith.constant 4 : i32
      %mul3A_1209 = arith.muli %scan3A_1207, %mul3A_1208 : i32
      %add3A_1210 = arith.constant 0 : i32
      %add3A_1211 = arith.addi %mul3A_1209, %add3A_1210 : i32
      %mul3A_1212 = arith.constant 16 : i32
      %mul3A_1213 = arith.muli %add3A_1211, %mul3A_1212 : i32
      %get3A = arith.index_cast %select_n3A_710 : i32 to index
      %get3A_1214 = arith.index_cast %mul3A_1213 : i32 to index
      %get3A_1215 = tpu.vector_load %arg9[%get3A, %get3A_1214] {strides = array<i32>} : memref<2x4096xi32, #tpu.memory_space<vmem>>, vector<16xi32>,
      %gather3A = tpu.vector_load_idx %arg8[%get3A_1215] : memref<100000xf32, #tpu.memory_space<vmem>>[vector<16xi32>], vector<16xf32>,
      %mul3A_1216 = arith.constant 16 : i32
      %mul3A_1217 = arith.muli %add3A_1211, %mul3A_1216 : i32
      %swap3A = arith.constant 1 : i32
      %swap3A_1218 = arith.index_cast %swap3A : i32 to index
      %swap3A_1219 = arith.index_cast %mul3A_1217 : i32 to index
      %swap3A_1220 = tpu.vector_load %arg10[%swap3A_1218, %swap3A_1219] {strides = array<i32>} : memref<2x4096xf32, #tpu.memory_space<vmem>>, vector<16xf32>,
      tpu.vector_store %arg10[%swap3A_1218, %swap3A_1219], %gather3A {strides = array<i32>} : memref<2x4096xf32, #tpu.memory_space<vmem>>, vector<16xf32>,
      %mul3A_1221 = arith.constant 4 : i32
      %mul3A_1222 = arith.muli %scan3A_1207, %mul3A_1221 : i32
      %add3A_1223 = arith.constant 1 : i32
      %add3A_1224 = arith.addi %mul3A_1222, %add3A_1223 : i32
      %mul3A_1225 = arith.constant 16 : i32
      %mul3A_1226 = arith.muli %add3A_1224, %mul3A_1225 : i32
      %get3A_1227 = arith.index_cast %select_n3A_710 : i32 to index
      %get3A_1228 = arith.index_cast %mul3A_1226 : i32 to index
      %get3A_1229 = tpu.vector_load %arg9[%get3A_1227, %get3A_1228] {strides = array<i32>} : memref<2x4096xi32, #tpu.memory_space<vmem>>, vector<16xi32>,
      %gather3A_1230 = tpu.vector_load_idx %arg8[%get3A_1229] : memref<100000xf32, #tpu.memory_space<vmem>>[vector<16xi32>], vector<16xf32>,
      %mul3A_1231 = arith.constant 16 : i32
      %mul3A_1232 = arith.muli %add3A_1224, %mul3A_1231 : i32
      %swap3A_1233 = arith.constant 1 : i32
      %swap3A_1234 = arith.index_cast %swap3A_1233 : i32 to index
      %swap3A_1235 = arith.index_cast %mul3A_1232 : i32 to index
      %swap3A_1236 = tpu.vector_load %arg10[%swap3A_1234, %swap3A_1235] {strides = array<i32>} : memref<2x4096xf32, #tpu.memory_space<vmem>>, vector<16xf32>,
      tpu.vector_store %arg10[%swap3A_1234, %swap3A_1235], %gather3A_1230 {strides = array<i32>} : memref<2x4096xf32, #tpu.memory_space<vmem>>, vector<16xf32>,
      %mul3A_1237 = arith.constant 4 : i32
      %mul3A_1238 = arith.muli %scan3A_1207, %mul3A_1237 : i32
      %add3A_1239 = arith.constant 2 : i32
      %add3A_1240 = arith.addi %mul3A_1238, %add3A_1239 : i32
      %mul3A_1241 = arith.constant 16 : i32
      %mul3A_1242 = arith.muli %add3A_1240, %mul3A_1241 : i32
      %get3A_1243 = arith.index_cast %select_n3A_710 : i32 to index
      %get3A_1244 = arith.index_cast %mul3A_1242 : i32 to index
      %get3A_1245 = tpu.vector_load %arg9[%get3A_1243, %get3A_1244] {strides = array<i32>} : memref<2x4096xi32, #tpu.memory_space<vmem>>, vector<16xi32>,
      %gather3A_1246 = tpu.vector_load_idx %arg8[%get3A_1245] : memref<100000xf32, #tpu.memory_space<vmem>>[vector<16xi32>], vector<16xf32>,
      %mul3A_1247 = arith.constant 16 : i32
      %mul3A_1248 = arith.muli %add3A_1240, %mul3A_1247 : i32
      %swap3A_1249 = arith.constant 1 : i32
      %swap3A_1250 = arith.index_cast %swap3A_1249 : i32 to index
      %swap3A_1251 = arith.index_cast %mul3A_1248 : i32 to index
      %swap3A_1252 = tpu.vector_load %arg10[%swap3A_1250, %swap3A_1251] {strides = array<i32>} : memref<2x4096xf32, #tpu.memory_space<vmem>>, vector<16xf32>,
      tpu.vector_store %arg10[%swap3A_1250, %swap3A_1251], %gather3A_1246 {strides = array<i32>} : memref<2x4096xf32, #tpu.memory_space<vmem>>, vector<16xf32>,
      %mul3A_1253 = arith.constant 4 : i32
      %mul3A_1254 = arith.muli %scan3A_1207, %mul3A_1253 : i32
      %add3A_1255 = arith.constant 3 : i32
      %add3A_1256 = arith.addi %mul3A_1254, %add3A_1255 : i32
      %mul3A_1257 = arith.constant 16 : i32
      %mul3A_1258 = arith.muli %add3A_1256, %mul3A_1257 : i32
      %get3A_1259 = arith.index_cast %select_n3A_710 : i32 to index
      %get3A_1260 = arith.index_cast %mul3A_1258 : i32 to index
      %get3A_1261 = tpu.vector_load %arg9[%get3A_1259, %get3A_1260] {strides = array<i32>} : memref<2x4096xi32, #tpu.memory_space<vmem>>, vector<16xi32>,
      %gather3A_1262 = tpu.vector_load_idx %arg8[%get3A_1261] : memref<100000xf32, #tpu.memory_space<vmem>>[vector<16xi32>], vector<16xf32>,
      %mul3A_1263 = arith.constant 16 : i32
      %mul3A_1264 = arith.muli %add3A_1256, %mul3A_1263 : i32
      %swap3A_1265 = arith.constant 1 : i32
      %swap3A_1266 = arith.index_cast %swap3A_1265 : i32 to index
      %swap3A_1267 = arith.index_cast %mul3A_1264 : i32 to index
      %swap3A_1268 = tpu.vector_load %arg10[%swap3A_1266, %swap3A_1267] {strides = array<i32>} : memref<2x4096xf32, #tpu.memory_space<vmem>>, vector<16xf32>,
      tpu.vector_store %arg10[%swap3A_1266, %swap3A_1267], %gather3A_1262 {strides = array<i32>} : memref<2x4096xf32, #tpu.memory_space<vmem>>, vector<16xf32>,
    }
    %scan3A_715 = arith.constant 64 : i32
    %dma_start3A_716 = arith.constant 1 : i32
    %dma_start3A_717 = arith.constant 0 : i32
    %dma_start3A_718 = tpu.memref_slice %arg10[%dma_start3A_716, %dma_start3A_717] : memref<2x4096xf32, #tpu.memory_space<vmem>> -> memref<1x4096xf32, #tpu.memory_space<vmem>>
    %dma_start3A_719 = tpu.memref_squeeze %dma_start3A_718 : memref<1x4096xf32, #tpu.memory_space<vmem>> -> memref<4096xf32, #tpu.memory_space<vmem>>
    %dma_start3A_720 = arith.constant 0 : i32
    %dma_start3A_721 = tpu.memref_slice %arg6[%add3A_641, %dma_start3A_720] : memref<416x4096xf32, #tpu.memory_space<hbm>> -> memref<1x4096xf32, #tpu.memory_space<hbm>>
    %dma_start3A_722 = tpu.memref_squeeze %dma_start3A_721 : memref<1x4096xf32, #tpu.memory_space<hbm>> -> memref<4096xf32, #tpu.memory_space<hbm>>
    %dma_start3A_723 = arith.constant 0 : i32
    %dma_start3A_724 = tpu.memref_slice %arg6[%add3A_641, %dma_start3A_723] : memref<416x4096xf32, #tpu.memory_space<hbm>> -> memref<1x4096xf32, #tpu.memory_space<hbm>>
    %dma_start3A_725 = tpu.memref_squeeze %dma_start3A_724 : memref<1x4096xf32, #tpu.memory_space<hbm>> -> memref<4096xf32, #tpu.memory_space<hbm>>
    %dma_start3A_726 = arith.constant 0 : i32
    %dma_start3A_727 = tpu.memref_slice %arg10[%dma_start3A_716, %dma_start3A_726] : memref<2x4096xf32, #tpu.memory_space<vmem>> -> memref<1x4096xf32, #tpu.memory_space<vmem>>
    %dma_start3A_728 = tpu.memref_squeeze %dma_start3A_727 : memref<1x4096xf32, #tpu.memory_space<vmem>> -> memref<4096xf32, #tpu.memory_space<vmem>>
    tpu.enqueue_dma source(%dma_start3A_728 : memref<4096xf32, #tpu.memory_space<vmem>>) target(%dma_start3A_725 : memref<4096xf32, #tpu.memory_space<hbm>>) target_semaphore(%arg14 : memref<!tpu.dma_semaphore, #tpu.memory_space<semaphore_mem>>)
    %add3A_729 = arith.constant 8 : i32
    %add3A_730 = arith.addi %mul3A_2, %add3A_729 : i32
    %jit3A_731 = arith.constant 16 : i32
    %div3A_732 = arith.divsi %add3A_730, %jit3A_731 : i32
    %sign3A_733 = arith.constant 0 : i32
    %sign3A_734 = arith.cmpi sgt, %add3A_730, %sign3A_733 : i32
    %sign3A_735 = arith.extui %sign3A_734 : i1 to i32
    %sign3A_736 = arith.constant 0 : i32
    %sign3A_737 = arith.cmpi slt, %add3A_730, %sign3A_736 : i32
    %sign3A_738 = arith.extui %sign3A_737 : i1 to i32
    %sign3A_739 = arith.subi %sign3A_735, %sign3A_738 : i32
    %sign3A_740 = arith.constant 0 : i32
    %sign3A_741 = arith.cmpi sgt, %jit3A_731, %sign3A_740 : i32
    %sign3A_742 = arith.extui %sign3A_741 : i1 to i32
    %sign3A_743 = arith.constant 0 : i32
    %sign3A_744 = arith.cmpi slt, %jit3A_731, %sign3A_743 : i32
    %sign3A_745 = arith.extui %sign3A_744 : i1 to i32
    %sign3A_746 = arith.subi %sign3A_742, %sign3A_745 : i32
    %ne3A_747 = arith.cmpi ne, %sign3A_739, %sign3A_746 : i32
    %rem3A_748 = arith.remsi %add3A_730, %jit3A_731 : i32
    %ne3A_749 = arith.constant 0 : i32
    %ne3A_750 = arith.cmpi ne, %rem3A_748, %ne3A_749 : i32
    %and3A_751 = arith.andi %ne3A_747, %ne3A_750 : i1
    %sub3A_752 = arith.constant 1 : i32
    %sub3A_753 = arith.subi %div3A_732, %sub3A_752 : i32
    %select_n3A_754 = arith.select %and3A_751, %sub3A_753, %div3A_732 : i32
    %jit3A_755 = arith.constant 16 : i32
    %eq3A_756 = arith.constant 0 : i32
    %eq3A_757 = arith.cmpi eq, %jit3A_755, %eq3A_756 : i32
    %jit3A_758 = arith.constant 1 : i32
    %select_n3A_759 = arith.select %eq3A_757, %jit3A_758, %jit3A_755 : i32
    %rem3A_760 = arith.remsi %add3A_730, %select_n3A_759 : i32
    %ne3A_761 = arith.constant 0 : i32
    %ne3A_762 = arith.cmpi ne, %rem3A_760, %ne3A_761 : i32
    %lt3A_763 = arith.constant 0 : i32
    %lt3A_764 = arith.cmpi slt, %rem3A_760, %lt3A_763 : i32
    %lt3A_765 = arith.constant 0 : i32
    %lt3A_766 = arith.cmpi slt, %select_n3A_759, %lt3A_765 : i32
    %ne3A_767 = arith.xori %lt3A_764, %lt3A_766 : i1
    %and3A_768 = arith.andi %ne3A_767, %ne3A_762 : i1
    %add3A_769 = arith.addi %rem3A_760, %select_n3A_759 : i32
    %select_n3A_770 = arith.select %and3A_768, %add3A_769, %rem3A_760 : i32
    %dma_start3A_771 = arith.constant 0 : i32
    %dma_start3A_772 = tpu.memref_slice %arg2[%select_n3A_754, %select_n3A_770, %dma_start3A_771] : memref<26x16x100000xf32, #tpu.memory_space<hbm>> -> memref<1x1x100000xf32, #tpu.memory_space<hbm>>
    %dma_start3A_773 = tpu.memref_squeeze %dma_start3A_772 : memref<1x1x100000xf32, #tpu.memory_space<hbm>> -> memref<100000xf32, #tpu.memory_space<hbm>>
    %dma_start3A_774 = arith.constant 0 : i32
    %dma_start3A_775 = tpu.memref_slice %arg2[%select_n3A_754, %select_n3A_770, %dma_start3A_774] : memref<26x16x100000xf32, #tpu.memory_space<hbm>> -> memref<1x1x100000xf32, #tpu.memory_space<hbm>>
    %dma_start3A_776 = tpu.memref_squeeze %dma_start3A_775 : memref<1x1x100000xf32, #tpu.memory_space<hbm>> -> memref<100000xf32, #tpu.memory_space<hbm>>
    tpu.enqueue_dma source(%dma_start3A_776 : memref<100000xf32, #tpu.memory_space<hbm>>) target(%arg8 : memref<100000xf32, #tpu.memory_space<vmem>>) target_semaphore(%arg13 : memref<!tpu.dma_semaphore, #tpu.memory_space<semaphore_mem>>)
    %dma_wait3A_777 = arith.constant 0 : i32
    %dma_wait3A_778 = tpu.memref_slice %arg2[%select_n3A_754, %select_n3A_770, %dma_wait3A_777] : memref<26x16x100000xf32, #tpu.memory_space<hbm>> -> memref<1x1x100000xf32, #tpu.memory_space<hbm>>
    %dma_wait3A_779 = tpu.memref_squeeze %dma_wait3A_778 : memref<1x1x100000xf32, #tpu.memory_space<hbm>> -> memref<100000xf32, #tpu.memory_space<hbm>>
    %dma_wait3A_780 = arith.constant 0 : i32
    %dma_wait3A_781 = tpu.memref_slice %arg2[%select_n3A_754, %select_n3A_770, %dma_wait3A_780] : memref<26x16x100000xf32, #tpu.memory_space<hbm>> -> memref<1x1x100000xf32, #tpu.memory_space<hbm>>
    %dma_wait3A_782 = tpu.memref_squeeze %dma_wait3A_781 : memref<1x1x100000xf32, #tpu.memory_space<hbm>> -> memref<100000xf32, #tpu.memory_space<hbm>>
    tpu.wait_dma2 semaphore(%arg13 : memref<!tpu.dma_semaphore, #tpu.memory_space<semaphore_mem>>) src(%dma_wait3A_782 : memref<100000xf32, #tpu.memory_space<hbm>>) dst(%arg8 : memref<100000xf32, #tpu.memory_space<vmem>>)
    %dma_wait3A_783 = arith.constant 0 : i32
    %dma_wait3A_784 = arith.constant 0 : i32
    %dma_wait3A_785 = tpu.memref_slice %arg10[%dma_wait3A_783, %dma_wait3A_784] : memref<2x4096xf32, #tpu.memory_space<vmem>> -> memref<1x4096xf32, #tpu.memory_space<vmem>>
    %dma_wait3A_786 = tpu.memref_squeeze %dma_wait3A_785 : memref<1x4096xf32, #tpu.memory_space<vmem>> -> memref<4096xf32, #tpu.memory_space<vmem>>
    %dma_wait3A_787 = arith.constant 0 : i32
    %dma_wait3A_788 = tpu.memref_slice %arg6[%add3A_552, %dma_wait3A_787] : memref<416x4096xf32, #tpu.memory_space<hbm>> -> memref<1x4096xf32, #tpu.memory_space<hbm>>
    %dma_wait3A_789 = tpu.memref_squeeze %dma_wait3A_788 : memref<1x4096xf32, #tpu.memory_space<hbm>> -> memref<4096xf32, #tpu.memory_space<hbm>>
    %dma_wait3A_790 = arith.constant 0 : i32
    %dma_wait3A_791 = tpu.memref_slice %arg6[%add3A_552, %dma_wait3A_790] : memref<416x4096xf32, #tpu.memory_space<hbm>> -> memref<1x4096xf32, #tpu.memory_space<hbm>>
    %dma_wait3A_792 = tpu.memref_squeeze %dma_wait3A_791 : memref<1x4096xf32, #tpu.memory_space<hbm>> -> memref<4096xf32, #tpu.memory_space<hbm>>
    %dma_wait3A_793 = arith.constant 0 : i32
    %dma_wait3A_794 = tpu.memref_slice %arg10[%dma_wait3A_783, %dma_wait3A_793] : memref<2x4096xf32, #tpu.memory_space<vmem>> -> memref<1x4096xf32, #tpu.memory_space<vmem>>
    %dma_wait3A_795 = tpu.memref_squeeze %dma_wait3A_794 : memref<1x4096xf32, #tpu.memory_space<vmem>> -> memref<4096xf32, #tpu.memory_space<vmem>>
    tpu.wait_dma2 semaphore(%arg14 : memref<!tpu.dma_semaphore, #tpu.memory_space<semaphore_mem>>) src(%dma_wait3A_795 : memref<4096xf32, #tpu.memory_space<vmem>>) dst(%dma_wait3A_792 : memref<4096xf32, #tpu.memory_space<hbm>>)
    %eq3A_796 = arith.cmpi eq, %select_n3A_754, %select_n3A : i32
    %jit3A_797 = arith.constant 0 : i32
    %jit3A_798 = arith.constant 1 : i32
    %select_n3A_799 = arith.select %eq3A_796, %jit3A_797, %jit3A_798 : i32
    %scan3A_800 = arith.constant 0 : i32
    %scan3A_801 = arith.constant 64 : i32
    %scan3A_802 = arith.addi %scan3A_800, %scan3A_801 : i32
    %scan3A_803 = arith.constant 1 : i32
    scf.for %scan3A_1207 = %scan3A_800 to %scan3A_802 step %scan3A_803  : i32 {
      %mul3A_1208 = arith.constant 4 : i32
      %mul3A_1209 = arith.muli %scan3A_1207, %mul3A_1208 : i32
      %add3A_1210 = arith.constant 0 : i32
      %add3A_1211 = arith.addi %mul3A_1209, %add3A_1210 : i32
      %mul3A_1212 = arith.constant 16 : i32
      %mul3A_1213 = arith.muli %add3A_1211, %mul3A_1212 : i32
      %get3A = arith.index_cast %select_n3A_799 : i32 to index
      %get3A_1214 = arith.index_cast %mul3A_1213 : i32 to index
      %get3A_1215 = tpu.vector_load %arg9[%get3A, %get3A_1214] {strides = array<i32>} : memref<2x4096xi32, #tpu.memory_space<vmem>>, vector<16xi32>,
      %gather3A = tpu.vector_load_idx %arg8[%get3A_1215] : memref<100000xf32, #tpu.memory_space<vmem>>[vector<16xi32>], vector<16xf32>,
      %mul3A_1216 = arith.constant 16 : i32
      %mul3A_1217 = arith.muli %add3A_1211, %mul3A_1216 : i32
      %swap3A = arith.constant 0 : i32
      %swap3A_1218 = arith.index_cast %swap3A : i32 to index
      %swap3A_1219 = arith.index_cast %mul3A_1217 : i32 to index
      %swap3A_1220 = tpu.vector_load %arg10[%swap3A_1218, %swap3A_1219] {strides = array<i32>} : memref<2x4096xf32, #tpu.memory_space<vmem>>, vector<16xf32>,
      tpu.vector_store %arg10[%swap3A_1218, %swap3A_1219], %gather3A {strides = array<i32>} : memref<2x4096xf32, #tpu.memory_space<vmem>>, vector<16xf32>,
      %mul3A_1221 = arith.constant 4 : i32
      %mul3A_1222 = arith.muli %scan3A_1207, %mul3A_1221 : i32
      %add3A_1223 = arith.constant 1 : i32
      %add3A_1224 = arith.addi %mul3A_1222, %add3A_1223 : i32
      %mul3A_1225 = arith.constant 16 : i32
      %mul3A_1226 = arith.muli %add3A_1224, %mul3A_1225 : i32
      %get3A_1227 = arith.index_cast %select_n3A_799 : i32 to index
      %get3A_1228 = arith.index_cast %mul3A_1226 : i32 to index
      %get3A_1229 = tpu.vector_load %arg9[%get3A_1227, %get3A_1228] {strides = array<i32>} : memref<2x4096xi32, #tpu.memory_space<vmem>>, vector<16xi32>,
      %gather3A_1230 = tpu.vector_load_idx %arg8[%get3A_1229] : memref<100000xf32, #tpu.memory_space<vmem>>[vector<16xi32>], vector<16xf32>,
      %mul3A_1231 = arith.constant 16 : i32
      %mul3A_1232 = arith.muli %add3A_1224, %mul3A_1231 : i32
      %swap3A_1233 = arith.constant 0 : i32
      %swap3A_1234 = arith.index_cast %swap3A_1233 : i32 to index
      %swap3A_1235 = arith.index_cast %mul3A_1232 : i32 to index
      %swap3A_1236 = tpu.vector_load %arg10[%swap3A_1234, %swap3A_1235] {strides = array<i32>} : memref<2x4096xf32, #tpu.memory_space<vmem>>, vector<16xf32>,
      tpu.vector_store %arg10[%swap3A_1234, %swap3A_1235], %gather3A_1230 {strides = array<i32>} : memref<2x4096xf32, #tpu.memory_space<vmem>>, vector<16xf32>,
      %mul3A_1237 = arith.constant 4 : i32
      %mul3A_1238 = arith.muli %scan3A_1207, %mul3A_1237 : i32
      %add3A_1239 = arith.constant 2 : i32
      %add3A_1240 = arith.addi %mul3A_1238, %add3A_1239 : i32
      %mul3A_1241 = arith.constant 16 : i32
      %mul3A_1242 = arith.muli %add3A_1240, %mul3A_1241 : i32
      %get3A_1243 = arith.index_cast %select_n3A_799 : i32 to index
      %get3A_1244 = arith.index_cast %mul3A_1242 : i32 to index
      %get3A_1245 = tpu.vector_load %arg9[%get3A_1243, %get3A_1244] {strides = array<i32>} : memref<2x4096xi32, #tpu.memory_space<vmem>>, vector<16xi32>,
      %gather3A_1246 = tpu.vector_load_idx %arg8[%get3A_1245] : memref<100000xf32, #tpu.memory_space<vmem>>[vector<16xi32>], vector<16xf32>,
      %mul3A_1247 = arith.constant 16 : i32
      %mul3A_1248 = arith.muli %add3A_1240, %mul3A_1247 : i32
      %swap3A_1249 = arith.constant 0 : i32
      %swap3A_1250 = arith.index_cast %swap3A_1249 : i32 to index
      %swap3A_1251 = arith.index_cast %mul3A_1248 : i32 to index
      %swap3A_1252 = tpu.vector_load %arg10[%swap3A_1250, %swap3A_1251] {strides = array<i32>} : memref<2x4096xf32, #tpu.memory_space<vmem>>, vector<16xf32>,
      tpu.vector_store %arg10[%swap3A_1250, %swap3A_1251], %gather3A_1246 {strides = array<i32>} : memref<2x4096xf32, #tpu.memory_space<vmem>>, vector<16xf32>,
      %mul3A_1253 = arith.constant 4 : i32
      %mul3A_1254 = arith.muli %scan3A_1207, %mul3A_1253 : i32
      %add3A_1255 = arith.constant 3 : i32
      %add3A_1256 = arith.addi %mul3A_1254, %add3A_1255 : i32
      %mul3A_1257 = arith.constant 16 : i32
      %mul3A_1258 = arith.muli %add3A_1256, %mul3A_1257 : i32
      %get3A_1259 = arith.index_cast %select_n3A_799 : i32 to index
      %get3A_1260 = arith.index_cast %mul3A_1258 : i32 to index
      %get3A_1261 = tpu.vector_load %arg9[%get3A_1259, %get3A_1260] {strides = array<i32>} : memref<2x4096xi32, #tpu.memory_space<vmem>>, vector<16xi32>,
      %gather3A_1262 = tpu.vector_load_idx %arg8[%get3A_1261] : memref<100000xf32, #tpu.memory_space<vmem>>[vector<16xi32>], vector<16xf32>,
      %mul3A_1263 = arith.constant 16 : i32
      %mul3A_1264 = arith.muli %add3A_1256, %mul3A_1263 : i32
      %swap3A_1265 = arith.constant 0 : i32
      %swap3A_1266 = arith.index_cast %swap3A_1265 : i32 to index
      %swap3A_1267 = arith.index_cast %mul3A_1264 : i32 to index
      %swap3A_1268 = tpu.vector_load %arg10[%swap3A_1266, %swap3A_1267] {strides = array<i32>} : memref<2x4096xf32, #tpu.memory_space<vmem>>, vector<16xf32>,
      tpu.vector_store %arg10[%swap3A_1266, %swap3A_1267], %gather3A_1262 {strides = array<i32>} : memref<2x4096xf32, #tpu.memory_space<vmem>>, vector<16xf32>,
    }
    %scan3A_804 = arith.constant 64 : i32
    %dma_start3A_805 = arith.constant 0 : i32
    %dma_start3A_806 = arith.constant 0 : i32
    %dma_start3A_807 = tpu.memref_slice %arg10[%dma_start3A_805, %dma_start3A_806] : memref<2x4096xf32, #tpu.memory_space<vmem>> -> memref<1x4096xf32, #tpu.memory_space<vmem>>
    %dma_start3A_808 = tpu.memref_squeeze %dma_start3A_807 : memref<1x4096xf32, #tpu.memory_space<vmem>> -> memref<4096xf32, #tpu.memory_space<vmem>>
    %dma_start3A_809 = arith.constant 0 : i32
    %dma_start3A_810 = tpu.memref_slice %arg6[%add3A_730, %dma_start3A_809] : memref<416x4096xf32, #tpu.memory_space<hbm>> -> memref<1x4096xf32, #tpu.memory_space<hbm>>
    %dma_start3A_811 = tpu.memref_squeeze %dma_start3A_810 : memref<1x4096xf32, #tpu.memory_space<hbm>> -> memref<4096xf32, #tpu.memory_space<hbm>>
    %dma_start3A_812 = arith.constant 0 : i32
    %dma_start3A_813 = tpu.memref_slice %arg6[%add3A_730, %dma_start3A_812] : memref<416x4096xf32, #tpu.memory_space<hbm>> -> memref<1x4096xf32, #tpu.memory_space<hbm>>
    %dma_start3A_814 = tpu.memref_squeeze %dma_start3A_813 : memref<1x4096xf32, #tpu.memory_space<hbm>> -> memref<4096xf32, #tpu.memory_space<hbm>>
    %dma_start3A_815 = arith.constant 0 : i32
    %dma_start3A_816 = tpu.memref_slice %arg10[%dma_start3A_805, %dma_start3A_815] : memref<2x4096xf32, #tpu.memory_space<vmem>> -> memref<1x4096xf32, #tpu.memory_space<vmem>>
    %dma_start3A_817 = tpu.memref_squeeze %dma_start3A_816 : memref<1x4096xf32, #tpu.memory_space<vmem>> -> memref<4096xf32, #tpu.memory_space<vmem>>
    tpu.enqueue_dma source(%dma_start3A_817 : memref<4096xf32, #tpu.memory_space<vmem>>) target(%dma_start3A_814 : memref<4096xf32, #tpu.memory_space<hbm>>) target_semaphore(%arg14 : memref<!tpu.dma_semaphore, #tpu.memory_space<semaphore_mem>>)
    %add3A_818 = arith.constant 9 : i32
    %add3A_819 = arith.addi %mul3A_2, %add3A_818 : i32
    %jit3A_820 = arith.constant 16 : i32
    %div3A_821 = arith.divsi %add3A_819, %jit3A_820 : i32
    %sign3A_822 = arith.constant 0 : i32
    %sign3A_823 = arith.cmpi sgt, %add3A_819, %sign3A_822 : i32
    %sign3A_824 = arith.extui %sign3A_823 : i1 to i32
    %sign3A_825 = arith.constant 0 : i32
    %sign3A_826 = arith.cmpi slt, %add3A_819, %sign3A_825 : i32
    %sign3A_827 = arith.extui %sign3A_826 : i1 to i32
    %sign3A_828 = arith.subi %sign3A_824, %sign3A_827 : i32
    %sign3A_829 = arith.constant 0 : i32
    %sign3A_830 = arith.cmpi sgt, %jit3A_820, %sign3A_829 : i32
    %sign3A_831 = arith.extui %sign3A_830 : i1 to i32
    %sign3A_832 = arith.constant 0 : i32
    %sign3A_833 = arith.cmpi slt, %jit3A_820, %sign3A_832 : i32
    %sign3A_834 = arith.extui %sign3A_833 : i1 to i32
    %sign3A_835 = arith.subi %sign3A_831, %sign3A_834 : i32
    %ne3A_836 = arith.cmpi ne, %sign3A_828, %sign3A_835 : i32
    %rem3A_837 = arith.remsi %add3A_819, %jit3A_820 : i32
    %ne3A_838 = arith.constant 0 : i32
    %ne3A_839 = arith.cmpi ne, %rem3A_837, %ne3A_838 : i32
    %and3A_840 = arith.andi %ne3A_836, %ne3A_839 : i1
    %sub3A_841 = arith.constant 1 : i32
    %sub3A_842 = arith.subi %div3A_821, %sub3A_841 : i32
    %select_n3A_843 = arith.select %and3A_840, %sub3A_842, %div3A_821 : i32
    %jit3A_844 = arith.constant 16 : i32
    %eq3A_845 = arith.constant 0 : i32
    %eq3A_846 = arith.cmpi eq, %jit3A_844, %eq3A_845 : i32
    %jit3A_847 = arith.constant 1 : i32
    %select_n3A_848 = arith.select %eq3A_846, %jit3A_847, %jit3A_844 : i32
    %rem3A_849 = arith.remsi %add3A_819, %select_n3A_848 : i32
    %ne3A_850 = arith.constant 0 : i32
    %ne3A_851 = arith.cmpi ne, %rem3A_849, %ne3A_850 : i32
    %lt3A_852 = arith.constant 0 : i32
    %lt3A_853 = arith.cmpi slt, %rem3A_849, %lt3A_852 : i32
    %lt3A_854 = arith.constant 0 : i32
    %lt3A_855 = arith.cmpi slt, %select_n3A_848, %lt3A_854 : i32
    %ne3A_856 = arith.xori %lt3A_853, %lt3A_855 : i1
    %and3A_857 = arith.andi %ne3A_856, %ne3A_851 : i1
    %add3A_858 = arith.addi %rem3A_849, %select_n3A_848 : i32
    %select_n3A_859 = arith.select %and3A_857, %add3A_858, %rem3A_849 : i32
    %dma_start3A_860 = arith.constant 0 : i32
    %dma_start3A_861 = tpu.memref_slice %arg2[%select_n3A_843, %select_n3A_859, %dma_start3A_860] : memref<26x16x100000xf32, #tpu.memory_space<hbm>> -> memref<1x1x100000xf32, #tpu.memory_space<hbm>>
    %dma_start3A_862 = tpu.memref_squeeze %dma_start3A_861 : memref<1x1x100000xf32, #tpu.memory_space<hbm>> -> memref<100000xf32, #tpu.memory_space<hbm>>
    %dma_start3A_863 = arith.constant 0 : i32
    %dma_start3A_864 = tpu.memref_slice %arg2[%select_n3A_843, %select_n3A_859, %dma_start3A_863] : memref<26x16x100000xf32, #tpu.memory_space<hbm>> -> memref<1x1x100000xf32, #tpu.memory_space<hbm>>
    %dma_start3A_865 = tpu.memref_squeeze %dma_start3A_864 : memref<1x1x100000xf32, #tpu.memory_space<hbm>> -> memref<100000xf32, #tpu.memory_space<hbm>>
    tpu.enqueue_dma source(%dma_start3A_865 : memref<100000xf32, #tpu.memory_space<hbm>>) target(%arg8 : memref<100000xf32, #tpu.memory_space<vmem>>) target_semaphore(%arg13 : memref<!tpu.dma_semaphore, #tpu.memory_space<semaphore_mem>>)
    %dma_wait3A_866 = arith.constant 0 : i32
    %dma_wait3A_867 = tpu.memref_slice %arg2[%select_n3A_843, %select_n3A_859, %dma_wait3A_866] : memref<26x16x100000xf32, #tpu.memory_space<hbm>> -> memref<1x1x100000xf32, #tpu.memory_space<hbm>>
    %dma_wait3A_868 = tpu.memref_squeeze %dma_wait3A_867 : memref<1x1x100000xf32, #tpu.memory_space<hbm>> -> memref<100000xf32, #tpu.memory_space<hbm>>
    %dma_wait3A_869 = arith.constant 0 : i32
    %dma_wait3A_870 = tpu.memref_slice %arg2[%select_n3A_843, %select_n3A_859, %dma_wait3A_869] : memref<26x16x100000xf32, #tpu.memory_space<hbm>> -> memref<1x1x100000xf32, #tpu.memory_space<hbm>>
    %dma_wait3A_871 = tpu.memref_squeeze %dma_wait3A_870 : memref<1x1x100000xf32, #tpu.memory_space<hbm>> -> memref<100000xf32, #tpu.memory_space<hbm>>
    tpu.wait_dma2 semaphore(%arg13 : memref<!tpu.dma_semaphore, #tpu.memory_space<semaphore_mem>>) src(%dma_wait3A_871 : memref<100000xf32, #tpu.memory_space<hbm>>) dst(%arg8 : memref<100000xf32, #tpu.memory_space<vmem>>)
    %dma_wait3A_872 = arith.constant 1 : i32
    %dma_wait3A_873 = arith.constant 0 : i32
    %dma_wait3A_874 = tpu.memref_slice %arg10[%dma_wait3A_872, %dma_wait3A_873] : memref<2x4096xf32, #tpu.memory_space<vmem>> -> memref<1x4096xf32, #tpu.memory_space<vmem>>
    %dma_wait3A_875 = tpu.memref_squeeze %dma_wait3A_874 : memref<1x4096xf32, #tpu.memory_space<vmem>> -> memref<4096xf32, #tpu.memory_space<vmem>>
    %dma_wait3A_876 = arith.constant 0 : i32
    %dma_wait3A_877 = tpu.memref_slice %arg6[%add3A_641, %dma_wait3A_876] : memref<416x4096xf32, #tpu.memory_space<hbm>> -> memref<1x4096xf32, #tpu.memory_space<hbm>>
    %dma_wait3A_878 = tpu.memref_squeeze %dma_wait3A_877 : memref<1x4096xf32, #tpu.memory_space<hbm>> -> memref<4096xf32, #tpu.memory_space<hbm>>
    %dma_wait3A_879 = arith.constant 0 : i32
    %dma_wait3A_880 = tpu.memref_slice %arg6[%add3A_641, %dma_wait3A_879] : memref<416x4096xf32, #tpu.memory_space<hbm>> -> memref<1x4096xf32, #tpu.memory_space<hbm>>
    %dma_wait3A_881 = tpu.memref_squeeze %dma_wait3A_880 : memref<1x4096xf32, #tpu.memory_space<hbm>> -> memref<4096xf32, #tpu.memory_space<hbm>>
    %dma_wait3A_882 = arith.constant 0 : i32
    %dma_wait3A_883 = tpu.memref_slice %arg10[%dma_wait3A_872, %dma_wait3A_882] : memref<2x4096xf32, #tpu.memory_space<vmem>> -> memref<1x4096xf32, #tpu.memory_space<vmem>>
    %dma_wait3A_884 = tpu.memref_squeeze %dma_wait3A_883 : memref<1x4096xf32, #tpu.memory_space<vmem>> -> memref<4096xf32, #tpu.memory_space<vmem>>
    tpu.wait_dma2 semaphore(%arg14 : memref<!tpu.dma_semaphore, #tpu.memory_space<semaphore_mem>>) src(%dma_wait3A_884 : memref<4096xf32, #tpu.memory_space<vmem>>) dst(%dma_wait3A_881 : memref<4096xf32, #tpu.memory_space<hbm>>)
    %eq3A_885 = arith.cmpi eq, %select_n3A_843, %select_n3A : i32
    %jit3A_886 = arith.constant 0 : i32
    %jit3A_887 = arith.constant 1 : i32
    %select_n3A_888 = arith.select %eq3A_885, %jit3A_886, %jit3A_887 : i32
    %scan3A_889 = arith.constant 0 : i32
    %scan3A_890 = arith.constant 64 : i32
    %scan3A_891 = arith.addi %scan3A_889, %scan3A_890 : i32
    %scan3A_892 = arith.constant 1 : i32
    scf.for %scan3A_1207 = %scan3A_889 to %scan3A_891 step %scan3A_892  : i32 {
      %mul3A_1208 = arith.constant 4 : i32
      %mul3A_1209 = arith.muli %scan3A_1207, %mul3A_1208 : i32
      %add3A_1210 = arith.constant 0 : i32
      %add3A_1211 = arith.addi %mul3A_1209, %add3A_1210 : i32
      %mul3A_1212 = arith.constant 16 : i32
      %mul3A_1213 = arith.muli %add3A_1211, %mul3A_1212 : i32
      %get3A = arith.index_cast %select_n3A_888 : i32 to index
      %get3A_1214 = arith.index_cast %mul3A_1213 : i32 to index
      %get3A_1215 = tpu.vector_load %arg9[%get3A, %get3A_1214] {strides = array<i32>} : memref<2x4096xi32, #tpu.memory_space<vmem>>, vector<16xi32>,
      %gather3A = tpu.vector_load_idx %arg8[%get3A_1215] : memref<100000xf32, #tpu.memory_space<vmem>>[vector<16xi32>], vector<16xf32>,
      %mul3A_1216 = arith.constant 16 : i32
      %mul3A_1217 = arith.muli %add3A_1211, %mul3A_1216 : i32
      %swap3A = arith.constant 1 : i32
      %swap3A_1218 = arith.index_cast %swap3A : i32 to index
      %swap3A_1219 = arith.index_cast %mul3A_1217 : i32 to index
      %swap3A_1220 = tpu.vector_load %arg10[%swap3A_1218, %swap3A_1219] {strides = array<i32>} : memref<2x4096xf32, #tpu.memory_space<vmem>>, vector<16xf32>,
      tpu.vector_store %arg10[%swap3A_1218, %swap3A_1219], %gather3A {strides = array<i32>} : memref<2x4096xf32, #tpu.memory_space<vmem>>, vector<16xf32>,
      %mul3A_1221 = arith.constant 4 : i32
      %mul3A_1222 = arith.muli %scan3A_1207, %mul3A_1221 : i32
      %add3A_1223 = arith.constant 1 : i32
      %add3A_1224 = arith.addi %mul3A_1222, %add3A_1223 : i32
      %mul3A_1225 = arith.constant 16 : i32
      %mul3A_1226 = arith.muli %add3A_1224, %mul3A_1225 : i32
      %get3A_1227 = arith.index_cast %select_n3A_888 : i32 to index
      %get3A_1228 = arith.index_cast %mul3A_1226 : i32 to index
      %get3A_1229 = tpu.vector_load %arg9[%get3A_1227, %get3A_1228] {strides = array<i32>} : memref<2x4096xi32, #tpu.memory_space<vmem>>, vector<16xi32>,
      %gather3A_1230 = tpu.vector_load_idx %arg8[%get3A_1229] : memref<100000xf32, #tpu.memory_space<vmem>>[vector<16xi32>], vector<16xf32>,
      %mul3A_1231 = arith.constant 16 : i32
      %mul3A_1232 = arith.muli %add3A_1224, %mul3A_1231 : i32
      %swap3A_1233 = arith.constant 1 : i32
      %swap3A_1234 = arith.index_cast %swap3A_1233 : i32 to index
      %swap3A_1235 = arith.index_cast %mul3A_1232 : i32 to index
      %swap3A_1236 = tpu.vector_load %arg10[%swap3A_1234, %swap3A_1235] {strides = array<i32>} : memref<2x4096xf32, #tpu.memory_space<vmem>>, vector<16xf32>,
      tpu.vector_store %arg10[%swap3A_1234, %swap3A_1235], %gather3A_1230 {strides = array<i32>} : memref<2x4096xf32, #tpu.memory_space<vmem>>, vector<16xf32>,
      %mul3A_1237 = arith.constant 4 : i32
      %mul3A_1238 = arith.muli %scan3A_1207, %mul3A_1237 : i32
      %add3A_1239 = arith.constant 2 : i32
      %add3A_1240 = arith.addi %mul3A_1238, %add3A_1239 : i32
      %mul3A_1241 = arith.constant 16 : i32
      %mul3A_1242 = arith.muli %add3A_1240, %mul3A_1241 : i32
      %get3A_1243 = arith.index_cast %select_n3A_888 : i32 to index
      %get3A_1244 = arith.index_cast %mul3A_1242 : i32 to index
      %get3A_1245 = tpu.vector_load %arg9[%get3A_1243, %get3A_1244] {strides = array<i32>} : memref<2x4096xi32, #tpu.memory_space<vmem>>, vector<16xi32>,
      %gather3A_1246 = tpu.vector_load_idx %arg8[%get3A_1245] : memref<100000xf32, #tpu.memory_space<vmem>>[vector<16xi32>], vector<16xf32>,
      %mul3A_1247 = arith.constant 16 : i32
      %mul3A_1248 = arith.muli %add3A_1240, %mul3A_1247 : i32
      %swap3A_1249 = arith.constant 1 : i32
      %swap3A_1250 = arith.index_cast %swap3A_1249 : i32 to index
      %swap3A_1251 = arith.index_cast %mul3A_1248 : i32 to index
      %swap3A_1252 = tpu.vector_load %arg10[%swap3A_1250, %swap3A_1251] {strides = array<i32>} : memref<2x4096xf32, #tpu.memory_space<vmem>>, vector<16xf32>,
      tpu.vector_store %arg10[%swap3A_1250, %swap3A_1251], %gather3A_1246 {strides = array<i32>} : memref<2x4096xf32, #tpu.memory_space<vmem>>, vector<16xf32>,
      %mul3A_1253 = arith.constant 4 : i32
      %mul3A_1254 = arith.muli %scan3A_1207, %mul3A_1253 : i32
      %add3A_1255 = arith.constant 3 : i32
      %add3A_1256 = arith.addi %mul3A_1254, %add3A_1255 : i32
      %mul3A_1257 = arith.constant 16 : i32
      %mul3A_1258 = arith.muli %add3A_1256, %mul3A_1257 : i32
      %get3A_1259 = arith.index_cast %select_n3A_888 : i32 to index
      %get3A_1260 = arith.index_cast %mul3A_1258 : i32 to index
      %get3A_1261 = tpu.vector_load %arg9[%get3A_1259, %get3A_1260] {strides = array<i32>} : memref<2x4096xi32, #tpu.memory_space<vmem>>, vector<16xi32>,
      %gather3A_1262 = tpu.vector_load_idx %arg8[%get3A_1261] : memref<100000xf32, #tpu.memory_space<vmem>>[vector<16xi32>], vector<16xf32>,
      %mul3A_1263 = arith.constant 16 : i32
      %mul3A_1264 = arith.muli %add3A_1256, %mul3A_1263 : i32
      %swap3A_1265 = arith.constant 1 : i32
      %swap3A_1266 = arith.index_cast %swap3A_1265 : i32 to index
      %swap3A_1267 = arith.index_cast %mul3A_1264 : i32 to index
      %swap3A_1268 = tpu.vector_load %arg10[%swap3A_1266, %swap3A_1267] {strides = array<i32>} : memref<2x4096xf32, #tpu.memory_space<vmem>>, vector<16xf32>,
      tpu.vector_store %arg10[%swap3A_1266, %swap3A_1267], %gather3A_1262 {strides = array<i32>} : memref<2x4096xf32, #tpu.memory_space<vmem>>, vector<16xf32>,
    }
    %scan3A_893 = arith.constant 64 : i32
    %dma_start3A_894 = arith.constant 1 : i32
    %dma_start3A_895 = arith.constant 0 : i32
    %dma_start3A_896 = tpu.memref_slice %arg10[%dma_start3A_894, %dma_start3A_895] : memref<2x4096xf32, #tpu.memory_space<vmem>> -> memref<1x4096xf32, #tpu.memory_space<vmem>>
    %dma_start3A_897 = tpu.memref_squeeze %dma_start3A_896 : memref<1x4096xf32, #tpu.memory_space<vmem>> -> memref<4096xf32, #tpu.memory_space<vmem>>
    %dma_start3A_898 = arith.constant 0 : i32
    %dma_start3A_899 = tpu.memref_slice %arg6[%add3A_819, %dma_start3A_898] : memref<416x4096xf32, #tpu.memory_space<hbm>> -> memref<1x4096xf32, #tpu.memory_space<hbm>>
    %dma_start3A_900 = tpu.memref_squeeze %dma_start3A_899 : memref<1x4096xf32, #tpu.memory_space<hbm>> -> memref<4096xf32, #tpu.memory_space<hbm>>
    %dma_start3A_901 = arith.constant 0 : i32
    %dma_start3A_902 = tpu.memref_slice %arg6[%add3A_819, %dma_start3A_901] : memref<416x4096xf32, #tpu.memory_space<hbm>> -> memref<1x4096xf32, #tpu.memory_space<hbm>>
    %dma_start3A_903 = tpu.memref_squeeze %dma_start3A_902 : memref<1x4096xf32, #tpu.memory_space<hbm>> -> memref<4096xf32, #tpu.memory_space<hbm>>
    %dma_start3A_904 = arith.constant 0 : i32
    %dma_start3A_905 = tpu.memref_slice %arg10[%dma_start3A_894, %dma_start3A_904] : memref<2x4096xf32, #tpu.memory_space<vmem>> -> memref<1x4096xf32, #tpu.memory_space<vmem>>
    %dma_start3A_906 = tpu.memref_squeeze %dma_start3A_905 : memref<1x4096xf32, #tpu.memory_space<vmem>> -> memref<4096xf32, #tpu.memory_space<vmem>>
    tpu.enqueue_dma source(%dma_start3A_906 : memref<4096xf32, #tpu.memory_space<vmem>>) target(%dma_start3A_903 : memref<4096xf32, #tpu.memory_space<hbm>>) target_semaphore(%arg14 : memref<!tpu.dma_semaphore, #tpu.memory_space<semaphore_mem>>)
    %add3A_907 = arith.constant 10 : i32
    %add3A_908 = arith.addi %mul3A_2, %add3A_907 : i32
    %jit3A_909 = arith.constant 16 : i32
    %div3A_910 = arith.divsi %add3A_908, %jit3A_909 : i32
    %sign3A_911 = arith.constant 0 : i32
    %sign3A_912 = arith.cmpi sgt, %add3A_908, %sign3A_911 : i32
    %sign3A_913 = arith.extui %sign3A_912 : i1 to i32
    %sign3A_914 = arith.constant 0 : i32
    %sign3A_915 = arith.cmpi slt, %add3A_908, %sign3A_914 : i32
    %sign3A_916 = arith.extui %sign3A_915 : i1 to i32
    %sign3A_917 = arith.subi %sign3A_913, %sign3A_916 : i32
    %sign3A_918 = arith.constant 0 : i32
    %sign3A_919 = arith.cmpi sgt, %jit3A_909, %sign3A_918 : i32
    %sign3A_920 = arith.extui %sign3A_919 : i1 to i32
    %sign3A_921 = arith.constant 0 : i32
    %sign3A_922 = arith.cmpi slt, %jit3A_909, %sign3A_921 : i32
    %sign3A_923 = arith.extui %sign3A_922 : i1 to i32
    %sign3A_924 = arith.subi %sign3A_920, %sign3A_923 : i32
    %ne3A_925 = arith.cmpi ne, %sign3A_917, %sign3A_924 : i32
    %rem3A_926 = arith.remsi %add3A_908, %jit3A_909 : i32
    %ne3A_927 = arith.constant 0 : i32
    %ne3A_928 = arith.cmpi ne, %rem3A_926, %ne3A_927 : i32
    %and3A_929 = arith.andi %ne3A_925, %ne3A_928 : i1
    %sub3A_930 = arith.constant 1 : i32
    %sub3A_931 = arith.subi %div3A_910, %sub3A_930 : i32
    %select_n3A_932 = arith.select %and3A_929, %sub3A_931, %div3A_910 : i32
    %jit3A_933 = arith.constant 16 : i32
    %eq3A_934 = arith.constant 0 : i32
    %eq3A_935 = arith.cmpi eq, %jit3A_933, %eq3A_934 : i32
    %jit3A_936 = arith.constant 1 : i32
    %select_n3A_937 = arith.select %eq3A_935, %jit3A_936, %jit3A_933 : i32
    %rem3A_938 = arith.remsi %add3A_908, %select_n3A_937 : i32
    %ne3A_939 = arith.constant 0 : i32
    %ne3A_940 = arith.cmpi ne, %rem3A_938, %ne3A_939 : i32
    %lt3A_941 = arith.constant 0 : i32
    %lt3A_942 = arith.cmpi slt, %rem3A_938, %lt3A_941 : i32
    %lt3A_943 = arith.constant 0 : i32
    %lt3A_944 = arith.cmpi slt, %select_n3A_937, %lt3A_943 : i32
    %ne3A_945 = arith.xori %lt3A_942, %lt3A_944 : i1
    %and3A_946 = arith.andi %ne3A_945, %ne3A_940 : i1
    %add3A_947 = arith.addi %rem3A_938, %select_n3A_937 : i32
    %select_n3A_948 = arith.select %and3A_946, %add3A_947, %rem3A_938 : i32
    %dma_start3A_949 = arith.constant 0 : i32
    %dma_start3A_950 = tpu.memref_slice %arg2[%select_n3A_932, %select_n3A_948, %dma_start3A_949] : memref<26x16x100000xf32, #tpu.memory_space<hbm>> -> memref<1x1x100000xf32, #tpu.memory_space<hbm>>
    %dma_start3A_951 = tpu.memref_squeeze %dma_start3A_950 : memref<1x1x100000xf32, #tpu.memory_space<hbm>> -> memref<100000xf32, #tpu.memory_space<hbm>>
    %dma_start3A_952 = arith.constant 0 : i32
    %dma_start3A_953 = tpu.memref_slice %arg2[%select_n3A_932, %select_n3A_948, %dma_start3A_952] : memref<26x16x100000xf32, #tpu.memory_space<hbm>> -> memref<1x1x100000xf32, #tpu.memory_space<hbm>>
    %dma_start3A_954 = tpu.memref_squeeze %dma_start3A_953 : memref<1x1x100000xf32, #tpu.memory_space<hbm>> -> memref<100000xf32, #tpu.memory_space<hbm>>
    tpu.enqueue_dma source(%dma_start3A_954 : memref<100000xf32, #tpu.memory_space<hbm>>) target(%arg8 : memref<100000xf32, #tpu.memory_space<vmem>>) target_semaphore(%arg13 : memref<!tpu.dma_semaphore, #tpu.memory_space<semaphore_mem>>)
    %dma_wait3A_955 = arith.constant 0 : i32
    %dma_wait3A_956 = tpu.memref_slice %arg2[%select_n3A_932, %select_n3A_948, %dma_wait3A_955] : memref<26x16x100000xf32, #tpu.memory_space<hbm>> -> memref<1x1x100000xf32, #tpu.memory_space<hbm>>
    %dma_wait3A_957 = tpu.memref_squeeze %dma_wait3A_956 : memref<1x1x100000xf32, #tpu.memory_space<hbm>> -> memref<100000xf32, #tpu.memory_space<hbm>>
    %dma_wait3A_958 = arith.constant 0 : i32
    %dma_wait3A_959 = tpu.memref_slice %arg2[%select_n3A_932, %select_n3A_948, %dma_wait3A_958] : memref<26x16x100000xf32, #tpu.memory_space<hbm>> -> memref<1x1x100000xf32, #tpu.memory_space<hbm>>
    %dma_wait3A_960 = tpu.memref_squeeze %dma_wait3A_959 : memref<1x1x100000xf32, #tpu.memory_space<hbm>> -> memref<100000xf32, #tpu.memory_space<hbm>>
    tpu.wait_dma2 semaphore(%arg13 : memref<!tpu.dma_semaphore, #tpu.memory_space<semaphore_mem>>) src(%dma_wait3A_960 : memref<100000xf32, #tpu.memory_space<hbm>>) dst(%arg8 : memref<100000xf32, #tpu.memory_space<vmem>>)
    %dma_wait3A_961 = arith.constant 0 : i32
    %dma_wait3A_962 = arith.constant 0 : i32
    %dma_wait3A_963 = tpu.memref_slice %arg10[%dma_wait3A_961, %dma_wait3A_962] : memref<2x4096xf32, #tpu.memory_space<vmem>> -> memref<1x4096xf32, #tpu.memory_space<vmem>>
    %dma_wait3A_964 = tpu.memref_squeeze %dma_wait3A_963 : memref<1x4096xf32, #tpu.memory_space<vmem>> -> memref<4096xf32, #tpu.memory_space<vmem>>
    %dma_wait3A_965 = arith.constant 0 : i32
    %dma_wait3A_966 = tpu.memref_slice %arg6[%add3A_730, %dma_wait3A_965] : memref<416x4096xf32, #tpu.memory_space<hbm>> -> memref<1x4096xf32, #tpu.memory_space<hbm>>
    %dma_wait3A_967 = tpu.memref_squeeze %dma_wait3A_966 : memref<1x4096xf32, #tpu.memory_space<hbm>> -> memref<4096xf32, #tpu.memory_space<hbm>>
    %dma_wait3A_968 = arith.constant 0 : i32
    %dma_wait3A_969 = tpu.memref_slice %arg6[%add3A_730, %dma_wait3A_968] : memref<416x4096xf32, #tpu.memory_space<hbm>> -> memref<1x4096xf32, #tpu.memory_space<hbm>>
    %dma_wait3A_970 = tpu.memref_squeeze %dma_wait3A_969 : memref<1x4096xf32, #tpu.memory_space<hbm>> -> memref<4096xf32, #tpu.memory_space<hbm>>
    %dma_wait3A_971 = arith.constant 0 : i32
    %dma_wait3A_972 = tpu.memref_slice %arg10[%dma_wait3A_961, %dma_wait3A_971] : memref<2x4096xf32, #tpu.memory_space<vmem>> -> memref<1x4096xf32, #tpu.memory_space<vmem>>
    %dma_wait3A_973 = tpu.memref_squeeze %dma_wait3A_972 : memref<1x4096xf32, #tpu.memory_space<vmem>> -> memref<4096xf32, #tpu.memory_space<vmem>>
    tpu.wait_dma2 semaphore(%arg14 : memref<!tpu.dma_semaphore, #tpu.memory_space<semaphore_mem>>) src(%dma_wait3A_973 : memref<4096xf32, #tpu.memory_space<vmem>>) dst(%dma_wait3A_970 : memref<4096xf32, #tpu.memory_space<hbm>>)
    %eq3A_974 = arith.cmpi eq, %select_n3A_932, %select_n3A : i32
    %jit3A_975 = arith.constant 0 : i32
    %jit3A_976 = arith.constant 1 : i32
    %select_n3A_977 = arith.select %eq3A_974, %jit3A_975, %jit3A_976 : i32
    %scan3A_978 = arith.constant 0 : i32
    %scan3A_979 = arith.constant 64 : i32
    %scan3A_980 = arith.addi %scan3A_978, %scan3A_979 : i32
    %scan3A_981 = arith.constant 1 : i32
    scf.for %scan3A_1207 = %scan3A_978 to %scan3A_980 step %scan3A_981  : i32 {
      %mul3A_1208 = arith.constant 4 : i32
      %mul3A_1209 = arith.muli %scan3A_1207, %mul3A_1208 : i32
      %add3A_1210 = arith.constant 0 : i32
      %add3A_1211 = arith.addi %mul3A_1209, %add3A_1210 : i32
      %mul3A_1212 = arith.constant 16 : i32
      %mul3A_1213 = arith.muli %add3A_1211, %mul3A_1212 : i32
      %get3A = arith.index_cast %select_n3A_977 : i32 to index
      %get3A_1214 = arith.index_cast %mul3A_1213 : i32 to index
      %get3A_1215 = tpu.vector_load %arg9[%get3A, %get3A_1214] {strides = array<i32>} : memref<2x4096xi32, #tpu.memory_space<vmem>>, vector<16xi32>,
      %gather3A = tpu.vector_load_idx %arg8[%get3A_1215] : memref<100000xf32, #tpu.memory_space<vmem>>[vector<16xi32>], vector<16xf32>,
      %mul3A_1216 = arith.constant 16 : i32
      %mul3A_1217 = arith.muli %add3A_1211, %mul3A_1216 : i32
      %swap3A = arith.constant 0 : i32
      %swap3A_1218 = arith.index_cast %swap3A : i32 to index
      %swap3A_1219 = arith.index_cast %mul3A_1217 : i32 to index
      %swap3A_1220 = tpu.vector_load %arg10[%swap3A_1218, %swap3A_1219] {strides = array<i32>} : memref<2x4096xf32, #tpu.memory_space<vmem>>, vector<16xf32>,
      tpu.vector_store %arg10[%swap3A_1218, %swap3A_1219], %gather3A {strides = array<i32>} : memref<2x4096xf32, #tpu.memory_space<vmem>>, vector<16xf32>,
      %mul3A_1221 = arith.constant 4 : i32
      %mul3A_1222 = arith.muli %scan3A_1207, %mul3A_1221 : i32
      %add3A_1223 = arith.constant 1 : i32
      %add3A_1224 = arith.addi %mul3A_1222, %add3A_1223 : i32
      %mul3A_1225 = arith.constant 16 : i32
      %mul3A_1226 = arith.muli %add3A_1224, %mul3A_1225 : i32
      %get3A_1227 = arith.index_cast %select_n3A_977 : i32 to index
      %get3A_1228 = arith.index_cast %mul3A_1226 : i32 to index
      %get3A_1229 = tpu.vector_load %arg9[%get3A_1227, %get3A_1228] {strides = array<i32>} : memref<2x4096xi32, #tpu.memory_space<vmem>>, vector<16xi32>,
      %gather3A_1230 = tpu.vector_load_idx %arg8[%get3A_1229] : memref<100000xf32, #tpu.memory_space<vmem>>[vector<16xi32>], vector<16xf32>,
      %mul3A_1231 = arith.constant 16 : i32
      %mul3A_1232 = arith.muli %add3A_1224, %mul3A_1231 : i32
      %swap3A_1233 = arith.constant 0 : i32
      %swap3A_1234 = arith.index_cast %swap3A_1233 : i32 to index
      %swap3A_1235 = arith.index_cast %mul3A_1232 : i32 to index
      %swap3A_1236 = tpu.vector_load %arg10[%swap3A_1234, %swap3A_1235] {strides = array<i32>} : memref<2x4096xf32, #tpu.memory_space<vmem>>, vector<16xf32>,
      tpu.vector_store %arg10[%swap3A_1234, %swap3A_1235], %gather3A_1230 {strides = array<i32>} : memref<2x4096xf32, #tpu.memory_space<vmem>>, vector<16xf32>,
      %mul3A_1237 = arith.constant 4 : i32
      %mul3A_1238 = arith.muli %scan3A_1207, %mul3A_1237 : i32
      %add3A_1239 = arith.constant 2 : i32
      %add3A_1240 = arith.addi %mul3A_1238, %add3A_1239 : i32
      %mul3A_1241 = arith.constant 16 : i32
      %mul3A_1242 = arith.muli %add3A_1240, %mul3A_1241 : i32
      %get3A_1243 = arith.index_cast %select_n3A_977 : i32 to index
      %get3A_1244 = arith.index_cast %mul3A_1242 : i32 to index
      %get3A_1245 = tpu.vector_load %arg9[%get3A_1243, %get3A_1244] {strides = array<i32>} : memref<2x4096xi32, #tpu.memory_space<vmem>>, vector<16xi32>,
      %gather3A_1246 = tpu.vector_load_idx %arg8[%get3A_1245] : memref<100000xf32, #tpu.memory_space<vmem>>[vector<16xi32>], vector<16xf32>,
      %mul3A_1247 = arith.constant 16 : i32
      %mul3A_1248 = arith.muli %add3A_1240, %mul3A_1247 : i32
      %swap3A_1249 = arith.constant 0 : i32
      %swap3A_1250 = arith.index_cast %swap3A_1249 : i32 to index
      %swap3A_1251 = arith.index_cast %mul3A_1248 : i32 to index
      %swap3A_1252 = tpu.vector_load %arg10[%swap3A_1250, %swap3A_1251] {strides = array<i32>} : memref<2x4096xf32, #tpu.memory_space<vmem>>, vector<16xf32>,
      tpu.vector_store %arg10[%swap3A_1250, %swap3A_1251], %gather3A_1246 {strides = array<i32>} : memref<2x4096xf32, #tpu.memory_space<vmem>>, vector<16xf32>,
      %mul3A_1253 = arith.constant 4 : i32
      %mul3A_1254 = arith.muli %scan3A_1207, %mul3A_1253 : i32
      %add3A_1255 = arith.constant 3 : i32
      %add3A_1256 = arith.addi %mul3A_1254, %add3A_1255 : i32
      %mul3A_1257 = arith.constant 16 : i32
      %mul3A_1258 = arith.muli %add3A_1256, %mul3A_1257 : i32
      %get3A_1259 = arith.index_cast %select_n3A_977 : i32 to index
      %get3A_1260 = arith.index_cast %mul3A_1258 : i32 to index
      %get3A_1261 = tpu.vector_load %arg9[%get3A_1259, %get3A_1260] {strides = array<i32>} : memref<2x4096xi32, #tpu.memory_space<vmem>>, vector<16xi32>,
      %gather3A_1262 = tpu.vector_load_idx %arg8[%get3A_1261] : memref<100000xf32, #tpu.memory_space<vmem>>[vector<16xi32>], vector<16xf32>,
      %mul3A_1263 = arith.constant 16 : i32
      %mul3A_1264 = arith.muli %add3A_1256, %mul3A_1263 : i32
      %swap3A_1265 = arith.constant 0 : i32
      %swap3A_1266 = arith.index_cast %swap3A_1265 : i32 to index
      %swap3A_1267 = arith.index_cast %mul3A_1264 : i32 to index
      %swap3A_1268 = tpu.vector_load %arg10[%swap3A_1266, %swap3A_1267] {strides = array<i32>} : memref<2x4096xf32, #tpu.memory_space<vmem>>, vector<16xf32>,
      tpu.vector_store %arg10[%swap3A_1266, %swap3A_1267], %gather3A_1262 {strides = array<i32>} : memref<2x4096xf32, #tpu.memory_space<vmem>>, vector<16xf32>,
    }
    %scan3A_982 = arith.constant 64 : i32
    %dma_start3A_983 = arith.constant 0 : i32
    %dma_start3A_984 = arith.constant 0 : i32
    %dma_start3A_985 = tpu.memref_slice %arg10[%dma_start3A_983, %dma_start3A_984] : memref<2x4096xf32, #tpu.memory_space<vmem>> -> memref<1x4096xf32, #tpu.memory_space<vmem>>
    %dma_start3A_986 = tpu.memref_squeeze %dma_start3A_985 : memref<1x4096xf32, #tpu.memory_space<vmem>> -> memref<4096xf32, #tpu.memory_space<vmem>>
    %dma_start3A_987 = arith.constant 0 : i32
    %dma_start3A_988 = tpu.memref_slice %arg6[%add3A_908, %dma_start3A_987] : memref<416x4096xf32, #tpu.memory_space<hbm>> -> memref<1x4096xf32, #tpu.memory_space<hbm>>
    %dma_start3A_989 = tpu.memref_squeeze %dma_start3A_988 : memref<1x4096xf32, #tpu.memory_space<hbm>> -> memref<4096xf32, #tpu.memory_space<hbm>>
    %dma_start3A_990 = arith.constant 0 : i32
    %dma_start3A_991 = tpu.memref_slice %arg6[%add3A_908, %dma_start3A_990] : memref<416x4096xf32, #tpu.memory_space<hbm>> -> memref<1x4096xf32, #tpu.memory_space<hbm>>
    %dma_start3A_992 = tpu.memref_squeeze %dma_start3A_991 : memref<1x4096xf32, #tpu.memory_space<hbm>> -> memref<4096xf32, #tpu.memory_space<hbm>>
    %dma_start3A_993 = arith.constant 0 : i32
    %dma_start3A_994 = tpu.memref_slice %arg10[%dma_start3A_983, %dma_start3A_993] : memref<2x4096xf32, #tpu.memory_space<vmem>> -> memref<1x4096xf32, #tpu.memory_space<vmem>>
    %dma_start3A_995 = tpu.memref_squeeze %dma_start3A_994 : memref<1x4096xf32, #tpu.memory_space<vmem>> -> memref<4096xf32, #tpu.memory_space<vmem>>
    tpu.enqueue_dma source(%dma_start3A_995 : memref<4096xf32, #tpu.memory_space<vmem>>) target(%dma_start3A_992 : memref<4096xf32, #tpu.memory_space<hbm>>) target_semaphore(%arg14 : memref<!tpu.dma_semaphore, #tpu.memory_space<semaphore_mem>>)
    %add3A_996 = arith.constant 11 : i32
    %add3A_997 = arith.addi %mul3A_2, %add3A_996 : i32
    %jit3A_998 = arith.constant 16 : i32
    %div3A_999 = arith.divsi %add3A_997, %jit3A_998 : i32
    %sign3A_1000 = arith.constant 0 : i32
    %sign3A_1001 = arith.cmpi sgt, %add3A_997, %sign3A_1000 : i32
    %sign3A_1002 = arith.extui %sign3A_1001 : i1 to i32
    %sign3A_1003 = arith.constant 0 : i32
    %sign3A_1004 = arith.cmpi slt, %add3A_997, %sign3A_1003 : i32
    %sign3A_1005 = arith.extui %sign3A_1004 : i1 to i32
    %sign3A_1006 = arith.subi %sign3A_1002, %sign3A_1005 : i32
    %sign3A_1007 = arith.constant 0 : i32
    %sign3A_1008 = arith.cmpi sgt, %jit3A_998, %sign3A_1007 : i32
    %sign3A_1009 = arith.extui %sign3A_1008 : i1 to i32
    %sign3A_1010 = arith.constant 0 : i32
    %sign3A_1011 = arith.cmpi slt, %jit3A_998, %sign3A_1010 : i32
    %sign3A_1012 = arith.extui %sign3A_1011 : i1 to i32
    %sign3A_1013 = arith.subi %sign3A_1009, %sign3A_1012 : i32
    %ne3A_1014 = arith.cmpi ne, %sign3A_1006, %sign3A_1013 : i32
    %rem3A_1015 = arith.remsi %add3A_997, %jit3A_998 : i32
    %ne3A_1016 = arith.constant 0 : i32
    %ne3A_1017 = arith.cmpi ne, %rem3A_1015, %ne3A_1016 : i32
    %and3A_1018 = arith.andi %ne3A_1014, %ne3A_1017 : i1
    %sub3A_1019 = arith.constant 1 : i32
    %sub3A_1020 = arith.subi %div3A_999, %sub3A_1019 : i32
    %select_n3A_1021 = arith.select %and3A_1018, %sub3A_1020, %div3A_999 : i32
    %jit3A_1022 = arith.constant 16 : i32
    %eq3A_1023 = arith.constant 0 : i32
    %eq3A_1024 = arith.cmpi eq, %jit3A_1022, %eq3A_1023 : i32
    %jit3A_1025 = arith.constant 1 : i32
    %select_n3A_1026 = arith.select %eq3A_1024, %jit3A_1025, %jit3A_1022 : i32
    %rem3A_1027 = arith.remsi %add3A_997, %select_n3A_1026 : i32
    %ne3A_1028 = arith.constant 0 : i32
    %ne3A_1029 = arith.cmpi ne, %rem3A_1027, %ne3A_1028 : i32
    %lt3A_1030 = arith.constant 0 : i32
    %lt3A_1031 = arith.cmpi slt, %rem3A_1027, %lt3A_1030 : i32
    %lt3A_1032 = arith.constant 0 : i32
    %lt3A_1033 = arith.cmpi slt, %select_n3A_1026, %lt3A_1032 : i32
    %ne3A_1034 = arith.xori %lt3A_1031, %lt3A_1033 : i1
    %and3A_1035 = arith.andi %ne3A_1034, %ne3A_1029 : i1
    %add3A_1036 = arith.addi %rem3A_1027, %select_n3A_1026 : i32
    %select_n3A_1037 = arith.select %and3A_1035, %add3A_1036, %rem3A_1027 : i32
    %dma_start3A_1038 = arith.constant 0 : i32
    %dma_start3A_1039 = tpu.memref_slice %arg2[%select_n3A_1021, %select_n3A_1037, %dma_start3A_1038] : memref<26x16x100000xf32, #tpu.memory_space<hbm>> -> memref<1x1x100000xf32, #tpu.memory_space<hbm>>
    %dma_start3A_1040 = tpu.memref_squeeze %dma_start3A_1039 : memref<1x1x100000xf32, #tpu.memory_space<hbm>> -> memref<100000xf32, #tpu.memory_space<hbm>>
    %dma_start3A_1041 = arith.constant 0 : i32
    %dma_start3A_1042 = tpu.memref_slice %arg2[%select_n3A_1021, %select_n3A_1037, %dma_start3A_1041] : memref<26x16x100000xf32, #tpu.memory_space<hbm>> -> memref<1x1x100000xf32, #tpu.memory_space<hbm>>
    %dma_start3A_1043 = tpu.memref_squeeze %dma_start3A_1042 : memref<1x1x100000xf32, #tpu.memory_space<hbm>> -> memref<100000xf32, #tpu.memory_space<hbm>>
    tpu.enqueue_dma source(%dma_start3A_1043 : memref<100000xf32, #tpu.memory_space<hbm>>) target(%arg8 : memref<100000xf32, #tpu.memory_space<vmem>>) target_semaphore(%arg13 : memref<!tpu.dma_semaphore, #tpu.memory_space<semaphore_mem>>)
    %dma_wait3A_1044 = arith.constant 0 : i32
    %dma_wait3A_1045 = tpu.memref_slice %arg2[%select_n3A_1021, %select_n3A_1037, %dma_wait3A_1044] : memref<26x16x100000xf32, #tpu.memory_space<hbm>> -> memref<1x1x100000xf32, #tpu.memory_space<hbm>>
    %dma_wait3A_1046 = tpu.memref_squeeze %dma_wait3A_1045 : memref<1x1x100000xf32, #tpu.memory_space<hbm>> -> memref<100000xf32, #tpu.memory_space<hbm>>
    %dma_wait3A_1047 = arith.constant 0 : i32
    %dma_wait3A_1048 = tpu.memref_slice %arg2[%select_n3A_1021, %select_n3A_1037, %dma_wait3A_1047] : memref<26x16x100000xf32, #tpu.memory_space<hbm>> -> memref<1x1x100000xf32, #tpu.memory_space<hbm>>
    %dma_wait3A_1049 = tpu.memref_squeeze %dma_wait3A_1048 : memref<1x1x100000xf32, #tpu.memory_space<hbm>> -> memref<100000xf32, #tpu.memory_space<hbm>>
    tpu.wait_dma2 semaphore(%arg13 : memref<!tpu.dma_semaphore, #tpu.memory_space<semaphore_mem>>) src(%dma_wait3A_1049 : memref<100000xf32, #tpu.memory_space<hbm>>) dst(%arg8 : memref<100000xf32, #tpu.memory_space<vmem>>)
    %dma_wait3A_1050 = arith.constant 1 : i32
    %dma_wait3A_1051 = arith.constant 0 : i32
    %dma_wait3A_1052 = tpu.memref_slice %arg10[%dma_wait3A_1050, %dma_wait3A_1051] : memref<2x4096xf32, #tpu.memory_space<vmem>> -> memref<1x4096xf32, #tpu.memory_space<vmem>>
    %dma_wait3A_1053 = tpu.memref_squeeze %dma_wait3A_1052 : memref<1x4096xf32, #tpu.memory_space<vmem>> -> memref<4096xf32, #tpu.memory_space<vmem>>
    %dma_wait3A_1054 = arith.constant 0 : i32
    %dma_wait3A_1055 = tpu.memref_slice %arg6[%add3A_819, %dma_wait3A_1054] : memref<416x4096xf32, #tpu.memory_space<hbm>> -> memref<1x4096xf32, #tpu.memory_space<hbm>>
    %dma_wait3A_1056 = tpu.memref_squeeze %dma_wait3A_1055 : memref<1x4096xf32, #tpu.memory_space<hbm>> -> memref<4096xf32, #tpu.memory_space<hbm>>
    %dma_wait3A_1057 = arith.constant 0 : i32
    %dma_wait3A_1058 = tpu.memref_slice %arg6[%add3A_819, %dma_wait3A_1057] : memref<416x4096xf32, #tpu.memory_space<hbm>> -> memref<1x4096xf32, #tpu.memory_space<hbm>>
    %dma_wait3A_1059 = tpu.memref_squeeze %dma_wait3A_1058 : memref<1x4096xf32, #tpu.memory_space<hbm>> -> memref<4096xf32, #tpu.memory_space<hbm>>
    %dma_wait3A_1060 = arith.constant 0 : i32
    %dma_wait3A_1061 = tpu.memref_slice %arg10[%dma_wait3A_1050, %dma_wait3A_1060] : memref<2x4096xf32, #tpu.memory_space<vmem>> -> memref<1x4096xf32, #tpu.memory_space<vmem>>
    %dma_wait3A_1062 = tpu.memref_squeeze %dma_wait3A_1061 : memref<1x4096xf32, #tpu.memory_space<vmem>> -> memref<4096xf32, #tpu.memory_space<vmem>>
    tpu.wait_dma2 semaphore(%arg14 : memref<!tpu.dma_semaphore, #tpu.memory_space<semaphore_mem>>) src(%dma_wait3A_1062 : memref<4096xf32, #tpu.memory_space<vmem>>) dst(%dma_wait3A_1059 : memref<4096xf32, #tpu.memory_space<hbm>>)
    %eq3A_1063 = arith.cmpi eq, %select_n3A_1021, %select_n3A : i32
    %jit3A_1064 = arith.constant 0 : i32
    %jit3A_1065 = arith.constant 1 : i32
    %select_n3A_1066 = arith.select %eq3A_1063, %jit3A_1064, %jit3A_1065 : i32
    %scan3A_1067 = arith.constant 0 : i32
    %scan3A_1068 = arith.constant 64 : i32
    %scan3A_1069 = arith.addi %scan3A_1067, %scan3A_1068 : i32
    %scan3A_1070 = arith.constant 1 : i32
    scf.for %scan3A_1207 = %scan3A_1067 to %scan3A_1069 step %scan3A_1070  : i32 {
      %mul3A_1208 = arith.constant 4 : i32
      %mul3A_1209 = arith.muli %scan3A_1207, %mul3A_1208 : i32
      %add3A_1210 = arith.constant 0 : i32
      %add3A_1211 = arith.addi %mul3A_1209, %add3A_1210 : i32
      %mul3A_1212 = arith.constant 16 : i32
      %mul3A_1213 = arith.muli %add3A_1211, %mul3A_1212 : i32
      %get3A = arith.index_cast %select_n3A_1066 : i32 to index
      %get3A_1214 = arith.index_cast %mul3A_1213 : i32 to index
      %get3A_1215 = tpu.vector_load %arg9[%get3A, %get3A_1214] {strides = array<i32>} : memref<2x4096xi32, #tpu.memory_space<vmem>>, vector<16xi32>,
      %gather3A = tpu.vector_load_idx %arg8[%get3A_1215] : memref<100000xf32, #tpu.memory_space<vmem>>[vector<16xi32>], vector<16xf32>,
      %mul3A_1216 = arith.constant 16 : i32
      %mul3A_1217 = arith.muli %add3A_1211, %mul3A_1216 : i32
      %swap3A = arith.constant 1 : i32
      %swap3A_1218 = arith.index_cast %swap3A : i32 to index
      %swap3A_1219 = arith.index_cast %mul3A_1217 : i32 to index
      %swap3A_1220 = tpu.vector_load %arg10[%swap3A_1218, %swap3A_1219] {strides = array<i32>} : memref<2x4096xf32, #tpu.memory_space<vmem>>, vector<16xf32>,
      tpu.vector_store %arg10[%swap3A_1218, %swap3A_1219], %gather3A {strides = array<i32>} : memref<2x4096xf32, #tpu.memory_space<vmem>>, vector<16xf32>,
      %mul3A_1221 = arith.constant 4 : i32
      %mul3A_1222 = arith.muli %scan3A_1207, %mul3A_1221 : i32
      %add3A_1223 = arith.constant 1 : i32
      %add3A_1224 = arith.addi %mul3A_1222, %add3A_1223 : i32
      %mul3A_1225 = arith.constant 16 : i32
      %mul3A_1226 = arith.muli %add3A_1224, %mul3A_1225 : i32
      %get3A_1227 = arith.index_cast %select_n3A_1066 : i32 to index
      %get3A_1228 = arith.index_cast %mul3A_1226 : i32 to index
      %get3A_1229 = tpu.vector_load %arg9[%get3A_1227, %get3A_1228] {strides = array<i32>} : memref<2x4096xi32, #tpu.memory_space<vmem>>, vector<16xi32>,
      %gather3A_1230 = tpu.vector_load_idx %arg8[%get3A_1229] : memref<100000xf32, #tpu.memory_space<vmem>>[vector<16xi32>], vector<16xf32>,
      %mul3A_1231 = arith.constant 16 : i32
      %mul3A_1232 = arith.muli %add3A_1224, %mul3A_1231 : i32
      %swap3A_1233 = arith.constant 1 : i32
      %swap3A_1234 = arith.index_cast %swap3A_1233 : i32 to index
      %swap3A_1235 = arith.index_cast %mul3A_1232 : i32 to index
      %swap3A_1236 = tpu.vector_load %arg10[%swap3A_1234, %swap3A_1235] {strides = array<i32>} : memref<2x4096xf32, #tpu.memory_space<vmem>>, vector<16xf32>,
      tpu.vector_store %arg10[%swap3A_1234, %swap3A_1235], %gather3A_1230 {strides = array<i32>} : memref<2x4096xf32, #tpu.memory_space<vmem>>, vector<16xf32>,
      %mul3A_1237 = arith.constant 4 : i32
      %mul3A_1238 = arith.muli %scan3A_1207, %mul3A_1237 : i32
      %add3A_1239 = arith.constant 2 : i32
      %add3A_1240 = arith.addi %mul3A_1238, %add3A_1239 : i32
      %mul3A_1241 = arith.constant 16 : i32
      %mul3A_1242 = arith.muli %add3A_1240, %mul3A_1241 : i32
      %get3A_1243 = arith.index_cast %select_n3A_1066 : i32 to index
      %get3A_1244 = arith.index_cast %mul3A_1242 : i32 to index
      %get3A_1245 = tpu.vector_load %arg9[%get3A_1243, %get3A_1244] {strides = array<i32>} : memref<2x4096xi32, #tpu.memory_space<vmem>>, vector<16xi32>,
      %gather3A_1246 = tpu.vector_load_idx %arg8[%get3A_1245] : memref<100000xf32, #tpu.memory_space<vmem>>[vector<16xi32>], vector<16xf32>,
      %mul3A_1247 = arith.constant 16 : i32
      %mul3A_1248 = arith.muli %add3A_1240, %mul3A_1247 : i32
      %swap3A_1249 = arith.constant 1 : i32
      %swap3A_1250 = arith.index_cast %swap3A_1249 : i32 to index
      %swap3A_1251 = arith.index_cast %mul3A_1248 : i32 to index
      %swap3A_1252 = tpu.vector_load %arg10[%swap3A_1250, %swap3A_1251] {strides = array<i32>} : memref<2x4096xf32, #tpu.memory_space<vmem>>, vector<16xf32>,
      tpu.vector_store %arg10[%swap3A_1250, %swap3A_1251], %gather3A_1246 {strides = array<i32>} : memref<2x4096xf32, #tpu.memory_space<vmem>>, vector<16xf32>,
      %mul3A_1253 = arith.constant 4 : i32
      %mul3A_1254 = arith.muli %scan3A_1207, %mul3A_1253 : i32
      %add3A_1255 = arith.constant 3 : i32
      %add3A_1256 = arith.addi %mul3A_1254, %add3A_1255 : i32
      %mul3A_1257 = arith.constant 16 : i32
      %mul3A_1258 = arith.muli %add3A_1256, %mul3A_1257 : i32
      %get3A_1259 = arith.index_cast %select_n3A_1066 : i32 to index
      %get3A_1260 = arith.index_cast %mul3A_1258 : i32 to index
      %get3A_1261 = tpu.vector_load %arg9[%get3A_1259, %get3A_1260] {strides = array<i32>} : memref<2x4096xi32, #tpu.memory_space<vmem>>, vector<16xi32>,
      %gather3A_1262 = tpu.vector_load_idx %arg8[%get3A_1261] : memref<100000xf32, #tpu.memory_space<vmem>>[vector<16xi32>], vector<16xf32>,
      %mul3A_1263 = arith.constant 16 : i32
      %mul3A_1264 = arith.muli %add3A_1256, %mul3A_1263 : i32
      %swap3A_1265 = arith.constant 1 : i32
      %swap3A_1266 = arith.index_cast %swap3A_1265 : i32 to index
      %swap3A_1267 = arith.index_cast %mul3A_1264 : i32 to index
      %swap3A_1268 = tpu.vector_load %arg10[%swap3A_1266, %swap3A_1267] {strides = array<i32>} : memref<2x4096xf32, #tpu.memory_space<vmem>>, vector<16xf32>,
      tpu.vector_store %arg10[%swap3A_1266, %swap3A_1267], %gather3A_1262 {strides = array<i32>} : memref<2x4096xf32, #tpu.memory_space<vmem>>, vector<16xf32>,
    }
    %scan3A_1071 = arith.constant 64 : i32
    %dma_start3A_1072 = arith.constant 1 : i32
    %dma_start3A_1073 = arith.constant 0 : i32
    %dma_start3A_1074 = tpu.memref_slice %arg10[%dma_start3A_1072, %dma_start3A_1073] : memref<2x4096xf32, #tpu.memory_space<vmem>> -> memref<1x4096xf32, #tpu.memory_space<vmem>>
    %dma_start3A_1075 = tpu.memref_squeeze %dma_start3A_1074 : memref<1x4096xf32, #tpu.memory_space<vmem>> -> memref<4096xf32, #tpu.memory_space<vmem>>
    %dma_start3A_1076 = arith.constant 0 : i32
    %dma_start3A_1077 = tpu.memref_slice %arg6[%add3A_997, %dma_start3A_1076] : memref<416x4096xf32, #tpu.memory_space<hbm>> -> memref<1x4096xf32, #tpu.memory_space<hbm>>
    %dma_start3A_1078 = tpu.memref_squeeze %dma_start3A_1077 : memref<1x4096xf32, #tpu.memory_space<hbm>> -> memref<4096xf32, #tpu.memory_space<hbm>>
    %dma_start3A_1079 = arith.constant 0 : i32
    %dma_start3A_1080 = tpu.memref_slice %arg6[%add3A_997, %dma_start3A_1079] : memref<416x4096xf32, #tpu.memory_space<hbm>> -> memref<1x4096xf32, #tpu.memory_space<hbm>>
    %dma_start3A_1081 = tpu.memref_squeeze %dma_start3A_1080 : memref<1x4096xf32, #tpu.memory_space<hbm>> -> memref<4096xf32, #tpu.memory_space<hbm>>
    %dma_start3A_1082 = arith.constant 0 : i32
    %dma_start3A_1083 = tpu.memref_slice %arg10[%dma_start3A_1072, %dma_start3A_1082] : memref<2x4096xf32, #tpu.memory_space<vmem>> -> memref<1x4096xf32, #tpu.memory_space<vmem>>
    %dma_start3A_1084 = tpu.memref_squeeze %dma_start3A_1083 : memref<1x4096xf32, #tpu.memory_space<vmem>> -> memref<4096xf32, #tpu.memory_space<vmem>>
    tpu.enqueue_dma source(%dma_start3A_1084 : memref<4096xf32, #tpu.memory_space<vmem>>) target(%dma_start3A_1081 : memref<4096xf32, #tpu.memory_space<hbm>>) target_semaphore(%arg14 : memref<!tpu.dma_semaphore, #tpu.memory_space<semaphore_mem>>)
    %add3A_1085 = arith.constant 12 : i32
    %add3A_1086 = arith.addi %mul3A_2, %add3A_1085 : i32
    %jit3A_1087 = arith.constant 16 : i32
    %div3A_1088 = arith.divsi %add3A_1086, %jit3A_1087 : i32
    %sign3A_1089 = arith.constant 0 : i32
    %sign3A_1090 = arith.cmpi sgt, %add3A_1086, %sign3A_1089 : i32
    %sign3A_1091 = arith.extui %sign3A_1090 : i1 to i32
    %sign3A_1092 = arith.constant 0 : i32
    %sign3A_1093 = arith.cmpi slt, %add3A_1086, %sign3A_1092 : i32
    %sign3A_1094 = arith.extui %sign3A_1093 : i1 to i32
    %sign3A_1095 = arith.subi %sign3A_1091, %sign3A_1094 : i32
    %sign3A_1096 = arith.constant 0 : i32
    %sign3A_1097 = arith.cmpi sgt, %jit3A_1087, %sign3A_1096 : i32
    %sign3A_1098 = arith.extui %sign3A_1097 : i1 to i32
    %sign3A_1099 = arith.constant 0 : i32
    %sign3A_1100 = arith.cmpi slt, %jit3A_1087, %sign3A_1099 : i32
    %sign3A_1101 = arith.extui %sign3A_1100 : i1 to i32
    %sign3A_1102 = arith.subi %sign3A_1098, %sign3A_1101 : i32
    %ne3A_1103 = arith.cmpi ne, %sign3A_1095, %sign3A_1102 : i32
    %rem3A_1104 = arith.remsi %add3A_1086, %jit3A_1087 : i32
    %ne3A_1105 = arith.constant 0 : i32
    %ne3A_1106 = arith.cmpi ne, %rem3A_1104, %ne3A_1105 : i32
    %and3A_1107 = arith.andi %ne3A_1103, %ne3A_1106 : i1
    %sub3A_1108 = arith.constant 1 : i32
    %sub3A_1109 = arith.subi %div3A_1088, %sub3A_1108 : i32
    %select_n3A_1110 = arith.select %and3A_1107, %sub3A_1109, %div3A_1088 : i32
    %jit3A_1111 = arith.constant 16 : i32
    %eq3A_1112 = arith.constant 0 : i32
    %eq3A_1113 = arith.cmpi eq, %jit3A_1111, %eq3A_1112 : i32
    %jit3A_1114 = arith.constant 1 : i32
    %select_n3A_1115 = arith.select %eq3A_1113, %jit3A_1114, %jit3A_1111 : i32
    %rem3A_1116 = arith.remsi %add3A_1086, %select_n3A_1115 : i32
    %ne3A_1117 = arith.constant 0 : i32
    %ne3A_1118 = arith.cmpi ne, %rem3A_1116, %ne3A_1117 : i32
    %lt3A_1119 = arith.constant 0 : i32
    %lt3A_1120 = arith.cmpi slt, %rem3A_1116, %lt3A_1119 : i32
    %lt3A_1121 = arith.constant 0 : i32
    %lt3A_1122 = arith.cmpi slt, %select_n3A_1115, %lt3A_1121 : i32
    %ne3A_1123 = arith.xori %lt3A_1120, %lt3A_1122 : i1
    %and3A_1124 = arith.andi %ne3A_1123, %ne3A_1118 : i1
    %add3A_1125 = arith.addi %rem3A_1116, %select_n3A_1115 : i32
    %select_n3A_1126 = arith.select %and3A_1124, %add3A_1125, %rem3A_1116 : i32
    %dma_start3A_1127 = arith.constant 0 : i32
    %dma_start3A_1128 = tpu.memref_slice %arg2[%select_n3A_1110, %select_n3A_1126, %dma_start3A_1127] : memref<26x16x100000xf32, #tpu.memory_space<hbm>> -> memref<1x1x100000xf32, #tpu.memory_space<hbm>>
    %dma_start3A_1129 = tpu.memref_squeeze %dma_start3A_1128 : memref<1x1x100000xf32, #tpu.memory_space<hbm>> -> memref<100000xf32, #tpu.memory_space<hbm>>
    %dma_start3A_1130 = arith.constant 0 : i32
    %dma_start3A_1131 = tpu.memref_slice %arg2[%select_n3A_1110, %select_n3A_1126, %dma_start3A_1130] : memref<26x16x100000xf32, #tpu.memory_space<hbm>> -> memref<1x1x100000xf32, #tpu.memory_space<hbm>>
    %dma_start3A_1132 = tpu.memref_squeeze %dma_start3A_1131 : memref<1x1x100000xf32, #tpu.memory_space<hbm>> -> memref<100000xf32, #tpu.memory_space<hbm>>
    tpu.enqueue_dma source(%dma_start3A_1132 : memref<100000xf32, #tpu.memory_space<hbm>>) target(%arg8 : memref<100000xf32, #tpu.memory_space<vmem>>) target_semaphore(%arg13 : memref<!tpu.dma_semaphore, #tpu.memory_space<semaphore_mem>>)
    %dma_wait3A_1133 = arith.constant 0 : i32
    %dma_wait3A_1134 = tpu.memref_slice %arg2[%select_n3A_1110, %select_n3A_1126, %dma_wait3A_1133] : memref<26x16x100000xf32, #tpu.memory_space<hbm>> -> memref<1x1x100000xf32, #tpu.memory_space<hbm>>
    %dma_wait3A_1135 = tpu.memref_squeeze %dma_wait3A_1134 : memref<1x1x100000xf32, #tpu.memory_space<hbm>> -> memref<100000xf32, #tpu.memory_space<hbm>>
    %dma_wait3A_1136 = arith.constant 0 : i32
    %dma_wait3A_1137 = tpu.memref_slice %arg2[%select_n3A_1110, %select_n3A_1126, %dma_wait3A_1136] : memref<26x16x100000xf32, #tpu.memory_space<hbm>> -> memref<1x1x100000xf32, #tpu.memory_space<hbm>>
    %dma_wait3A_1138 = tpu.memref_squeeze %dma_wait3A_1137 : memref<1x1x100000xf32, #tpu.memory_space<hbm>> -> memref<100000xf32, #tpu.memory_space<hbm>>
    tpu.wait_dma2 semaphore(%arg13 : memref<!tpu.dma_semaphore, #tpu.memory_space<semaphore_mem>>) src(%dma_wait3A_1138 : memref<100000xf32, #tpu.memory_space<hbm>>) dst(%arg8 : memref<100000xf32, #tpu.memory_space<vmem>>)
    %dma_wait3A_1139 = arith.constant 0 : i32
    %dma_wait3A_1140 = arith.constant 0 : i32
    %dma_wait3A_1141 = tpu.memref_slice %arg10[%dma_wait3A_1139, %dma_wait3A_1140] : memref<2x4096xf32, #tpu.memory_space<vmem>> -> memref<1x4096xf32, #tpu.memory_space<vmem>>
    %dma_wait3A_1142 = tpu.memref_squeeze %dma_wait3A_1141 : memref<1x4096xf32, #tpu.memory_space<vmem>> -> memref<4096xf32, #tpu.memory_space<vmem>>
    %dma_wait3A_1143 = arith.constant 0 : i32
    %dma_wait3A_1144 = tpu.memref_slice %arg6[%add3A_908, %dma_wait3A_1143] : memref<416x4096xf32, #tpu.memory_space<hbm>> -> memref<1x4096xf32, #tpu.memory_space<hbm>>
    %dma_wait3A_1145 = tpu.memref_squeeze %dma_wait3A_1144 : memref<1x4096xf32, #tpu.memory_space<hbm>> -> memref<4096xf32, #tpu.memory_space<hbm>>
    %dma_wait3A_1146 = arith.constant 0 : i32
    %dma_wait3A_1147 = tpu.memref_slice %arg6[%add3A_908, %dma_wait3A_1146] : memref<416x4096xf32, #tpu.memory_space<hbm>> -> memref<1x4096xf32, #tpu.memory_space<hbm>>
    %dma_wait3A_1148 = tpu.memref_squeeze %dma_wait3A_1147 : memref<1x4096xf32, #tpu.memory_space<hbm>> -> memref<4096xf32, #tpu.memory_space<hbm>>
    %dma_wait3A_1149 = arith.constant 0 : i32
    %dma_wait3A_1150 = tpu.memref_slice %arg10[%dma_wait3A_1139, %dma_wait3A_1149] : memref<2x4096xf32, #tpu.memory_space<vmem>> -> memref<1x4096xf32, #tpu.memory_space<vmem>>
    %dma_wait3A_1151 = tpu.memref_squeeze %dma_wait3A_1150 : memref<1x4096xf32, #tpu.memory_space<vmem>> -> memref<4096xf32, #tpu.memory_space<vmem>>
    tpu.wait_dma2 semaphore(%arg14 : memref<!tpu.dma_semaphore, #tpu.memory_space<semaphore_mem>>) src(%dma_wait3A_1151 : memref<4096xf32, #tpu.memory_space<vmem>>) dst(%dma_wait3A_1148 : memref<4096xf32, #tpu.memory_space<hbm>>)
    %eq3A_1152 = arith.cmpi eq, %select_n3A_1110, %select_n3A : i32
    %jit3A_1153 = arith.constant 0 : i32
    %jit3A_1154 = arith.constant 1 : i32
    %select_n3A_1155 = arith.select %eq3A_1152, %jit3A_1153, %jit3A_1154 : i32
    %scan3A_1156 = arith.constant 0 : i32
    %scan3A_1157 = arith.constant 64 : i32
    %scan3A_1158 = arith.addi %scan3A_1156, %scan3A_1157 : i32
    %scan3A_1159 = arith.constant 1 : i32
    scf.for %scan3A_1207 = %scan3A_1156 to %scan3A_1158 step %scan3A_1159  : i32 {
      %mul3A_1208 = arith.constant 4 : i32
      %mul3A_1209 = arith.muli %scan3A_1207, %mul3A_1208 : i32
      %add3A_1210 = arith.constant 0 : i32
      %add3A_1211 = arith.addi %mul3A_1209, %add3A_1210 : i32
      %mul3A_1212 = arith.constant 16 : i32
      %mul3A_1213 = arith.muli %add3A_1211, %mul3A_1212 : i32
      %get3A = arith.index_cast %select_n3A_1155 : i32 to index
      %get3A_1214 = arith.index_cast %mul3A_1213 : i32 to index
      %get3A_1215 = tpu.vector_load %arg9[%get3A, %get3A_1214] {strides = array<i32>} : memref<2x4096xi32, #tpu.memory_space<vmem>>, vector<16xi32>,
      %gather3A = tpu.vector_load_idx %arg8[%get3A_1215] : memref<100000xf32, #tpu.memory_space<vmem>>[vector<16xi32>], vector<16xf32>,
      %mul3A_1216 = arith.constant 16 : i32
      %mul3A_1217 = arith.muli %add3A_1211, %mul3A_1216 : i32
      %swap3A = arith.constant 0 : i32
      %swap3A_1218 = arith.index_cast %swap3A : i32 to index
      %swap3A_1219 = arith.index_cast %mul3A_1217 : i32 to index
      %swap3A_1220 = tpu.vector_load %arg10[%swap3A_1218, %swap3A_1219] {strides = array<i32>} : memref<2x4096xf32, #tpu.memory_space<vmem>>, vector<16xf32>,
      tpu.vector_store %arg10[%swap3A_1218, %swap3A_1219], %gather3A {strides = array<i32>} : memref<2x4096xf32, #tpu.memory_space<vmem>>, vector<16xf32>,
      %mul3A_1221 = arith.constant 4 : i32
      %mul3A_1222 = arith.muli %scan3A_1207, %mul3A_1221 : i32
      %add3A_1223 = arith.constant 1 : i32
      %add3A_1224 = arith.addi %mul3A_1222, %add3A_1223 : i32
      %mul3A_1225 = arith.constant 16 : i32
      %mul3A_1226 = arith.muli %add3A_1224, %mul3A_1225 : i32
      %get3A_1227 = arith.index_cast %select_n3A_1155 : i32 to index
      %get3A_1228 = arith.index_cast %mul3A_1226 : i32 to index
      %get3A_1229 = tpu.vector_load %arg9[%get3A_1227, %get3A_1228] {strides = array<i32>} : memref<2x4096xi32, #tpu.memory_space<vmem>>, vector<16xi32>,
      %gather3A_1230 = tpu.vector_load_idx %arg8[%get3A_1229] : memref<100000xf32, #tpu.memory_space<vmem>>[vector<16xi32>], vector<16xf32>,
      %mul3A_1231 = arith.constant 16 : i32
      %mul3A_1232 = arith.muli %add3A_1224, %mul3A_1231 : i32
      %swap3A_1233 = arith.constant 0 : i32
      %swap3A_1234 = arith.index_cast %swap3A_1233 : i32 to index
      %swap3A_1235 = arith.index_cast %mul3A_1232 : i32 to index
      %swap3A_1236 = tpu.vector_load %arg10[%swap3A_1234, %swap3A_1235] {strides = array<i32>} : memref<2x4096xf32, #tpu.memory_space<vmem>>, vector<16xf32>,
      tpu.vector_store %arg10[%swap3A_1234, %swap3A_1235], %gather3A_1230 {strides = array<i32>} : memref<2x4096xf32, #tpu.memory_space<vmem>>, vector<16xf32>,
      %mul3A_1237 = arith.constant 4 : i32
      %mul3A_1238 = arith.muli %scan3A_1207, %mul3A_1237 : i32
      %add3A_1239 = arith.constant 2 : i32
      %add3A_1240 = arith.addi %mul3A_1238, %add3A_1239 : i32
      %mul3A_1241 = arith.constant 16 : i32
      %mul3A_1242 = arith.muli %add3A_1240, %mul3A_1241 : i32
      %get3A_1243 = arith.index_cast %select_n3A_1155 : i32 to index
      %get3A_1244 = arith.index_cast %mul3A_1242 : i32 to index
      %get3A_1245 = tpu.vector_load %arg9[%get3A_1243, %get3A_1244] {strides = array<i32>} : memref<2x4096xi32, #tpu.memory_space<vmem>>, vector<16xi32>,
      %gather3A_1246 = tpu.vector_load_idx %arg8[%get3A_1245] : memref<100000xf32, #tpu.memory_space<vmem>>[vector<16xi32>], vector<16xf32>,
      %mul3A_1247 = arith.constant 16 : i32
      %mul3A_1248 = arith.muli %add3A_1240, %mul3A_1247 : i32
      %swap3A_1249 = arith.constant 0 : i32
      %swap3A_1250 = arith.index_cast %swap3A_1249 : i32 to index
      %swap3A_1251 = arith.index_cast %mul3A_1248 : i32 to index
      %swap3A_1252 = tpu.vector_load %arg10[%swap3A_1250, %swap3A_1251] {strides = array<i32>} : memref<2x4096xf32, #tpu.memory_space<vmem>>, vector<16xf32>,
      tpu.vector_store %arg10[%swap3A_1250, %swap3A_1251], %gather3A_1246 {strides = array<i32>} : memref<2x4096xf32, #tpu.memory_space<vmem>>, vector<16xf32>,
      %mul3A_1253 = arith.constant 4 : i32
      %mul3A_1254 = arith.muli %scan3A_1207, %mul3A_1253 : i32
      %add3A_1255 = arith.constant 3 : i32
      %add3A_1256 = arith.addi %mul3A_1254, %add3A_1255 : i32
      %mul3A_1257 = arith.constant 16 : i32
      %mul3A_1258 = arith.muli %add3A_1256, %mul3A_1257 : i32
      %get3A_1259 = arith.index_cast %select_n3A_1155 : i32 to index
      %get3A_1260 = arith.index_cast %mul3A_1258 : i32 to index
      %get3A_1261 = tpu.vector_load %arg9[%get3A_1259, %get3A_1260] {strides = array<i32>} : memref<2x4096xi32, #tpu.memory_space<vmem>>, vector<16xi32>,
      %gather3A_1262 = tpu.vector_load_idx %arg8[%get3A_1261] : memref<100000xf32, #tpu.memory_space<vmem>>[vector<16xi32>], vector<16xf32>,
      %mul3A_1263 = arith.constant 16 : i32
      %mul3A_1264 = arith.muli %add3A_1256, %mul3A_1263 : i32
      %swap3A_1265 = arith.constant 0 : i32
      %swap3A_1266 = arith.index_cast %swap3A_1265 : i32 to index
      %swap3A_1267 = arith.index_cast %mul3A_1264 : i32 to index
      %swap3A_1268 = tpu.vector_load %arg10[%swap3A_1266, %swap3A_1267] {strides = array<i32>} : memref<2x4096xf32, #tpu.memory_space<vmem>>, vector<16xf32>,
      tpu.vector_store %arg10[%swap3A_1266, %swap3A_1267], %gather3A_1262 {strides = array<i32>} : memref<2x4096xf32, #tpu.memory_space<vmem>>, vector<16xf32>,
    }
    %scan3A_1160 = arith.constant 64 : i32
    %dma_start3A_1161 = arith.constant 0 : i32
    %dma_start3A_1162 = arith.constant 0 : i32
    %dma_start3A_1163 = tpu.memref_slice %arg10[%dma_start3A_1161, %dma_start3A_1162] : memref<2x4096xf32, #tpu.memory_space<vmem>> -> memref<1x4096xf32, #tpu.memory_space<vmem>>
    %dma_start3A_1164 = tpu.memref_squeeze %dma_start3A_1163 : memref<1x4096xf32, #tpu.memory_space<vmem>> -> memref<4096xf32, #tpu.memory_space<vmem>>
    %dma_start3A_1165 = arith.constant 0 : i32
    %dma_start3A_1166 = tpu.memref_slice %arg6[%add3A_1086, %dma_start3A_1165] : memref<416x4096xf32, #tpu.memory_space<hbm>> -> memref<1x4096xf32, #tpu.memory_space<hbm>>
    %dma_start3A_1167 = tpu.memref_squeeze %dma_start3A_1166 : memref<1x4096xf32, #tpu.memory_space<hbm>> -> memref<4096xf32, #tpu.memory_space<hbm>>
    %dma_start3A_1168 = arith.constant 0 : i32
    %dma_start3A_1169 = tpu.memref_slice %arg6[%add3A_1086, %dma_start3A_1168] : memref<416x4096xf32, #tpu.memory_space<hbm>> -> memref<1x4096xf32, #tpu.memory_space<hbm>>
    %dma_start3A_1170 = tpu.memref_squeeze %dma_start3A_1169 : memref<1x4096xf32, #tpu.memory_space<hbm>> -> memref<4096xf32, #tpu.memory_space<hbm>>
    %dma_start3A_1171 = arith.constant 0 : i32
    %dma_start3A_1172 = tpu.memref_slice %arg10[%dma_start3A_1161, %dma_start3A_1171] : memref<2x4096xf32, #tpu.memory_space<vmem>> -> memref<1x4096xf32, #tpu.memory_space<vmem>>
    %dma_start3A_1173 = tpu.memref_squeeze %dma_start3A_1172 : memref<1x4096xf32, #tpu.memory_space<vmem>> -> memref<4096xf32, #tpu.memory_space<vmem>>
    tpu.enqueue_dma source(%dma_start3A_1173 : memref<4096xf32, #tpu.memory_space<vmem>>) target(%dma_start3A_1170 : memref<4096xf32, #tpu.memory_space<hbm>>) target_semaphore(%arg14 : memref<!tpu.dma_semaphore, #tpu.memory_space<semaphore_mem>>)
    %dma_wait3A_1174 = arith.constant 0 : i32
    %dma_wait3A_1175 = arith.constant 0 : i32
    %dma_wait3A_1176 = tpu.memref_slice %arg10[%dma_wait3A_1174, %dma_wait3A_1175] : memref<2x4096xf32, #tpu.memory_space<vmem>> -> memref<1x4096xf32, #tpu.memory_space<vmem>>
    %dma_wait3A_1177 = tpu.memref_squeeze %dma_wait3A_1176 : memref<1x4096xf32, #tpu.memory_space<vmem>> -> memref<4096xf32, #tpu.memory_space<vmem>>
    %dma_wait3A_1178 = arith.constant 0 : i32
    %dma_wait3A_1179 = tpu.memref_slice %arg6[%add3A_1086, %dma_wait3A_1178] : memref<416x4096xf32, #tpu.memory_space<hbm>> -> memref<1x4096xf32, #tpu.memory_space<hbm>>
    %dma_wait3A_1180 = tpu.memref_squeeze %dma_wait3A_1179 : memref<1x4096xf32, #tpu.memory_space<hbm>> -> memref<4096xf32, #tpu.memory_space<hbm>>
    %dma_wait3A_1181 = arith.constant 0 : i32
    %dma_wait3A_1182 = tpu.memref_slice %arg6[%add3A_1086, %dma_wait3A_1181] : memref<416x4096xf32, #tpu.memory_space<hbm>> -> memref<1x4096xf32, #tpu.memory_space<hbm>>
    %dma_wait3A_1183 = tpu.memref_squeeze %dma_wait3A_1182 : memref<1x4096xf32, #tpu.memory_space<hbm>> -> memref<4096xf32, #tpu.memory_space<hbm>>
    %dma_wait3A_1184 = arith.constant 0 : i32
    %dma_wait3A_1185 = tpu.memref_slice %arg10[%dma_wait3A_1174, %dma_wait3A_1184] : memref<2x4096xf32, #tpu.memory_space<vmem>> -> memref<1x4096xf32, #tpu.memory_space<vmem>>
    %dma_wait3A_1186 = tpu.memref_squeeze %dma_wait3A_1185 : memref<1x4096xf32, #tpu.memory_space<vmem>> -> memref<4096xf32, #tpu.memory_space<vmem>>
    tpu.wait_dma2 semaphore(%arg14 : memref<!tpu.dma_semaphore, #tpu.memory_space<semaphore_mem>>) src(%dma_wait3A_1186 : memref<4096xf32, #tpu.memory_space<vmem>>) dst(%dma_wait3A_1183 : memref<4096xf32, #tpu.memory_space<hbm>>)
    %dma_wait3A_1187 = arith.constant 1 : i32
    %dma_wait3A_1188 = arith.constant 0 : i32
    %dma_wait3A_1189 = tpu.memref_slice %arg10[%dma_wait3A_1187, %dma_wait3A_1188] : memref<2x4096xf32, #tpu.memory_space<vmem>> -> memref<1x4096xf32, #tpu.memory_space<vmem>>
    %dma_wait3A_1190 = tpu.memref_squeeze %dma_wait3A_1189 : memref<1x4096xf32, #tpu.memory_space<vmem>> -> memref<4096xf32, #tpu.memory_space<vmem>>
    %dma_wait3A_1191 = arith.constant 0 : i32
    %dma_wait3A_1192 = tpu.memref_slice %arg6[%add3A_997, %dma_wait3A_1191] : memref<416x4096xf32, #tpu.memory_space<hbm>> -> memref<1x4096xf32, #tpu.memory_space<hbm>>
    %dma_wait3A_1193 = tpu.memref_squeeze %dma_wait3A_1192 : memref<1x4096xf32, #tpu.memory_space<hbm>> -> memref<4096xf32, #tpu.memory_space<hbm>>
    %dma_wait3A_1194 = arith.constant 0 : i32
    %dma_wait3A_1195 = tpu.memref_slice %arg6[%add3A_997, %dma_wait3A_1194] : memref<416x4096xf32, #tpu.memory_space<hbm>> -> memref<1x4096xf32, #tpu.memory_space<hbm>>
    %dma_wait3A_1196 = tpu.memref_squeeze %dma_wait3A_1195 : memref<1x4096xf32, #tpu.memory_space<hbm>> -> memref<4096xf32, #tpu.memory_space<hbm>>
    %dma_wait3A_1197 = arith.constant 0 : i32
    %dma_wait3A_1198 = tpu.memref_slice %arg10[%dma_wait3A_1187, %dma_wait3A_1197] : memref<2x4096xf32, #tpu.memory_space<vmem>> -> memref<1x4096xf32, #tpu.memory_space<vmem>>
    %dma_wait3A_1199 = tpu.memref_squeeze %dma_wait3A_1198 : memref<1x4096xf32, #tpu.memory_space<vmem>> -> memref<4096xf32, #tpu.memory_space<vmem>>
    tpu.wait_dma2 semaphore(%arg14 : memref<!tpu.dma_semaphore, #tpu.memory_space<semaphore_mem>>) src(%dma_wait3A_1199 : memref<4096xf32, #tpu.memory_space<vmem>>) dst(%dma_wait3A_1196 : memref<4096xf32, #tpu.memory_space<hbm>>)
    "tpu.region"() ({
      %run_scoped3A_1207 = tpu.sem_alloc : memref<!tpu.dma_semaphore, #tpu.memory_space<semaphore_mem>>
      tpu.enqueue_dma source(%arg3 : memref<100000xf32, #tpu.memory_space<hbm>>) target(%arg8 : memref<100000xf32, #tpu.memory_space<vmem>>) target_semaphore(%run_scoped3A_1207 : memref<!tpu.dma_semaphore, #tpu.memory_space<semaphore_mem>>)
      tpu.wait_dma2 semaphore(%run_scoped3A_1207 : memref<!tpu.dma_semaphore, #tpu.memory_space<semaphore_mem>>) src(%arg3 : memref<100000xf32, #tpu.memory_space<hbm>>) dst(%arg8 : memref<100000xf32, #tpu.memory_space<vmem>>)
      tpu.yield
    }) : () -> ()
    "tpu.region"() ({
      %run_scoped3A_1207 = tpu.sem_alloc : memref<!tpu.dma_semaphore, #tpu.memory_space<semaphore_mem>>
      %dma_start3A_1208 = arith.constant 0 : i32
      %dma_start3A_1209 = arith.constant 0 : i32
      %dma_start3A_1210 = tpu.memref_slice %arg5[%add3A, %dma_start3A_1208, %dma_start3A_1209] : memref<32x26x128xi32, #tpu.memory_space<hbm>> -> memref<1x26x128xi32, #tpu.memory_space<hbm>>
      %dma_start3A_1211 = tpu.memref_squeeze %dma_start3A_1210 : memref<1x26x128xi32, #tpu.memory_space<hbm>> -> memref<26x128xi32, #tpu.memory_space<hbm>>
      %dma_start3A_1212 = arith.constant 0 : i32
      %dma_start3A_1213 = arith.constant 0 : i32
      %dma_start3A_1214 = tpu.memref_slice %arg5[%add3A, %dma_start3A_1212, %dma_start3A_1213] : memref<32x26x128xi32, #tpu.memory_space<hbm>> -> memref<1x26x128xi32, #tpu.memory_space<hbm>>
      %dma_start3A_1215 = tpu.memref_squeeze %dma_start3A_1214 : memref<1x26x128xi32, #tpu.memory_space<hbm>> -> memref<26x128xi32, #tpu.memory_space<hbm>>
      tpu.enqueue_dma source(%dma_start3A_1215 : memref<26x128xi32, #tpu.memory_space<hbm>>) target(%arg11 : memref<26x128xi32, #tpu.memory_space<vmem>>) target_semaphore(%run_scoped3A_1207 : memref<!tpu.dma_semaphore, #tpu.memory_space<semaphore_mem>>)
      %dma_wait3A_1216 = arith.constant 0 : i32
      %dma_wait3A_1217 = arith.constant 0 : i32
      %dma_wait3A_1218 = tpu.memref_slice %arg5[%add3A, %dma_wait3A_1216, %dma_wait3A_1217] : memref<32x26x128xi32, #tpu.memory_space<hbm>> -> memref<1x26x128xi32, #tpu.memory_space<hbm>>
      %dma_wait3A_1219 = tpu.memref_squeeze %dma_wait3A_1218 : memref<1x26x128xi32, #tpu.memory_space<hbm>> -> memref<26x128xi32, #tpu.memory_space<hbm>>
      %dma_wait3A_1220 = arith.constant 0 : i32
      %dma_wait3A_1221 = arith.constant 0 : i32
      %dma_wait3A_1222 = tpu.memref_slice %arg5[%add3A, %dma_wait3A_1220, %dma_wait3A_1221] : memref<32x26x128xi32, #tpu.memory_space<hbm>> -> memref<1x26x128xi32, #tpu.memory_space<hbm>>
      %dma_wait3A_1223 = tpu.memref_squeeze %dma_wait3A_1222 : memref<1x26x128xi32, #tpu.memory_space<hbm>> -> memref<26x128xi32, #tpu.memory_space<hbm>>
      tpu.wait_dma2 semaphore(%run_scoped3A_1207 : memref<!tpu.dma_semaphore, #tpu.memory_space<semaphore_mem>>) src(%dma_wait3A_1223 : memref<26x128xi32, #tpu.memory_space<hbm>>) dst(%arg11 : memref<26x128xi32, #tpu.memory_space<vmem>>)
      tpu.yield
    }) : () -> ()
    %scan3A_1200 = arith.constant 0 : i32
    %scan3A_1201 = arith.constant 8 : i32
    %scan3A_1202 = arith.addi %scan3A_1200, %scan3A_1201 : i32
    %scan3A_1203 = arith.constant 1 : i32
    scf.for %scan3A_1207 = %scan3A_1200 to %scan3A_1202 step %scan3A_1203  : i32 {
      %broadcast_in_dim3A = arith.constant 0.000000e+00 : f32
      %broadcast_in_dim3A_1208 = vector.broadcast %broadcast_in_dim3A : f32 to vector<16xf32>
      %mul3A_1209 = arith.constant 16 : i32
      %mul3A_1210 = arith.muli %scan3A_1207, %mul3A_1209 : i32
      %get3A = arith.constant 0 : i32
      %get3A_1211 = arith.index_cast %get3A : i32 to index
      %get3A_1212 = arith.index_cast %mul3A_1210 : i32 to index
      %get3A_1213 = tpu.vector_load %arg11[%get3A_1211, %get3A_1212] {strides = array<i32>} : memref<26x128xi32, #tpu.memory_space<vmem>>, vector<16xi32>,
      %gather3A = tpu.vector_load_idx %arg8[%get3A_1213] : memref<100000xf32, #tpu.memory_space<vmem>>[vector<16xi32>], vector<16xf32>,
      %add3A_1214 = arith.addf %broadcast_in_dim3A_1208, %gather3A : vector<16xf32>
      %mul3A_1215 = arith.constant 16 : i32
      %mul3A_1216 = arith.muli %scan3A_1207, %mul3A_1215 : i32
      %get3A_1217 = arith.constant 1 : i32
      %get3A_1218 = arith.index_cast %get3A_1217 : i32 to index
      %get3A_1219 = arith.index_cast %mul3A_1216 : i32 to index
      %get3A_1220 = tpu.vector_load %arg11[%get3A_1218, %get3A_1219] {strides = array<i32>} : memref<26x128xi32, #tpu.memory_space<vmem>>, vector<16xi32>,
      %gather3A_1221 = tpu.vector_load_idx %arg8[%get3A_1220] : memref<100000xf32, #tpu.memory_space<vmem>>[vector<16xi32>], vector<16xf32>,
      %add3A_1222 = arith.addf %add3A_1214, %gather3A_1221 : vector<16xf32>
      %mul3A_1223 = arith.constant 16 : i32
      %mul3A_1224 = arith.muli %scan3A_1207, %mul3A_1223 : i32
      %get3A_1225 = arith.constant 2 : i32
      %get3A_1226 = arith.index_cast %get3A_1225 : i32 to index
      %get3A_1227 = arith.index_cast %mul3A_1224 : i32 to index
      %get3A_1228 = tpu.vector_load %arg11[%get3A_1226, %get3A_1227] {strides = array<i32>} : memref<26x128xi32, #tpu.memory_space<vmem>>, vector<16xi32>,
      %gather3A_1229 = tpu.vector_load_idx %arg8[%get3A_1228] : memref<100000xf32, #tpu.memory_space<vmem>>[vector<16xi32>], vector<16xf32>,
      %add3A_1230 = arith.addf %add3A_1222, %gather3A_1229 : vector<16xf32>
      %mul3A_1231 = arith.constant 16 : i32
      %mul3A_1232 = arith.muli %scan3A_1207, %mul3A_1231 : i32
      %get3A_1233 = arith.constant 3 : i32
      %get3A_1234 = arith.index_cast %get3A_1233 : i32 to index
      %get3A_1235 = arith.index_cast %mul3A_1232 : i32 to index
      %get3A_1236 = tpu.vector_load %arg11[%get3A_1234, %get3A_1235] {strides = array<i32>} : memref<26x128xi32, #tpu.memory_space<vmem>>, vector<16xi32>,
      %gather3A_1237 = tpu.vector_load_idx %arg8[%get3A_1236] : memref<100000xf32, #tpu.memory_space<vmem>>[vector<16xi32>], vector<16xf32>,
      %add3A_1238 = arith.addf %add3A_1230, %gather3A_1237 : vector<16xf32>
      %mul3A_1239 = arith.constant 16 : i32
      %mul3A_1240 = arith.muli %scan3A_1207, %mul3A_1239 : i32
      %get3A_1241 = arith.constant 4 : i32
      %get3A_1242 = arith.index_cast %get3A_1241 : i32 to index
      %get3A_1243 = arith.index_cast %mul3A_1240 : i32 to index
      %get3A_1244 = tpu.vector_load %arg11[%get3A_1242, %get3A_1243] {strides = array<i32>} : memref<26x128xi32, #tpu.memory_space<vmem>>, vector<16xi32>,
      %gather3A_1245 = tpu.vector_load_idx %arg8[%get3A_1244] : memref<100000xf32, #tpu.memory_space<vmem>>[vector<16xi32>], vector<16xf32>,
      %add3A_1246 = arith.addf %add3A_1238, %gather3A_1245 : vector<16xf32>
      %mul3A_1247 = arith.constant 16 : i32
      %mul3A_1248 = arith.muli %scan3A_1207, %mul3A_1247 : i32
      %get3A_1249 = arith.constant 5 : i32
      %get3A_1250 = arith.index_cast %get3A_1249 : i32 to index
      %get3A_1251 = arith.index_cast %mul3A_1248 : i32 to index
      %get3A_1252 = tpu.vector_load %arg11[%get3A_1250, %get3A_1251] {strides = array<i32>} : memref<26x128xi32, #tpu.memory_space<vmem>>, vector<16xi32>,
      %gather3A_1253 = tpu.vector_load_idx %arg8[%get3A_1252] : memref<100000xf32, #tpu.memory_space<vmem>>[vector<16xi32>], vector<16xf32>,
      %add3A_1254 = arith.addf %add3A_1246, %gather3A_1253 : vector<16xf32>
      %mul3A_1255 = arith.constant 16 : i32
      %mul3A_1256 = arith.muli %scan3A_1207, %mul3A_1255 : i32
      %get3A_1257 = arith.constant 6 : i32
      %get3A_1258 = arith.index_cast %get3A_1257 : i32 to index
      %get3A_1259 = arith.index_cast %mul3A_1256 : i32 to index
      %get3A_1260 = tpu.vector_load %arg11[%get3A_1258, %get3A_1259] {strides = array<i32>} : memref<26x128xi32, #tpu.memory_space<vmem>>, vector<16xi32>,
      %gather3A_1261 = tpu.vector_load_idx %arg8[%get3A_1260] : memref<100000xf32, #tpu.memory_space<vmem>>[vector<16xi32>], vector<16xf32>,
      %add3A_1262 = arith.addf %add3A_1254, %gather3A_1261 : vector<16xf32>
      %mul3A_1263 = arith.constant 16 : i32
      %mul3A_1264 = arith.muli %scan3A_1207, %mul3A_1263 : i32
      %get3A_1265 = arith.constant 7 : i32
      %get3A_1266 = arith.index_cast %get3A_1265 : i32 to index
      %get3A_1267 = arith.index_cast %mul3A_1264 : i32 to index
      %get3A_1268 = tpu.vector_load %arg11[%get3A_1266, %get3A_1267] {strides = array<i32>} : memref<26x128xi32, #tpu.memory_space<vmem>>, vector<16xi32>,
      %gather3A_1269 = tpu.vector_load_idx %arg8[%get3A_1268] : memref<100000xf32, #tpu.memory_space<vmem>>[vector<16xi32>], vector<16xf32>,
      %add3A_1270 = arith.addf %add3A_1262, %gather3A_1269 : vector<16xf32>
      %mul3A_1271 = arith.constant 16 : i32
      %mul3A_1272 = arith.muli %scan3A_1207, %mul3A_1271 : i32
      %get3A_1273 = arith.constant 8 : i32
      %get3A_1274 = arith.index_cast %get3A_1273 : i32 to index
      %get3A_1275 = arith.index_cast %mul3A_1272 : i32 to index
      %get3A_1276 = tpu.vector_load %arg11[%get3A_1274, %get3A_1275] {strides = array<i32>} : memref<26x128xi32, #tpu.memory_space<vmem>>, vector<16xi32>,
      %gather3A_1277 = tpu.vector_load_idx %arg8[%get3A_1276] : memref<100000xf32, #tpu.memory_space<vmem>>[vector<16xi32>], vector<16xf32>,
      %add3A_1278 = arith.addf %add3A_1270, %gather3A_1277 : vector<16xf32>
      %mul3A_1279 = arith.constant 16 : i32
      %mul3A_1280 = arith.muli %scan3A_1207, %mul3A_1279 : i32
      %get3A_1281 = arith.constant 9 : i32
      %get3A_1282 = arith.index_cast %get3A_1281 : i32 to index
      %get3A_1283 = arith.index_cast %mul3A_1280 : i32 to index
      %get3A_1284 = tpu.vector_load %arg11[%get3A_1282, %get3A_1283] {strides = array<i32>} : memref<26x128xi32, #tpu.memory_space<vmem>>, vector<16xi32>,
      %gather3A_1285 = tpu.vector_load_idx %arg8[%get3A_1284] : memref<100000xf32, #tpu.memory_space<vmem>>[vector<16xi32>], vector<16xf32>,
      %add3A_1286 = arith.addf %add3A_1278, %gather3A_1285 : vector<16xf32>
      %mul3A_1287 = arith.constant 16 : i32
      %mul3A_1288 = arith.muli %scan3A_1207, %mul3A_1287 : i32
      %get3A_1289 = arith.constant 10 : i32
      %get3A_1290 = arith.index_cast %get3A_1289 : i32 to index
      %get3A_1291 = arith.index_cast %mul3A_1288 : i32 to index
      %get3A_1292 = tpu.vector_load %arg11[%get3A_1290, %get3A_1291] {strides = array<i32>} : memref<26x128xi32, #tpu.memory_space<vmem>>, vector<16xi32>,
      %gather3A_1293 = tpu.vector_load_idx %arg8[%get3A_1292] : memref<100000xf32, #tpu.memory_space<vmem>>[vector<16xi32>], vector<16xf32>,
      %add3A_1294 = arith.addf %add3A_1286, %gather3A_1293 : vector<16xf32>
      %mul3A_1295 = arith.constant 16 : i32
      %mul3A_1296 = arith.muli %scan3A_1207, %mul3A_1295 : i32
      %get3A_1297 = arith.constant 11 : i32
      %get3A_1298 = arith.index_cast %get3A_1297 : i32 to index
      %get3A_1299 = arith.index_cast %mul3A_1296 : i32 to index
      %get3A_1300 = tpu.vector_load %arg11[%get3A_1298, %get3A_1299] {strides = array<i32>} : memref<26x128xi32, #tpu.memory_space<vmem>>, vector<16xi32>,
      %gather3A_1301 = tpu.vector_load_idx %arg8[%get3A_1300] : memref<100000xf32, #tpu.memory_space<vmem>>[vector<16xi32>], vector<16xf32>,
      %add3A_1302 = arith.addf %add3A_1294, %gather3A_1301 : vector<16xf32>
      %mul3A_1303 = arith.constant 16 : i32
      %mul3A_1304 = arith.muli %scan3A_1207, %mul3A_1303 : i32
      %get3A_1305 = arith.constant 12 : i32
      %get3A_1306 = arith.index_cast %get3A_1305 : i32 to index
      %get3A_1307 = arith.index_cast %mul3A_1304 : i32 to index
      %get3A_1308 = tpu.vector_load %arg11[%get3A_1306, %get3A_1307] {strides = array<i32>} : memref<26x128xi32, #tpu.memory_space<vmem>>, vector<16xi32>,
      %gather3A_1309 = tpu.vector_load_idx %arg8[%get3A_1308] : memref<100000xf32, #tpu.memory_space<vmem>>[vector<16xi32>], vector<16xf32>,
      %add3A_1310 = arith.addf %add3A_1302, %gather3A_1309 : vector<16xf32>
      %mul3A_1311 = arith.constant 16 : i32
      %mul3A_1312 = arith.muli %scan3A_1207, %mul3A_1311 : i32
      %get3A_1313 = arith.constant 13 : i32
      %get3A_1314 = arith.index_cast %get3A_1313 : i32 to index
      %get3A_1315 = arith.index_cast %mul3A_1312 : i32 to index
      %get3A_1316 = tpu.vector_load %arg11[%get3A_1314, %get3A_1315] {strides = array<i32>} : memref<26x128xi32, #tpu.memory_space<vmem>>, vector<16xi32>,
      %gather3A_1317 = tpu.vector_load_idx %arg8[%get3A_1316] : memref<100000xf32, #tpu.memory_space<vmem>>[vector<16xi32>], vector<16xf32>,
      %add3A_1318 = arith.addf %add3A_1310, %gather3A_1317 : vector<16xf32>
      %mul3A_1319 = arith.constant 16 : i32
      %mul3A_1320 = arith.muli %scan3A_1207, %mul3A_1319 : i32
      %get3A_1321 = arith.constant 14 : i32
      %get3A_1322 = arith.index_cast %get3A_1321 : i32 to index
      %get3A_1323 = arith.index_cast %mul3A_1320 : i32 to index
      %get3A_1324 = tpu.vector_load %arg11[%get3A_1322, %get3A_1323] {strides = array<i32>} : memref<26x128xi32, #tpu.memory_space<vmem>>, vector<16xi32>,
      %gather3A_1325 = tpu.vector_load_idx %arg8[%get3A_1324] : memref<100000xf32, #tpu.memory_space<vmem>>[vector<16xi32>], vector<16xf32>,
      %add3A_1326 = arith.addf %add3A_1318, %gather3A_1325 : vector<16xf32>
      %mul3A_1327 = arith.constant 16 : i32
      %mul3A_1328 = arith.muli %scan3A_1207, %mul3A_1327 : i32
      %get3A_1329 = arith.constant 15 : i32
      %get3A_1330 = arith.index_cast %get3A_1329 : i32 to index
      %get3A_1331 = arith.index_cast %mul3A_1328 : i32 to index
      %get3A_1332 = tpu.vector_load %arg11[%get3A_1330, %get3A_1331] {strides = array<i32>} : memref<26x128xi32, #tpu.memory_space<vmem>>, vector<16xi32>,
      %gather3A_1333 = tpu.vector_load_idx %arg8[%get3A_1332] : memref<100000xf32, #tpu.memory_space<vmem>>[vector<16xi32>], vector<16xf32>,
      %add3A_1334 = arith.addf %add3A_1326, %gather3A_1333 : vector<16xf32>
      %mul3A_1335 = arith.constant 16 : i32
      %mul3A_1336 = arith.muli %scan3A_1207, %mul3A_1335 : i32
      %get3A_1337 = arith.constant 16 : i32
      %get3A_1338 = arith.index_cast %get3A_1337 : i32 to index
      %get3A_1339 = arith.index_cast %mul3A_1336 : i32 to index
      %get3A_1340 = tpu.vector_load %arg11[%get3A_1338, %get3A_1339] {strides = array<i32>} : memref<26x128xi32, #tpu.memory_space<vmem>>, vector<16xi32>,
      %gather3A_1341 = tpu.vector_load_idx %arg8[%get3A_1340] : memref<100000xf32, #tpu.memory_space<vmem>>[vector<16xi32>], vector<16xf32>,
      %add3A_1342 = arith.addf %add3A_1334, %gather3A_1341 : vector<16xf32>
      %mul3A_1343 = arith.constant 16 : i32
      %mul3A_1344 = arith.muli %scan3A_1207, %mul3A_1343 : i32
      %get3A_1345 = arith.constant 17 : i32
      %get3A_1346 = arith.index_cast %get3A_1345 : i32 to index
      %get3A_1347 = arith.index_cast %mul3A_1344 : i32 to index
      %get3A_1348 = tpu.vector_load %arg11[%get3A_1346, %get3A_1347] {strides = array<i32>} : memref<26x128xi32, #tpu.memory_space<vmem>>, vector<16xi32>,
      %gather3A_1349 = tpu.vector_load_idx %arg8[%get3A_1348] : memref<100000xf32, #tpu.memory_space<vmem>>[vector<16xi32>], vector<16xf32>,
      %add3A_1350 = arith.addf %add3A_1342, %gather3A_1349 : vector<16xf32>
      %mul3A_1351 = arith.constant 16 : i32
      %mul3A_1352 = arith.muli %scan3A_1207, %mul3A_1351 : i32
      %get3A_1353 = arith.constant 18 : i32
      %get3A_1354 = arith.index_cast %get3A_1353 : i32 to index
      %get3A_1355 = arith.index_cast %mul3A_1352 : i32 to index
      %get3A_1356 = tpu.vector_load %arg11[%get3A_1354, %get3A_1355] {strides = array<i32>} : memref<26x128xi32, #tpu.memory_space<vmem>>, vector<16xi32>,
      %gather3A_1357 = tpu.vector_load_idx %arg8[%get3A_1356] : memref<100000xf32, #tpu.memory_space<vmem>>[vector<16xi32>], vector<16xf32>,
      %add3A_1358 = arith.addf %add3A_1350, %gather3A_1357 : vector<16xf32>
      %mul3A_1359 = arith.constant 16 : i32
      %mul3A_1360 = arith.muli %scan3A_1207, %mul3A_1359 : i32
      %get3A_1361 = arith.constant 19 : i32
      %get3A_1362 = arith.index_cast %get3A_1361 : i32 to index
      %get3A_1363 = arith.index_cast %mul3A_1360 : i32 to index
      %get3A_1364 = tpu.vector_load %arg11[%get3A_1362, %get3A_1363] {strides = array<i32>} : memref<26x128xi32, #tpu.memory_space<vmem>>, vector<16xi32>,
      %gather3A_1365 = tpu.vector_load_idx %arg8[%get3A_1364] : memref<100000xf32, #tpu.memory_space<vmem>>[vector<16xi32>], vector<16xf32>,
      %add3A_1366 = arith.addf %add3A_1358, %gather3A_1365 : vector<16xf32>
      %mul3A_1367 = arith.constant 16 : i32
      %mul3A_1368 = arith.muli %scan3A_1207, %mul3A_1367 : i32
      %get3A_1369 = arith.constant 20 : i32
      %get3A_1370 = arith.index_cast %get3A_1369 : i32 to index
      %get3A_1371 = arith.index_cast %mul3A_1368 : i32 to index
      %get3A_1372 = tpu.vector_load %arg11[%get3A_1370, %get3A_1371] {strides = array<i32>} : memref<26x128xi32, #tpu.memory_space<vmem>>, vector<16xi32>,
      %gather3A_1373 = tpu.vector_load_idx %arg8[%get3A_1372] : memref<100000xf32, #tpu.memory_space<vmem>>[vector<16xi32>], vector<16xf32>,
      %add3A_1374 = arith.addf %add3A_1366, %gather3A_1373 : vector<16xf32>
      %mul3A_1375 = arith.constant 16 : i32
      %mul3A_1376 = arith.muli %scan3A_1207, %mul3A_1375 : i32
      %get3A_1377 = arith.constant 21 : i32
      %get3A_1378 = arith.index_cast %get3A_1377 : i32 to index
      %get3A_1379 = arith.index_cast %mul3A_1376 : i32 to index
      %get3A_1380 = tpu.vector_load %arg11[%get3A_1378, %get3A_1379] {strides = array<i32>} : memref<26x128xi32, #tpu.memory_space<vmem>>, vector<16xi32>,
      %gather3A_1381 = tpu.vector_load_idx %arg8[%get3A_1380] : memref<100000xf32, #tpu.memory_space<vmem>>[vector<16xi32>], vector<16xf32>,
      %add3A_1382 = arith.addf %add3A_1374, %gather3A_1381 : vector<16xf32>
      %mul3A_1383 = arith.constant 16 : i32
      %mul3A_1384 = arith.muli %scan3A_1207, %mul3A_1383 : i32
      %get3A_1385 = arith.constant 22 : i32
      %get3A_1386 = arith.index_cast %get3A_1385 : i32 to index
      %get3A_1387 = arith.index_cast %mul3A_1384 : i32 to index
      %get3A_1388 = tpu.vector_load %arg11[%get3A_1386, %get3A_1387] {strides = array<i32>} : memref<26x128xi32, #tpu.memory_space<vmem>>, vector<16xi32>,
      %gather3A_1389 = tpu.vector_load_idx %arg8[%get3A_1388] : memref<100000xf32, #tpu.memory_space<vmem>>[vector<16xi32>], vector<16xf32>,
      %add3A_1390 = arith.addf %add3A_1382, %gather3A_1389 : vector<16xf32>
      %mul3A_1391 = arith.constant 16 : i32
      %mul3A_1392 = arith.muli %scan3A_1207, %mul3A_1391 : i32
      %get3A_1393 = arith.constant 23 : i32
      %get3A_1394 = arith.index_cast %get3A_1393 : i32 to index
      %get3A_1395 = arith.index_cast %mul3A_1392 : i32 to index
      %get3A_1396 = tpu.vector_load %arg11[%get3A_1394, %get3A_1395] {strides = array<i32>} : memref<26x128xi32, #tpu.memory_space<vmem>>, vector<16xi32>,
      %gather3A_1397 = tpu.vector_load_idx %arg8[%get3A_1396] : memref<100000xf32, #tpu.memory_space<vmem>>[vector<16xi32>], vector<16xf32>,
      %add3A_1398 = arith.addf %add3A_1390, %gather3A_1397 : vector<16xf32>
      %mul3A_1399 = arith.constant 16 : i32
      %mul3A_1400 = arith.muli %scan3A_1207, %mul3A_1399 : i32
      %get3A_1401 = arith.constant 24 : i32
      %get3A_1402 = arith.index_cast %get3A_1401 : i32 to index
      %get3A_1403 = arith.index_cast %mul3A_1400 : i32 to index
      %get3A_1404 = tpu.vector_load %arg11[%get3A_1402, %get3A_1403] {strides = array<i32>} : memref<26x128xi32, #tpu.memory_space<vmem>>, vector<16xi32>,
      %gather3A_1405 = tpu.vector_load_idx %arg8[%get3A_1404] : memref<100000xf32, #tpu.memory_space<vmem>>[vector<16xi32>], vector<16xf32>,
      %add3A_1406 = arith.addf %add3A_1398, %gather3A_1405 : vector<16xf32>
      %mul3A_1407 = arith.constant 16 : i32
      %mul3A_1408 = arith.muli %scan3A_1207, %mul3A_1407 : i32
      %get3A_1409 = arith.constant 25 : i32
      %get3A_1410 = arith.index_cast %get3A_1409 : i32 to index
      %get3A_1411 = arith.index_cast %mul3A_1408 : i32 to index
      %get3A_1412 = tpu.vector_load %arg11[%get3A_1410, %get3A_1411] {strides = array<i32>} : memref<26x128xi32, #tpu.memory_space<vmem>>, vector<16xi32>,
      %gather3A_1413 = tpu.vector_load_idx %arg8[%get3A_1412] : memref<100000xf32, #tpu.memory_space<vmem>>[vector<16xi32>], vector<16xf32>,
      %add3A_1414 = arith.addf %add3A_1406, %gather3A_1413 : vector<16xf32>
      %mul3A_1415 = arith.constant 16 : i32
      %mul3A_1416 = arith.muli %scan3A_1207, %mul3A_1415 : i32
      %swap3A = arith.index_cast %mul3A_1416 : i32 to index
      %swap3A_1417 = tpu.vector_load %arg12[%swap3A] {strides = array<i32>} : memref<128xf32, #tpu.memory_space<vmem>>, vector<16xf32>,
      tpu.vector_store %arg12[%swap3A], %add3A_1414 {strides = array<i32>} : memref<128xf32, #tpu.memory_space<vmem>>, vector<16xf32>,
    }
    %scan3A_1204 = arith.constant 8 : i32
    %mul3A_1205 = arith.constant 128 : i32
    %mul3A_1206 = arith.muli %add3A, %mul3A_1205 : i32
    "tpu.region"() ({
      %run_scoped3A_1207 = tpu.sem_alloc : memref<!tpu.dma_semaphore, #tpu.memory_space<semaphore_mem>>
      %dma_start3A_1208 = tpu.memref_slice %arg7[%mul3A_1206] : memref<4096xf32, #tpu.memory_space<hbm>> -> memref<128xf32, #tpu.memory_space<hbm>>
      %dma_start3A_1209 = tpu.memref_slice %arg7[%mul3A_1206] : memref<4096xf32, #tpu.memory_space<hbm>> -> memref<128xf32, #tpu.memory_space<hbm>>
      tpu.enqueue_dma source(%arg12 : memref<128xf32, #tpu.memory_space<vmem>>) target(%dma_start3A_1209 : memref<128xf32, #tpu.memory_space<hbm>>) target_semaphore(%run_scoped3A_1207 : memref<!tpu.dma_semaphore, #tpu.memory_space<semaphore_mem>>)
      %dma_wait3A_1210 = tpu.memref_slice %arg7[%mul3A_1206] : memref<4096xf32, #tpu.memory_space<hbm>> -> memref<128xf32, #tpu.memory_space<hbm>>
      %dma_wait3A_1211 = tpu.memref_slice %arg7[%mul3A_1206] : memref<4096xf32, #tpu.memory_space<hbm>> -> memref<128xf32, #tpu.memory_space<hbm>>
      tpu.wait_dma2 semaphore(%run_scoped3A_1207 : memref<!tpu.dma_semaphore, #tpu.memory_space<semaphore_mem>>) src(%arg12 : memref<128xf32, #tpu.memory_space<vmem>>) dst(%dma_wait3A_1211 : memref<128xf32, #tpu.memory_space<hbm>>)
      tpu.yield
    }) : () -> ()
    return
  }
}

module attributes {stable_mosaic.version = 14 : i64} {
  func.func @_mlp_body(%arg0: i32, %arg1: memref<416x2048xf32, #tpu.memory_space<vmem>>, %arg2: memref<1x2048xf32, #tpu.memory_space<vmem>>, %arg3: memref<416x256xf32, #tpu.memory_space<vmem>>, %arg4: memref<256x1xf32, #tpu.memory_space<vmem>>, %arg5: memref<256x128xf32, #tpu.memory_space<vmem>>, %arg6: memref<128x1xf32, #tpu.memory_space<vmem>>, %arg7: memref<128x64xf32, #tpu.memory_space<vmem>>, %arg8: memref<64x1xf32, #tpu.memory_space<vmem>>, %arg9: memref<64x1xf32, #tpu.memory_space<vmem>>, %arg10: memref<1x1xf32, #tpu.memory_space<vmem>>, %arg11: memref<1x2048xf32, #tpu.memory_space<vmem>>) attributes {dimension_semantics = [#tpu.dimension_semantics<arbitrary>], iteration_bounds = array<i64: 2>, scalar_prefetch = 0 : i64, scratch_operands = 0 : i64, tpu.core_type = #tpu.core_type<tc>, window_params = [{transform_indices = @transform_0, window_bounds = array<i64: 416, 2048>}, {transform_indices = @transform_1, window_bounds = array<i64: 1, 2048>}, {pipeline_mode = #tpu.pipeline_mode<synchronous>, transform_indices = @transform_2, window_bounds = array<i64: 416, 256>}, {pipeline_mode = #tpu.pipeline_mode<synchronous>, transform_indices = @transform_3, window_bounds = array<i64: 256, 1>}, {pipeline_mode = #tpu.pipeline_mode<synchronous>, transform_indices = @transform_4, window_bounds = array<i64: 256, 128>}, {pipeline_mode = #tpu.pipeline_mode<synchronous>, transform_indices = @transform_5, window_bounds = array<i64: 128, 1>}, {pipeline_mode = #tpu.pipeline_mode<synchronous>, transform_indices = @transform_6, window_bounds = array<i64: 128, 64>}, {pipeline_mode = #tpu.pipeline_mode<synchronous>, transform_indices = @transform_7, window_bounds = array<i64: 64, 1>}, {pipeline_mode = #tpu.pipeline_mode<synchronous>, transform_indices = @transform_8, window_bounds = array<i64: 64, 1>}, {pipeline_mode = #tpu.pipeline_mode<synchronous>, transform_indices = @transform_9, window_bounds = array<i64: 1, 1>}, {transform_indices = @transform_10, window_bounds = array<i64: 1, 2048>}]} {
    %get3A = arith.constant 0 : index
    %get3A_0 = arith.constant 0 : index
    %get3A_1 = vector.load %arg1[%get3A, %get3A_0] : memref<416x2048xf32, #tpu.memory_space<vmem>>, vector<416x2048xf32>
    %get3A_2 = arith.constant 0 : index
    %get3A_3 = arith.constant 0 : index
    %get3A_4 = vector.load %arg2[%get3A_2, %get3A_3] : memref<1x2048xf32, #tpu.memory_space<vmem>>, vector<1x2048xf32>
    %iota3A = tpu.iota {dimensions = array<i32: 0>} : vector<416x16xi32>
    %iota3A_5 = tpu.iota {dimensions = array<i32: 1>} : vector<416x16xi32>
    %jit3A = arith.constant 16 : i32
    %eq3A = arith.constant 0 : i32
    %eq3A_6 = arith.cmpi eq, %jit3A, %eq3A : i32
    %jit3A_7 = arith.constant 1 : i32
    %select_n3A = arith.select %eq3A_6, %jit3A_7, %jit3A : i32
    %rem3A = vector.broadcast %select_n3A : i32 to vector<416x16xi32>
    %rem3A_8 = arith.remsi %iota3A, %rem3A : vector<416x16xi32>
    %ne3A = arith.constant 0 : i32
    %ne3A_9 = vector.broadcast %ne3A : i32 to vector<416x16xi32>
    %ne3A_10 = arith.cmpi ne, %rem3A_8, %ne3A_9 : vector<416x16xi32>
    %lt3A = arith.constant 0 : i32
    %lt3A_11 = vector.broadcast %lt3A : i32 to vector<416x16xi32>
    %lt3A_12 = arith.cmpi slt, %rem3A_8, %lt3A_11 : vector<416x16xi32>
    %lt3A_13 = arith.constant 0 : i32
    %lt3A_14 = arith.cmpi slt, %select_n3A, %lt3A_13 : i32
    %ne3A_15 = vector.broadcast %lt3A_14 : i1 to vector<416x16xi1>
    %ne3A_16 = vector.broadcast %ne3A_15 : vector<416x16xi1> to vector<416x16xi1>
    %ne3A_17 = arith.xori %lt3A_12, %ne3A_16 : vector<416x16xi1>
    %and3A = arith.andi %ne3A_17, %ne3A_10 : vector<416x16xi1>
    %add3A = vector.broadcast %select_n3A : i32 to vector<416x16xi32>
    %add3A_18 = arith.addi %rem3A_8, %add3A : vector<416x16xi32>
    %select_n3A_19 = arith.select %and3A, %add3A_18, %rem3A_8 : vector<416x16xi1>, vector<416x16xi32>
    %eq3A_20 = arith.cmpi eq, %select_n3A_19, %iota3A_5 : vector<416x16xi32>
    %convert_element_type3A = arith.extui %eq3A_20 : vector<416x16xi1> to vector<416x16xi32>
    %convert_element_type3A_21 = arith.sitofp %convert_element_type3A : vector<416x16xi32> to vector<416x16xf32>
    %dot_general3A = arith.constant dense<0.000000e+00> : vector<16x2048xf32>
    %dot_general3A_22 = tpu.matmul %convert_element_type3A_21, %get3A_1, %dot_general3A {dimension_numbers = #tpu.dot_dimension_numbers<[0], [0], [1], [1], [0, 1, 1, 1], [], []>, transpose_lhs_hint = false} : vector<416x16xf32>, vector<416x2048xf32>, vector<16x2048xf32> -> vector<16x2048xf32>
    %mul3A = arith.mulf %dot_general3A_22, %dot_general3A_22 : vector<16x2048xf32>
    %reduce_sum3A = arith.constant dense<0.000000e+00> : vector<2048xf32>
    %reduce_sum3A_23 = vector.multi_reduction <add>, %mul3A, %reduce_sum3A [0] : vector<16x2048xf32> to vector<2048xf32>
    %broadcast_in_dim3A = vector.shape_cast %reduce_sum3A_23 : vector<2048xf32> to vector<1x2048xf32>
    %mul3A_24 = arith.mulf %get3A_1, %get3A_1 : vector<416x2048xf32>
    %reduce_sum3A_25 = arith.constant dense<0.000000e+00> : vector<2048xf32>
    %reduce_sum3A_26 = vector.multi_reduction <add>, %mul3A_24, %reduce_sum3A_25 [0] : vector<416x2048xf32> to vector<2048xf32>
    %broadcast_in_dim3A_27 = vector.shape_cast %reduce_sum3A_26 : vector<2048xf32> to vector<1x2048xf32>
    %sub3A = arith.subf %broadcast_in_dim3A, %broadcast_in_dim3A_27 : vector<1x2048xf32>
    %mul3A_28 = arith.constant 5.000000e-01 : f32
    %mul3A_29 = vector.broadcast %mul3A_28 : f32 to vector<1x2048xf32>
    %mul3A_30 = arith.mulf %mul3A_29, %sub3A : vector<1x2048xf32>
    %get3A_31 = arith.constant 0 : index
    %get3A_32 = arith.constant 0 : index
    %get3A_33 = vector.load %arg3[%get3A_31, %get3A_32] : memref<416x256xf32, #tpu.memory_space<vmem>>, vector<416x256xf32>
    %dot_general3A_34 = arith.constant dense<0.000000e+00> : vector<256x2048xf32>
    %dot_general3A_35 = tpu.matmul %get3A_33, %get3A_1, %dot_general3A_34 {dimension_numbers = #tpu.dot_dimension_numbers<[0], [0], [1], [1], [0, 1, 1, 1], [], []>, transpose_lhs_hint = false} : vector<416x256xf32>, vector<416x2048xf32>, vector<256x2048xf32> -> vector<256x2048xf32>
    %get3A_36 = arith.constant 0 : index
    %get3A_37 = arith.constant 0 : index
    %get3A_38 = vector.load %arg4[%get3A_36, %get3A_37] : memref<256x1xf32, #tpu.memory_space<vmem>>, vector<256x1xf32>
    %add3A_39 = vector.broadcast %get3A_38 : vector<256x1xf32> to vector<256x2048xf32>
    %add3A_40 = arith.addf %dot_general3A_35, %add3A_39 : vector<256x2048xf32>
    %max3A = arith.constant 0.000000e+00 : f32
    %max3A_41 = vector.broadcast %max3A : f32 to vector<256x2048xf32>
    %max3A_42 = arith.maximumf %add3A_40, %max3A_41 : vector<256x2048xf32>
    %get3A_43 = arith.constant 0 : index
    %get3A_44 = arith.constant 0 : index
    %get3A_45 = vector.load %arg5[%get3A_43, %get3A_44] : memref<256x128xf32, #tpu.memory_space<vmem>>, vector<256x128xf32>
    %dot_general3A_46 = arith.constant dense<0.000000e+00> : vector<128x2048xf32>
    %dot_general3A_47 = tpu.matmul %get3A_45, %max3A_42, %dot_general3A_46 {dimension_numbers = #tpu.dot_dimension_numbers<[0], [0], [1], [1], [0, 1, 1, 1], [], []>, transpose_lhs_hint = false} : vector<256x128xf32>, vector<256x2048xf32>, vector<128x2048xf32> -> vector<128x2048xf32>
    %get3A_48 = arith.constant 0 : index
    %get3A_49 = arith.constant 0 : index
    %get3A_50 = vector.load %arg6[%get3A_48, %get3A_49] : memref<128x1xf32, #tpu.memory_space<vmem>>, vector<128x1xf32>
    %add3A_51 = vector.broadcast %get3A_50 : vector<128x1xf32> to vector<128x2048xf32>
    %add3A_52 = arith.addf %dot_general3A_47, %add3A_51 : vector<128x2048xf32>
    %max3A_53 = arith.constant 0.000000e+00 : f32
    %max3A_54 = vector.broadcast %max3A_53 : f32 to vector<128x2048xf32>
    %max3A_55 = arith.maximumf %add3A_52, %max3A_54 : vector<128x2048xf32>
    %get3A_56 = arith.constant 0 : index
    %get3A_57 = arith.constant 0 : index
    %get3A_58 = vector.load %arg7[%get3A_56, %get3A_57] : memref<128x64xf32, #tpu.memory_space<vmem>>, vector<128x64xf32>
    %dot_general3A_59 = arith.constant dense<0.000000e+00> : vector<64x2048xf32>
    %dot_general3A_60 = tpu.matmul %get3A_58, %max3A_55, %dot_general3A_59 {dimension_numbers = #tpu.dot_dimension_numbers<[0], [0], [1], [1], [0, 1, 1, 1], [], []>, transpose_lhs_hint = false} : vector<128x64xf32>, vector<128x2048xf32>, vector<64x2048xf32> -> vector<64x2048xf32>
    %get3A_61 = arith.constant 0 : index
    %get3A_62 = arith.constant 0 : index
    %get3A_63 = vector.load %arg8[%get3A_61, %get3A_62] : memref<64x1xf32, #tpu.memory_space<vmem>>, vector<64x1xf32>
    %add3A_64 = vector.broadcast %get3A_63 : vector<64x1xf32> to vector<64x2048xf32>
    %add3A_65 = arith.addf %dot_general3A_60, %add3A_64 : vector<64x2048xf32>
    %max3A_66 = arith.constant 0.000000e+00 : f32
    %max3A_67 = vector.broadcast %max3A_66 : f32 to vector<64x2048xf32>
    %max3A_68 = arith.maximumf %add3A_65, %max3A_67 : vector<64x2048xf32>
    %get3A_69 = arith.constant 0 : index
    %get3A_70 = arith.constant 0 : index
    %get3A_71 = vector.load %arg9[%get3A_69, %get3A_70] : memref<64x1xf32, #tpu.memory_space<vmem>>, vector<64x1xf32>
    %dot_general3A_72 = arith.constant dense<0.000000e+00> : vector<1x2048xf32>
    %dot_general3A_73 = tpu.matmul %get3A_71, %max3A_68, %dot_general3A_72 {dimension_numbers = #tpu.dot_dimension_numbers<[0], [0], [1], [1], [0, 1, 1, 1], [], []>, transpose_lhs_hint = false} : vector<64x1xf32>, vector<64x2048xf32>, vector<1x2048xf32> -> vector<1x2048xf32>
    %get3A_74 = arith.constant 0 : index
    %get3A_75 = arith.constant 0 : index
    %get3A_76 = vector.load %arg10[%get3A_74, %get3A_75] : memref<1x1xf32, #tpu.memory_space<vmem>>, vector<1x1xf32>
    %add3A_77 = vector.broadcast %get3A_76 : vector<1x1xf32> to vector<1x2048xf32>
    %add3A_78 = arith.addf %dot_general3A_73, %add3A_77 : vector<1x2048xf32>
    %add3A_79 = arith.addf %get3A_4, %mul3A_30 : vector<1x2048xf32>
    %add3A_80 = arith.addf %add3A_79, %add3A_78 : vector<1x2048xf32>
    %logistic3A = arith.negf %add3A_80 : vector<1x2048xf32>
    %logistic3A_81 = math.exp %logistic3A : vector<1x2048xf32>
    %logistic3A_82 = arith.constant 1.000000e+00 : f32
    %logistic3A_83 = vector.broadcast %logistic3A_82 : f32 to vector<1x2048xf32>
    %logistic3A_84 = arith.addf %logistic3A_83, %logistic3A_81 : vector<1x2048xf32>
    %logistic3A_85 = arith.divf %logistic3A_83, %logistic3A_84 : vector<1x2048xf32>
    %swap3A = arith.constant 0 : index
    %swap3A_86 = arith.constant 0 : index
    %swap3A_87 = vector.load %arg11[%swap3A, %swap3A_86] : memref<1x2048xf32, #tpu.memory_space<vmem>>, vector<1x2048xf32>
    tpu.vector_store %arg11[%swap3A, %swap3A_86], %logistic3A_85 {strides = array<i32>} : memref<1x2048xf32, #tpu.memory_space<vmem>>, vector<1x2048xf32>,
    return
  }
  func.func @transform_0(%arg0: i32) -> (i32, i32) {
    %c0_i32 = arith.constant 0 : i32
    %c0_i32_0 = arith.constant 0 : i32
    return %c0_i32, %arg0 : i32, i32
  }
  func.func @transform_1(%arg0: i32) -> (i32, i32) {
    %c0_i32 = arith.constant 0 : i32
    %c0_i32_0 = arith.constant 0 : i32
    return %c0_i32, %arg0 : i32, i32
  }
  func.func @transform_2(%arg0: i32) -> (i32, i32) {
    %c0_i32 = arith.constant 0 : i32
    %c0_i32_0 = arith.constant 0 : i32
    %c0_i32_1 = arith.constant 0 : i32
    return %c0_i32, %c0_i32_0 : i32, i32
  }
  func.func @transform_3(%arg0: i32) -> (i32, i32) {
    %c0_i32 = arith.constant 0 : i32
    %c0_i32_0 = arith.constant 0 : i32
    %c0_i32_1 = arith.constant 0 : i32
    return %c0_i32, %c0_i32_0 : i32, i32
  }
  func.func @transform_4(%arg0: i32) -> (i32, i32) {
    %c0_i32 = arith.constant 0 : i32
    %c0_i32_0 = arith.constant 0 : i32
    %c0_i32_1 = arith.constant 0 : i32
    return %c0_i32, %c0_i32_0 : i32, i32
  }
  func.func @transform_5(%arg0: i32) -> (i32, i32) {
    %c0_i32 = arith.constant 0 : i32
    %c0_i32_0 = arith.constant 0 : i32
    %c0_i32_1 = arith.constant 0 : i32
    return %c0_i32, %c0_i32_0 : i32, i32
  }
  func.func @transform_6(%arg0: i32) -> (i32, i32) {
    %c0_i32 = arith.constant 0 : i32
    %c0_i32_0 = arith.constant 0 : i32
    %c0_i32_1 = arith.constant 0 : i32
    return %c0_i32, %c0_i32_0 : i32, i32
  }
  func.func @transform_7(%arg0: i32) -> (i32, i32) {
    %c0_i32 = arith.constant 0 : i32
    %c0_i32_0 = arith.constant 0 : i32
    %c0_i32_1 = arith.constant 0 : i32
    return %c0_i32, %c0_i32_0 : i32, i32
  }
  func.func @transform_8(%arg0: i32) -> (i32, i32) {
    %c0_i32 = arith.constant 0 : i32
    %c0_i32_0 = arith.constant 0 : i32
    %c0_i32_1 = arith.constant 0 : i32
    return %c0_i32, %c0_i32_0 : i32, i32
  }
  func.func @transform_9(%arg0: i32) -> (i32, i32) {
    %c0_i32 = arith.constant 0 : i32
    %c0_i32_0 = arith.constant 0 : i32
    %c0_i32_1 = arith.constant 0 : i32
    return %c0_i32, %c0_i32_0 : i32, i32
  }
  func.func @transform_10(%arg0: i32) -> (i32, i32) {
    %c0_i32 = arith.constant 0 : i32
    %c0_i32_0 = arith.constant 0 : i32
    return %c0_i32, %arg0 : i32, i32
  }
}

</mosaic_0001>

<sc_bundles>
// kernel: kernel.4.cloned.1.call-start
scs
__scs_entry_jumppad:
0x0: {  	(pc) =	sbr.rel $0x88, $3  }
0x1: {  	(tag) =	ssettag $0x0;
	lr =	simm.s32 $0x1  }
0x2: {  	[smem:$0x3F96] =	sst lr;
	_ =	strace $0xD0000000  }
0x3: {  	_ = 	snop  }
0x4: {  	_ = 	snop  }
0x5: {  	_ = 	snop  }
0x6: {  	_ = 	snop  }
0x7: {  	_ = 	snop  }
__scs_overlays_trampoline_lowered:
0x8: {  	[smem:$0x3FA5] =	sst s0  }
0x9: {  	[smem:$0x3FA6] =	sst s1  }
0xa: {  	[smem:$0x3FA7] =	sst s2  }
0xb: {  	[smem:$0x3FA8] =	sst s3  }
0xc: {  	[smem:$0x3FA9] =	sst s4  }
0xd: {  	[smem:$0x3FAA] =	sst s5  }
0xe: {  	[smem:$0x3FAB] =	sst s6  }
0xf: {  	[smem:$0x3FAC] =	sst s7  }
0x10: {  	[smem:$0x3FAD] =	sst s8  }
0x11: {  	[smem:$0x3FAE] =	sst s9;
	s0 =	simm.s32 @!p0 $0x0  }
0x12: {  	s1 =	sld [smem:$0x3F94];
	s0 =	simm.s32 @p0 $0x1  }
0x13: {  	[smem:$0x3FAF] =	sst s0;
	s0 =	simm.s32 @!p1 $0x0  }
0x14: {  	s2 =	sld [smem:$0x3F93];
	s0 =	simm.s32 @p1 $0x1  }
0x15: {  	[smem:$0x3FB0] =	sst s0;
	s0 =	simm.s32 @!p2 $0x0  }
0x16: {  	s3 =	sld [smem:$0x3FDB];
	s0 =	simm.s32 @p2 $0x1  }
0x17: {  	s4 =	simm.s32 $0x1BF5;
	[smem:$0x3FB2] =	sst s0  }
0x18: {  	s0 =	sld [smem:$0x3F95];
	_ =	swait.ge [sflag:s4], $0x0  }
0x19: {  	s7 =	sld [smem:$0x3F96]  }
0x1a: {  	s8 =	sadd.s32 $0xFFFFE003, lr  }
0x1b: {  	s9 =	sadd.s32 $0xFFFFFEF7, lr;
	s5 =	simm.s32 $0xFFFFFFFF;
	p2 =	slt.u32 s8, $0xFFFFF086  }
0x1c: {  	p1 =	slt.u32 s9, $0xF7A;
	s5 =	simm.s32 @!p2 $0x0  }
0x1d: {  	s5 =	simm.s32 @p1 $0x1;
	p0 =	seq.s32 s7, s2  }
0x1e: {  	s7 =	smul.u32 @!p0 $0xF7A, s2;
	p2 =	seq.s32 @!p0 s5, $0x0  }
0x1f: {  	s9 =	smul.u32 $0xF7A, s1;
	s8 =	simm.s32 @!p0 $0x1BF5;
	p2 =	por !p2, p0  }
0x20: {  	[sflag:s8] =	ssyncset.s32 @!p0 $0xFFFFF086;
	s6 =	sadd.s32 @!p0 s3, s7;
	s7 =	simm.s32 @!p0 $0x108  }
0x21: {  	s3 =	sadd.s32 s3, s9;
	s6 =	sadd.s32 @!p0 $0x88, s6;
	s7 =	simm.s32 @p2 $0x1082  }
0x22: {  	[simem:s7], [sflag:s8] =	dma.local @!p0 [hbm:s6], $0xF7A  }
0x23: {  	s9 =	sor.u32 $0xD0000000, s2;
	s6 =	simm.s32 $0x108;
	_ =	swait.ge @!p0 [sflag:s8], $0x0  }
0x24: {  	s3 =	sadd.s32 $0x88, s3;
	s6 =	simm.s32 @!p1 $0x1082;
	[sflag:s4] =	ssyncset.s32 $0xFFFFF086  }
0x25: {  	[simem:s6], [sflag:s4] =	dma.local [hbm:s3], $0xF7A  }
0x26: {  	[smem:$0x3F96] =	sst s1;
	(tag) =	ssettag s2;
	_ =	strace s9  }
0x27: {  	s1 =	sld [smem:$0x3FA6]  }
0x28: {  	s2 =	sld [smem:$0x3FA7]  }
0x29: {  	s4 =	sld [smem:$0x3FA9]  }
0x2a: {  	p0 =	seq.s32 s5, $0x0;
	s5 =	sld [smem:$0x3FAA]  }
0x2b: {  	s6 =	sld [smem:$0x3FAB]  }
0x2c: {  	s7 =	sld [smem:$0x3FAC]  }
0x2d: {  	s3 =	simm.s32 $0x108;
	s8 =	sld [smem:$0x3FAD]  }
0x2e: {  	s3 =	simm.s32 @!p0 $0x1082;
	s9 =	sld [smem:$0x3FAE]  }
0x2f: {  	lr =	sadd.s32 s0, s3;
	s0 =	sld [smem:$0x3FA5]  }
0x30: {  	s3 =	sld [smem:$0x3FA8]  }
0x31: {  	[smem:$0x3FB1] =	sst s10  }
0x32: {  	s10 =	sld [smem:$0x3FAF];
	_ =	sdelay $0x3  }
0x33: {  	p0 =	seq.s32 s10, $0x1;
	s10 =	sld [smem:$0x3FB1];
	_ =	sdelay $0x3  }
0x34: {  	[smem:$0x3FB1] =	sst s10  }
0x35: {  	s10 =	sld [smem:$0x3FB0];
	_ =	sdelay $0x3  }
0x36: {  	p1 =	seq.s32 s10, $0x1;
	s10 =	sld [smem:$0x3FB1];
	_ =	sdelay $0x3  }
0x37: {  	[smem:$0x3FB1] =	sst s10  }
0x38: {  	s10 =	sld [smem:$0x3FB2]  }
0x39: {  	_ = 	snop;
	(pc) =	sbr.ind lr, $3  }
0x3a: {  	_ = 	snop  }
0x3b: {  	_ = 	snop  }
0x3c: {  	p2 =	seq.s32 s10, $0x1;
	s10 =	sld [smem:$0x3FB1]  }
0x3d: {  	_ =	shalt  }
0x3e: {  	_ =	shalt  }
0x3f: {  	_ =	shalt  }
0x40: {  	_ =	shalt  }
0x41: {  	_ =	shalt  }
0x42: {  	_ =	shalt  }
0x43: {  	_ =	shalt  }
0x44: {  	_ =	shalt  }
0x45: {  	_ =	shalt  }
0x46: {  	_ =	shalt  }
0x47: {  	_ =	shalt  }
0x48: {  	_ =	shalt  }
0x49: {  	_ =	shalt  }
0x4a: {  	_ =	shalt  }
0x4b: {  	_ =	shalt  }
0x4c: {  	_ =	shalt  }
0x4d: {  	_ =	shalt  }
0x4e: {  	_ =	shalt  }
0x4f: {  	_ =	shalt  }
0x50: {  	_ =	shalt  }
0x51: {  	_ =	shalt  }
0x52: {  	_ =	shalt  }
0x53: {  	_ =	shalt  }
0x54: {  	_ =	shalt  }
0x55: {  	_ =	shalt  }
0x56: {  	_ =	shalt  }
0x57: {  	_ =	shalt  }
0x58: {  	_ =	shalt  }
0x59: {  	_ =	shalt  }
0x5a: {  	_ =	shalt  }
0x5b: {  	_ =	shalt  }
0x5c: {  	_ =	shalt  }
0x5d: {  	_ =	shalt  }
0x5e: {  	_ =	shalt  }
0x5f: {  	_ =	shalt  }
0x60: {  	_ =	shalt  }
0x61: {  	_ =	shalt  }
0x62: {  	_ =	shalt  }
0x63: {  	_ =	shalt  }
0x64: {  	_ =	shalt  }
0x65: {  	_ =	shalt  }
0x66: {  	_ =	shalt  }
0x67: {  	_ =	shalt  }
0x68: {  	_ =	shalt  }
0x69: {  	_ =	shalt  }
0x6a: {  	_ =	shalt  }
0x6b: {  	_ =	shalt  }
0x6c: {  	_ =	shalt  }
0x6d: {  	_ =	shalt  }
0x6e: {  	_ =	shalt  }
0x6f: {  	_ =	shalt  }
0x70: {  	_ =	shalt  }
0x71: {  	_ =	shalt  }
0x72: {  	_ =	shalt  }
0x73: {  	_ =	shalt  }
0x74: {  	_ =	shalt  }
0x75: {  	_ =	shalt  }
0x76: {  	_ =	shalt  }
0x77: {  	_ =	shalt  }
0x78: {  	_ =	shalt  }
0x79: {  	_ =	shalt  }
0x7a: {  	_ =	shalt  }
0x7b: {  	_ =	shalt  }
0x7c: {  	_ =	shalt  }
0x7d: {  	_ =	shalt  }
0x7e: {  	_ =	shalt  }
0x7f: {  	_ =	shalt  }
0x80: {  	_ =	shalt  }
0x81: {  	_ =	shalt  }
0x82: {  	_ =	shalt  }
0x83: {  	_ =	shalt  }
0x84: {  	_ =	shalt  }
0x85: {  	_ =	shalt  }
0x86: {  	_ =	shalt  }
0x87: {  	_ =	shalt  }
.Lfunc_end0:
.L_simem_size_0:
called_computation_lowered:
.L_overlay_start_0:
0x88: {  	s2 =	sld [smem:$0x3FD9]  }
0x89: {  	s3 =	sld [smem:$0x3FFE];
	_ =	sdelay $0x1  }
0x8a: {  	s1 =	srdreg.scid  }
0x8b: {  	s0 =	sand.u32 $0x1, s1  }
0x8c: {  	s17 =	sshll.u32 s0, $0xA;
	s2 =	sadd.s32 s3, s2  }
0x8d: {  	s2 =	sadd.s32 s2, s17  }
0x8e: {  	[smem:$0x3FBD] =	sst s2  }
0x8f: {  	_ = 	snop  }
0x90: {  	s2 =	sld [smem:$0x3FC9]  }
0x91: {  	s18 =	sld [smem:$0x3FC8]  }
0x92: {  	s4 =	sld [smem:$0x3FD0];
	(tm) =	ssettm $0x1  }
0x93: {  	s5 =	sld [smem:$0x3FFB];
	_ =	sdelay $0x3  }
0x94: {  	_ =	strace s5  }
0x95: {  	s5 =	sld [smem:$0x3FFC];
	_ =	sdelay $0x3  }
0x96: {  	_ =	strace s5  }
0x97: {  	s5 =	sld [smem:$0x3FFD];
	_ =	sdelay $0x3  }
0x98: {  	_ =	strace s5  }
0x99: {  	_ =	strace $0x8FFFFFFF  }
0x9a: {  	s19 =	sld [smem:$0x3FDB];
	_ =	sdelay $0x1  }
0x9b: {  	s6 =	simm.s32 $_scs_section_size  }
0x9c: {  	s7 =	simm.s32 $_size__tile_overlayer_lowered;
	s8 =	simm.s32 $_tile_overlayer_lowered  }
0x9d: {  	s22 =	simm.s32 $0x1BFF;
	s21 =	sshll.u32 s8, $0x1;
	s5 =	sadd.s32 s6, s19  }
0x9e: {  	s9 =	simm.s32 $0x0;
	s20 =	sshll.u32 s7, $0x1;
	s7 =	sadd.s32 s21, s5  }
0x9f: {  	[timem:s9], [sflag:s22] =	dma.local [hbm:s7], s20  }
0xa0: {  	_ =	swait.ge [sflag:s22], s20  }
0xa1: {  	s6 =	ssub.s32 $0x0, s20;
	[sflag:s22] =	ssyncset.done $0x0  }
0xa2: {  	[sflag:s22] =	ssyncadd.s32 s6;
	_ =	sdelay $0x1  }
0xa3: {  	s23 =	simm.s32 $0x1B8B  }
0xa4: {  	_ =	swait.ge [sflag:s23], $0x1  }
0xa5: {  	[sflag:s23] =	ssyncset.done $0x0  }
0xa6: {  	s25 =	simm.s32 $0x1B8E;
	s24 =	sld [smem:$0x3FFE];
	[sflag:s23] =	ssyncadd.s32 $0xFFFFFFFF  }
0xa7: {  	s26 =	simm.s32 $execute0_lowered;
	[smem:$0x3FD2] =	sst s25  }
0xa8: {  	s7 =	sshll.u32 s26, $0x1;
	_ =	strace $0x80000046;
	[dreg:$0x1] =	wrdreg $0xFFFFFFFF  }
0xa9: {  	s28 =	simm.s32 $_size_execute0_lowered;
	s5 =	sadd.s32 s5, s7;
	[dreg:$0x0] =	wrdreg $0x0  }
0xaa: {  	s7 =	sshll.u32 s28, $0x1;
	[dreg:$0x2] =	wrdreg s5  }
0xab: {  	[dreg:$0x3] =	wrdreg s7  }
0xac: {  	[dreg:$0x4] =	wrdreg $0xC0  }
0xad: {  	_ =	task [dreg:s9], $0x5FFFF  }
0xae: {  	[dreg:$0x1] =	wrdreg $0xFFFFFFFF  }
0xaf: {  	[dreg:$0x0] =	wrdreg $0x60  }
0xb0: {  	[dreg:$0x2] =	wrdreg s18  }
0xb1: {  	[dreg:$0x3] =	wrdreg s24  }
0xb2: {  	[dreg:$0x4] =	wrdreg s2  }
0xb3: {  	[dreg:$0x5] =	wrdreg s4  }
0xb4: {  	[dreg:$0x6] =	wrdreg $0x9  }
0xb5: {  	_ =	task.clear_ibuf [dreg:s9], $0x7FFFF;
	_ =	strace $0x90000046  }
0xb6: {  	s29 =	simm.s32 $0x9;
	_ =	strace $0x80000048  }
0xb7: {  	_ =	swait.ge [sflag:s29], $0x1  }
0xb8: {  	[sflag:s29] =	ssyncadd.s32 $0xFFFFFFFF  }
0xb9: {  	_ =	strace $0x90000048  }
0xba: {  	_ =	sfence  }
0xbb: {  	s30 =	sld [smem:$0x0];
	_ =	sdelay $0x2  }
0xbc: {  	s31 =	sshll.u32 s1, $0xD;
	s1 =	sshrl.u32 s1, $0x2  }
0xbd: {  	s3 =	sand.u32 $0x4000, s31;
	s1 =	sadd.s32 s1, s30  }
0xbe: {  	s0 =	sor.u32 s3, s0;
	s1 =	sshll.u32 s1, $0x11  }
0xbf: {  	s0 =	sor.u32 s1, s0  }
0xc0: {  	s0 =	sadd.s32 $0x8F2B, s0  }
0xc1: {  	[sflag:s0] =	ssyncadd.remote.s32 $0x1  }
0xc2: {  	_ =	sfence.sel $0xFFFF  }
0xc3: {  	[dreg:$0x0] =	wrdreg $0xFFFFFFFF;
	(pc) =	sbr.abs _section_cstart, $3  }
0xc4: {  	[dreg:$0x1] =	wrdreg $0xFFFFFFFF  }
0xc5: {  	_ =	task.clear_ibuf [dreg:s9], $0x2FFFF;
	_ =	strace $0x9FFFFFFF  }
0xc6: {  	(tm) =	ssettm $0x7FFFFFFF  }
0xc7: {  	_ =	shalt  }
tec
execute0_lowered:
.L_overlay_start_1:
0x0: {  	(tag) =	ssettag $0x1  }
0x1: {  	s0 =	srdreg.scid;
	s1 =	stileid.u32  }
0x2: {  	s0 =	sand.u32 $0x1, s0;
	s1 =	sshll.u32 s1, $0x1  }
0x3: {  	s11 =	sor.u32 s0, s1;
	s0 =	ssub.s32 $0x2, s0  }
0x4: {  	s7 =	smul.u32 $0xD, s11;
	s2 =	sshrl.u32 s0, $0x1  }
0x5: {  	s18 =	rddreg [dreg:$0x2];
	s0 =	ssub.s32 s0, s2  }
0x6: {  	s3 =	sshll.u32 s7, $0x5;
	[dreg:$0x1e] =	wrdreg s0  }
0x7: {  	s10 =	sadd.s32 $0xC, s7;
	s20 =	sand.u32 $0x70, s7;
	s6 =	sshrl.u32 s7, $0x4  }
0x8: {  	s22 =	sshll.u32 s7, $0x1C;
	s23 =	sadd.s32 $0x1, s7;
	s12 =	sand.u32 $0x8, s7  }
0x9: {  	s25 =	sadd.s32 $0x2, s7;
	s19 =	sand.u32 $0x3000, s3;
	s4 =	sshll.u32 s10, $0x5  }
0xa: {  	s5 =	sand.u32 $0x70, s10;
	s3 =	sadd.s32 s18, s20;
	s21 =	smul.u32 $0x187000, s6  }
0xb: {  	s8 =	sshrl.u32 s23, $0x4;
	s9 =	sshll.u32 s23, $0x1C;
	p0 =	seq.s32 s12, $0x0  }
0xc: {  	s24 =	sshll.u32 s23, $0x7;
	s26 =	sshrl.u32 s25, $0x4;
	s15 =	sshll.u32 s25, $0x1C  }
0xd: {  	s4 =	sand.u32 $0x7000, s4;
	s5 =	sadd.s32 s18, s5;
	s1 =	sadd.s32 s19, s3  }
0xe: {  	s13 =	smul.u32 $0x187000, s8;
	s9 =	sshra.s32 s9, $0x1F;
	s12 =	sand.u32 $0x380, s24  }
0xf: {  	p1 =	seq.s32 s8, s6;
	s14 =	smul.u32 $0x187000, s26;
	s19 =	sadd.s32 $0x3, s7  }
0x10: {  	s2 =	sadd.s32 s4, s5;
	s4 =	sshra.s32 s22, $0x1F;
	s9 =	sand.u32 $0xC3800, s9  }
0x11: {  	s0 =	simm.s32 @!p1 $0x0;
	s5 =	sshll.u32 s23, $0xC;
	s20 =	sshrl.u32 s19, $0x4  }
0x12: {  	s4 =	sand.u32 $0xC3800, s4;
	s9 =	sadd.s32 s13, s9;
	s0 =	simm.s32 @p1 $0x1  }
0x13: {  	s13 =	sshra.s32 s15, $0x1F;
	s5 =	sand.u32 $0x3F8000, s5;
	s15 =	sshll.u32 s25, $0x7  }
0x14: {  	p1 =	seq.s32 s26, s6;
	s22 =	smul.u32 $0x187000, s20;
	s3 =	sadd.s32 s21, s4  }
0x15: {  	s9 =	sor.u32 s12, s9;
	[smem:$0x7F8] =	sst s0;
	s13 =	sand.u32 $0xC3800, s13  }
0x16: {  	s16 =	sor.u32 s12, s5;
	s18 =	sand.u32 $0x380, s15;
	s0 =	simm.s32 @!p1 $0x0  }
0x17: {  	s4 =	sshll.u32 s25, $0xC;
	s21 =	sshll.u32 s19, $0x1C;
	s25 =	sshll.u32 s19, $0x7  }
0x18: {  	s5 =	sshll.u32 s19, $0xC;
	[dreg:$0x1f] =	wrdreg s16;
	s17 =	sadd.s32 s14, s13  }
0x19: {  	s0 =	simm.s32 @p1 $0x1;
	s4 =	sand.u32 $0x3F8000, s4;
	s14 =	sshra.s32 s21, $0x1F  }
0x1a: {  	p1 =	seq.s32 s20, s6;
	s5 =	sand.u32 $0x3F8000, s5;
	s13 =	sor.u32 s18, s17  }
0x1b: {  	[smem:$0x7F9] =	sst s0;
	s23 =	sor.u32 s18, s4;
	s24 =	sand.u32 $0xC3800, s14  }
0x1c: {  	s14 =	sand.u32 $0x380, s25;
	s17 =	sadd.s32 $0x4, s7;
	s0 =	simm.s32 @!p1 $0x0  }
0x1d: {  	s4 =	sadd.s32 $0x5, s7;
	s12 =	sadd.s32 s22, s24;
	s26 =	sshrl.u32 s17, $0x4  }
0x1e: {  	s16 =	sshll.u32 s17, $0x1C;
	s0 =	simm.s32 @p1 $0x1;
	s18 =	sshll.u32 s17, $0x7  }
0x1f: {  	s5 =	sor.u32 s14, s5;
	s22 =	sshrl.u32 s4, $0x4;
	s24 =	sshll.u32 s4, $0x1C  }
0x20: {  	s17 =	sshll.u32 s17, $0xC;
	s21 =	sshll.u32 s4, $0x7;
	s15 =	sor.u32 s14, s12  }
0x21: {  	[smem:$0x7FA] =	sst s0;
	s0 =	smul.u32 $0x187000, s26;
	s16 =	sshra.s32 s16, $0x1F  }
0x22: {  	s18 =	sand.u32 $0x380, s18;
	p1 =	seq.s32 s26, s6;
	s16 =	sand.u32 $0xC3800, s16  }
0x23: {  	s19 =	smul.u32 $0x187000, s22;
	s17 =	sand.u32 $0x3F8000, s17;
	s8 =	sadd.s32 s0, s16  }
0x24: {  	s26 =	sand.u32 $0x380, s21;
	s0 =	simm.s32 @!p1 $0x0;
	s16 =	sor.u32 s18, s8  }
0x25: {  	s0 =	simm.s32 @p1 $0x1;
	s8 =	sshra.s32 s24, $0x1F;
	p1 =	seq.s32 s22, s6  }
0x26: {  	[smem:$0x7FB] =	sst s0;
	s20 =	sand.u32 $0xC3800, s8;
	s0 =	simm.s32 @!p1 $0x0  }
0x27: {  	s8 =	sor.u32 s18, s17;
	s25 =	sadd.s32 s19, s20;
	s0 =	simm.s32 @p1 $0x1  }
0x28: {  	s19 =	sadd.s32 $0x6, s7;
	s17 =	sor.u32 s26, s25;
	[smem:$0x7FC] =	sst s0  }
0x29: {  	s0 =	sshll.u32 s4, $0xC;
	s4 =	sshrl.u32 s19, $0x4;
	s21 =	sshll.u32 s19, $0x1C  }
0x2a: {  	s25 =	sshll.u32 s19, $0x7;
	s19 =	sshll.u32 s19, $0xC;
	s12 =	sand.u32 $0x3F8000, s0  }
0x2b: {  	s22 =	smul.u32 $0x187000, s4;
	s20 =	sshra.s32 s21, $0x1F;
	s21 =	sadd.s32 $0x7, s7  }
0x2c: {  	p6 =	seq.s32 s4, s6;
	s19 =	sand.u32 $0x3F8000, s19;
	s12 =	sor.u32 s26, s12  }
0x2d: {  	s24 =	sand.u32 $0xC3800, s20;
	s20 =	sand.u32 $0x380, s25;
	s26 =	sshll.u32 s21, $0x1C  }
0x2e: {  	s4 =	sshll.u32 s21, $0x7;
	s18 =	sadd.s32 s22, s24;
	s22 =	sshrl.u32 s21, $0x4  }
0x2f: {  	s14 =	sshra.s32 s26, $0x1F;
	s21 =	sshll.u32 s21, $0xC;
	s24 =	smul.u32 $0x187000, s22  }
0x30: {  	s18 =	sor.u32 s20, s18;
	s25 =	sand.u32 $0xC3800, s14;
	s14 =	sor.u32 s20, s19  }
0x31: {  	s20 =	simm.s32 $0xC3800;
	p2 =	seq.s32 s22, s6;
	s22 =	sadd.s32 $0x8, s7  }
0x32: {  	s21 =	sand.u32 $0x3F8000, s21;
	s20 =	simm.s32 @!p0 $0x0;
	s26 =	sshrl.u32 s22, $0x4  }
0x33: {  	s0 =	sadd.s32 s24, s25;
	s24 =	smul.u32 $0x280, s11;
	s25 =	sand.u32 $0x380, s4  }
0x34: {  	s28 =	smul.u32 $0x187000, s26;
	p0 =	seq.s32 s26, s6;
	s19 =	sor.u32 s25, s0  }
0x35: {  	s30 =	sor.u32 s25, s21;
	s0 =	simm.s32 @!p0 $0x0;
	s29 =	sand.u32 $0x380, s24  }
0x36: {  	s20 =	sadd.s32 s20, s28;
	s0 =	simm.s32 @p0 $0x1;
	s21 =	sor.u32 s29, s3  }
0x37: {  	s20 =	sor.u32 s29, s20;
	[smem:$0x7FD] =	sst s0;
	s3 =	sadd.s32 $0x9, s7  }
0x38: {  	s0 =	smul.u32 $0xD000, s11;
	s29 =	sshll.u32 s22, $0xC;
	s28 =	sshll.u32 s3, $0x1C  }
0x39: {  	s26 =	sshrl.u32 s3, $0x4;
	s31 =	sor.u32 s24, s29;
	s28 =	sshra.s32 s28, $0x1F  }
0x3a: {  	s4 =	smul.u32 $0x187000, s26;
	s25 =	sor.u32 s24, s0;
	s24 =	sadd.s32 $0xA, s7  }
0x3b: {  	p4 =	seq.s32 s26, s6;
	s0 =	sand.u32 $0xC3800, s28;
	s28 =	sshrl.u32 s24, $0x4  }
0x3c: {  	s29 =	sshll.u32 s24, $0x1C;
	s22 =	sadd.s32 s4, s0;
	s4 =	sshll.u32 s3, $0x7  }
0x3d: {  	s3 =	sshll.u32 s3, $0xC;
	s29 =	sshra.s32 s29, $0x1F;
	s0 =	smul.u32 $0x187000, s28  }
0x3e: {  	p3 =	seq.s32 s28, s6;
	s26 =	sand.u32 $0x380, s4;
	s3 =	sand.u32 $0x3F8000, s3  }
0x3f: {  	s29 =	sand.u32 $0xC3800, s29;
	s22 =	sor.u32 s26, s22;
	s4 =	sor.u32 s26, s3  }
0x40: {  	s3 =	sadd.s32 s0, s29;
	s26 =	sadd.s32 $0xB, s7;
	s0 =	sshll.u32 s24, $0x7  }
0x41: {  	s24 =	sshll.u32 s24, $0xC;
	s7 =	sand.u32 $0x380, s0;
	s29 =	sshll.u32 s26, $0x1C  }
0x42: {  	s28 =	sshrl.u32 s26, $0x4;
	s24 =	sand.u32 $0x3F8000, s24;
	s29 =	sshra.s32 s29, $0x1F  }
0x43: {  	s0 =	smul.u32 $0x187000, s28;
	s3 =	sor.u32 s7, s3;
	s7 =	sor.u32 s7, s24  }
0x44: {  	s24 =	sshrl.u32 s10, $0x4;
	p0 =	seq.s32 s28, s6;
	s28 =	sshll.u32 s10, $0x1C  }
0x45: {  	s29 =	sand.u32 $0xC3800, s29;
	p1 =	seq.s32 s24, s6;
	s6 =	sshll.u32 s26, $0x7  }
0x46: {  	s26 =	sshll.u32 s26, $0xC;
	s24 =	smul.u32 $0x187000, s24;
	s28 =	sshra.s32 s28, $0x1F  }
0x47: {  	s0 =	sadd.s32 s0, s29;
	s6 =	sand.u32 $0x380, s6;
	s26 =	sand.u32 $0x3F8000, s26  }
0x48: {  	s0 =	sor.u32 s6, s0;
	s6 =	sor.u32 s6, s26;
	s26 =	sand.u32 $0xC3800, s28  }
0x49: {  	s21 =	sshrl.u32 s21, $0x3;
	s24 =	sadd.s32 s24, s26;
	s26 =	rddreg [dreg:$0x0]  }
0x4a: {  	s9 =	sshrl.u32 s9, $0x3;
	s13 =	sshrl.u32 s13, $0x3;
	s21 =	sadd.s32 s26, s21  }
0x4b: {  	s3 =	sshrl.u32 s3, $0x3;
	s9 =	sadd.s32 s26, s9;
	[dreg:$0x5] =	wrdreg s21  }
0x4c: {  	s0 =	sshrl.u32 s0, $0x3;
	s13 =	sadd.s32 s26, s13;
	[dreg:$0x6] =	wrdreg s9  }
0x4d: {  	s3 =	sadd.s32 s26, s3;
	s0 =	sadd.s32 s26, s0;
	[dreg:$0x7] =	wrdreg s13  }
0x4e: {  	s21 =	sshrl.u32 s15, $0x3;
	s13 =	sshrl.u32 s16, $0x3;
	[dreg:$0xf] =	wrdreg s3  }
0x4f: {  	s15 =	sshrl.u32 s17, $0x3;
	s17 =	sshrl.u32 s18, $0x3;
	[dreg:$0x10] =	wrdreg s0  }
0x50: {  	s9 =	sadd.s32 s26, s21;
	s16 =	sadd.s32 s26, s15;
	s15 =	sld [smem:$0x7FA]  }
0x51: {  	s18 =	sshrl.u32 s19, $0x3;
	s19 =	sshrl.u32 s20, $0x3;
	[dreg:$0x8] =	wrdreg s9  }
0x52: {  	s20 =	sadd.s32 s26, s19;
	[dreg:$0xa] =	wrdreg s16  }
0x53: {  	s0 =	simm.s32 $0x18700;
	[dreg:$0xd] =	wrdreg s20  }
0x54: {  	s22 =	sshrl.u32 s22, $0x3;
	s0 =	simm.s32 @!p6 $0x18780;
	s16 =	sld [smem:$0x7FB]  }
0x55: {  	s9 =	sadd.s32 s26, s13;
	s13 =	sadd.s32 s26, s22;
	s22 =	sld [smem:$0x7FC]  }
0x56: {  	s5 =	sshrl.u32 s5, $0x3;
	s8 =	sshrl.u32 s8, $0x3;
	[dreg:$0x17] =	wrdreg s0  }
0x57: {  	s12 =	sshrl.u32 s12, $0x3;
	[dreg:$0x9] =	wrdreg s9;
	s9 =	sadd.s32 s26, s17  }
0x58: {  	s21 =	sshll.u32 s10, $0x7;
	[dreg:$0xb] =	wrdreg s9;
	s9 =	sadd.s32 s26, s18  }
0x59: {  	s10 =	sshll.u32 s10, $0xC;
	[dreg:$0xc] =	wrdreg s9;
	s9 =	sand.u32 $0x380, s21  }
0x5a: {  	s19 =	simm.s32 $0x18700;
	[dreg:$0xe] =	wrdreg s13;
	s24 =	sor.u32 s9, s24  }
0x5b: {  	s20 =	simm.s32 $0x18700;
	s13 =	sld [smem:$0x7F9];
	s3 =	sshrl.u32 s24, $0x3  }
0x5c: {  	s26 =	sadd.s32 s26, s3;
	s3 =	sand.u32 $0x3F8000, s10;
	s10 =	sld [smem:$0x7F8]  }
0x5d: {  	s17 =	simm.s32 $0x18700;
	s24 =	sand.u32 $0x1F8380, s25;
	s25 =	rddreg [dreg:$0x1f]  }
0x5e: {  	s18 =	simm.s32 $0x18700;
	s0 =	sshrl.u32 s24, $0x3;
	[dreg:$0x11] =	wrdreg s26  }
0x5f: {  	s9 =	sor.u32 s9, s3;
	s3 =	sshrl.u32 s25, $0x3;
	p5 =	seq.s32 s10, $0x1  }
0x60: {  	s26 =	sshrl.u32 s23, $0x3;
	s10 =	rddreg [dreg:$0x1];
	s18 =	simm.s32 @!p5 $0x18780  }
0x61: {  	p5 =	seq.s32 s13, $0x1;
	s13 =	sshrl.u32 s14, $0x3;
	s14 =	sshrl.u32 s30, $0x3  }
0x62: {  	s17 =	simm.s32 @!p5 $0x18780;
	p5 =	seq.s32 s15, $0x1;
	s15 =	sadd.s32 $0x8800, s10  }
0x63: {  	s20 =	simm.s32 @!p5 $0x18780;
	p5 =	seq.s32 s16, $0x1;
	s23 =	sadd.s32 s15, s0  }
0x64: {  	s24 =	sadd.s32 s15, s3;
	s25 =	sadd.s32 s15, s26;
	s26 =	sadd.s32 s15, s5  }
0x65: {  	s28 =	sadd.s32 s15, s8;
	s29 =	sadd.s32 s15, s12;
	s16 =	sand.u32 $0x7FFF8380, s31  }
0x66: {  	s30 =	sadd.s32 s15, s13;
	s31 =	sadd.s32 s15, s14;
	s5 =	sshrl.u32 s4, $0x3  }
0x67: {  	s8 =	sshrl.u32 s7, $0x3;
	s12 =	sshrl.u32 s6, $0x3;
	s13 =	sshrl.u32 s9, $0x3  }
0x68: {  	s14 =	sld [smem:$0x7FD];
	s19 =	simm.s32 @!p5 $0x18780;
	p5 =	seq.s32 s22, $0x1  }
0x69: {  	s22 =	simm.s32 $0x18700;
	s3 =	sshrl.u32 s16, $0x3;
	s4 =	sadd.s32 s15, s8  }
0x6a: {  	s7 =	sadd.s32 s15, s13;
	s8 =	simm.s32 $0x0;
	s0 =	sadd.s32 s15, s3  }
0x6b: {  	s3 =	sadd.s32 s15, s5;
	s5 =	sadd.s32 s15, s12;
	s15 =	rddreg [dreg:$0x3]  }
0x6c: {  	s16 =	sshll.u32 s11, $0x4;
	s22 =	simm.s32 @!p2 $0x18780;
	[smem:$0x7FF] =	sst s8  }
0x6d: {  	p2 =	seq.s32 s14, $0x1;
	s12 =	sadd.s32 s15, s16;
	s14 =	sshll.u32 s11, $0x9  }
0x6e: {  	[dreg:$0x19] =	wrdreg s12;
	s12 =	sadd.s32 s14, s10;
	s10 =	sadd.s32 $0x5600, s10  }
0x6f: {  	_ =	strace $0x80000047;
	[dreg:$0x1a] =	wrdreg s10  }
0x70: {  	[dreg:$0x12] =	wrdreg s18  }
0x71: {  	s21 =	simm.s32 $0x18700;
	[dreg:$0x13] =	wrdreg s17  }
0x72: {  	s6 =	simm.s32 $0x18700;
	s9 =	simm.s32 $0x18700;
	[dreg:$0x14] =	wrdreg s20  }
0x73: {  	s13 =	simm.s32 $0x18700;
	s21 =	simm.s32 @!p5 $0x18780;
	[dreg:$0x15] =	wrdreg s19  }
0x74: {  	s9 =	simm.s32 @!p4 $0x18780;
	s13 =	simm.s32 @!p1 $0x18780;
	[dreg:$0x16] =	wrdreg s21  }
0x75: {  	s11 =	simm.s32 $0x18700;
	s6 =	simm.s32 @!p2 $0x18780;
	[dreg:$0x18] =	wrdreg s22  }
0x76: {  	s11 =	simm.s32 @!p3 $0x18780;
	s15 =	sadd.s32 $0x1600, s12;
	s16 =	rddreg [dreg:$0x1e]  }
0x77: {  	s14 =	simm.s32 $0x18700;
	[dreg:$0x1b] =	wrdreg s15;
	s10 =	smax.u32 s16, $0x1  }
0x78: {  	s14 =	simm.s32 @!p0 $0x18780;
	s15 =	simm.s32 $0x0;
	[dreg:$0x1c] =	wrdreg s10  }
.LBB2_1:
0x79: {  	[dreg:$0x1d] =	wrdreg s15;
	s10 =	simm.s32 $0x80  }
0x7a: {  	s16 =	sadd.s32 $0x0, s1;
	s12 =	simm.s32 $0x18800;
	s15 =	simm.s32 $0x18700  }
.LBB2_2:
0x7b: {  	[tilespmem:s15], [sflag:$0x3] =	stream.linear.gather [hbm4b:s16+s8], $0x80, $0x38;
	[tilespmem:$0x1D780] =	vst v63  }
0x7c: {  	s16 =	smov.u32 s10;
	s15 =	smov.u32 s12;
	p0 =	sne.s32 s10, $0xF80  }
.Ltmp0:
0x7d: {  	s10 =	sadd.s32 $0x80, s10;
	(pc) =	sbr.rel @p0 .LBB2_2-.Ltmp0, $2  }
0x7e: {  	_ =	sdelay $0x2  }
0x7f: {  	s12 =	sadd.s32 $0x100, s12;
	s16 =	sadd.s32 s16, s1  }
0x80: {  	[tilespmem:s15], [sflag:$0x3] =	stream.linear.gather [hbm4b:s16+s8], $0x80, $0x38;
	[tilespmem:$0x1D780] =	vst v63  }
0x81: {  	s10 =	simm.s32 $0x3  }
0x82: {  	_ =	swait.ge [sflag:s10], $0x1000  }
0x83: {  	s12 =	simm.s32 $0x80;
	s16 =	sadd.s32 $0x0, s2;
	[sflag:s10] =	ssyncset.done $0x0  }
0x84: {  	s15 =	simm.s32 $0x18880;
	[sflag:s10] =	ssyncadd.s32 $0xFFFFF000;
	s10 =	simm.s32 $0x18780  }
.LBB2_4:
0x85: {  	[tilespmem:s10], [sflag:$0x3] =	stream.linear.gather [hbm4b:s16+s8], $0x80, $0x38;
	[tilespmem:$0x1D780] =	vst v63  }
0x86: {  	s16 =	smov.u32 s12;
	s10 =	smov.u32 s15;
	p0 =	sne.s32 s12, $0xF80  }
.Ltmp1:
0x87: {  	s12 =	sadd.s32 $0x80, s12;
	(pc) =	sbr.rel @p0 .LBB2_4-.Ltmp1, $2  }
0x88: {  	_ =	sdelay $0x2  }
0x89: {  	s15 =	sadd.s32 $0x100, s15;
	s16 =	sadd.s32 s16, s2  }
0x8a: {  	[tilespmem:s10], [sflag:$0x3] =	stream.linear.gather [hbm4b:s16+s8], $0x80, $0x38;
	[tilespmem:$0x1D780] =	vst v63  }
0x8b: {  	s16 =	simm.s32 $0x3  }
0x8c: {  	s17 =	simm.s32 $0x0;
	_ =	swait.ge [sflag:s16], $0x1000  }
0x8d: {  	s15 =	simm.s32 $0x80;
	s19 =	simm.s32 $0x400;
	[sflag:s16] =	ssyncset.done $0x0  }
0x8e: {  	s20 =	simm.s32 $0x1;
	s12 =	rddreg [dreg:$0x5];
	[sflag:s16] =	ssyncadd.s32 $0xFFFFF000  }
0x8f: {  	[tilespmem:s17], [sflag:$0x1] =	stream.strided.gather [hbm4b:s12+s15], $0x18700, s19, s15, $0x38;
	[tilespmem:$0x1D780] =	vst v63  }
0x90: {  	_ =	swait.ge [sflag:s20], $0x18700  }
0x91: {  	s21 =	sand.u32 $0x40, s17;
	s10 =	sand.u32 $0x1F00, s17;
	[sflag:s20] =	ssyncset.done $0x0  }
0x92: {  	s10 =	sor.u32 s21, s10;
	[sflag:s20] =	ssyncadd.s32 $0xFFFE7900  }
0x93: {  	v0 =	vld [tilespmem:s10+$0x18700];
	_ =	sdelay $0x5  }
0x94: {  	v1 =	vld [tilespmem:s10+$0x18710];
	_ =	sdelay $0x1  }
0x95: {  	v0 =	vld.idx.msk [tilespmem:v0+s8+$0x0], $0xffff;
	_ =	sdelay $0x4  }
0x96: {  	v2 =	vld [tilespmem:s10+$0x18720];
	[tilespmem:s10+$0x1A700] =	vst v0  }
0x97: {  	v0 =	vld.idx.msk [tilespmem:v1+s8+$0x0], $0xffff;
	_ =	sdelay $0x4  }
0x98: {  	[tilespmem:s10+$0x1A710] =	vst v0;
	v0 =	vld [tilespmem:s10+$0x18730];
	_ =	sdelay $0x1  }
0x99: {  	v1 =	vld.idx.msk [tilespmem:v2+s8+$0x0], $0xffff;
	_ =	sdelay $0x1  }
0x9a: {  	s22 =	simm.s32 $0x40;
	s12 =	simm.s32 $0x80  }
0x9b: {  	s16 =	sand.u32 $0x40, s22;
	s15 =	simm.s32 $0x80;
	s17 =	sand.u32 $0x1F00, s12  }
.LBB2_6:
0x9c: {  	p0 =	sne.s32 s15, $0xFC0;
	s16 =	sor.u32 s16, s17  }
0x9d: {  	v2 =	vld [tilespmem:s16+$0x18700];
	[tilespmem:s10+$0x1A720] =	vst v1  }
0x9e: {  	v0 =	vld.idx.msk [tilespmem:v0+s8+$0x0], $0xffff;
	_ =	sdelay $0x5  }
0x9f: {  	v1 =	vld [tilespmem:s16+$0x18710];
	[tilespmem:s10+$0x1A730] =	vst v0;
	s10 =	smov.u32 s16  }
0xa0: {  	v0 =	vld.idx.msk [tilespmem:v2+s8+$0x0], $0xffff;
	_ =	sdelay $0x5  }
0xa1: {  	[tilespmem:s10+$0x1A700] =	vst v0;
	v2 =	vld [tilespmem:s10+$0x18720]  }
0xa2: {  	v0 =	vld.idx.msk [tilespmem:v1+s8+$0x0], $0xffff;
	_ =	sdelay $0x5  }
0xa3: {  	[tilespmem:s10+$0x1A710] =	vst v0;
	v0 =	vld [tilespmem:s10+$0x18730]  }
.Ltmp2:
0xa4: {  	v1 =	vld.idx.msk [tilespmem:v2+s8+$0x0], $0xffff;
	(pc) =	sbr.rel @p0 .LBB2_6-.Ltmp2, $3  }
0xa5: {  	_ =	sdelay $0x1  }
0xa6: {  	s12 =	sadd.s32 $0x80, s12  }
0xa7: {  	s17 =	sand.u32 $0x1F00, s12;
	s16 =	sand.u32 $0x40, s15;
	s15 =	sadd.s32 $0x40, s15  }
0xa8: {  	_ = 	snop  }
0xa9: {  	s12 =	sor.u32 s16, s17  }
0xaa: {  	v2 =	vld [tilespmem:s12+$0x18700]  }
0xab: {  	[tilespmem:s10+$0x1A720] =	vst v1  }
0xac: {  	v0 =	vld.idx.msk [tilespmem:v0+s8+$0x0], $0xffff;
	_ =	sdelay $0x3  }
0xad: {  	v1 =	vld [tilespmem:s12+$0x18710]  }
0xae: {  	[tilespmem:s10+$0x1A730] =	vst v0  }
0xaf: {  	v0 =	vld.idx.msk [tilespmem:v2+s8+$0x0], $0xffff;
	_ =	sdelay $0x3  }
0xb0: {  	v62 =	vld [tilespmem:s12+$0x18720]  }
0xb1: {  	[tilespmem:s12+$0x1A700] =	vst v0  }
0xb2: {  	v0 =	vld.idx.msk [tilespmem:v1+s8+$0x0], $0xffff;
	_ =	sdelay $0x3  }
0xb3: {  	v63 =	vld [tilespmem:s12+$0x18730]  }
0xb4: {  	[tilespmem:s12+$0x1A710] =	vst v0  }
0xb5: {  	v0 =	vld.idx.msk [tilespmem:v62+s8+$0x0], $0xffff;
	_ =	sdelay $0x4  }
0xb6: {  	[tilespmem:s12+$0x1A720] =	vst v0  }
0xb7: {  	v0 =	vld.idx.msk [tilespmem:v63+s8+$0x0], $0xffff;
	_ =	sdelay $0x3  }
0xb8: {  	s16 =	sadd.s32 $0x0, s23  }
0xb9: {  	s15 =	simm.s32 $0x1A800;
	s10 =	simm.s32 $0x1A700;
	[tilespmem:s12+$0x1A730] =	vst v0;
	s12 =	simm.s32 $0x80  }
.LBB2_8:
0xba: {  	[hbm4b:s16+s8] =	stream.linear.scatter [tilespmem:s10], [sflag:$0x2], $0x80, $0x38;
	[tilespmem:$0x1D780] =	vst v63  }
0xbb: {  	s16 =	smov.u32 s12;
	s10 =	smov.u32 s15;
	p0 =	sne.s32 s12, $0xF80  }
.Ltmp3:
0xbc: {  	s12 =	sadd.s32 $0x80, s12;
	(pc) =	sbr.rel @p0 .LBB2_8-.Ltmp3, $2  }
0xbd: {  	_ =	sdelay $0x2  }
0xbe: {  	s15 =	sadd.s32 $0x100, s15;
	s16 =	sadd.s32 s16, s23  }
0xbf: {  	[hbm4b:s16+s8] =	stream.linear.scatter [tilespmem:s10], [sflag:$0x2], $0x80, $0x38;
	[tilespmem:$0x1D780] =	vst v63  }
0xc0: {  	s10 =	simm.s32 $0x0;
	s12 =	rddreg [dreg:$0x6]  }
0xc1: {  	s15 =	simm.s32 $0x80;
	s21 =	simm.s32 $0x400;
	s22 =	simm.s32 $0x1  }
0xc2: {  	[tilespmem:s10], [sflag:$0x1] =	stream.strided.gather [hbm4b:s12+s15], $0x18700, s21, s15, $0x38;
	[tilespmem:$0x1D780] =	vst v63  }
0xc3: {  	_ =	swait.ge [sflag:s22], $0x18700  }
0xc4: {  	[sflag:s22] =	ssyncset.done $0x0  }
0xc5: {  	p0 =	por $0x0, $0x0;
	s12 =	simm.s32 $0x0;
	[sflag:s22] =	ssyncadd.s32 $0xFFFE7900  }
.LBB2_10:
0xc6: {  	s15 =	sand.u32 $0x1F00, s10  }
0xc7: {  	s16 =	sand.u32 $0x40, s12;
	s15 =	sadd.s32 s15, s18  }
0xc8: {  	s15 =	sadd.s32 s16, s15  }
0xc9: {  	v0 =	vld [tilespmem:s15+$0x0];
	_ =	sdelay $0x7  }
0xca: {  	s16 =	simm.s32 $0x1;
	v0 =	vld.idx.msk [tilespmem:v0+s8+$0x0], $0xffff  }
0xcb: {  	s16 =	simm.s32 @!p0 $0x0  }
0xcc: {  	s16 =	sshll.u32 s16, $0x6  }
0xcd: {  	s16 =	sadd.s32 s16, s10  }
0xce: {  	s17 =	sor.u32 $0x80, s16  }
0xcf: {  	[tilespmem:s17+$0x1A700] =	vst v0  }
0xd0: {  	v0 =	vld [tilespmem:s15+$0x10];
	_ =	sdelay $0x7  }
0xd1: {  	v0 =	vld.idx.msk [tilespmem:v0+s8+$0x0], $0xffff;
	_ =	sdelay $0x2  }
0xd2: {  	s20 =	sadd.s32 $0x10, s16  }
0xd3: {  	s17 =	sor.u32 $0x80, s20  }
0xd4: {  	[tilespmem:s17+$0x1A700] =	vst v0  }
0xd5: {  	v0 =	vld [tilespmem:s15+$0x20];
	_ =	sdelay $0x7  }
0xd6: {  	v0 =	vld.idx.msk [tilespmem:v0+s8+$0x0], $0xffff;
	_ =	sdelay $0x2  }
0xd7: {  	s21 =	sadd.s32 $0x20, s16  }
0xd8: {  	s17 =	sor.u32 $0x80, s21  }
0xd9: {  	[tilespmem:s17+$0x1A700] =	vst v0  }
0xda: {  	v0 =	vld [tilespmem:s15+$0x30];
	_ =	sdelay $0x7  }
0xdb: {  	p1 =	sne.s32 s12, $0xFC0;
	v0 =	vld.idx.msk [tilespmem:v0+s8+$0x0], $0xffff  }
.Ltmp4:
0xdc: {  	_ = 	snop;
	(pc) =	sbr.rel @p1 .LBB2_10-.Ltmp4, $4  }
0xdd: {  	_ = 	snop  }
0xde: {  	s22 =	sadd.s32 $0x30, s16  }
0xdf: {  	s15 =	sor.u32 $0x80, s22  }
0xe0: {  	s12 =	sadd.s32 $0x40, s12;
	p0 =	por !p0, !p0;
	s10 =	sadd.s32 $0x80, s10;
	[tilespmem:s15+$0x1A700] =	vst v0  }
0xe1: {  	s10 =	simm.s32 $0x1A780  }
0xe2: {  	s12 =	simm.s32 $0x80;
	s16 =	sadd.s32 $0x0, s24;
	s15 =	simm.s32 $0x1A880  }
.LBB2_12:
0xe3: {  	[hbm4b:s16+s8] =	stream.linear.scatter [tilespmem:s10], [sflag:$0x2], $0x80, $0x38;
	[tilespmem:$0x1D780] =	vst v63  }
0xe4: {  	s16 =	smov.u32 s12;
	s10 =	smov.u32 s15;
	p0 =	sne.s32 s12, $0xF80  }
.Ltmp5:
0xe5: {  	s12 =	sadd.s32 $0x80, s12;
	(pc) =	sbr.rel @p0 .LBB2_12-.Ltmp5, $2  }
0xe6: {  	_ =	sdelay $0x2  }
0xe7: {  	s15 =	sadd.s32 $0x100, s15;
	s16 =	sadd.s32 s16, s24  }
0xe8: {  	[hbm4b:s16+s8] =	stream.linear.scatter [tilespmem:s10], [sflag:$0x2], $0x80, $0x38;
	[tilespmem:$0x1D780] =	vst v63  }
0xe9: {  	s10 =	simm.s32 $0x0;
	s12 =	rddreg [dreg:$0x7]  }
0xea: {  	s15 =	simm.s32 $0x80;
	s20 =	simm.s32 $0x400;
	s21 =	simm.s32 $0x1  }
0xeb: {  	[tilespmem:s10], [sflag:$0x1] =	stream.strided.gather [hbm4b:s12+s15], $0x18700, s20, s15, $0x38;
	[tilespmem:$0x1D780] =	vst v63  }
0xec: {  	_ =	swait.ge [sflag:s21], $0x18700  }
0xed: {  	[sflag:s21] =	ssyncset.done $0x0  }
0xee: {  	s22 =	simm.s32 $0x2;
	[sflag:s21] =	ssyncadd.s32 $0xFFFE7900  }
0xef: {  	_ =	swait.ge [sflag:s22], $0x1000  }
0xf0: {  	[sflag:s22] =	ssyncset.done $0x0  }
0xf1: {  	s12 =	simm.s32 $0x0;
	s20 =	rddreg [dreg:$0x13];
	[sflag:s22] =	ssyncadd.s32 $0xFFFFF000  }
.LBB2_14:
0xf2: {  	s15 =	sand.u32 $0x1F00, s10  }
0xf3: {  	s16 =	sand.u32 $0x40, s12;
	s17 =	sadd.s32 s15, s20  }
0xf4: {  	s18 =	sadd.s32 s16, s17  }
0xf5: {  	v0 =	vld [tilespmem:s18+$0x0];
	_ =	sdelay $0x7  }
0xf6: {  	v0 =	vld.idx.msk [tilespmem:v0+s8+$0x0], $0xffff;
	_ =	sdelay $0x2  }
0xf7: {  	s15 =	sadd.s32 $0x1A700, s15  }
0xf8: {  	s19 =	sor.u32 $0x10, s16;
	s21 =	sor.u32 s16, s15  }
0xf9: {  	s22 =	sadd.s32 s19, s17;
	[tilespmem:s21+$0x0] =	vst v0  }
0xfa: {  	v0 =	vld [tilespmem:s22+$0x0];
	_ =	sdelay $0x7  }
0xfb: {  	v0 =	vld.idx.msk [tilespmem:v0+s8+$0x0], $0xffff;
	_ =	sdelay $0x3  }
0xfc: {  	s21 =	sor.u32 s19, s15;
	s22 =	sor.u32 $0x20, s16  }
0xfd: {  	[tilespmem:s21+$0x0] =	vst v0;
	s21 =	sadd.s32 s22, s17  }
0xfe: {  	v0 =	vld [tilespmem:s21+$0x0];
	_ =	sdelay $0x7  }
0xff: {  	v0 =	vld.idx.msk [tilespmem:v0+s8+$0x0], $0xffff;
	_ =	sdelay $0x3  }
0x100: {  	s16 =	sor.u32 $0x30, s16;
	s22 =	sor.u32 s22, s15  }
0x101: {  	s17 =	sadd.s32 s16, s17;
	[tilespmem:s22+$0x0] =	vst v0  }
0x102: {  	v0 =	vld [tilespmem:s17+$0x0];
	_ =	sdelay $0x7  }
0x103: {  	p0 =	sne.s32 s12, $0xFC0;
	v0 =	vld.idx.msk [tilespmem:v0+s8+$0x0], $0xffff  }
.Ltmp6:
0x104: {  	_ = 	snop;
	(pc) =	sbr.rel @p0 .LBB2_14-.Ltmp6, $3  }
0x105: {  	_ =	sdelay $0x1  }
0x106: {  	s15 =	sor.u32 s16, s15  }
0x107: {  	s10 =	sadd.s32 $0x80, s10;
	s12 =	sadd.s32 $0x40, s12;
	[tilespmem:s15+$0x0] =	vst v0  }
0x108: {  	s10 =	simm.s32 $0x1A700  }
0x109: {  	s12 =	simm.s32 $0x80;
	s16 =	sadd.s32 $0x0, s25;
	s15 =	simm.s32 $0x1A800  }
.LBB2_16:
0x10a: {  	[hbm4b:s16+s8] =	stream.linear.scatter [tilespmem:s10], [sflag:$0x2], $0x80, $0x38;
	[tilespmem:$0x1D780] =	vst v63  }
0x10b: {  	s16 =	smov.u32 s12;
	s10 =	smov.u32 s15;
	p0 =	sne.s32 s12, $0xF80  }
.Ltmp7:
0x10c: {  	s12 =	sadd.s32 $0x80, s12;
	(pc) =	sbr.rel @p0 .LBB2_16-.Ltmp7, $2  }
0x10d: {  	_ =	sdelay $0x2  }
0x10e: {  	s15 =	sadd.s32 $0x100, s15;
	s16 =	sadd.s32 s16, s25  }
0x10f: {  	[hbm4b:s16+s8] =	stream.linear.scatter [tilespmem:s10], [sflag:$0x2], $0x80, $0x38;
	[tilespmem:$0x1D780] =	vst v63  }
0x110: {  	s10 =	simm.s32 $0x0;
	s12 =	rddreg [dreg:$0x8]  }
0x111: {  	s15 =	simm.s32 $0x80;
	s20 =	simm.s32 $0x400;
	s21 =	simm.s32 $0x1  }
0x112: {  	[tilespmem:s10], [sflag:$0x1] =	stream.strided.gather [hbm4b:s12+s15], $0x18700, s20, s15, $0x38;
	[tilespmem:$0x1D780] =	vst v63  }
0x113: {  	_ =	swait.ge [sflag:s21], $0x18700  }
0x114: {  	[sflag:s21] =	ssyncset.done $0x0  }
0x115: {  	s22 =	simm.s32 $0x2;
	[sflag:s21] =	ssyncadd.s32 $0xFFFE7900  }
0x116: {  	_ =	swait.ge [sflag:s22], $0x1000  }
0x117: {  	p0 =	por $0x0, $0x0;
	[sflag:s22] =	ssyncset.done $0x0  }
0x118: {  	s12 =	simm.s32 $0x0;
	s20 =	rddreg [dreg:$0x14];
	[sflag:s22] =	ssyncadd.s32 $0xFFFFF000  }
.LBB2_18:
0x119: {  	s15 =	sand.u32 $0x1F00, s10  }
0x11a: {  	s16 =	sand.u32 $0x40, s12;
	s15 =	sadd.s32 s15, s20  }
0x11b: {  	s15 =	sadd.s32 s16, s15  }
0x11c: {  	v0 =	vld [tilespmem:s15+$0x0];
	_ =	sdelay $0x7  }
0x11d: {  	s16 =	simm.s32 $0x1;
	v0 =	vld.idx.msk [tilespmem:v0+s8+$0x0], $0xffff  }
0x11e: {  	s16 =	simm.s32 @!p0 $0x0  }
0x11f: {  	s16 =	sshll.u32 s16, $0x6  }
0x120: {  	s16 =	sadd.s32 s16, s10  }
0x121: {  	s17 =	sor.u32 $0x80, s16  }
0x122: {  	[tilespmem:s17+$0x1A700] =	vst v0  }
0x123: {  	v0 =	vld [tilespmem:s15+$0x10];
	_ =	sdelay $0x7  }
0x124: {  	v0 =	vld.idx.msk [tilespmem:v0+s8+$0x0], $0xffff;
	_ =	sdelay $0x2  }
0x125: {  	s19 =	sadd.s32 $0x10, s16  }
0x126: {  	s17 =	sor.u32 $0x80, s19  }
0x127: {  	[tilespmem:s17+$0x1A700] =	vst v0  }
0x128: {  	v0 =	vld [tilespmem:s15+$0x20];
	_ =	sdelay $0x7  }
0x129: {  	v0 =	vld.idx.msk [tilespmem:v0+s8+$0x0], $0xffff;
	_ =	sdelay $0x2  }
0x12a: {  	s21 =	sadd.s32 $0x20, s16  }
0x12b: {  	s17 =	sor.u32 $0x80, s21  }
0x12c: {  	[tilespmem:s17+$0x1A700] =	vst v0  }
0x12d: {  	v0 =	vld [tilespmem:s15+$0x30];
	_ =	sdelay $0x7  }
0x12e: {  	p1 =	sne.s32 s12, $0xFC0;
	v0 =	vld.idx.msk [tilespmem:v0+s8+$0x0], $0xffff  }
.Ltmp8:
0x12f: {  	_ = 	snop;
	(pc) =	sbr.rel @p1 .LBB2_18-.Ltmp8, $4  }
0x130: {  	_ = 	snop  }
0x131: {  	s22 =	sadd.s32 $0x30, s16  }
0x132: {  	s15 =	sor.u32 $0x80, s22  }
0x133: {  	s12 =	sadd.s32 $0x40, s12;
	p0 =	por !p0, !p0;
	s10 =	sadd.s32 $0x80, s10;
	[tilespmem:s15+$0x1A700] =	vst v0  }
0x134: {  	s10 =	simm.s32 $0x1A780  }
0x135: {  	s12 =	simm.s32 $0x80;
	s16 =	sadd.s32 $0x0, s26;
	s15 =	simm.s32 $0x1A880  }
.LBB2_20:
0x136: {  	[hbm4b:s16+s8] =	stream.linear.scatter [tilespmem:s10], [sflag:$0x2], $0x80, $0x38;
	[tilespmem:$0x1D780] =	vst v63  }
0x137: {  	s16 =	smov.u32 s12;
	s10 =	smov.u32 s15;
	p0 =	sne.s32 s12, $0xF80  }
.Ltmp9:
0x138: {  	s12 =	sadd.s32 $0x80, s12;
	(pc) =	sbr.rel @p0 .LBB2_20-.Ltmp9, $2  }
0x139: {  	_ =	sdelay $0x2  }
0x13a: {  	s15 =	sadd.s32 $0x100, s15;
	s16 =	sadd.s32 s16, s26  }
0x13b: {  	[hbm4b:s16+s8] =	stream.linear.scatter [tilespmem:s10], [sflag:$0x2], $0x80, $0x38;
	[tilespmem:$0x1D780] =	vst v63  }
0x13c: {  	s10 =	simm.s32 $0x0;
	s12 =	rddreg [dreg:$0x9]  }
0x13d: {  	s15 =	simm.s32 $0x80;
	s20 =	simm.s32 $0x400;
	s21 =	simm.s32 $0x1  }
0x13e: {  	[tilespmem:s10], [sflag:$0x1] =	stream.strided.gather [hbm4b:s12+s15], $0x18700, s20, s15, $0x38;
	[tilespmem:$0x1D780] =	vst v63  }
0x13f: {  	_ =	swait.ge [sflag:s21], $0x18700  }
0x140: {  	[sflag:s21] =	ssyncset.done $0x0  }
0x141: {  	s22 =	simm.s32 $0x2;
	[sflag:s21] =	ssyncadd.s32 $0xFFFE7900  }
0x142: {  	_ =	swait.ge [sflag:s22], $0x1000  }
0x143: {  	[sflag:s22] =	ssyncset.done $0x0  }
0x144: {  	s12 =	simm.s32 $0x0;
	s21 =	rddreg [dreg:$0x15];
	[sflag:s22] =	ssyncadd.s32 $0xFFFFF000  }
.LBB2_22:
0x145: {  	s15 =	sand.u32 $0x1F00, s10  }
0x146: {  	s16 =	sand.u32 $0x40, s12;
	s17 =	sadd.s32 s15, s21  }
0x147: {  	s18 =	sadd.s32 s16, s17  }
0x148: {  	v0 =	vld [tilespmem:s18+$0x0];
	_ =	sdelay $0x7  }
0x149: {  	v0 =	vld.idx.msk [tilespmem:v0+s8+$0x0], $0xffff;
	_ =	sdelay $0x2  }
0x14a: {  	s15 =	sadd.s32 $0x1A700, s15  }
0x14b: {  	s19 =	sor.u32 $0x10, s16;
	s20 =	sor.u32 s16, s15  }
0x14c: {  	s22 =	sadd.s32 s19, s17;
	[tilespmem:s20+$0x0] =	vst v0  }
0x14d: {  	v0 =	vld [tilespmem:s22+$0x0];
	_ =	sdelay $0x7  }
0x14e: {  	v0 =	vld.idx.msk [tilespmem:v0+s8+$0x0], $0xffff;
	_ =	sdelay $0x3  }
0x14f: {  	s20 =	sor.u32 s19, s15;
	s22 =	sor.u32 $0x20, s16  }
0x150: {  	[tilespmem:s20+$0x0] =	vst v0;
	s20 =	sadd.s32 s22, s17  }
0x151: {  	v0 =	vld [tilespmem:s20+$0x0];
	_ =	sdelay $0x7  }
0x152: {  	v0 =	vld.idx.msk [tilespmem:v0+s8+$0x0], $0xffff;
	_ =	sdelay $0x3  }
0x153: {  	s16 =	sor.u32 $0x30, s16;
	s22 =	sor.u32 s22, s15  }
0x154: {  	s17 =	sadd.s32 s16, s17;
	[tilespmem:s22+$0x0] =	vst v0  }
0x155: {  	v0 =	vld [tilespmem:s17+$0x0];
	_ =	sdelay $0x7  }
0x156: {  	p0 =	sne.s32 s12, $0xFC0;
	v0 =	vld.idx.msk [tilespmem:v0+s8+$0x0], $0xffff  }
.Ltmp10:
0x157: {  	_ = 	snop;
	(pc) =	sbr.rel @p0 .LBB2_22-.Ltmp10, $3  }
0x158: {  	_ =	sdelay $0x1  }
0x159: {  	s15 =	sor.u32 s16, s15  }
0x15a: {  	s10 =	sadd.s32 $0x80, s10;
	s12 =	sadd.s32 $0x40, s12;
	[tilespmem:s15+$0x0] =	vst v0  }
0x15b: {  	s10 =	simm.s32 $0x1A700  }
0x15c: {  	s12 =	simm.s32 $0x80;
	s16 =	sadd.s32 $0x0, s28;
	s15 =	simm.s32 $0x1A800  }
.LBB2_24:
0x15d: {  	[hbm4b:s16+s8] =	stream.linear.scatter [tilespmem:s10], [sflag:$0x2], $0x80, $0x38;
	[tilespmem:$0x1D780] =	vst v63  }
0x15e: {  	s16 =	smov.u32 s12;
	s10 =	smov.u32 s15;
	p0 =	sne.s32 s12, $0xF80  }
.Ltmp11:
0x15f: {  	s12 =	sadd.s32 $0x80, s12;
	(pc) =	sbr.rel @p0 .LBB2_24-.Ltmp11, $2  }
0x160: {  	_ =	sdelay $0x2  }
0x161: {  	s15 =	sadd.s32 $0x100, s15;
	s16 =	sadd.s32 s16, s28  }
0x162: {  	[hbm4b:s16+s8] =	stream.linear.scatter [tilespmem:s10], [sflag:$0x2], $0x80, $0x38;
	[tilespmem:$0x1D780] =	vst v63  }
0x163: {  	s10 =	simm.s32 $0x0;
	s12 =	rddreg [dreg:$0xa]  }
0x164: {  	s15 =	simm.s32 $0x80;
	s20 =	simm.s32 $0x400;
	s21 =	simm.s32 $0x1  }
0x165: {  	[tilespmem:s10], [sflag:$0x1] =	stream.strided.gather [hbm4b:s12+s15], $0x18700, s20, s15, $0x38;
	[tilespmem:$0x1D780] =	vst v63  }
0x166: {  	_ =	swait.ge [sflag:s21], $0x18700  }
0x167: {  	[sflag:s21] =	ssyncset.done $0x0  }
0x168: {  	s22 =	simm.s32 $0x2;
	[sflag:s21] =	ssyncadd.s32 $0xFFFE7900  }
0x169: {  	_ =	swait.ge [sflag:s22], $0x1000  }
0x16a: {  	p0 =	por $0x0, $0x0;
	[sflag:s22] =	ssyncset.done $0x0  }
0x16b: {  	s12 =	simm.s32 $0x0;
	s21 =	rddreg [dreg:$0x16];
	[sflag:s22] =	ssyncadd.s32 $0xFFFFF000  }
.LBB2_26:
0x16c: {  	s15 =	sand.u32 $0x1F00, s10  }
0x16d: {  	s16 =	sand.u32 $0x40, s12;
	s15 =	sadd.s32 s15, s21  }
0x16e: {  	s15 =	sadd.s32 s16, s15  }
0x16f: {  	v0 =	vld [tilespmem:s15+$0x0];
	_ =	sdelay $0x7  }
0x170: {  	s16 =	simm.s32 $0x1;
	v0 =	vld.idx.msk [tilespmem:v0+s8+$0x0], $0xffff  }
0x171: {  	s16 =	simm.s32 @!p0 $0x0  }
0x172: {  	s16 =	sshll.u32 s16, $0x6  }
0x173: {  	s16 =	sadd.s32 s16, s10  }
0x174: {  	s17 =	sor.u32 $0x80, s16  }
0x175: {  	[tilespmem:s17+$0x1A700] =	vst v0  }
0x176: {  	v0 =	vld [tilespmem:s15+$0x10];
	_ =	sdelay $0x7  }
0x177: {  	v0 =	vld.idx.msk [tilespmem:v0+s8+$0x0], $0xffff;
	_ =	sdelay $0x2  }
0x178: {  	s19 =	sadd.s32 $0x10, s16  }
0x179: {  	s17 =	sor.u32 $0x80, s19  }
0x17a: {  	[tilespmem:s17+$0x1A700] =	vst v0  }
0x17b: {  	v0 =	vld [tilespmem:s15+$0x20];
	_ =	sdelay $0x7  }
0x17c: {  	v0 =	vld.idx.msk [tilespmem:v0+s8+$0x0], $0xffff;
	_ =	sdelay $0x2  }
0x17d: {  	s20 =	sadd.s32 $0x20, s16  }
0x17e: {  	s17 =	sor.u32 $0x80, s20  }
0x17f: {  	[tilespmem:s17+$0x1A700] =	vst v0  }
0x180: {  	v0 =	vld [tilespmem:s15+$0x30];
	_ =	sdelay $0x7  }
0x181: {  	p1 =	sne.s32 s12, $0xFC0;
	v0 =	vld.idx.msk [tilespmem:v0+s8+$0x0], $0xffff  }
.Ltmp12:
0x182: {  	_ = 	snop;
	(pc) =	sbr.rel @p1 .LBB2_26-.Ltmp12, $4  }
0x183: {  	_ = 	snop  }
0x184: {  	s22 =	sadd.s32 $0x30, s16  }
0x185: {  	s15 =	sor.u32 $0x80, s22  }
0x186: {  	s12 =	sadd.s32 $0x40, s12;
	p0 =	por !p0, !p0;
	s10 =	sadd.s32 $0x80, s10;
	[tilespmem:s15+$0x1A700] =	vst v0  }
0x187: {  	s10 =	simm.s32 $0x1A780  }
0x188: {  	s12 =	simm.s32 $0x80;
	s16 =	sadd.s32 $0x0, s29;
	s15 =	simm.s32 $0x1A880  }
.LBB2_28:
0x189: {  	[hbm4b:s16+s8] =	stream.linear.scatter [tilespmem:s10], [sflag:$0x2], $0x80, $0x38;
	[tilespmem:$0x1D780] =	vst v63  }
0x18a: {  	s16 =	smov.u32 s12;
	s10 =	smov.u32 s15;
	p0 =	sne.s32 s12, $0xF80  }
.Ltmp13:
0x18b: {  	s12 =	sadd.s32 $0x80, s12;
	(pc) =	sbr.rel @p0 .LBB2_28-.Ltmp13, $2  }
0x18c: {  	_ =	sdelay $0x2  }
0x18d: {  	s15 =	sadd.s32 $0x100, s15;
	s16 =	sadd.s32 s16, s29  }
0x18e: {  	[hbm4b:s16+s8] =	stream.linear.scatter [tilespmem:s10], [sflag:$0x2], $0x80, $0x38;
	[tilespmem:$0x1D780] =	vst v63  }
0x18f: {  	s10 =	simm.s32 $0x0;
	s12 =	rddreg [dreg:$0xb]  }
0x190: {  	s15 =	simm.s32 $0x80;
	s20 =	simm.s32 $0x400;
	s21 =	simm.s32 $0x1  }
0x191: {  	[tilespmem:s10], [sflag:$0x1] =	stream.strided.gather [hbm4b:s12+s15], $0x18700, s20, s15, $0x38;
	[tilespmem:$0x1D780] =	vst v63  }
0x192: {  	_ =	swait.ge [sflag:s21], $0x18700  }
0x193: {  	[sflag:s21] =	ssyncset.done $0x0  }
0x194: {  	s22 =	simm.s32 $0x2;
	[sflag:s21] =	ssyncadd.s32 $0xFFFE7900  }
0x195: {  	_ =	swait.ge [sflag:s22], $0x1000  }
0x196: {  	[sflag:s22] =	ssyncset.done $0x0  }
0x197: {  	s12 =	simm.s32 $0x0;
	[sflag:s22] =	ssyncadd.s32 $0xFFFFF000;
	s22 =	rddreg [dreg:$0x17]  }
.LBB2_30:
0x198: {  	s15 =	sand.u32 $0x1F00, s10  }
0x199: {  	s16 =	sand.u32 $0x40, s12;
	s17 =	sadd.s32 s15, s22  }
0x19a: {  	s18 =	sadd.s32 s16, s17  }
0x19b: {  	v0 =	vld [tilespmem:s18+$0x0];
	_ =	sdelay $0x7  }
0x19c: {  	v0 =	vld.idx.msk [tilespmem:v0+s8+$0x0], $0xffff;
	_ =	sdelay $0x2  }
0x19d: {  	s15 =	sadd.s32 $0x1A700, s15  }
0x19e: {  	s19 =	sor.u32 $0x10, s16;
	s20 =	sor.u32 s16, s15  }
0x19f: {  	s21 =	sadd.s32 s19, s17;
	[tilespmem:s20+$0x0] =	vst v0  }
0x1a0: {  	v0 =	vld [tilespmem:s21+$0x0];
	_ =	sdelay $0x7  }
0x1a1: {  	v0 =	vld.idx.msk [tilespmem:v0+s8+$0x0], $0xffff;
	_ =	sdelay $0x3  }
0x1a2: {  	s20 =	sor.u32 s19, s15;
	s21 =	sor.u32 $0x20, s16  }
0x1a3: {  	[tilespmem:s20+$0x0] =	vst v0;
	s20 =	sadd.s32 s21, s17  }
0x1a4: {  	v0 =	vld [tilespmem:s20+$0x0];
	_ =	sdelay $0x7  }
0x1a5: {  	v0 =	vld.idx.msk [tilespmem:v0+s8+$0x0], $0xffff;
	_ =	sdelay $0x3  }
0x1a6: {  	s16 =	sor.u32 $0x30, s16;
	s21 =	sor.u32 s21, s15  }
0x1a7: {  	s17 =	sadd.s32 s16, s17;
	[tilespmem:s21+$0x0] =	vst v0  }
0x1a8: {  	v0 =	vld [tilespmem:s17+$0x0];
	_ =	sdelay $0x7  }
0x1a9: {  	p0 =	sne.s32 s12, $0xFC0;
	v0 =	vld.idx.msk [tilespmem:v0+s8+$0x0], $0xffff  }
.Ltmp14:
0x1aa: {  	_ = 	snop;
	(pc) =	sbr.rel @p0 .LBB2_30-.Ltmp14, $3  }
0x1ab: {  	_ =	sdelay $0x1  }
0x1ac: {  	s15 =	sor.u32 s16, s15  }
0x1ad: {  	s10 =	sadd.s32 $0x80, s10;
	s12 =	sadd.s32 $0x40, s12;
	[tilespmem:s15+$0x0] =	vst v0  }
0x1ae: {  	s10 =	simm.s32 $0x1A700  }
0x1af: {  	s12 =	simm.s32 $0x80;
	s16 =	sadd.s32 $0x0, s30;
	s15 =	simm.s32 $0x1A800  }
.LBB2_32:
0x1b0: {  	[hbm4b:s16+s8] =	stream.linear.scatter [tilespmem:s10], [sflag:$0x2], $0x80, $0x38;
	[tilespmem:$0x1D780] =	vst v63  }
0x1b1: {  	s16 =	smov.u32 s12;
	s10 =	smov.u32 s15;
	p0 =	sne.s32 s12, $0xF80  }
.Ltmp15:
0x1b2: {  	s12 =	sadd.s32 $0x80, s12;
	(pc) =	sbr.rel @p0 .LBB2_32-.Ltmp15, $2  }
0x1b3: {  	_ =	sdelay $0x2  }
0x1b4: {  	s15 =	sadd.s32 $0x100, s15;
	s16 =	sadd.s32 s16, s30  }
0x1b5: {  	[hbm4b:s16+s8] =	stream.linear.scatter [tilespmem:s10], [sflag:$0x2], $0x80, $0x38;
	[tilespmem:$0x1D780] =	vst v63  }
0x1b6: {  	s10 =	simm.s32 $0x0;
	s12 =	rddreg [dreg:$0xc]  }
0x1b7: {  	s15 =	simm.s32 $0x80;
	s20 =	simm.s32 $0x400;
	s21 =	simm.s32 $0x1  }
0x1b8: {  	[tilespmem:s10], [sflag:$0x1] =	stream.strided.gather [hbm4b:s12+s15], $0x18700, s20, s15, $0x38;
	[tilespmem:$0x1D780] =	vst v63  }
0x1b9: {  	_ =	swait.ge [sflag:s21], $0x18700  }
0x1ba: {  	[sflag:s21] =	ssyncset.done $0x0  }
0x1bb: {  	s22 =	simm.s32 $0x2;
	[sflag:s21] =	ssyncadd.s32 $0xFFFE7900  }
0x1bc: {  	_ =	swait.ge [sflag:s22], $0x1000  }
0x1bd: {  	p0 =	por $0x0, $0x0;
	[sflag:s22] =	ssyncset.done $0x0  }
0x1be: {  	s12 =	simm.s32 $0x0;
	[sflag:s22] =	ssyncadd.s32 $0xFFFFF000;
	s22 =	rddreg [dreg:$0x18]  }
.LBB2_34:
0x1bf: {  	s15 =	sand.u32 $0x1F00, s10  }
0x1c0: {  	s16 =	sand.u32 $0x40, s12;
	s15 =	sadd.s32 s15, s22  }
0x1c1: {  	s15 =	sadd.s32 s16, s15  }
0x1c2: {  	v0 =	vld [tilespmem:s15+$0x0];
	_ =	sdelay $0x7  }
0x1c3: {  	s16 =	simm.s32 $0x1;
	v0 =	vld.idx.msk [tilespmem:v0+s8+$0x0], $0xffff  }
0x1c4: {  	s16 =	simm.s32 @!p0 $0x0  }
0x1c5: {  	s16 =	sshll.u32 s16, $0x6  }
0x1c6: {  	s16 =	sadd.s32 s16, s10  }
0x1c7: {  	s17 =	sor.u32 $0x80, s16  }
0x1c8: {  	[tilespmem:s17+$0x1A700] =	vst v0  }
0x1c9: {  	v0 =	vld [tilespmem:s15+$0x10];
	_ =	sdelay $0x7  }
0x1ca: {  	v0 =	vld.idx.msk [tilespmem:v0+s8+$0x0], $0xffff;
	_ =	sdelay $0x2  }
0x1cb: {  	s19 =	sadd.s32 $0x10, s16  }
0x1cc: {  	s17 =	sor.u32 $0x80, s19  }
0x1cd: {  	[tilespmem:s17+$0x1A700] =	vst v0  }
0x1ce: {  	v0 =	vld [tilespmem:s15+$0x20];
	_ =	sdelay $0x7  }
0x1cf: {  	v0 =	vld.idx.msk [tilespmem:v0+s8+$0x0], $0xffff;
	_ =	sdelay $0x2  }
0x1d0: {  	s20 =	sadd.s32 $0x20, s16  }
0x1d1: {  	s17 =	sor.u32 $0x80, s20  }
0x1d2: {  	[tilespmem:s17+$0x1A700] =	vst v0  }
0x1d3: {  	v0 =	vld [tilespmem:s15+$0x30];
	_ =	sdelay $0x7  }
0x1d4: {  	p1 =	sne.s32 s12, $0xFC0;
	v0 =	vld.idx.msk [tilespmem:v0+s8+$0x0], $0xffff  }
.Ltmp16:
0x1d5: {  	_ = 	snop;
	(pc) =	sbr.rel @p1 .LBB2_34-.Ltmp16, $4  }
0x1d6: {  	_ = 	snop  }
0x1d7: {  	s21 =	sadd.s32 $0x30, s16  }
0x1d8: {  	s15 =	sor.u32 $0x80, s21  }
0x1d9: {  	s12 =	sadd.s32 $0x40, s12;
	p0 =	por !p0, !p0;
	s10 =	sadd.s32 $0x80, s10;
	[tilespmem:s15+$0x1A700] =	vst v0  }
0x1da: {  	s10 =	simm.s32 $0x1A780  }
0x1db: {  	s12 =	simm.s32 $0x80;
	s16 =	sadd.s32 $0x0, s31;
	s15 =	simm.s32 $0x1A880  }
.LBB2_36:
0x1dc: {  	[hbm4b:s16+s8] =	stream.linear.scatter [tilespmem:s10], [sflag:$0x2], $0x80, $0x38;
	[tilespmem:$0x1D780] =	vst v63  }
0x1dd: {  	s16 =	smov.u32 s12;
	s10 =	smov.u32 s15;
	p0 =	sne.s32 s12, $0xF80  }
.Ltmp17:
0x1de: {  	s12 =	sadd.s32 $0x80, s12;
	(pc) =	sbr.rel @p0 .LBB2_36-.Ltmp17, $2  }
0x1df: {  	_ =	sdelay $0x2  }
0x1e0: {  	s15 =	sadd.s32 $0x100, s15;
	s16 =	sadd.s32 s16, s31  }
0x1e1: {  	[hbm4b:s16+s8] =	stream.linear.scatter [tilespmem:s10], [sflag:$0x2], $0x80, $0x38;
	[tilespmem:$0x1D780] =	vst v63  }
0x1e2: {  	s10 =	simm.s32 $0x0;
	s12 =	rddreg [dreg:$0xd]  }
0x1e3: {  	s15 =	simm.s32 $0x80;
	s20 =	simm.s32 $0x400;
	s21 =	simm.s32 $0x1  }
0x1e4: {  	[tilespmem:s10], [sflag:$0x1] =	stream.strided.gather [hbm4b:s12+s15], $0x18700, s20, s15, $0x38;
	[tilespmem:$0x1D780] =	vst v63  }
0x1e5: {  	_ =	swait.ge [sflag:s21], $0x18700  }
0x1e6: {  	[sflag:s21] =	ssyncset.done $0x0  }
0x1e7: {  	s22 =	simm.s32 $0x2;
	[sflag:s21] =	ssyncadd.s32 $0xFFFE7900  }
0x1e8: {  	_ =	swait.ge [sflag:s22], $0x1000  }
0x1e9: {  	[sflag:s22] =	ssyncset.done $0x0  }
0x1ea: {  	s12 =	simm.s32 $0x0;
	[sflag:s22] =	ssyncadd.s32 $0xFFFFF000  }
.LBB2_38:
0x1eb: {  	s15 =	sand.u32 $0x1F00, s10  }
0x1ec: {  	s16 =	sand.u32 $0x40, s12;
	s17 =	sadd.s32 s15, s6  }
0x1ed: {  	s18 =	sadd.s32 s16, s17  }
0x1ee: {  	v0 =	vld [tilespmem:s18+$0x0];
	_ =	sdelay $0x7  }
0x1ef: {  	v0 =	vld.idx.msk [tilespmem:v0+s8+$0x0], $0xffff;
	_ =	sdelay $0x2  }
0x1f0: {  	s15 =	sadd.s32 $0x1A700, s15  }
0x1f1: {  	s19 =	sor.u32 $0x10, s16;
	s21 =	sor.u32 s16, s15  }
0x1f2: {  	s22 =	sadd.s32 s19, s17;
	[tilespmem:s21+$0x0] =	vst v0  }
0x1f3: {  	v0 =	vld [tilespmem:s22+$0x0];
	_ =	sdelay $0x7  }
0x1f4: {  	v0 =	vld.idx.msk [tilespmem:v0+s8+$0x0], $0xffff;
	_ =	sdelay $0x3  }
0x1f5: {  	s20 =	sor.u32 $0x20, s16;
	s19 =	sor.u32 s19, s15  }
0x1f6: {  	s21 =	sadd.s32 s20, s17;
	[tilespmem:s19+$0x0] =	vst v0  }
0x1f7: {  	v0 =	vld [tilespmem:s21+$0x0];
	_ =	sdelay $0x7  }
0x1f8: {  	v0 =	vld.idx.msk [tilespmem:v0+s8+$0x0], $0xffff;
	_ =	sdelay $0x3  }
0x1f9: {  	s16 =	sor.u32 $0x30, s16;
	s22 =	sor.u32 s20, s15  }
0x1fa: {  	s17 =	sadd.s32 s16, s17;
	[tilespmem:s22+$0x0] =	vst v0  }
0x1fb: {  	v0 =	vld [tilespmem:s17+$0x0];
	_ =	sdelay $0x7  }
0x1fc: {  	p0 =	sne.s32 s12, $0xFC0;
	v0 =	vld.idx.msk [tilespmem:v0+s8+$0x0], $0xffff  }
.Ltmp18:
0x1fd: {  	_ = 	snop;
	(pc) =	sbr.rel @p0 .LBB2_38-.Ltmp18, $3  }
0x1fe: {  	_ =	sdelay $0x1  }
0x1ff: {  	s15 =	sor.u32 s16, s15  }
0x200: {  	s10 =	sadd.s32 $0x80, s10;
	s12 =	sadd.s32 $0x40, s12;
	[tilespmem:s15+$0x0] =	vst v0  }
0x201: {  	s10 =	simm.s32 $0x1A700  }
0x202: {  	s12 =	simm.s32 $0x80;
	s16 =	sadd.s32 $0x0, s0;
	s15 =	simm.s32 $0x1A800  }
.LBB2_40:
0x203: {  	[hbm4b:s16+s8] =	stream.linear.scatter [tilespmem:s10], [sflag:$0x2], $0x80, $0x38;
	[tilespmem:$0x1D780] =	vst v63  }
0x204: {  	s16 =	smov.u32 s12;
	s10 =	smov.u32 s15;
	p0 =	sne.s32 s12, $0xF80  }
.Ltmp19:
0x205: {  	s12 =	sadd.s32 $0x80, s12;
	(pc) =	sbr.rel @p0 .LBB2_40-.Ltmp19, $2  }
0x206: {  	_ =	sdelay $0x2  }
0x207: {  	s15 =	sadd.s32 $0x100, s15;
	s16 =	sadd.s32 s16, s0  }
0x208: {  	[hbm4b:s16+s8] =	stream.linear.scatter [tilespmem:s10], [sflag:$0x2], $0x80, $0x38;
	[tilespmem:$0x1D780] =	vst v63  }
0x209: {  	s10 =	simm.s32 $0x0;
	s12 =	rddreg [dreg:$0xe]  }
0x20a: {  	s15 =	simm.s32 $0x80;
	s20 =	simm.s32 $0x400;
	s21 =	simm.s32 $0x1  }
0x20b: {  	[tilespmem:s10], [sflag:$0x1] =	stream.strided.gather [hbm4b:s12+s15], $0x18700, s20, s15, $0x38;
	[tilespmem:$0x1D780] =	vst v63  }
0x20c: {  	_ =	swait.ge [sflag:s21], $0x18700  }
0x20d: {  	[sflag:s21] =	ssyncset.done $0x0  }
0x20e: {  	s22 =	simm.s32 $0x2;
	[sflag:s21] =	ssyncadd.s32 $0xFFFE7900  }
0x20f: {  	_ =	swait.ge [sflag:s22], $0x1000  }
0x210: {  	[sflag:s22] =	ssyncset.done $0x0  }
0x211: {  	p0 =	por $0x0, $0x0;
	s12 =	simm.s32 $0x0;
	[sflag:s22] =	ssyncadd.s32 $0xFFFFF000  }
.LBB2_42:
0x212: {  	s15 =	sand.u32 $0x1F00, s10  }
0x213: {  	s16 =	sand.u32 $0x40, s12;
	s15 =	sadd.s32 s15, s9  }
0x214: {  	s15 =	sadd.s32 s16, s15  }
0x215: {  	v0 =	vld [tilespmem:s15+$0x0];
	_ =	sdelay $0x7  }
0x216: {  	s16 =	simm.s32 $0x1;
	v0 =	vld.idx.msk [tilespmem:v0+s8+$0x0], $0xffff  }
0x217: {  	s16 =	simm.s32 @!p0 $0x0  }
0x218: {  	s16 =	sshll.u32 s16, $0x6  }
0x219: {  	s16 =	sadd.s32 s16, s10  }
0x21a: {  	s17 =	sor.u32 $0x80, s16  }
0x21b: {  	[tilespmem:s17+$0x1A700] =	vst v0  }
0x21c: {  	v0 =	vld [tilespmem:s15+$0x10];
	_ =	sdelay $0x7  }
0x21d: {  	v0 =	vld.idx.msk [tilespmem:v0+s8+$0x0], $0xffff;
	_ =	sdelay $0x2  }
0x21e: {  	s20 =	sadd.s32 $0x10, s16  }
0x21f: {  	s17 =	sor.u32 $0x80, s20  }
0x220: {  	[tilespmem:s17+$0x1A700] =	vst v0  }
0x221: {  	v0 =	vld [tilespmem:s15+$0x20];
	_ =	sdelay $0x7  }
0x222: {  	v0 =	vld.idx.msk [tilespmem:v0+s8+$0x0], $0xffff;
	_ =	sdelay $0x2  }
0x223: {  	s21 =	sadd.s32 $0x20, s16  }
0x224: {  	s17 =	sor.u32 $0x80, s21  }
0x225: {  	[tilespmem:s17+$0x1A700] =	vst v0  }
0x226: {  	v0 =	vld [tilespmem:s15+$0x30];
	_ =	sdelay $0x7  }
0x227: {  	p1 =	sne.s32 s12, $0xFC0;
	v0 =	vld.idx.msk [tilespmem:v0+s8+$0x0], $0xffff  }
.Ltmp20:
0x228: {  	_ = 	snop;
	(pc) =	sbr.rel @p1 .LBB2_42-.Ltmp20, $4  }
0x229: {  	_ = 	snop  }
0x22a: {  	s22 =	sadd.s32 $0x30, s16  }
0x22b: {  	s15 =	sor.u32 $0x80, s22  }
0x22c: {  	s12 =	sadd.s32 $0x40, s12;
	p0 =	por !p0, !p0;
	s10 =	sadd.s32 $0x80, s10;
	[tilespmem:s15+$0x1A700] =	vst v0  }
0x22d: {  	s10 =	simm.s32 $0x1A780  }
0x22e: {  	s12 =	simm.s32 $0x80;
	s16 =	sadd.s32 $0x0, s3;
	s15 =	simm.s32 $0x1A880  }
.LBB2_44:
0x22f: {  	[hbm4b:s16+s8] =	stream.linear.scatter [tilespmem:s10], [sflag:$0x2], $0x80, $0x38;
	[tilespmem:$0x1D780] =	vst v63  }
0x230: {  	s16 =	smov.u32 s12;
	s10 =	smov.u32 s15;
	p0 =	sne.s32 s12, $0xF80  }
.Ltmp21:
0x231: {  	s12 =	sadd.s32 $0x80, s12;
	(pc) =	sbr.rel @p0 .LBB2_44-.Ltmp21, $2  }
0x232: {  	_ =	sdelay $0x2  }
0x233: {  	s15 =	sadd.s32 $0x100, s15;
	s16 =	sadd.s32 s16, s3  }
0x234: {  	[hbm4b:s16+s8] =	stream.linear.scatter [tilespmem:s10], [sflag:$0x2], $0x80, $0x38;
	[tilespmem:$0x1D780] =	vst v63  }
0x235: {  	s10 =	simm.s32 $0x0;
	s12 =	rddreg [dreg:$0xf]  }
0x236: {  	s15 =	simm.s32 $0x80;
	s20 =	simm.s32 $0x400;
	s21 =	simm.s32 $0x1  }
0x237: {  	[tilespmem:s10], [sflag:$0x1] =	stream.strided.gather [hbm4b:s12+s15], $0x18700, s20, s15, $0x38;
	[tilespmem:$0x1D780] =	vst v63  }
0x238: {  	_ =	swait.ge [sflag:s21], $0x18700  }
0x239: {  	[sflag:s21] =	ssyncset.done $0x0  }
0x23a: {  	s22 =	simm.s32 $0x2;
	[sflag:s21] =	ssyncadd.s32 $0xFFFE7900  }
0x23b: {  	_ =	swait.ge [sflag:s22], $0x1000  }
0x23c: {  	[sflag:s22] =	ssyncset.done $0x0  }
0x23d: {  	s12 =	simm.s32 $0x0;
	[sflag:s22] =	ssyncadd.s32 $0xFFFFF000  }
.LBB2_46:
0x23e: {  	s15 =	sand.u32 $0x1F00, s10  }
0x23f: {  	s16 =	sand.u32 $0x40, s12;
	s17 =	sadd.s32 s15, s11  }
0x240: {  	s18 =	sadd.s32 s16, s17  }
0x241: {  	v0 =	vld [tilespmem:s18+$0x0];
	_ =	sdelay $0x7  }
0x242: {  	v0 =	vld.idx.msk [tilespmem:v0+s8+$0x0], $0xffff;
	_ =	sdelay $0x2  }
0x243: {  	s15 =	sadd.s32 $0x1A700, s15  }
0x244: {  	s19 =	sor.u32 $0x10, s16;
	s21 =	sor.u32 s16, s15  }
0x245: {  	s22 =	sadd.s32 s19, s17;
	[tilespmem:s21+$0x0] =	vst v0  }
0x246: {  	v0 =	vld [tilespmem:s22+$0x0];
	_ =	sdelay $0x7  }
0x247: {  	v0 =	vld.idx.msk [tilespmem:v0+s8+$0x0], $0xffff;
	_ =	sdelay $0x3  }
0x248: {  	s20 =	sor.u32 $0x20, s16;
	s19 =	sor.u32 s19, s15  }
0x249: {  	s21 =	sadd.s32 s20, s17;
	[tilespmem:s19+$0x0] =	vst v0  }
0x24a: {  	v0 =	vld [tilespmem:s21+$0x0];
	_ =	sdelay $0x7  }
0x24b: {  	v0 =	vld.idx.msk [tilespmem:v0+s8+$0x0], $0xffff;
	_ =	sdelay $0x3  }
0x24c: {  	s16 =	sor.u32 $0x30, s16;
	s22 =	sor.u32 s20, s15  }
0x24d: {  	s17 =	sadd.s32 s16, s17;
	[tilespmem:s22+$0x0] =	vst v0  }
0x24e: {  	v0 =	vld [tilespmem:s17+$0x0];
	_ =	sdelay $0x7  }
0x24f: {  	p0 =	sne.s32 s12, $0xFC0;
	v0 =	vld.idx.msk [tilespmem:v0+s8+$0x0], $0xffff  }
.Ltmp22:
0x250: {  	_ = 	snop;
	(pc) =	sbr.rel @p0 .LBB2_46-.Ltmp22, $3  }
0x251: {  	_ =	sdelay $0x1  }
0x252: {  	s15 =	sor.u32 s16, s15  }
0x253: {  	s10 =	sadd.s32 $0x80, s10;
	s12 =	sadd.s32 $0x40, s12;
	[tilespmem:s15+$0x0] =	vst v0  }
0x254: {  	s10 =	simm.s32 $0x1A700  }
0x255: {  	s12 =	simm.s32 $0x80;
	s16 =	sadd.s32 $0x0, s4;
	s15 =	simm.s32 $0x1A800  }
.LBB2_48:
0x256: {  	[hbm4b:s16+s8] =	stream.linear.scatter [tilespmem:s10], [sflag:$0x2], $0x80, $0x38;
	[tilespmem:$0x1D780] =	vst v63  }
0x257: {  	s16 =	smov.u32 s12;
	s10 =	smov.u32 s15;
	p0 =	sne.s32 s12, $0xF80  }
.Ltmp23:
0x258: {  	s12 =	sadd.s32 $0x80, s12;
	(pc) =	sbr.rel @p0 .LBB2_48-.Ltmp23, $2  }
0x259: {  	_ =	sdelay $0x2  }
0x25a: {  	s15 =	sadd.s32 $0x100, s15;
	s16 =	sadd.s32 s16, s4  }
0x25b: {  	[hbm4b:s16+s8] =	stream.linear.scatter [tilespmem:s10], [sflag:$0x2], $0x80, $0x38;
	[tilespmem:$0x1D780] =	vst v63  }
0x25c: {  	s10 =	simm.s32 $0x0;
	s12 =	rddreg [dreg:$0x10]  }
0x25d: {  	s15 =	simm.s32 $0x80;
	s20 =	simm.s32 $0x400;
	s21 =	simm.s32 $0x1  }
0x25e: {  	[tilespmem:s10], [sflag:$0x1] =	stream.strided.gather [hbm4b:s12+s15], $0x18700, s20, s15, $0x38;
	[tilespmem:$0x1D780] =	vst v63  }
0x25f: {  	_ =	swait.ge [sflag:s21], $0x18700  }
0x260: {  	[sflag:s21] =	ssyncset.done $0x0  }
0x261: {  	s22 =	simm.s32 $0x2;
	[sflag:s21] =	ssyncadd.s32 $0xFFFE7900  }
0x262: {  	_ =	swait.ge [sflag:s22], $0x1000  }
0x263: {  	[sflag:s22] =	ssyncset.done $0x0  }
0x264: {  	p0 =	por $0x0, $0x0;
	s12 =	simm.s32 $0x0;
	[sflag:s22] =	ssyncadd.s32 $0xFFFFF000  }
.LBB2_50:
0x265: {  	s15 =	sand.u32 $0x1F00, s10  }
0x266: {  	s16 =	sand.u32 $0x40, s12;
	s15 =	sadd.s32 s15, s14  }
0x267: {  	s15 =	sadd.s32 s16, s15  }
0x268: {  	v0 =	vld [tilespmem:s15+$0x0];
	_ =	sdelay $0x7  }
0x269: {  	s16 =	simm.s32 $0x1;
	v0 =	vld.idx.msk [tilespmem:v0+s8+$0x0], $0xffff  }
0x26a: {  	s16 =	simm.s32 @!p0 $0x0  }
0x26b: {  	s16 =	sshll.u32 s16, $0x6  }
0x26c: {  	s16 =	sadd.s32 s16, s10  }
0x26d: {  	s17 =	sor.u32 $0x80, s16  }
0x26e: {  	[tilespmem:s17+$0x1A700] =	vst v0  }
0x26f: {  	v0 =	vld [tilespmem:s15+$0x10];
	_ =	sdelay $0x7  }
0x270: {  	v0 =	vld.idx.msk [tilespmem:v0+s8+$0x0], $0xffff;
	_ =	sdelay $0x2  }
0x271: {  	s20 =	sadd.s32 $0x10, s16  }
0x272: {  	s17 =	sor.u32 $0x80, s20  }
0x273: {  	[tilespmem:s17+$0x1A700] =	vst v0  }
0x274: {  	v0 =	vld [tilespmem:s15+$0x20];
	_ =	sdelay $0x7  }
0x275: {  	v0 =	vld.idx.msk [tilespmem:v0+s8+$0x0], $0xffff;
	_ =	sdelay $0x2  }
0x276: {  	s21 =	sadd.s32 $0x20, s16  }
0x277: {  	s17 =	sor.u32 $0x80, s21  }
0x278: {  	[tilespmem:s17+$0x1A700] =	vst v0  }
0x279: {  	v0 =	vld [tilespmem:s15+$0x30];
	_ =	sdelay $0x7  }
0x27a: {  	p1 =	sne.s32 s12, $0xFC0;
	v0 =	vld.idx.msk [tilespmem:v0+s8+$0x0], $0xffff  }
.Ltmp24:
0x27b: {  	_ = 	snop;
	(pc) =	sbr.rel @p1 .LBB2_50-.Ltmp24, $4  }
0x27c: {  	_ = 	snop  }
0x27d: {  	s22 =	sadd.s32 $0x30, s16  }
0x27e: {  	s15 =	sor.u32 $0x80, s22  }
0x27f: {  	s12 =	sadd.s32 $0x40, s12;
	p0 =	por !p0, !p0;
	s10 =	sadd.s32 $0x80, s10;
	[tilespmem:s15+$0x1A700] =	vst v0  }
0x280: {  	s10 =	simm.s32 $0x1A780  }
0x281: {  	s12 =	simm.s32 $0x80;
	s16 =	sadd.s32 $0x0, s5;
	s15 =	simm.s32 $0x1A880  }
.LBB2_52:
0x282: {  	[hbm4b:s16+s8] =	stream.linear.scatter [tilespmem:s10], [sflag:$0x2], $0x80, $0x38;
	[tilespmem:$0x1D780] =	vst v63  }
0x283: {  	s16 =	smov.u32 s12;
	s10 =	smov.u32 s15;
	p0 =	sne.s32 s12, $0xF80  }
.Ltmp25:
0x284: {  	s12 =	sadd.s32 $0x80, s12;
	(pc) =	sbr.rel @p0 .LBB2_52-.Ltmp25, $2  }
0x285: {  	_ =	sdelay $0x2  }
0x286: {  	s15 =	sadd.s32 $0x100, s15;
	s16 =	sadd.s32 s16, s5  }
0x287: {  	[hbm4b:s16+s8] =	stream.linear.scatter [tilespmem:s10], [sflag:$0x2], $0x80, $0x38;
	[tilespmem:$0x1D780] =	vst v63  }
0x288: {  	s10 =	simm.s32 $0x0;
	s12 =	rddreg [dreg:$0x11]  }
0x289: {  	s15 =	simm.s32 $0x80;
	s20 =	simm.s32 $0x400;
	s21 =	simm.s32 $0x1  }
0x28a: {  	[tilespmem:s10], [sflag:$0x1] =	stream.strided.gather [hbm4b:s12+s15], $0x18700, s20, s15, $0x38;
	[tilespmem:$0x1D780] =	vst v63  }
0x28b: {  	_ =	swait.ge [sflag:s21], $0x18700  }
0x28c: {  	[sflag:s21] =	ssyncset.done $0x0  }
0x28d: {  	s22 =	simm.s32 $0x2;
	[sflag:s21] =	ssyncadd.s32 $0xFFFE7900  }
0x28e: {  	_ =	swait.ge [sflag:s22], $0x1000  }
0x28f: {  	[sflag:s22] =	ssyncset.done $0x0  }
0x290: {  	s12 =	simm.s32 $0x0;
	[sflag:s22] =	ssyncadd.s32 $0xFFFFF000  }
.LBB2_54:
0x291: {  	s15 =	sand.u32 $0x1F00, s10  }
0x292: {  	s16 =	sand.u32 $0x40, s12;
	s17 =	sadd.s32 s15, s13  }
0x293: {  	s18 =	sadd.s32 s16, s17  }
0x294: {  	v0 =	vld [tilespmem:s18+$0x0];
	_ =	sdelay $0x7  }
0x295: {  	v0 =	vld.idx.msk [tilespmem:v0+s8+$0x0], $0xffff;
	_ =	sdelay $0x2  }
0x296: {  	s15 =	sadd.s32 $0x1A700, s15  }
0x297: {  	s19 =	sor.u32 $0x10, s16;
	s21 =	sor.u32 s16, s15  }
0x298: {  	s22 =	sadd.s32 s19, s17;
	[tilespmem:s21+$0x0] =	vst v0  }
0x299: {  	v0 =	vld [tilespmem:s22+$0x0];
	_ =	sdelay $0x7  }
0x29a: {  	v0 =	vld.idx.msk [tilespmem:v0+s8+$0x0], $0xffff;
	_ =	sdelay $0x3  }
0x29b: {  	s20 =	sor.u32 $0x20, s16;
	s19 =	sor.u32 s19, s15  }
0x29c: {  	s21 =	sadd.s32 s20, s17;
	[tilespmem:s19+$0x0] =	vst v0  }
0x29d: {  	v0 =	vld [tilespmem:s21+$0x0];
	_ =	sdelay $0x7  }
0x29e: {  	v0 =	vld.idx.msk [tilespmem:v0+s8+$0x0], $0xffff;
	_ =	sdelay $0x3  }
0x29f: {  	s16 =	sor.u32 $0x30, s16;
	s22 =	sor.u32 s20, s15  }
0x2a0: {  	s17 =	sadd.s32 s16, s17;
	[tilespmem:s22+$0x0] =	vst v0  }
0x2a1: {  	v0 =	vld [tilespmem:s17+$0x0];
	_ =	sdelay $0x7  }
0x2a2: {  	p0 =	sne.s32 s12, $0xFC0;
	v0 =	vld.idx.msk [tilespmem:v0+s8+$0x0], $0xffff  }
.Ltmp26:
0x2a3: {  	_ = 	snop;
	(pc) =	sbr.rel @p0 .LBB2_54-.Ltmp26, $3  }
0x2a4: {  	_ =	sdelay $0x1  }
0x2a5: {  	s15 =	sor.u32 s16, s15  }
0x2a6: {  	s10 =	sadd.s32 $0x80, s10;
	s12 =	sadd.s32 $0x40, s12;
	[tilespmem:s15+$0x0] =	vst v0  }
0x2a7: {  	s10 =	simm.s32 $0x1A700  }
0x2a8: {  	s12 =	simm.s32 $0x80;
	s16 =	sadd.s32 $0x0, s7;
	s15 =	simm.s32 $0x1A800  }
.LBB2_56:
0x2a9: {  	[hbm4b:s16+s8] =	stream.linear.scatter [tilespmem:s10], [sflag:$0x2], $0x80, $0x38;
	[tilespmem:$0x1D780] =	vst v63  }
0x2aa: {  	s16 =	smov.u32 s12;
	s10 =	smov.u32 s15;
	p0 =	sne.s32 s12, $0xF80  }
.Ltmp27:
0x2ab: {  	s12 =	sadd.s32 $0x80, s12;
	(pc) =	sbr.rel @p0 .LBB2_56-.Ltmp27, $2  }
0x2ac: {  	_ =	sdelay $0x2  }
0x2ad: {  	s15 =	sadd.s32 $0x100, s15;
	s16 =	sadd.s32 s16, s7  }
0x2ae: {  	[hbm4b:s16+s8] =	stream.linear.scatter [tilespmem:s10], [sflag:$0x2], $0x80, $0x38;
	[tilespmem:$0x1D780] =	vst v63  }
0x2af: {  	s19 =	simm.s32 $0x2  }
0x2b0: {  	_ =	swait.ge [sflag:s19], $0x1000  }
0x2b1: {  	[sflag:s19] =	ssyncset.done $0x0  }
0x2b2: {  	[sflag:s19] =	ssyncadd.s32 $0xFFFFF000  }
0x2b3: {  	_ =	swait.ge [sflag:s19], $0x1000  }
0x2b4: {  	s20 =	simm.s32 $0x0;
	[sflag:s19] =	ssyncset.done $0x0  }
0x2b5: {  	s15 =	simm.s32 $0x3;
	s12 =	rddreg [dreg:$0x1a];
	[sflag:s19] =	ssyncadd.s32 $0xFFFFF000  }
0x2b6: {  	[tilespmem:s20], [sflag:$0x3] =	stream.linear.gather [hbm4b:s12+s20], $0x18700, $0x38;
	[tilespmem:$0x1D780] =	vst v63  }
0x2b7: {  	_ =	swait.ge [sflag:s15], $0x18700  }
0x2b8: {  	[sflag:s15] =	ssyncset.done $0x0  }
0x2b9: {  	s22 =	simm.s32 $0x1C700;
	s21 =	rddreg [dreg:$0x1b];
	[sflag:s15] =	ssyncadd.s32 $0xFFFE7900  }
0x2ba: {  	[tilespmem:s22], [sflag:$0x3] =	stream.linear.gather [hbm4b:s21+s20], $0xD00, $0x38;
	[tilespmem:$0x1D780] =	vst v63  }
0x2bb: {  	_ =	swait.ge [sflag:s15], $0xD00  }
0x2bc: {  	[sflag:s15] =	ssyncset.done $0x0  }
0x2bd: {  	s12 =	simm.s32 $0x0;
	[sflag:s15] =	ssyncadd.s32 $0xFFFFF300  }
0x2be: {  	v0 =	vld [tilespmem:s12+$0x1C700];
	_ =	sdelay $0x1  }
0x2bf: {  	v1 =	vld [tilespmem:s12+$0x1C780];
	_ =	sdelay $0x1  }
0x2c0: {  	v2 =	vld [tilespmem:s12+$0x1C800];
	_ =	sdelay $0x1  }
0x2c1: {  	v3 =	vld [tilespmem:s12+$0x1C880]  }
0x2c2: {  	v4 =	vld [tilespmem:s12+$0x1C900]  }
0x2c3: {  	v0 =	vld.idx.msk [tilespmem:v0+s8+$0x0], $0xffff  }
0x2c4: {  	v5 =	vld [tilespmem:s12+$0x1C980]  }
0x2c5: {  	v1 =	vld.idx.msk [tilespmem:v1+s8+$0x0], $0xffff  }
0x2c6: {  	v6 =	vld [tilespmem:s12+$0x1CA00]  }
0x2c7: {  	v2 =	vld.idx.msk [tilespmem:v2+s8+$0x0], $0xffff  }
0x2c8: {  	v7 =	vld [tilespmem:s12+$0x1CA80];
	v0 =	vadd.f32 $0.0e+00, v0  }
0x2c9: {  	v3 =	vld.idx.msk [tilespmem:v3+s8+$0x0], $0xffff  }
0x2ca: {  	v8 =	vld [tilespmem:s12+$0x1CB00];
	v0 =	vadd.f32 v1, v0  }
0x2cb: {  	v1 =	vld.idx.msk [tilespmem:v4+s8+$0x0], $0xffff  }
0x2cc: {  	v4 =	vld [tilespmem:s12+$0x1CB80];
	v0 =	vadd.f32 v2, v0  }
0x2cd: {  	v2 =	vld.idx.msk [tilespmem:v5+s8+$0x0], $0xffff  }
0x2ce: {  	v5 =	vld [tilespmem:s12+$0x1CC00];
	v0 =	vadd.f32 v3, v0  }
0x2cf: {  	v3 =	vld.idx.msk [tilespmem:v6+s8+$0x0], $0xffff  }
0x2d0: {  	v54 =	vld [tilespmem:s12+$0x1CC80];
	v0 =	vadd.f32 v1, v0  }
0x2d1: {  	v1 =	vld.idx.msk [tilespmem:v7+s8+$0x0], $0xffff  }
0x2d2: {  	v55 =	vld [tilespmem:s12+$0x1CD00];
	v0 =	vadd.f32 v2, v0  }
0x2d3: {  	v2 =	vld.idx.msk [tilespmem:v8+s8+$0x0], $0xffff  }
0x2d4: {  	v56 =	vld [tilespmem:s12+$0x1CD80];
	v0 =	vadd.f32 v3, v0  }
0x2d5: {  	v3 =	vld.idx.msk [tilespmem:v4+s8+$0x0], $0xffff  }
0x2d6: {  	v4 =	vld [tilespmem:s12+$0x1CE00];
	v0 =	vadd.f32 v1, v0  }
0x2d7: {  	v1 =	vld.idx.msk [tilespmem:v5+s8+$0x0], $0xffff  }
0x2d8: {  	v5 =	vld [tilespmem:s12+$0x1CE80];
	v0 =	vadd.f32 v2, v0  }
0x2d9: {  	v2 =	vld.idx.msk [tilespmem:v54+s8+$0x0], $0xffff  }
0x2da: {  	v57 =	vld [tilespmem:s12+$0x1CF00];
	v0 =	vadd.f32 v3, v0  }
0x2db: {  	v3 =	vld.idx.msk [tilespmem:v55+s8+$0x0], $0xffff  }
0x2dc: {  	v58 =	vld [tilespmem:s12+$0x1CF80];
	v0 =	vadd.f32 v1, v0  }
0x2dd: {  	v1 =	vld.idx.msk [tilespmem:v56+s8+$0x0], $0xffff  }
0x2de: {  	v59 =	vld [tilespmem:s12+$0x1D000];
	v0 =	vadd.f32 v2, v0  }
0x2df: {  	v2 =	vld.idx.msk [tilespmem:v4+s8+$0x0], $0xffff  }
0x2e0: {  	v4 =	vld [tilespmem:s12+$0x1D080];
	v0 =	vadd.f32 v3, v0  }
0x2e1: {  	v3 =	vld.idx.msk [tilespmem:v5+s8+$0x0], $0xffff  }
0x2e2: {  	v5 =	vld [tilespmem:s12+$0x1D100];
	v0 =	vadd.f32 v1, v0  }
0x2e3: {  	v1 =	vld.idx.msk [tilespmem:v57+s8+$0x0], $0xffff  }
0x2e4: {  	v60 =	vld [tilespmem:s12+$0x1D180];
	v0 =	vadd.f32 v2, v0  }
0x2e5: {  	v2 =	vld.idx.msk [tilespmem:v58+s8+$0x0], $0xffff  }
0x2e6: {  	v61 =	vld [tilespmem:s12+$0x1D200];
	v0 =	vadd.f32 v3, v0  }
0x2e7: {  	v3 =	vld.idx.msk [tilespmem:v59+s8+$0x0], $0xffff  }
0x2e8: {  	v62 =	vld [tilespmem:s12+$0x1D280];
	v0 =	vadd.f32 v1, v0  }
0x2e9: {  	v1 =	vld.idx.msk [tilespmem:v4+s8+$0x0], $0xffff  }
0x2ea: {  	v4 =	vld [tilespmem:s12+$0x1D300];
	v0 =	vadd.f32 v2, v0  }
0x2eb: {  	v2 =	vld.idx.msk [tilespmem:v5+s8+$0x0], $0xffff  }
0x2ec: {  	v5 =	vld [tilespmem:s12+$0x1D380];
	v0 =	vadd.f32 v3, v0  }
0x2ed: {  	v3 =	vld.idx.msk [tilespmem:v60+s8+$0x0], $0xffff  }
0x2ee: {  	v0 =	vadd.f32 v1, v0  }
0x2ef: {  	v63 =	vld.idx.msk [tilespmem:v61+s8+$0x0], $0xffff  }
0x2f0: {  	v1 =	vadd.f32 v2, v0  }
0x2f1: {  	v0 =	vld.idx.msk [tilespmem:v62+s8+$0x0], $0xffff  }
0x2f2: {  	v2 =	vadd.f32 v3, v1  }
0x2f3: {  	v1 =	vld.idx.msk [tilespmem:v4+s8+$0x0], $0xffff  }
0x2f4: {  	s10 =	simm.s32 $0x10;
	s18 =	rddreg [dreg:$0x12];
	s15 =	simm.s32 $0x80;
	v3 =	vadd.f32 v63, v2;
	v2 =	vld.idx.msk [tilespmem:v5+s8+$0x0], $0xffff  }
.LBB2_58:
0x2f5: {  	p0 =	sne.s32 s15, $0x1C0;
	v4 =	vld [tilespmem:s10+$0x1C700]  }
0x2f6: {  	v0 =	vadd.f32 v0, v3  }
0x2f7: {  	v3 =	vld [tilespmem:s10+$0x1C780]  }
0x2f8: {  	v0 =	vadd.f32 v1, v0  }
0x2f9: {  	v1 =	vld [tilespmem:s10+$0x1C800]  }
0x2fa: {  	v0 =	vadd.f32 v2, v0  }
0x2fb: {  	v2 =	vld [tilespmem:s10+$0x1C880]  }
0x2fc: {  	v5 =	vld [tilespmem:s10+$0x1C900];
	[tilespmem:s12+$0x1D700] =	vst v0;
	s12 =	smov.u32 s10  }
0x2fd: {  	v0 =	vld.idx.msk [tilespmem:v4+s8+$0x0], $0xffff  }
0x2fe: {  	v4 =	vld [tilespmem:s12+$0x1C980]  }
0x2ff: {  	v3 =	vld.idx.msk [tilespmem:v3+s8+$0x0], $0xffff  }
0x300: {  	v6 =	vld [tilespmem:s12+$0x1CA00]  }
0x301: {  	v1 =	vld.idx.msk [tilespmem:v1+s8+$0x0], $0xffff  }
0x302: {  	v7 =	vld [tilespmem:s12+$0x1CA80]  }
0x303: {  	v0 =	vadd.f32 $0.0e+00, v0;
	v2 =	vld.idx.msk [tilespmem:v2+s8+$0x0], $0xffff  }
0x304: {  	v8 =	vld [tilespmem:s12+$0x1CB00]  }
0x305: {  	v0 =	vadd.f32 v3, v0;
	v3 =	vld.idx.msk [tilespmem:v5+s8+$0x0], $0xffff  }
0x306: {  	v5 =	vld [tilespmem:s12+$0x1CB80]  }
0x307: {  	v0 =	vadd.f32 v1, v0;
	v1 =	vld.idx.msk [tilespmem:v4+s8+$0x0], $0xffff  }
0x308: {  	v4 =	vld [tilespmem:s12+$0x1CC00]  }
0x309: {  	v0 =	vadd.f32 v2, v0;
	v2 =	vld.idx.msk [tilespmem:v6+s8+$0x0], $0xffff  }
0x30a: {  	v6 =	vld [tilespmem:s12+$0x1CC80]  }
0x30b: {  	v0 =	vadd.f32 v3, v0;
	v3 =	vld.idx.msk [tilespmem:v7+s8+$0x0], $0xffff  }
0x30c: {  	v7 =	vld [tilespmem:s12+$0x1CD00]  }
0x30d: {  	v0 =	vadd.f32 v1, v0;
	v1 =	vld.idx.msk [tilespmem:v8+s8+$0x0], $0xffff  }
0x30e: {  	v8 =	vld [tilespmem:s12+$0x1CD80]  }
0x30f: {  	v0 =	vadd.f32 v2, v0;
	v2 =	vld.idx.msk [tilespmem:v5+s8+$0x0], $0xffff  }
0x310: {  	v5 =	vld [tilespmem:s12+$0x1CE00]  }
0x311: {  	v0 =	vadd.f32 v3, v0;
	v3 =	vld.idx.msk [tilespmem:v4+s8+$0x0], $0xffff  }
0x312: {  	v4 =	vld [tilespmem:s12+$0x1CE80]  }
0x313: {  	v0 =	vadd.f32 v1, v0;
	v1 =	vld.idx.msk [tilespmem:v6+s8+$0x0], $0xffff  }
0x314: {  	v6 =	vld [tilespmem:s12+$0x1CF00]  }
0x315: {  	v0 =	vadd.f32 v2, v0;
	v2 =	vld.idx.msk [tilespmem:v7+s8+$0x0], $0xffff  }
0x316: {  	v7 =	vld [tilespmem:s12+$0x1CF80]  }
0x317: {  	v0 =	vadd.f32 v3, v0;
	v3 =	vld.idx.msk [tilespmem:v8+s8+$0x0], $0xffff  }
0x318: {  	v8 =	vld [tilespmem:s12+$0x1D000]  }
0x319: {  	v0 =	vadd.f32 v1, v0;
	v1 =	vld.idx.msk [tilespmem:v5+s8+$0x0], $0xffff  }
0x31a: {  	v5 =	vld [tilespmem:s12+$0x1D080]  }
0x31b: {  	v0 =	vadd.f32 v2, v0;
	v2 =	vld.idx.msk [tilespmem:v4+s8+$0x0], $0xffff  }
0x31c: {  	v4 =	vld [tilespmem:s12+$0x1D100]  }
0x31d: {  	v0 =	vadd.f32 v3, v0;
	v3 =	vld.idx.msk [tilespmem:v6+s8+$0x0], $0xffff  }
0x31e: {  	v6 =	vld [tilespmem:s12+$0x1D180]  }
0x31f: {  	v0 =	vadd.f32 v1, v0;
	v1 =	vld.idx.msk [tilespmem:v7+s8+$0x0], $0xffff  }
0x320: {  	v7 =	vld [tilespmem:s12+$0x1D200]  }
0x321: {  	v0 =	vadd.f32 v2, v0;
	v2 =	vld.idx.msk [tilespmem:v8+s8+$0x0], $0xffff  }
0x322: {  	v8 =	vld [tilespmem:s12+$0x1D280]  }
0x323: {  	v0 =	vadd.f32 v3, v0;
	v3 =	vld.idx.msk [tilespmem:v5+s8+$0x0], $0xffff  }
0x324: {  	v5 =	vld [tilespmem:s12+$0x1D300]  }
0x325: {  	v0 =	vadd.f32 v1, v0;
	v1 =	vld.idx.msk [tilespmem:v4+s8+$0x0], $0xffff  }
0x326: {  	v4 =	vld [tilespmem:s12+$0x1D380]  }
0x327: {  	v0 =	vadd.f32 v2, v0;
	v2 =	vld.idx.msk [tilespmem:v6+s8+$0x0], $0xffff;
	_ =	sdelay $0x1  }
0x328: {  	v0 =	vadd.f32 v3, v0;
	v3 =	vld.idx.msk [tilespmem:v7+s8+$0x0], $0xffff;
	_ =	sdelay $0x1  }
.Ltmp28:
0x329: {  	v1 =	vadd.f32 v1, v0;
	v0 =	vld.idx.msk [tilespmem:v8+s8+$0x0], $0xffff;
	(pc) =	sbr.rel @p0 .LBB2_58-.Ltmp28, $3  }
0x32a: {  	_ = 	snop  }
0x32b: {  	v2 =	vadd.f32 v2, v1;
	v1 =	vld.idx.msk [tilespmem:v5+s8+$0x0], $0xffff;
	_ =	sdelay $0x1  }
0x32c: {  	s10 =	sshra.s32 s15, $0x2;
	s15 =	sadd.s32 $0x40, s15;
	v3 =	vadd.f32 v3, v2;
	v2 =	vld.idx.msk [tilespmem:v4+s8+$0x0], $0xffff  }
0x32d: {  	v4 =	vld [tilespmem:s10+$0x1C700]  }
0x32e: {  	v0 =	vadd.f32 v0, v3  }
0x32f: {  	v21 =	vld [tilespmem:s10+$0x1C780]  }
0x330: {  	v0 =	vadd.f32 v1, v0  }
0x331: {  	v22 =	vld [tilespmem:s10+$0x1C800]  }
0x332: {  	v0 =	vadd.f32 v2, v0  }
0x333: {  	v23 =	vld [tilespmem:s10+$0x1C880]  }
0x334: {  	v5 =	vld [tilespmem:s10+$0x1C900];
	[tilespmem:s12+$0x1D700] =	vst v0  }
0x335: {  	v0 =	vld.idx.msk [tilespmem:v4+s8+$0x0], $0xffff  }
0x336: {  	v24 =	vld [tilespmem:s10+$0x1C980]  }
0x337: {  	v3 =	vld.idx.msk [tilespmem:v21+s8+$0x0], $0xffff  }
0x338: {  	v6 =	vld [tilespmem:s10+$0x1CA00]  }
0x339: {  	v1 =	vld.idx.msk [tilespmem:v22+s8+$0x0], $0xffff  }
0x33a: {  	v7 =	vld [tilespmem:s10+$0x1CA80];
	v0 =	vadd.f32 $0.0e+00, v0  }
0x33b: {  	v2 =	vld.idx.msk [tilespmem:v23+s8+$0x0], $0xffff  }
0x33c: {  	v8 =	vld [tilespmem:s10+$0x1CB00];
	v0 =	vadd.f32 v3, v0  }
0x33d: {  	v25 =	vld.idx.msk [tilespmem:v5+s8+$0x0], $0xffff  }
0x33e: {  	v26 =	vld [tilespmem:s10+$0x1CB80];
	v0 =	vadd.f32 v1, v0  }
0x33f: {  	v27 =	vld.idx.msk [tilespmem:v24+s8+$0x0], $0xffff  }
0x340: {  	v28 =	vld [tilespmem:s10+$0x1CC00];
	v0 =	vadd.f32 v2, v0  }
0x341: {  	v29 =	vld.idx.msk [tilespmem:v6+s8+$0x0], $0xffff  }
0x342: {  	v30 =	vld [tilespmem:s10+$0x1CC80];
	v0 =	vadd.f32 v25, v0  }
0x343: {  	v31 =	vld.idx.msk [tilespmem:v7+s8+$0x0], $0xffff  }
0x344: {  	v32 =	vld [tilespmem:s10+$0x1CD00];
	v0 =	vadd.f32 v27, v0  }
0x345: {  	v33 =	vld.idx.msk [tilespmem:v8+s8+$0x0], $0xffff  }
0x346: {  	v34 =	vld [tilespmem:s10+$0x1CD80];
	v0 =	vadd.f32 v29, v0  }
0x347: {  	v35 =	vld.idx.msk [tilespmem:v26+s8+$0x0], $0xffff  }
0x348: {  	v36 =	vld [tilespmem:s10+$0x1CE00];
	v0 =	vadd.f32 v31, v0  }
0x349: {  	v37 =	vld.idx.msk [tilespmem:v28+s8+$0x0], $0xffff  }
0x34a: {  	v38 =	vld [tilespmem:s10+$0x1CE80];
	v0 =	vadd.f32 v33, v0  }
0x34b: {  	v39 =	vld.idx.msk [tilespmem:v30+s8+$0x0], $0xffff  }
0x34c: {  	v40 =	vld [tilespmem:s10+$0x1CF00];
	v0 =	vadd.f32 v35, v0  }
0x34d: {  	v41 =	vld.idx.msk [tilespmem:v32+s8+$0x0], $0xffff  }
0x34e: {  	v42 =	vld [tilespmem:s10+$0x1CF80];
	v0 =	vadd.f32 v37, v0  }
0x34f: {  	v43 =	vld.idx.msk [tilespmem:v34+s8+$0x0], $0xffff  }
0x350: {  	v44 =	vld [tilespmem:s10+$0x1D000];
	v0 =	vadd.f32 v39, v0  }
0x351: {  	v45 =	vld.idx.msk [tilespmem:v36+s8+$0x0], $0xffff  }
0x352: {  	v46 =	vld [tilespmem:s10+$0x1D080];
	v0 =	vadd.f32 v41, v0  }
0x353: {  	v47 =	vld.idx.msk [tilespmem:v38+s8+$0x0], $0xffff  }
0x354: {  	v48 =	vld [tilespmem:s10+$0x1D100];
	v0 =	vadd.f32 v43, v0  }
0x355: {  	v49 =	vld.idx.msk [tilespmem:v40+s8+$0x0], $0xffff  }
0x356: {  	v50 =	vld [tilespmem:s10+$0x1D180];
	v0 =	vadd.f32 v45, v0  }
0x357: {  	v51 =	vld.idx.msk [tilespmem:v42+s8+$0x0], $0xffff  }
0x358: {  	v52 =	vld [tilespmem:s10+$0x1D200];
	v0 =	vadd.f32 v47, v0  }
0x359: {  	v53 =	vld.idx.msk [tilespmem:v44+s8+$0x0], $0xffff  }
0x35a: {  	v54 =	vld [tilespmem:s10+$0x1D280];
	v0 =	vadd.f32 v49, v0  }
0x35b: {  	v55 =	vld.idx.msk [tilespmem:v46+s8+$0x0], $0xffff  }
0x35c: {  	v56 =	vld [tilespmem:s10+$0x1D300];
	v0 =	vadd.f32 v51, v0  }
0x35d: {  	v57 =	vld.idx.msk [tilespmem:v48+s8+$0x0], $0xffff  }
0x35e: {  	v58 =	vld [tilespmem:s10+$0x1D380];
	v0 =	vadd.f32 v53, v0  }
0x35f: {  	v59 =	vld.idx.msk [tilespmem:v50+s8+$0x0], $0xffff  }
0x360: {  	v0 =	vadd.f32 v55, v0  }
0x361: {  	v60 =	vld.idx.msk [tilespmem:v52+s8+$0x0], $0xffff  }
0x362: {  	v0 =	vadd.f32 v57, v0  }
0x363: {  	v61 =	vld.idx.msk [tilespmem:v54+s8+$0x0], $0xffff  }
0x364: {  	v0 =	vadd.f32 v59, v0  }
0x365: {  	v62 =	vld.idx.msk [tilespmem:v56+s8+$0x0], $0xffff  }
0x366: {  	v0 =	vadd.f32 v60, v0  }
0x367: {  	v63 =	vld.idx.msk [tilespmem:v58+s8+$0x0], $0xffff  }
0x368: {  	v0 =	vadd.f32 v61, v0;
	_ =	sdelay $0x1  }
0x369: {  	v0 =	vadd.f32 v62, v0;
	_ =	sdelay $0x1  }
0x36a: {  	v0 =	vadd.f32 v63, v0;
	_ =	sdelay $0x1  }
0x36b: {  	s19 =	rddreg [dreg:$0x19];
	s20 =	simm.s32 $0x1D700;
	s21 =	simm.s32 $0x3;
	[tilespmem:s10+$0x1D700] =	vst v0  }
0x36c: {  	[hbm4b:s19+s8] =	stream.linear.scatter [tilespmem:s20], [sflag:$0x3], $0x80, $0x38;
	[tilespmem:$0x1D780] =	vst v63  }
0x36d: {  	_ =	swait.ge [sflag:s21], $0x80  }
0x36e: {  	s15 =	rddreg [dreg:$0x1d]  }
0x36f: {  	s22 =	rddreg [dreg:$0x1c];
	s15 =	sadd.s32 $0x1, s15  }
0x370: {  	p0 =	sne.s32 s15, s22  }
.Ltmp29:
0x371: {  	_ = 	snop;
	(pc) =	sbr.rel @p0 .LBB2_1-.Ltmp29, $3  }
0x372: {  	_ =	sdelay $0x1  }
0x373: {  	[sflag:s21] =	ssyncset.done $0x0  }
0x374: {  	[sflag:s21] =	ssyncadd.s32 $0xFFFFFF80  }
0x375: {  	_ =	sfence.sel $0x180000  }
0x376: {  	[bflag:$0x0] =	sbarrier.arrive $0xFFFF  }
0x377: {  	_ =	strace $0x90000047  }
0x378: {  	s0 =	stileid.u32;
	[bflag:$0x2] =	sbarrier.arrive $0xFFFF  }
0x379: {  	p0 =	sne.s32 s0, $0x0;
	s0 =	rddreg [dreg:$0x4]  }
0x37a: {  	s0 =	sadd.s32 @!p0 $0x100000, s0  }
0x37b: {  	[sflag:s0] =	ssyncadd.tile.s32 @!p0 $0x1;
	_ =	shalt  }
.Lfunc_end2:
_tile_overlayer_lowered:
.L_overlay_start_2:
0x37c: {  	(tag) =	ssettag $0x2  }
0x37d: {  	s0 =	rddreg [dreg:$0x0];
	s2 =	stileid.u32  }
0x37e: {  	s1 =	rddreg [dreg:$0x1];
	p0 =	sne.s32 s2, $0x0  }
0x37f: {  	s3 =	rddreg [dreg:$0x2];
	[bflag:$0x3] =	sbarrier.arrive $0xFFFF;
	s2 =	simm.s32 @!p0 $0x1C03  }
0x380: {  	[timem:s3], [sflag:s2] =	dma.local @!p0 [hbm:s0], s1  }
0x381: {  	s0 =	simm.s32 @!p0 $0x3  }
0x382: {  	_ =	swait.ge @!p0 [sflag:s0], s1  }
0x383: {  	s1 =	ssub.s32 @!p0 $0x0, s1;
	[sflag:s0] =	ssyncset.done @!p0 $0x0  }
0x384: {  	[sflag:s0] =	ssyncadd.s32 @!p0 s1  }
0x385: {  	[bflag:$0x3] =	sbarrier.arrive $0xFFFF  }
0x386: {  	_ =	shalt  }

</sc_bundles>
